<compile_context>
chip_gen: v7x
topology: tpu7x:2x2x1
jax: 0.10.2.dev20260603
libtpu: 0.0.44.dev20260713+nightly
codegen_flags: <defaults>
</compile_context>

<pallas_src>
import functools

import jax
import jax.numpy as jnp
from jax import lax
from jax.experimental import pallas as pl
from jax.experimental.pallas import tpu as pltpu
from jax.experimental.pallas import tpu_sc as plsc

N = 10000
E = 320000
D_IN = 128
H = 64
RANK = 32

NC = 2
NS = 16
NW = NC * NS

NPAD = 10240
ROWS_PT = NPAD // NS

CH = 125
NCHD = 80
NCHS = 160
IDX_ROWS = E // CH
HW = H // 2
NBUF = 5
PRE = 3
ZR = 40

_mesh = plsc.VectorSubcoreMesh(
    core_axis_name="c", subcore_axis_name="s", num_cores=NC, num_subcores=NS)
_sc_params = pltpu.CompilerParams(use_tc_tiling_on_sc=False)


@functools.partial(
    pl.kernel,
    out_type=[
        jax.ShapeDtypeStruct((NC, NPAD), jnp.float32),
        jax.ShapeDtypeStruct((NC, NPAD), jnp.float32),
    ],
    mesh=_mesh,
    scratch_types=[
        pltpu.VMEM((NCHD, CH), jnp.int32),
        pltpu.VMEM((NCHD, CH), jnp.int32),
        pltpu.VMEM((CH,), jnp.float32),
        pltpu.VMEM_SHARED((NPAD,), jnp.float32),
        pltpu.VMEM_SHARED((NPAD,), jnp.float32),
    ],
    compiler_params=_sc_params,
)
def _sc_degrees(src_hbm, dst_hbm, ones_hbm, zrow_hbm,
                dego_hbm, degi_hbm,
                src_v, dst_v, ones_v, dego_sh, degi_sh):
    cid = lax.axis_index("c")
    sid = lax.axis_index("s")
    wid = sid * NC + cid
    sbase = sid * ROWS_PT

    pltpu.sync_copy(src_hbm.at[pl.ds(wid * NCHD, NCHD)], src_v)
    pltpu.sync_copy(dst_hbm.at[pl.ds(wid * NCHD, NCHD)], dst_v)
    pltpu.sync_copy(ones_hbm, ones_v)
    pltpu.sync_copy(zrow_hbm, dego_sh.at[pl.ds(sbase, ROWS_PT)])
    pltpu.sync_copy(zrow_hbm, degi_sh.at[pl.ds(sbase, ROWS_PT)])
    plsc.subcore_barrier()

    @pl.loop(0, NCHD)
    def _chunks(j):
        pltpu.sync_copy(ones_v, dego_sh.at[src_v.at[j]], add=True)
        pltpu.sync_copy(ones_v, degi_sh.at[dst_v.at[j]], add=True)

    plsc.subcore_barrier()
    pltpu.sync_copy(dego_sh.at[pl.ds(sbase, ROWS_PT)],
                    dego_hbm.at[cid, pl.ds(sbase, ROWS_PT)])
    pltpu.sync_copy(degi_sh.at[pl.ds(sbase, ROWS_PT)],
                    degi_hbm.at[cid, pl.ds(sbase, ROWS_PT)])


@functools.partial(
    pl.kernel,
    out_type=jax.ShapeDtypeStruct((NC, NPAD, HW), jnp.float32),
    mesh=_mesh,
    scratch_types=[
        pltpu.VMEM((NCHS, CH), jnp.int32),
        pltpu.VMEM((NCHS, CH), jnp.int32),
        pltpu.VMEM((NBUF, CH, HW), jnp.float32),
        pltpu.VMEM((ZR, HW), jnp.float32),
        pltpu.VMEM_SHARED((NPAD, HW), jnp.float32),
        pltpu.VMEM_SHARED((NPAD, HW), jnp.float32),
        pltpu.SemaphoreType.DMA((NBUF,)),
        pltpu.SemaphoreType.DMA((NBUF,)),
        pltpu.SemaphoreType.DMA,
    ],
    compiler_params=_sc_params,
)
def _sc_scatter(xs_hbm, src_hbm, dst_hbm,
                y_hbm,
                src_v, dst_v, rows_v, zblk_v, xs_sh, y_sh, gsem, ssem, psem):
    cid = lax.axis_index("c")
    sid = lax.axis_index("s")
    sbase = sid * ROWS_PT

    stage = pltpu.async_copy(
        xs_hbm.at[cid, pl.ds(sbase, ROWS_PT)],
        xs_sh.at[pl.ds(sbase, ROWS_PT)], psem)
    pltpu.sync_copy(src_hbm.at[pl.ds(sid * NCHS, NCHS)], src_v)
    pltpu.sync_copy(dst_hbm.at[pl.ds(sid * NCHS, NCHS)], dst_v)

    z16 = jnp.zeros((16,), jnp.float32)

    @pl.loop(0, ZR)
    def _zrow(i):
        for c in range(HW // 16):
            zblk_v[i, pl.ds(c * 16, 16)] = z16

    for t in range(ROWS_PT // ZR):
        pltpu.sync_copy(zblk_v, y_sh.at[pl.ds(sbase + t * ZR, ZR)])
    stage.wait()
    plsc.subcore_barrier()

    def _wait_gather(b):
        pltpu.make_async_copy(
            xs_sh.at[pl.ds(0, CH)], rows_v.at[b], gsem.at[b]).wait()

    def _wait_scatter(b):
        pltpu.make_async_copy(
            rows_v.at[b], y_sh.at[pl.ds(0, CH)], ssem.at[b]).wait()

    for b in range(PRE):
        pltpu.async_copy(xs_sh.at[src_v.at[b]], rows_v.at[b], gsem.at[b])

    @pl.loop(0, NCHS, step=NBUF)
    def _ring(t):
        for b in range(NBUF):
            j = t + b
            bn = (b + PRE) % NBUF

            @pl.when(j + PRE < NCHS)
            def _():
                @pl.when(j >= NBUF - PRE)
                def _():
                    _wait_scatter(bn)

                pltpu.async_copy(
                    xs_sh.at[src_v.at[j + PRE]], rows_v.at[bn],
                    gsem.at[bn])

            _wait_gather(b)
            pltpu.async_copy(rows_v.at[b], y_sh.at[dst_v.at[j]],
                             ssem.at[b], add=True)

    for b in range(NBUF):
        _wait_scatter(b)

    plsc.subcore_barrier()
    pltpu.sync_copy(y_sh.at[pl.ds(sbase, ROWS_PT)],
                    y_hbm.at[cid, pl.ds(sbase, ROWS_PT)])


def _gate(tx, wpt, bp, g):
    h = jnp.tanh(jnp.dot(tx, wpt, preferred_element_type=jnp.float32) + bp)
    return jnp.dot(h, g, preferred_element_type=jnp.float32) * (1.0 / RANK)


def _write_xs(xs_ref, tx, ns):
    xsv = tx * ns
    xs_ref[0, :N, :] = xsv[:, :HW]
    xs_ref[1, :N, :] = xsv[:, HW:]
    xs_ref[0, N:, :] = jnp.zeros((NPAD - N, HW), jnp.float32)
    xs_ref[1, N:, :] = jnp.zeros((NPAD - N, HW), jnp.float32)


def _conv(y_ref, nd, wct):
    return (jnp.dot(y_ref[0, :N, :] * nd, wct[:HW, :],
                    preferred_element_type=jnp.float32) +
            jnp.dot(y_ref[1, :N, :] * nd, wct[HW:, :],
                    preferred_element_type=jnp.float32))


def _t0a_body(x_ref, wint_ref, bin_ref, wp0t_ref, bp0_ref, g0_ref,
              tx0_ref, hid_ref):
    tx0 = jnp.dot(x_ref[...], wint_ref[...],
                  preferred_element_type=jnp.float32) + bin_ref[...]
    eta0 = _gate(tx0, wp0t_ref[...], bp0_ref[...], g0_ref[...])
    tx0_ref[...] = tx0
    hid_ref[...] = tx0 * eta0


def _t0b_body(tx0_ref, dego_ref, degi_ref,
              xs0_ref, ns_ref, nd_ref):
    do = dego_ref[0] + dego_ref[1]
    di = degi_ref[0] + degi_ref[1]
    ns = jnp.where(do > 0.0, lax.rsqrt(do), 0.0)[:N, None]
    nd = jnp.where(di > 0.0, lax.rsqrt(di), 0.0)[:N, None]
    ns_ref[...] = ns
    nd_ref[...] = nd
    _write_xs(xs0_ref, tx0_ref[...], ns)


def _t1_body(y_ref, ns_ref, nd_ref, hid_in_ref, wct_ref, bc_ref,
             wpt_ref, bp_ref, g_ref,
             tx1_ref, xs1_ref, hid_ref):
    tx1 = _conv(y_ref, nd_ref[...], wct_ref) + bc_ref[...]
    eta = _gate(tx1, wpt_ref[...], bp_ref[...], g_ref[...])
    tx1_ref[...] = tx1
    hid_ref[...] = hid_in_ref[...] + tx1 * eta
    _write_xs(xs1_ref, tx1, ns_ref[...])


def _t2_body(y_ref, ns_ref, nd_ref, txprev_ref, hid_in_ref, wct_ref, bc_ref,
             wpt_ref, bp_ref, g_ref,
             tx2_ref, xs2_ref, hid_ref):
    c = _conv(y_ref, nd_ref[...], wct_ref) + bc_ref[...]
    tx2 = 2.0 * c - txprev_ref[...]
    eta = _gate(tx2, wpt_ref[...], bp_ref[...], g_ref[...])
    tx2_ref[...] = tx2
    hid_ref[...] = hid_in_ref[...] + tx2 * eta
    _write_xs(xs2_ref, tx2, ns_ref[...])


def _t3_body(y_ref, nd_ref, txprev_ref, hid_in_ref, wct_ref, bc_ref,
             wpt_ref, bp_ref, g_ref,
             hid_ref):
    c = _conv(y_ref, nd_ref[...], wct_ref) + bc_ref[...]
    tx3 = 2.0 * c - txprev_ref[...]
    eta = _gate(tx3, wpt_ref[...], bp_ref[...], g_ref[...])
    hid_ref[...] = hid_in_ref[...] + tx3 * eta


_f32 = jnp.float32

_t0a_call = pl.pallas_call(
    _t0a_body,
    out_shape=[
        jax.ShapeDtypeStruct((N, H), _f32),
        jax.ShapeDtypeStruct((N, H), _f32),
    ],
)

_t0b_call = pl.pallas_call(
    _t0b_body,
    out_shape=[
        jax.ShapeDtypeStruct((NC, NPAD, HW), _f32),
        jax.ShapeDtypeStruct((N, 1), _f32),
        jax.ShapeDtypeStruct((N, 1), _f32),
    ],
)

_tc_params = pltpu.CompilerParams(vmem_limit_bytes=100 * 1024 * 1024)

_t1_call = pl.pallas_call(
    _t1_body,
    compiler_params=_tc_params,
    out_shape=[
        jax.ShapeDtypeStruct((N, H), _f32),
        jax.ShapeDtypeStruct((NC, NPAD, HW), _f32),
        jax.ShapeDtypeStruct((N, H), _f32),
    ],
)

_t2_call = pl.pallas_call(
    _t2_body,
    compiler_params=_tc_params,
    out_shape=[
        jax.ShapeDtypeStruct((N, H), _f32),
        jax.ShapeDtypeStruct((NC, NPAD, HW), _f32),
        jax.ShapeDtypeStruct((N, H), _f32),
    ],
)

_t3_call = pl.pallas_call(
    _t3_body,
    compiler_params=_tc_params,
    out_shape=jax.ShapeDtypeStruct((N, H), _f32),
)


def kernel(features_v1, ADJ_TOPO, z_pre, params, edge_index):
    del ADJ_TOPO, z_pre
    p = params

    srcR = edge_index[0].reshape(IDX_ROWS, CH)
    dstR = edge_index[1].reshape(IDX_ROWS, CH)
    ones_row = jnp.ones((CH,), _f32)
    zrow = jnp.zeros((ROWS_PT,), _f32)

    wint = p['W_in'].T
    bin_ = p['b_in'][None, :]
    wc1t = p['Wc1'].T
    bc1 = p['bc1'][None, :]
    wc2t = p['Wc2'].T
    bc2 = p['bc2'][None, :]
    wpt = [p['Wp'][k].T for k in range(4)]
    bp = [p['bp'][k][None, :] for k in range(4)]
    g = [p['gamma'][:, k:k + 1] for k in range(4)]

    dego, degi = _sc_degrees(srcR, dstR, ones_row, zrow)
    tx0, hid = _t0a_call(features_v1, wint, bin_, wpt[0], bp[0], g[0])
    xs0, ns, nd = _t0b_call(tx0, dego, degi)

    y1 = _sc_scatter(xs0, srcR, dstR)
    tx1, xs1, hid = _t1_call(y1, ns, nd, hid, wc1t, bc1, wpt[1], bp[1], g[1])

    y2 = _sc_scatter(xs1, srcR, dstR)
    tx2, xs2, hid = _t2_call(y2, ns, nd, tx0, hid, wc2t, bc2,
                             wpt[2], bp[2], g[2])

    y3 = _sc_scatter(xs2, srcR, dstR)
    hid = _t3_call(y3, nd, tx1, hid, wc2t, bc2, wpt[3], bp[3], g[3])

    return hid

# --- scband reference (transcript-rebuilt; emitter-appended) ---
"""Pipeline reference for scband-hetero-graph-sage-78228534329621 (READ-ONLY COPY).

The authoritative reference and input builder live on the scoring server;
editing this copy changes nothing except your own understanding.
"""

import jax, jax.numpy as jnp
import numpy as np

N = 10000
E = 320000
D_IN = 128
H = 64
RANK = 32
K = 3
ALPHA = 0.1


def _init_params():
    key = jax.random.key(1)
    ks = jax.random.split(key, 16)
    s = 0.1
    temp = ALPHA * (1.0 - ALPHA) ** np.arange(K + 1)
    temp[-1] = (1.0 - ALPHA) ** K
    gamma = np.tile(temp[None, :], (RANK, 1)).astype(np.float32)
    params = {
        'W_in': jax.random.normal(ks[0], (H, D_IN), dtype=jnp.float32) * s,
        'b_in': jnp.zeros((H,), dtype=jnp.float32),
        'Wp': jax.random.normal(ks[1], (K + 1, RANK, H), dtype=jnp.float32) * s,
        'bp': jnp.zeros((K + 1, RANK), dtype=jnp.float32),
        'gamma': jnp.asarray(gamma),
        'Wc1': jax.random.normal(ks[2], (H, H), dtype=jnp.float32) * s,
        'bc1': jnp.zeros((H,), dtype=jnp.float32),
        'Wc2': jax.random.normal(ks[3], (H, H), dtype=jnp.float32) * s,
        'bc2': jnp.zeros((H,), dtype=jnp.float32),
        'fcW1': jax.random.normal(ks[4], (H, H), dtype=jnp.float32) * s,
        'fcb1': jnp.zeros((H,), dtype=jnp.float32),
        'att1': jax.random.normal(ks[5], (1, H), dtype=jnp.float32) * s,
        'fcW2': jax.random.normal(ks[6], (H, H), dtype=jnp.float32) * s,
        'fcb2': jnp.zeros((H,), dtype=jnp.float32),
        'att2': jax.random.normal(ks[7], (1, H), dtype=jnp.float32) * s,
    }
    return params


def setup_inputs(seed: int = 0) -> dict:
    key = jax.random.key(seed)
    ks = jax.random.split(key, 4)
    features_v1 = jax.random.normal(ks[0], (N, D_IN), dtype=jnp.float32)
    edge_index = jax.random.randint(ks[1], (2, E), 0, N, dtype=jnp.int32)
    ADJ_TOPO = jax.random.normal(ks[2], (N, H), dtype=jnp.float32)
    z_pre = jax.random.normal(ks[3], (N, H), dtype=jnp.float32)
    return {
        'features_v1': features_v1,
        'ADJ_TOPO': ADJ_TOPO,
        'z_pre': z_pre,
        'params': _init_params(),
        'edge_index': edge_index,
    }


def _gcn_conv(x, src, dst, W, b):
    # DGL GraphConv with norm='both': D_out^{-1/2} gather, scatter-add, D_in^{-1/2}, then XW + b
    ones = jnp.ones((src.shape[0],), dtype=x.dtype)
    deg_out = jax.ops.segment_sum(ones, src, num_segments=N)
    deg_in = jax.ops.segment_sum(ones, dst, num_segments=N)
    norm_s = jnp.where(deg_out > 0, deg_out ** -0.5, 0.0)
    norm_d = jnp.where(deg_in > 0, deg_in ** -0.5, 0.0)
    h = x * norm_s[:, None]
    m = jax.ops.segment_sum(h[src], dst, num_segments=N)
    m = m * norm_d[:, None]
    return m @ W.T + b


def _inter_att(embed, fcW, fcb, att):
    # single relation -> beta = softmax over one element = 1.0, kept for faithfulness
    sp = jnp.tanh(embed @ fcW.T + fcb).mean(axis=0)
    beta = (att @ sp[:, None]).reshape(-1)
    beta = jax.nn.softmax(beta)
    return embed * beta[0]


def reference(features_v1, ADJ_TOPO, z_pre, params, edge_index):
    src = edge_index[0]
    dst = edge_index[1]
    # per-ntype input projection (dropout off in eval)
    h = features_v1 @ params['W_in'].T + params['b_in']
    Tx0 = h
    h0 = jnp.tanh(Tx0 @ params['Wp'][0].T + params['bp'][0])
    c1 = _gcn_conv(Tx0, src, dst, params['Wc1'], params['bc1'])
    Tx1 = _inter_att(c1, params['fcW1'], params['fcb1'], params['att1'])
    h1 = jnp.tanh(Tx1 @ params['Wp'][1].T + params['bp'][1])
    eta0 = (h0 @ params['gamma'][:, 0:1]) / RANK
    eta1 = (h1 @ params['gamma'][:, 1:2]) / RANK
    hidden = Tx0 * eta0 + Tx1 * eta1
    for k in range(1, K):
        c2 = _gcn_conv(Tx1, src, dst, params['Wc2'], params['bc2'])
        Tx2 = _inter_att(c2, params['fcW2'], params['fcb2'], params['att2'])
        Tx2 = 2.0 * Tx2 - Tx0
        Tx0, Tx1 = Tx1, Tx2
        hk = jnp.tanh(Tx1 @ params['Wp'][k + 1].T + params['bp'][k + 1])
        etak = (hk @ params['gamma'][:, k + 1:k + 2]) / RANK
        hidden = hidden + Tx1 * etak
    return hidden

if __name__ == "__main__":
    import jax
    _d = setup_inputs()
    print(jax.jit(kernel)(*tuple(_d.values())))

</pallas_src>

<mosaic_0001>
#map = affine_map<(d0, d1) -> (0, 0)>
#map1 = affine_map<(d0, d1) -> (0)>
module attributes {stable_mosaic.version = 14 : i64} {
  func.func @_sc_degrees(%arg0: i32, %arg1: i32, %arg2: memref<2560x125xi32, #tpu.memory_space<hbm>>, %arg3: memref<2560x125xi32, #tpu.memory_space<hbm>>, %arg4: memref<125xf32, #tpu.memory_space<hbm>>, %arg5: memref<640xf32, #tpu.memory_space<hbm>>, %arg6: memref<2x10240xf32, #tpu.memory_space<hbm>>, %arg7: memref<2x10240xf32, #tpu.memory_space<hbm>>, %arg8: memref<80x125xi32, #tpu.memory_space<vmem>>, %arg9: memref<80x125xi32, #tpu.memory_space<vmem>>, %arg10: memref<125xf32, #tpu.memory_space<vmem>>, %arg11: memref<10240xf32, #tpu.memory_space<vmem_shared>>, %arg12: memref<10240xf32, #tpu.memory_space<vmem_shared>>) attributes {dimension_semantics = [#tpu.dimension_semantics<core_parallel>, #tpu.dimension_semantics<subcore_parallel>], iteration_bounds = array<i64: 2, 16>, scalar_prefetch = 0 : i64, scratch_operands = 5 : i64, tpu.core_type = #tpu.core_type<sc_vector_subcore>, window_params = [{transform_indices = #map}, {transform_indices = #map}, {transform_indices = #map1}, {transform_indices = #map1}, {transform_indices = #map}, {transform_indices = #map}]} {
    %mul3A = arith.constant 2 : i32
    %mul3A_0 = arith.muli %arg1, %mul3A : i32
    %add3A = arith.addi %mul3A_0, %arg0 : i32
    %mul3A_1 = arith.constant 640 : i32
    %mul3A_2 = arith.muli %arg1, %mul3A_1 : i32
    %mul3A_3 = arith.constant 80 : i32
    %mul3A_4 = arith.muli %add3A, %mul3A_3 : i32
    "tpu.region"() ({
      %run_scoped3A = tpu.sem_alloc : memref<!tpu.dma_semaphore, #tpu.memory_space<semaphore_mem>>
      %dma_start3A = arith.constant 0 : i32
      %dma_start3A_12 = tpu.memref_slice %arg2[%mul3A_4, %dma_start3A] : memref<2560x125xi32, #tpu.memory_space<hbm>> -> memref<80x125xi32, #tpu.memory_space<hbm>>
      %dma_start3A_13 = arith.constant 0 : i32
      %dma_start3A_14 = tpu.memref_slice %arg2[%mul3A_4, %dma_start3A_13] : memref<2560x125xi32, #tpu.memory_space<hbm>> -> memref<80x125xi32, #tpu.memory_space<hbm>>
      tpu.enqueue_dma source(%dma_start3A_14 : memref<80x125xi32, #tpu.memory_space<hbm>>) target(%arg8 : memref<80x125xi32, #tpu.memory_space<vmem>>) target_semaphore(%run_scoped3A : memref<!tpu.dma_semaphore, #tpu.memory_space<semaphore_mem>>)
      %dma_wait3A = arith.constant 0 : i32
      %dma_wait3A_15 = tpu.memref_slice %arg2[%mul3A_4, %dma_wait3A] : memref<2560x125xi32, #tpu.memory_space<hbm>> -> memref<80x125xi32, #tpu.memory_space<hbm>>
      %dma_wait3A_16 = arith.constant 0 : i32
      %dma_wait3A_17 = tpu.memref_slice %arg2[%mul3A_4, %dma_wait3A_16] : memref<2560x125xi32, #tpu.memory_space<hbm>> -> memref<80x125xi32, #tpu.memory_space<hbm>>
      tpu.wait_dma2 semaphore(%run_scoped3A : memref<!tpu.dma_semaphore, #tpu.memory_space<semaphore_mem>>) src(%dma_wait3A_17 : memref<80x125xi32, #tpu.memory_space<hbm>>) dst(%arg8 : memref<80x125xi32, #tpu.memory_space<vmem>>)
      tpu.yield
    }) : () -> ()
    %mul3A_5 = arith.constant 80 : i32
    %mul3A_6 = arith.muli %add3A, %mul3A_5 : i32
    "tpu.region"() ({
      %run_scoped3A = tpu.sem_alloc : memref<!tpu.dma_semaphore, #tpu.memory_space<semaphore_mem>>
      %dma_start3A = arith.constant 0 : i32
      %dma_start3A_12 = tpu.memref_slice %arg3[%mul3A_6, %dma_start3A] : memref<2560x125xi32, #tpu.memory_space<hbm>> -> memref<80x125xi32, #tpu.memory_space<hbm>>
      %dma_start3A_13 = arith.constant 0 : i32
      %dma_start3A_14 = tpu.memref_slice %arg3[%mul3A_6, %dma_start3A_13] : memref<2560x125xi32, #tpu.memory_space<hbm>> -> memref<80x125xi32, #tpu.memory_space<hbm>>
      tpu.enqueue_dma source(%dma_start3A_14 : memref<80x125xi32, #tpu.memory_space<hbm>>) target(%arg9 : memref<80x125xi32, #tpu.memory_space<vmem>>) target_semaphore(%run_scoped3A : memref<!tpu.dma_semaphore, #tpu.memory_space<semaphore_mem>>)
      %dma_wait3A = arith.constant 0 : i32
      %dma_wait3A_15 = tpu.memref_slice %arg3[%mul3A_6, %dma_wait3A] : memref<2560x125xi32, #tpu.memory_space<hbm>> -> memref<80x125xi32, #tpu.memory_space<hbm>>
      %dma_wait3A_16 = arith.constant 0 : i32
      %dma_wait3A_17 = tpu.memref_slice %arg3[%mul3A_6, %dma_wait3A_16] : memref<2560x125xi32, #tpu.memory_space<hbm>> -> memref<80x125xi32, #tpu.memory_space<hbm>>
      tpu.wait_dma2 semaphore(%run_scoped3A : memref<!tpu.dma_semaphore, #tpu.memory_space<semaphore_mem>>) src(%dma_wait3A_17 : memref<80x125xi32, #tpu.memory_space<hbm>>) dst(%arg9 : memref<80x125xi32, #tpu.memory_space<vmem>>)
      tpu.yield
    }) : () -> ()
    "tpu.region"() ({
      %run_scoped3A = tpu.sem_alloc : memref<!tpu.dma_semaphore, #tpu.memory_space<semaphore_mem>>
      tpu.enqueue_dma source(%arg4 : memref<125xf32, #tpu.memory_space<hbm>>) target(%arg10 : memref<125xf32, #tpu.memory_space<vmem>>) target_semaphore(%run_scoped3A : memref<!tpu.dma_semaphore, #tpu.memory_space<semaphore_mem>>)
      tpu.wait_dma2 semaphore(%run_scoped3A : memref<!tpu.dma_semaphore, #tpu.memory_space<semaphore_mem>>) src(%arg4 : memref<125xf32, #tpu.memory_space<hbm>>) dst(%arg10 : memref<125xf32, #tpu.memory_space<vmem>>)
      tpu.yield
    }) : () -> ()
    "tpu.region"() ({
      %run_scoped3A = tpu.sem_alloc : memref<!tpu.dma_semaphore, #tpu.memory_space<semaphore_mem>>
      %dma_start3A = tpu.memref_slice %arg11[%mul3A_2] : memref<10240xf32, #tpu.memory_space<vmem_shared>> -> memref<640xf32, #tpu.memory_space<vmem_shared>>
      tpu.enqueue_dma source(%arg5 : memref<640xf32, #tpu.memory_space<hbm>>) target(%dma_start3A : memref<640xf32, #tpu.memory_space<vmem_shared>>) target_semaphore(%run_scoped3A : memref<!tpu.dma_semaphore, #tpu.memory_space<semaphore_mem>>)
      %dma_wait3A = tpu.memref_slice %arg11[%mul3A_2] : memref<10240xf32, #tpu.memory_space<vmem_shared>> -> memref<640xf32, #tpu.memory_space<vmem_shared>>
      tpu.wait_dma2 semaphore(%run_scoped3A : memref<!tpu.dma_semaphore, #tpu.memory_space<semaphore_mem>>) src(%arg5 : memref<640xf32, #tpu.memory_space<hbm>>) dst(%dma_wait3A : memref<640xf32, #tpu.memory_space<vmem_shared>>)
      tpu.yield
    }) : () -> ()
    "tpu.region"() ({
      %run_scoped3A = tpu.sem_alloc : memref<!tpu.dma_semaphore, #tpu.memory_space<semaphore_mem>>
      %dma_start3A = tpu.memref_slice %arg12[%mul3A_2] : memref<10240xf32, #tpu.memory_space<vmem_shared>> -> memref<640xf32, #tpu.memory_space<vmem_shared>>
      tpu.enqueue_dma source(%arg5 : memref<640xf32, #tpu.memory_space<hbm>>) target(%dma_start3A : memref<640xf32, #tpu.memory_space<vmem_shared>>) target_semaphore(%run_scoped3A : memref<!tpu.dma_semaphore, #tpu.memory_space<semaphore_mem>>)
      %dma_wait3A = tpu.memref_slice %arg12[%mul3A_2] : memref<10240xf32, #tpu.memory_space<vmem_shared>> -> memref<640xf32, #tpu.memory_space<vmem_shared>>
      tpu.wait_dma2 semaphore(%run_scoped3A : memref<!tpu.dma_semaphore, #tpu.memory_space<semaphore_mem>>) src(%arg5 : memref<640xf32, #tpu.memory_space<hbm>>) dst(%dma_wait3A : memref<640xf32, #tpu.memory_space<vmem_shared>>)
      tpu.yield
    }) : () -> ()
    %barrier3A = arith.constant 0 : index
    tpu.barrier barrier_id(%barrier3A)
    %scan3A = arith.constant 0 : i32
    %scan3A_7 = arith.constant 80 : i32
    %scan3A_8 = arith.addi %scan3A, %scan3A_7 : i32
    %scan3A_9 = arith.constant 1 : i32
    scf.for %scan3A_12 = %scan3A to %scan3A_8 step %scan3A_9  : i32 {
      %mul3A_13 = arith.constant 1 : i32
      %mul3A_14 = arith.muli %scan3A_12, %mul3A_13 : i32
      %add3A_15 = arith.constant 0 : i32
      %add3A_16 = arith.addi %add3A_15, %mul3A_14 : i32
      "tpu.region"() ({
        %run_scoped3A = tpu.sem_alloc : memref<!tpu.dma_semaphore, #tpu.memory_space<semaphore_mem>>
        %dma_start3A = arith.constant 0 : i32
        %dma_start3A_17 = tpu.memref_slice %arg8[%add3A_16, %dma_start3A] : memref<80x125xi32, #tpu.memory_space<vmem>> -> memref<1x125xi32, #tpu.memory_space<vmem>>
        %dma_start3A_18 = tpu.memref_squeeze %dma_start3A_17 : memref<1x125xi32, #tpu.memory_space<vmem>> -> memref<125xi32, #tpu.memory_space<vmem>>
        %dma_start3A_19 = arith.constant 0 : i32
        %dma_start3A_20 = tpu.memref_slice %arg11[%dma_start3A_19] : memref<10240xf32, #tpu.memory_space<vmem_shared>> -> memref<10240xf32, #tpu.memory_space<vmem_shared>>
        tpu.enqueue_indirect_dma source(%arg10 : memref<125xf32, #tpu.memory_space<vmem>>) target(%dma_start3A_20 : memref<10240xf32, #tpu.memory_space<vmem_shared>>) offsets(%dma_start3A_18 : memref<125xi32, #tpu.memory_space<vmem>>) semaphore(%run_scoped3A : memref<!tpu.dma_semaphore, #tpu.memory_space<semaphore_mem>>) {add = true}
        %dma_wait3A = arith.constant 0 : i32
        %dma_wait3A_21 = tpu.memref_slice %arg8[%add3A_16, %dma_wait3A] : memref<80x125xi32, #tpu.memory_space<vmem>> -> memref<1x125xi32, #tpu.memory_space<vmem>>
        %dma_wait3A_22 = tpu.memref_squeeze %dma_wait3A_21 : memref<1x125xi32, #tpu.memory_space<vmem>> -> memref<125xi32, #tpu.memory_space<vmem>>
        %dma_wait3A_23 = arith.constant 0 : i32
        %dma_wait3A_24 = tpu.memref_slice %arg11[%dma_wait3A_23] : memref<10240xf32, #tpu.memory_space<vmem_shared>> -> memref<10240xf32, #tpu.memory_space<vmem_shared>>
        tpu.wait_indirect_dma semaphore(%run_scoped3A : memref<!tpu.dma_semaphore, #tpu.memory_space<semaphore_mem>>) src(%arg10 : memref<125xf32, #tpu.memory_space<vmem>>) dst(%dma_wait3A_24 : memref<10240xf32, #tpu.memory_space<vmem_shared>>)
        tpu.yield
      }) : () -> ()
      "tpu.region"() ({
        %run_scoped3A = tpu.sem_alloc : memref<!tpu.dma_semaphore, #tpu.memory_space<semaphore_mem>>
        %dma_start3A = arith.constant 0 : i32
        %dma_start3A_17 = tpu.memref_slice %arg9[%add3A_16, %dma_start3A] : memref<80x125xi32, #tpu.memory_space<vmem>> -> memref<1x125xi32, #tpu.memory_space<vmem>>
        %dma_start3A_18 = tpu.memref_squeeze %dma_start3A_17 : memref<1x125xi32, #tpu.memory_space<vmem>> -> memref<125xi32, #tpu.memory_space<vmem>>
        %dma_start3A_19 = arith.constant 0 : i32
        %dma_start3A_20 = tpu.memref_slice %arg12[%dma_start3A_19] : memref<10240xf32, #tpu.memory_space<vmem_shared>> -> memref<10240xf32, #tpu.memory_space<vmem_shared>>
        tpu.enqueue_indirect_dma source(%arg10 : memref<125xf32, #tpu.memory_space<vmem>>) target(%dma_start3A_20 : memref<10240xf32, #tpu.memory_space<vmem_shared>>) offsets(%dma_start3A_18 : memref<125xi32, #tpu.memory_space<vmem>>) semaphore(%run_scoped3A : memref<!tpu.dma_semaphore, #tpu.memory_space<semaphore_mem>>) {add = true}
        %dma_wait3A = arith.constant 0 : i32
        %dma_wait3A_21 = tpu.memref_slice %arg9[%add3A_16, %dma_wait3A] : memref<80x125xi32, #tpu.memory_space<vmem>> -> memref<1x125xi32, #tpu.memory_space<vmem>>
        %dma_wait3A_22 = tpu.memref_squeeze %dma_wait3A_21 : memref<1x125xi32, #tpu.memory_space<vmem>> -> memref<125xi32, #tpu.memory_space<vmem>>
        %dma_wait3A_23 = arith.constant 0 : i32
        %dma_wait3A_24 = tpu.memref_slice %arg12[%dma_wait3A_23] : memref<10240xf32, #tpu.memory_space<vmem_shared>> -> memref<10240xf32, #tpu.memory_space<vmem_shared>>
        tpu.wait_indirect_dma semaphore(%run_scoped3A : memref<!tpu.dma_semaphore, #tpu.memory_space<semaphore_mem>>) src(%arg10 : memref<125xf32, #tpu.memory_space<vmem>>) dst(%dma_wait3A_24 : memref<10240xf32, #tpu.memory_space<vmem_shared>>)
        tpu.yield
      }) : () -> ()
    }
    %scan3A_10 = arith.constant 80 : i32
    %barrier3A_11 = arith.constant 0 : index
    tpu.barrier barrier_id(%barrier3A_11)
    "tpu.region"() ({
      %run_scoped3A = tpu.sem_alloc : memref<!tpu.dma_semaphore, #tpu.memory_space<semaphore_mem>>
      %dma_start3A = tpu.memref_slice %arg6[%arg0, %mul3A_2] : memref<2x10240xf32, #tpu.memory_space<hbm>> -> memref<1x640xf32, #tpu.memory_space<hbm>>
      %dma_start3A_12 = tpu.memref_squeeze %dma_start3A : memref<1x640xf32, #tpu.memory_space<hbm>> -> memref<640xf32, #tpu.memory_space<hbm>>
      %dma_start3A_13 = tpu.memref_slice %arg11[%mul3A_2] : memref<10240xf32, #tpu.memory_space<vmem_shared>> -> memref<640xf32, #tpu.memory_space<vmem_shared>>
      tpu.enqueue_dma source(%dma_start3A_13 : memref<640xf32, #tpu.memory_space<vmem_shared>>) target(%dma_start3A_12 : memref<640xf32, #tpu.memory_space<hbm>>) target_semaphore(%run_scoped3A : memref<!tpu.dma_semaphore, #tpu.memory_space<semaphore_mem>>)
      %dma_wait3A = tpu.memref_slice %arg6[%arg0, %mul3A_2] : memref<2x10240xf32, #tpu.memory_space<hbm>> -> memref<1x640xf32, #tpu.memory_space<hbm>>
      %dma_wait3A_14 = tpu.memref_squeeze %dma_wait3A : memref<1x640xf32, #tpu.memory_space<hbm>> -> memref<640xf32, #tpu.memory_space<hbm>>
      %dma_wait3A_15 = tpu.memref_slice %arg11[%mul3A_2] : memref<10240xf32, #tpu.memory_space<vmem_shared>> -> memref<640xf32, #tpu.memory_space<vmem_shared>>
      tpu.wait_dma2 semaphore(%run_scoped3A : memref<!tpu.dma_semaphore, #tpu.memory_space<semaphore_mem>>) src(%dma_wait3A_15 : memref<640xf32, #tpu.memory_space<vmem_shared>>) dst(%dma_wait3A_14 : memref<640xf32, #tpu.memory_space<hbm>>)
      tpu.yield
    }) : () -> ()
    "tpu.region"() ({
      %run_scoped3A = tpu.sem_alloc : memref<!tpu.dma_semaphore, #tpu.memory_space<semaphore_mem>>
      %dma_start3A = tpu.memref_slice %arg7[%arg0, %mul3A_2] : memref<2x10240xf32, #tpu.memory_space<hbm>> -> memref<1x640xf32, #tpu.memory_space<hbm>>
      %dma_start3A_12 = tpu.memref_squeeze %dma_start3A : memref<1x640xf32, #tpu.memory_space<hbm>> -> memref<640xf32, #tpu.memory_space<hbm>>
      %dma_start3A_13 = tpu.memref_slice %arg12[%mul3A_2] : memref<10240xf32, #tpu.memory_space<vmem_shared>> -> memref<640xf32, #tpu.memory_space<vmem_shared>>
      tpu.enqueue_dma source(%dma_start3A_13 : memref<640xf32, #tpu.memory_space<vmem_shared>>) target(%dma_start3A_12 : memref<640xf32, #tpu.memory_space<hbm>>) target_semaphore(%run_scoped3A : memref<!tpu.dma_semaphore, #tpu.memory_space<semaphore_mem>>)
      %dma_wait3A = tpu.memref_slice %arg7[%arg0, %mul3A_2] : memref<2x10240xf32, #tpu.memory_space<hbm>> -> memref<1x640xf32, #tpu.memory_space<hbm>>
      %dma_wait3A_14 = tpu.memref_squeeze %dma_wait3A : memref<1x640xf32, #tpu.memory_space<hbm>> -> memref<640xf32, #tpu.memory_space<hbm>>
      %dma_wait3A_15 = tpu.memref_slice %arg12[%mul3A_2] : memref<10240xf32, #tpu.memory_space<vmem_shared>> -> memref<640xf32, #tpu.memory_space<vmem_shared>>
      tpu.wait_dma2 semaphore(%run_scoped3A : memref<!tpu.dma_semaphore, #tpu.memory_space<semaphore_mem>>) src(%dma_wait3A_15 : memref<640xf32, #tpu.memory_space<vmem_shared>>) dst(%dma_wait3A_14 : memref<640xf32, #tpu.memory_space<hbm>>)
      tpu.yield
    }) : () -> ()
    return
  }
}

#map = affine_map<(d0, d1) -> (0, 0, 0)>
#map1 = affine_map<(d0, d1) -> (0, 0)>
module attributes {stable_mosaic.version = 14 : i64} {
  func.func @_sc_scatter(%arg0: i32, %arg1: i32, %arg2: memref<2x10240x32xf32, #tpu.memory_space<hbm>>, %arg3: memref<2560x125xi32, #tpu.memory_space<hbm>>, %arg4: memref<2560x125xi32, #tpu.memory_space<hbm>>, %arg5: memref<2x10240x32xf32, #tpu.memory_space<hbm>>, %arg6: memref<160x125xi32, #tpu.memory_space<vmem>>, %arg7: memref<160x125xi32, #tpu.memory_space<vmem>>, %arg8: memref<5x125x32xf32, #tpu.memory_space<vmem>>, %arg9: memref<40x32xf32, #tpu.memory_space<vmem>>, %arg10: memref<10240x32xf32, #tpu.memory_space<vmem_shared>>, %arg11: memref<10240x32xf32, #tpu.memory_space<vmem_shared>>, %arg12: memref<5x!tpu.dma_semaphore, #tpu.memory_space<semaphore_mem>>, %arg13: memref<5x!tpu.dma_semaphore, #tpu.memory_space<semaphore_mem>>, %arg14: memref<!tpu.dma_semaphore, #tpu.memory_space<semaphore_mem>>) attributes {dimension_semantics = [#tpu.dimension_semantics<core_parallel>, #tpu.dimension_semantics<subcore_parallel>], iteration_bounds = array<i64: 2, 16>, scalar_prefetch = 0 : i64, scratch_operands = 9 : i64, tpu.core_type = #tpu.core_type<sc_vector_subcore>, window_params = [{transform_indices = #map}, {transform_indices = #map1}, {transform_indices = #map1}, {transform_indices = #map}]} {
    %mul3A = arith.constant 640 : i32
    %mul3A_0 = arith.muli %arg1, %mul3A : i32
    %dma_start3A = arith.constant 0 : i32
    %dma_start3A_1 = tpu.memref_slice %arg10[%mul3A_0, %dma_start3A] : memref<10240x32xf32, #tpu.memory_space<vmem_shared>> -> memref<640x32xf32, #tpu.memory_space<vmem_shared>>
    %dma_start3A_2 = arith.constant 0 : i32
    %dma_start3A_3 = tpu.memref_slice %arg2[%arg0, %mul3A_0, %dma_start3A_2] : memref<2x10240x32xf32, #tpu.memory_space<hbm>> -> memref<1x640x32xf32, #tpu.memory_space<hbm>>
    %dma_start3A_4 = tpu.memref_squeeze %dma_start3A_3 : memref<1x640x32xf32, #tpu.memory_space<hbm>> -> memref<640x32xf32, #tpu.memory_space<hbm>>
    tpu.enqueue_dma source(%dma_start3A_4 : memref<640x32xf32, #tpu.memory_space<hbm>>) target(%dma_start3A_1 : memref<640x32xf32, #tpu.memory_space<vmem_shared>>) target_semaphore(%arg14 : memref<!tpu.dma_semaphore, #tpu.memory_space<semaphore_mem>>)
    %mul3A_5 = arith.constant 160 : i32
    %mul3A_6 = arith.muli %arg1, %mul3A_5 : i32
    "tpu.region"() ({
      %run_scoped3A = tpu.sem_alloc : memref<!tpu.dma_semaphore, #tpu.memory_space<semaphore_mem>>
      %dma_start3A_190 = arith.constant 0 : i32
      %dma_start3A_191 = tpu.memref_slice %arg3[%mul3A_6, %dma_start3A_190] : memref<2560x125xi32, #tpu.memory_space<hbm>> -> memref<160x125xi32, #tpu.memory_space<hbm>>
      %dma_start3A_192 = arith.constant 0 : i32
      %dma_start3A_193 = tpu.memref_slice %arg3[%mul3A_6, %dma_start3A_192] : memref<2560x125xi32, #tpu.memory_space<hbm>> -> memref<160x125xi32, #tpu.memory_space<hbm>>
      tpu.enqueue_dma source(%dma_start3A_193 : memref<160x125xi32, #tpu.memory_space<hbm>>) target(%arg6 : memref<160x125xi32, #tpu.memory_space<vmem>>) target_semaphore(%run_scoped3A : memref<!tpu.dma_semaphore, #tpu.memory_space<semaphore_mem>>)
      %dma_wait3A_194 = arith.constant 0 : i32
      %dma_wait3A_195 = tpu.memref_slice %arg3[%mul3A_6, %dma_wait3A_194] : memref<2560x125xi32, #tpu.memory_space<hbm>> -> memref<160x125xi32, #tpu.memory_space<hbm>>
      %dma_wait3A_196 = arith.constant 0 : i32
      %dma_wait3A_197 = tpu.memref_slice %arg3[%mul3A_6, %dma_wait3A_196] : memref<2560x125xi32, #tpu.memory_space<hbm>> -> memref<160x125xi32, #tpu.memory_space<hbm>>
      tpu.wait_dma2 semaphore(%run_scoped3A : memref<!tpu.dma_semaphore, #tpu.memory_space<semaphore_mem>>) src(%dma_wait3A_197 : memref<160x125xi32, #tpu.memory_space<hbm>>) dst(%arg6 : memref<160x125xi32, #tpu.memory_space<vmem>>)
      tpu.yield
    }) : () -> ()
    %mul3A_7 = arith.constant 160 : i32
    %mul3A_8 = arith.muli %arg1, %mul3A_7 : i32
    "tpu.region"() ({
      %run_scoped3A = tpu.sem_alloc : memref<!tpu.dma_semaphore, #tpu.memory_space<semaphore_mem>>
      %dma_start3A_190 = arith.constant 0 : i32
      %dma_start3A_191 = tpu.memref_slice %arg4[%mul3A_8, %dma_start3A_190] : memref<2560x125xi32, #tpu.memory_space<hbm>> -> memref<160x125xi32, #tpu.memory_space<hbm>>
      %dma_start3A_192 = arith.constant 0 : i32
      %dma_start3A_193 = tpu.memref_slice %arg4[%mul3A_8, %dma_start3A_192] : memref<2560x125xi32, #tpu.memory_space<hbm>> -> memref<160x125xi32, #tpu.memory_space<hbm>>
      tpu.enqueue_dma source(%dma_start3A_193 : memref<160x125xi32, #tpu.memory_space<hbm>>) target(%arg7 : memref<160x125xi32, #tpu.memory_space<vmem>>) target_semaphore(%run_scoped3A : memref<!tpu.dma_semaphore, #tpu.memory_space<semaphore_mem>>)
      %dma_wait3A_194 = arith.constant 0 : i32
      %dma_wait3A_195 = tpu.memref_slice %arg4[%mul3A_8, %dma_wait3A_194] : memref<2560x125xi32, #tpu.memory_space<hbm>> -> memref<160x125xi32, #tpu.memory_space<hbm>>
      %dma_wait3A_196 = arith.constant 0 : i32
      %dma_wait3A_197 = tpu.memref_slice %arg4[%mul3A_8, %dma_wait3A_196] : memref<2560x125xi32, #tpu.memory_space<hbm>> -> memref<160x125xi32, #tpu.memory_space<hbm>>
      tpu.wait_dma2 semaphore(%run_scoped3A : memref<!tpu.dma_semaphore, #tpu.memory_space<semaphore_mem>>) src(%dma_wait3A_197 : memref<160x125xi32, #tpu.memory_space<hbm>>) dst(%arg7 : memref<160x125xi32, #tpu.memory_space<vmem>>)
      tpu.yield
    }) : () -> ()
    %broadcast_in_dim3A = arith.constant 0.000000e+00 : f32
    %broadcast_in_dim3A_9 = vector.broadcast %broadcast_in_dim3A : f32 to vector<16xf32>
    %scan3A = arith.constant 0 : i32
    %scan3A_10 = arith.constant 40 : i32
    %scan3A_11 = arith.addi %scan3A, %scan3A_10 : i32
    %scan3A_12 = arith.constant 1 : i32
    scf.for %scan3A_190 = %scan3A to %scan3A_11 step %scan3A_12  : i32 {
      %mul3A_191 = arith.constant 1 : i32
      %mul3A_192 = arith.muli %scan3A_190, %mul3A_191 : i32
      %add3A_193 = arith.constant 0 : i32
      %add3A_194 = arith.addi %add3A_193, %mul3A_192 : i32
      %swap3A = arith.index_cast %add3A_194 : i32 to index
      %swap3A_195 = arith.constant 0 : index
      %swap3A_196 = tpu.vector_load %arg9[%swap3A, %swap3A_195] {strides = array<i32>} : memref<40x32xf32, #tpu.memory_space<vmem>>, vector<1x16xf32>,
      %swap3A_197 = vector.shape_cast %swap3A_196 : vector<1x16xf32> to vector<16xf32>
      %swap3A_198 = vector.shape_cast %broadcast_in_dim3A_9 : vector<16xf32> to vector<1x16xf32>
      tpu.vector_store %arg9[%swap3A, %swap3A_195], %swap3A_198 {strides = array<i32>} : memref<40x32xf32, #tpu.memory_space<vmem>>, vector<1x16xf32>,
      %swap3A_199 = arith.index_cast %add3A_194 : i32 to index
      %swap3A_200 = arith.constant 16 : index
      %swap3A_201 = tpu.vector_load %arg9[%swap3A_199, %swap3A_200] {strides = array<i32>} : memref<40x32xf32, #tpu.memory_space<vmem>>, vector<1x16xf32>,
      %swap3A_202 = vector.shape_cast %swap3A_201 : vector<1x16xf32> to vector<16xf32>
      %swap3A_203 = vector.shape_cast %broadcast_in_dim3A_9 : vector<16xf32> to vector<1x16xf32>
      tpu.vector_store %arg9[%swap3A_199, %swap3A_200], %swap3A_203 {strides = array<i32>} : memref<40x32xf32, #tpu.memory_space<vmem>>, vector<1x16xf32>,
    }
    %scan3A_13 = arith.constant 40 : i32
    %add3A = arith.constant 0 : i32
    %add3A_14 = arith.addi %mul3A_0, %add3A : i32
    "tpu.region"() ({
      %run_scoped3A = tpu.sem_alloc : memref<!tpu.dma_semaphore, #tpu.memory_space<semaphore_mem>>
      %dma_start3A_190 = arith.constant 0 : i32
      %dma_start3A_191 = tpu.memref_slice %arg11[%add3A_14, %dma_start3A_190] : memref<10240x32xf32, #tpu.memory_space<vmem_shared>> -> memref<40x32xf32, #tpu.memory_space<vmem_shared>>
      %dma_start3A_192 = arith.constant 0 : i32
      %dma_start3A_193 = tpu.memref_slice %arg11[%add3A_14, %dma_start3A_192] : memref<10240x32xf32, #tpu.memory_space<vmem_shared>> -> memref<40x32xf32, #tpu.memory_space<vmem_shared>>
      tpu.enqueue_dma source(%arg9 : memref<40x32xf32, #tpu.memory_space<vmem>>) target(%dma_start3A_193 : memref<40x32xf32, #tpu.memory_space<vmem_shared>>) target_semaphore(%run_scoped3A : memref<!tpu.dma_semaphore, #tpu.memory_space<semaphore_mem>>)
      %dma_wait3A_194 = arith.constant 0 : i32
      %dma_wait3A_195 = tpu.memref_slice %arg11[%add3A_14, %dma_wait3A_194] : memref<10240x32xf32, #tpu.memory_space<vmem_shared>> -> memref<40x32xf32, #tpu.memory_space<vmem_shared>>
      %dma_wait3A_196 = arith.constant 0 : i32
      %dma_wait3A_197 = tpu.memref_slice %arg11[%add3A_14, %dma_wait3A_196] : memref<10240x32xf32, #tpu.memory_space<vmem_shared>> -> memref<40x32xf32, #tpu.memory_space<vmem_shared>>
      tpu.wait_dma2 semaphore(%run_scoped3A : memref<!tpu.dma_semaphore, #tpu.memory_space<semaphore_mem>>) src(%arg9 : memref<40x32xf32, #tpu.memory_space<vmem>>) dst(%dma_wait3A_197 : memref<40x32xf32, #tpu.memory_space<vmem_shared>>)
      tpu.yield
    }) : () -> ()
    %add3A_15 = arith.constant 40 : i32
    %add3A_16 = arith.addi %mul3A_0, %add3A_15 : i32
    "tpu.region"() ({
      %run_scoped3A = tpu.sem_alloc : memref<!tpu.dma_semaphore, #tpu.memory_space<semaphore_mem>>
      %dma_start3A_190 = arith.constant 0 : i32
      %dma_start3A_191 = tpu.memref_slice %arg11[%add3A_16, %dma_start3A_190] : memref<10240x32xf32, #tpu.memory_space<vmem_shared>> -> memref<40x32xf32, #tpu.memory_space<vmem_shared>>
      %dma_start3A_192 = arith.constant 0 : i32
      %dma_start3A_193 = tpu.memref_slice %arg11[%add3A_16, %dma_start3A_192] : memref<10240x32xf32, #tpu.memory_space<vmem_shared>> -> memref<40x32xf32, #tpu.memory_space<vmem_shared>>
      tpu.enqueue_dma source(%arg9 : memref<40x32xf32, #tpu.memory_space<vmem>>) target(%dma_start3A_193 : memref<40x32xf32, #tpu.memory_space<vmem_shared>>) target_semaphore(%run_scoped3A : memref<!tpu.dma_semaphore, #tpu.memory_space<semaphore_mem>>)
      %dma_wait3A_194 = arith.constant 0 : i32
      %dma_wait3A_195 = tpu.memref_slice %arg11[%add3A_16, %dma_wait3A_194] : memref<10240x32xf32, #tpu.memory_space<vmem_shared>> -> memref<40x32xf32, #tpu.memory_space<vmem_shared>>
      %dma_wait3A_196 = arith.constant 0 : i32
      %dma_wait3A_197 = tpu.memref_slice %arg11[%add3A_16, %dma_wait3A_196] : memref<10240x32xf32, #tpu.memory_space<vmem_shared>> -> memref<40x32xf32, #tpu.memory_space<vmem_shared>>
      tpu.wait_dma2 semaphore(%run_scoped3A : memref<!tpu.dma_semaphore, #tpu.memory_space<semaphore_mem>>) src(%arg9 : memref<40x32xf32, #tpu.memory_space<vmem>>) dst(%dma_wait3A_197 : memref<40x32xf32, #tpu.memory_space<vmem_shared>>)
      tpu.yield
    }) : () -> ()
    %add3A_17 = arith.constant 80 : i32
    %add3A_18 = arith.addi %mul3A_0, %add3A_17 : i32
    "tpu.region"() ({
      %run_scoped3A = tpu.sem_alloc : memref<!tpu.dma_semaphore, #tpu.memory_space<semaphore_mem>>
      %dma_start3A_190 = arith.constant 0 : i32
      %dma_start3A_191 = tpu.memref_slice %arg11[%add3A_18, %dma_start3A_190] : memref<10240x32xf32, #tpu.memory_space<vmem_shared>> -> memref<40x32xf32, #tpu.memory_space<vmem_shared>>
      %dma_start3A_192 = arith.constant 0 : i32
      %dma_start3A_193 = tpu.memref_slice %arg11[%add3A_18, %dma_start3A_192] : memref<10240x32xf32, #tpu.memory_space<vmem_shared>> -> memref<40x32xf32, #tpu.memory_space<vmem_shared>>
      tpu.enqueue_dma source(%arg9 : memref<40x32xf32, #tpu.memory_space<vmem>>) target(%dma_start3A_193 : memref<40x32xf32, #tpu.memory_space<vmem_shared>>) target_semaphore(%run_scoped3A : memref<!tpu.dma_semaphore, #tpu.memory_space<semaphore_mem>>)
      %dma_wait3A_194 = arith.constant 0 : i32
      %dma_wait3A_195 = tpu.memref_slice %arg11[%add3A_18, %dma_wait3A_194] : memref<10240x32xf32, #tpu.memory_space<vmem_shared>> -> memref<40x32xf32, #tpu.memory_space<vmem_shared>>
      %dma_wait3A_196 = arith.constant 0 : i32
      %dma_wait3A_197 = tpu.memref_slice %arg11[%add3A_18, %dma_wait3A_196] : memref<10240x32xf32, #tpu.memory_space<vmem_shared>> -> memref<40x32xf32, #tpu.memory_space<vmem_shared>>
      tpu.wait_dma2 semaphore(%run_scoped3A : memref<!tpu.dma_semaphore, #tpu.memory_space<semaphore_mem>>) src(%arg9 : memref<40x32xf32, #tpu.memory_space<vmem>>) dst(%dma_wait3A_197 : memref<40x32xf32, #tpu.memory_space<vmem_shared>>)
      tpu.yield
    }) : () -> ()
    %add3A_19 = arith.constant 120 : i32
    %add3A_20 = arith.addi %mul3A_0, %add3A_19 : i32
    "tpu.region"() ({
      %run_scoped3A = tpu.sem_alloc : memref<!tpu.dma_semaphore, #tpu.memory_space<semaphore_mem>>
      %dma_start3A_190 = arith.constant 0 : i32
      %dma_start3A_191 = tpu.memref_slice %arg11[%add3A_20, %dma_start3A_190] : memref<10240x32xf32, #tpu.memory_space<vmem_shared>> -> memref<40x32xf32, #tpu.memory_space<vmem_shared>>
      %dma_start3A_192 = arith.constant 0 : i32
      %dma_start3A_193 = tpu.memref_slice %arg11[%add3A_20, %dma_start3A_192] : memref<10240x32xf32, #tpu.memory_space<vmem_shared>> -> memref<40x32xf32, #tpu.memory_space<vmem_shared>>
      tpu.enqueue_dma source(%arg9 : memref<40x32xf32, #tpu.memory_space<vmem>>) target(%dma_start3A_193 : memref<40x32xf32, #tpu.memory_space<vmem_shared>>) target_semaphore(%run_scoped3A : memref<!tpu.dma_semaphore, #tpu.memory_space<semaphore_mem>>)
      %dma_wait3A_194 = arith.constant 0 : i32
      %dma_wait3A_195 = tpu.memref_slice %arg11[%add3A_20, %dma_wait3A_194] : memref<10240x32xf32, #tpu.memory_space<vmem_shared>> -> memref<40x32xf32, #tpu.memory_space<vmem_shared>>
      %dma_wait3A_196 = arith.constant 0 : i32
      %dma_wait3A_197 = tpu.memref_slice %arg11[%add3A_20, %dma_wait3A_196] : memref<10240x32xf32, #tpu.memory_space<vmem_shared>> -> memref<40x32xf32, #tpu.memory_space<vmem_shared>>
      tpu.wait_dma2 semaphore(%run_scoped3A : memref<!tpu.dma_semaphore, #tpu.memory_space<semaphore_mem>>) src(%arg9 : memref<40x32xf32, #tpu.memory_space<vmem>>) dst(%dma_wait3A_197 : memref<40x32xf32, #tpu.memory_space<vmem_shared>>)
      tpu.yield
    }) : () -> ()
    %add3A_21 = arith.constant 160 : i32
    %add3A_22 = arith.addi %mul3A_0, %add3A_21 : i32
    "tpu.region"() ({
      %run_scoped3A = tpu.sem_alloc : memref<!tpu.dma_semaphore, #tpu.memory_space<semaphore_mem>>
      %dma_start3A_190 = arith.constant 0 : i32
      %dma_start3A_191 = tpu.memref_slice %arg11[%add3A_22, %dma_start3A_190] : memref<10240x32xf32, #tpu.memory_space<vmem_shared>> -> memref<40x32xf32, #tpu.memory_space<vmem_shared>>
      %dma_start3A_192 = arith.constant 0 : i32
      %dma_start3A_193 = tpu.memref_slice %arg11[%add3A_22, %dma_start3A_192] : memref<10240x32xf32, #tpu.memory_space<vmem_shared>> -> memref<40x32xf32, #tpu.memory_space<vmem_shared>>
      tpu.enqueue_dma source(%arg9 : memref<40x32xf32, #tpu.memory_space<vmem>>) target(%dma_start3A_193 : memref<40x32xf32, #tpu.memory_space<vmem_shared>>) target_semaphore(%run_scoped3A : memref<!tpu.dma_semaphore, #tpu.memory_space<semaphore_mem>>)
      %dma_wait3A_194 = arith.constant 0 : i32
      %dma_wait3A_195 = tpu.memref_slice %arg11[%add3A_22, %dma_wait3A_194] : memref<10240x32xf32, #tpu.memory_space<vmem_shared>> -> memref<40x32xf32, #tpu.memory_space<vmem_shared>>
      %dma_wait3A_196 = arith.constant 0 : i32
      %dma_wait3A_197 = tpu.memref_slice %arg11[%add3A_22, %dma_wait3A_196] : memref<10240x32xf32, #tpu.memory_space<vmem_shared>> -> memref<40x32xf32, #tpu.memory_space<vmem_shared>>
      tpu.wait_dma2 semaphore(%run_scoped3A : memref<!tpu.dma_semaphore, #tpu.memory_space<semaphore_mem>>) src(%arg9 : memref<40x32xf32, #tpu.memory_space<vmem>>) dst(%dma_wait3A_197 : memref<40x32xf32, #tpu.memory_space<vmem_shared>>)
      tpu.yield
    }) : () -> ()
    %add3A_23 = arith.constant 200 : i32
    %add3A_24 = arith.addi %mul3A_0, %add3A_23 : i32
    "tpu.region"() ({
      %run_scoped3A = tpu.sem_alloc : memref<!tpu.dma_semaphore, #tpu.memory_space<semaphore_mem>>
      %dma_start3A_190 = arith.constant 0 : i32
      %dma_start3A_191 = tpu.memref_slice %arg11[%add3A_24, %dma_start3A_190] : memref<10240x32xf32, #tpu.memory_space<vmem_shared>> -> memref<40x32xf32, #tpu.memory_space<vmem_shared>>
      %dma_start3A_192 = arith.constant 0 : i32
      %dma_start3A_193 = tpu.memref_slice %arg11[%add3A_24, %dma_start3A_192] : memref<10240x32xf32, #tpu.memory_space<vmem_shared>> -> memref<40x32xf32, #tpu.memory_space<vmem_shared>>
      tpu.enqueue_dma source(%arg9 : memref<40x32xf32, #tpu.memory_space<vmem>>) target(%dma_start3A_193 : memref<40x32xf32, #tpu.memory_space<vmem_shared>>) target_semaphore(%run_scoped3A : memref<!tpu.dma_semaphore, #tpu.memory_space<semaphore_mem>>)
      %dma_wait3A_194 = arith.constant 0 : i32
      %dma_wait3A_195 = tpu.memref_slice %arg11[%add3A_24, %dma_wait3A_194] : memref<10240x32xf32, #tpu.memory_space<vmem_shared>> -> memref<40x32xf32, #tpu.memory_space<vmem_shared>>
      %dma_wait3A_196 = arith.constant 0 : i32
      %dma_wait3A_197 = tpu.memref_slice %arg11[%add3A_24, %dma_wait3A_196] : memref<10240x32xf32, #tpu.memory_space<vmem_shared>> -> memref<40x32xf32, #tpu.memory_space<vmem_shared>>
      tpu.wait_dma2 semaphore(%run_scoped3A : memref<!tpu.dma_semaphore, #tpu.memory_space<semaphore_mem>>) src(%arg9 : memref<40x32xf32, #tpu.memory_space<vmem>>) dst(%dma_wait3A_197 : memref<40x32xf32, #tpu.memory_space<vmem_shared>>)
      tpu.yield
    }) : () -> ()
    %add3A_25 = arith.constant 240 : i32
    %add3A_26 = arith.addi %mul3A_0, %add3A_25 : i32
    "tpu.region"() ({
      %run_scoped3A = tpu.sem_alloc : memref<!tpu.dma_semaphore, #tpu.memory_space<semaphore_mem>>
      %dma_start3A_190 = arith.constant 0 : i32
      %dma_start3A_191 = tpu.memref_slice %arg11[%add3A_26, %dma_start3A_190] : memref<10240x32xf32, #tpu.memory_space<vmem_shared>> -> memref<40x32xf32, #tpu.memory_space<vmem_shared>>
      %dma_start3A_192 = arith.constant 0 : i32
      %dma_start3A_193 = tpu.memref_slice %arg11[%add3A_26, %dma_start3A_192] : memref<10240x32xf32, #tpu.memory_space<vmem_shared>> -> memref<40x32xf32, #tpu.memory_space<vmem_shared>>
      tpu.enqueue_dma source(%arg9 : memref<40x32xf32, #tpu.memory_space<vmem>>) target(%dma_start3A_193 : memref<40x32xf32, #tpu.memory_space<vmem_shared>>) target_semaphore(%run_scoped3A : memref<!tpu.dma_semaphore, #tpu.memory_space<semaphore_mem>>)
      %dma_wait3A_194 = arith.constant 0 : i32
      %dma_wait3A_195 = tpu.memref_slice %arg11[%add3A_26, %dma_wait3A_194] : memref<10240x32xf32, #tpu.memory_space<vmem_shared>> -> memref<40x32xf32, #tpu.memory_space<vmem_shared>>
      %dma_wait3A_196 = arith.constant 0 : i32
      %dma_wait3A_197 = tpu.memref_slice %arg11[%add3A_26, %dma_wait3A_196] : memref<10240x32xf32, #tpu.memory_space<vmem_shared>> -> memref<40x32xf32, #tpu.memory_space<vmem_shared>>
      tpu.wait_dma2 semaphore(%run_scoped3A : memref<!tpu.dma_semaphore, #tpu.memory_space<semaphore_mem>>) src(%arg9 : memref<40x32xf32, #tpu.memory_space<vmem>>) dst(%dma_wait3A_197 : memref<40x32xf32, #tpu.memory_space<vmem_shared>>)
      tpu.yield
    }) : () -> ()
    %add3A_27 = arith.constant 280 : i32
    %add3A_28 = arith.addi %mul3A_0, %add3A_27 : i32
    "tpu.region"() ({
      %run_scoped3A = tpu.sem_alloc : memref<!tpu.dma_semaphore, #tpu.memory_space<semaphore_mem>>
      %dma_start3A_190 = arith.constant 0 : i32
      %dma_start3A_191 = tpu.memref_slice %arg11[%add3A_28, %dma_start3A_190] : memref<10240x32xf32, #tpu.memory_space<vmem_shared>> -> memref<40x32xf32, #tpu.memory_space<vmem_shared>>
      %dma_start3A_192 = arith.constant 0 : i32
      %dma_start3A_193 = tpu.memref_slice %arg11[%add3A_28, %dma_start3A_192] : memref<10240x32xf32, #tpu.memory_space<vmem_shared>> -> memref<40x32xf32, #tpu.memory_space<vmem_shared>>
      tpu.enqueue_dma source(%arg9 : memref<40x32xf32, #tpu.memory_space<vmem>>) target(%dma_start3A_193 : memref<40x32xf32, #tpu.memory_space<vmem_shared>>) target_semaphore(%run_scoped3A : memref<!tpu.dma_semaphore, #tpu.memory_space<semaphore_mem>>)
      %dma_wait3A_194 = arith.constant 0 : i32
      %dma_wait3A_195 = tpu.memref_slice %arg11[%add3A_28, %dma_wait3A_194] : memref<10240x32xf32, #tpu.memory_space<vmem_shared>> -> memref<40x32xf32, #tpu.memory_space<vmem_shared>>
      %dma_wait3A_196 = arith.constant 0 : i32
      %dma_wait3A_197 = tpu.memref_slice %arg11[%add3A_28, %dma_wait3A_196] : memref<10240x32xf32, #tpu.memory_space<vmem_shared>> -> memref<40x32xf32, #tpu.memory_space<vmem_shared>>
      tpu.wait_dma2 semaphore(%run_scoped3A : memref<!tpu.dma_semaphore, #tpu.memory_space<semaphore_mem>>) src(%arg9 : memref<40x32xf32, #tpu.memory_space<vmem>>) dst(%dma_wait3A_197 : memref<40x32xf32, #tpu.memory_space<vmem_shared>>)
      tpu.yield
    }) : () -> ()
    %add3A_29 = arith.constant 320 : i32
    %add3A_30 = arith.addi %mul3A_0, %add3A_29 : i32
    "tpu.region"() ({
      %run_scoped3A = tpu.sem_alloc : memref<!tpu.dma_semaphore, #tpu.memory_space<semaphore_mem>>
      %dma_start3A_190 = arith.constant 0 : i32
      %dma_start3A_191 = tpu.memref_slice %arg11[%add3A_30, %dma_start3A_190] : memref<10240x32xf32, #tpu.memory_space<vmem_shared>> -> memref<40x32xf32, #tpu.memory_space<vmem_shared>>
      %dma_start3A_192 = arith.constant 0 : i32
      %dma_start3A_193 = tpu.memref_slice %arg11[%add3A_30, %dma_start3A_192] : memref<10240x32xf32, #tpu.memory_space<vmem_shared>> -> memref<40x32xf32, #tpu.memory_space<vmem_shared>>
      tpu.enqueue_dma source(%arg9 : memref<40x32xf32, #tpu.memory_space<vmem>>) target(%dma_start3A_193 : memref<40x32xf32, #tpu.memory_space<vmem_shared>>) target_semaphore(%run_scoped3A : memref<!tpu.dma_semaphore, #tpu.memory_space<semaphore_mem>>)
      %dma_wait3A_194 = arith.constant 0 : i32
      %dma_wait3A_195 = tpu.memref_slice %arg11[%add3A_30, %dma_wait3A_194] : memref<10240x32xf32, #tpu.memory_space<vmem_shared>> -> memref<40x32xf32, #tpu.memory_space<vmem_shared>>
      %dma_wait3A_196 = arith.constant 0 : i32
      %dma_wait3A_197 = tpu.memref_slice %arg11[%add3A_30, %dma_wait3A_196] : memref<10240x32xf32, #tpu.memory_space<vmem_shared>> -> memref<40x32xf32, #tpu.memory_space<vmem_shared>>
      tpu.wait_dma2 semaphore(%run_scoped3A : memref<!tpu.dma_semaphore, #tpu.memory_space<semaphore_mem>>) src(%arg9 : memref<40x32xf32, #tpu.memory_space<vmem>>) dst(%dma_wait3A_197 : memref<40x32xf32, #tpu.memory_space<vmem_shared>>)
      tpu.yield
    }) : () -> ()
    %add3A_31 = arith.constant 360 : i32
    %add3A_32 = arith.addi %mul3A_0, %add3A_31 : i32
    "tpu.region"() ({
      %run_scoped3A = tpu.sem_alloc : memref<!tpu.dma_semaphore, #tpu.memory_space<semaphore_mem>>
      %dma_start3A_190 = arith.constant 0 : i32
      %dma_start3A_191 = tpu.memref_slice %arg11[%add3A_32, %dma_start3A_190] : memref<10240x32xf32, #tpu.memory_space<vmem_shared>> -> memref<40x32xf32, #tpu.memory_space<vmem_shared>>
      %dma_start3A_192 = arith.constant 0 : i32
      %dma_start3A_193 = tpu.memref_slice %arg11[%add3A_32, %dma_start3A_192] : memref<10240x32xf32, #tpu.memory_space<vmem_shared>> -> memref<40x32xf32, #tpu.memory_space<vmem_shared>>
      tpu.enqueue_dma source(%arg9 : memref<40x32xf32, #tpu.memory_space<vmem>>) target(%dma_start3A_193 : memref<40x32xf32, #tpu.memory_space<vmem_shared>>) target_semaphore(%run_scoped3A : memref<!tpu.dma_semaphore, #tpu.memory_space<semaphore_mem>>)
      %dma_wait3A_194 = arith.constant 0 : i32
      %dma_wait3A_195 = tpu.memref_slice %arg11[%add3A_32, %dma_wait3A_194] : memref<10240x32xf32, #tpu.memory_space<vmem_shared>> -> memref<40x32xf32, #tpu.memory_space<vmem_shared>>
      %dma_wait3A_196 = arith.constant 0 : i32
      %dma_wait3A_197 = tpu.memref_slice %arg11[%add3A_32, %dma_wait3A_196] : memref<10240x32xf32, #tpu.memory_space<vmem_shared>> -> memref<40x32xf32, #tpu.memory_space<vmem_shared>>
      tpu.wait_dma2 semaphore(%run_scoped3A : memref<!tpu.dma_semaphore, #tpu.memory_space<semaphore_mem>>) src(%arg9 : memref<40x32xf32, #tpu.memory_space<vmem>>) dst(%dma_wait3A_197 : memref<40x32xf32, #tpu.memory_space<vmem_shared>>)
      tpu.yield
    }) : () -> ()
    %add3A_33 = arith.constant 400 : i32
    %add3A_34 = arith.addi %mul3A_0, %add3A_33 : i32
    "tpu.region"() ({
      %run_scoped3A = tpu.sem_alloc : memref<!tpu.dma_semaphore, #tpu.memory_space<semaphore_mem>>
      %dma_start3A_190 = arith.constant 0 : i32
      %dma_start3A_191 = tpu.memref_slice %arg11[%add3A_34, %dma_start3A_190] : memref<10240x32xf32, #tpu.memory_space<vmem_shared>> -> memref<40x32xf32, #tpu.memory_space<vmem_shared>>
      %dma_start3A_192 = arith.constant 0 : i32
      %dma_start3A_193 = tpu.memref_slice %arg11[%add3A_34, %dma_start3A_192] : memref<10240x32xf32, #tpu.memory_space<vmem_shared>> -> memref<40x32xf32, #tpu.memory_space<vmem_shared>>
      tpu.enqueue_dma source(%arg9 : memref<40x32xf32, #tpu.memory_space<vmem>>) target(%dma_start3A_193 : memref<40x32xf32, #tpu.memory_space<vmem_shared>>) target_semaphore(%run_scoped3A : memref<!tpu.dma_semaphore, #tpu.memory_space<semaphore_mem>>)
      %dma_wait3A_194 = arith.constant 0 : i32
      %dma_wait3A_195 = tpu.memref_slice %arg11[%add3A_34, %dma_wait3A_194] : memref<10240x32xf32, #tpu.memory_space<vmem_shared>> -> memref<40x32xf32, #tpu.memory_space<vmem_shared>>
      %dma_wait3A_196 = arith.constant 0 : i32
      %dma_wait3A_197 = tpu.memref_slice %arg11[%add3A_34, %dma_wait3A_196] : memref<10240x32xf32, #tpu.memory_space<vmem_shared>> -> memref<40x32xf32, #tpu.memory_space<vmem_shared>>
      tpu.wait_dma2 semaphore(%run_scoped3A : memref<!tpu.dma_semaphore, #tpu.memory_space<semaphore_mem>>) src(%arg9 : memref<40x32xf32, #tpu.memory_space<vmem>>) dst(%dma_wait3A_197 : memref<40x32xf32, #tpu.memory_space<vmem_shared>>)
      tpu.yield
    }) : () -> ()
    %add3A_35 = arith.constant 440 : i32
    %add3A_36 = arith.addi %mul3A_0, %add3A_35 : i32
    "tpu.region"() ({
      %run_scoped3A = tpu.sem_alloc : memref<!tpu.dma_semaphore, #tpu.memory_space<semaphore_mem>>
      %dma_start3A_190 = arith.constant 0 : i32
      %dma_start3A_191 = tpu.memref_slice %arg11[%add3A_36, %dma_start3A_190] : memref<10240x32xf32, #tpu.memory_space<vmem_shared>> -> memref<40x32xf32, #tpu.memory_space<vmem_shared>>
      %dma_start3A_192 = arith.constant 0 : i32
      %dma_start3A_193 = tpu.memref_slice %arg11[%add3A_36, %dma_start3A_192] : memref<10240x32xf32, #tpu.memory_space<vmem_shared>> -> memref<40x32xf32, #tpu.memory_space<vmem_shared>>
      tpu.enqueue_dma source(%arg9 : memref<40x32xf32, #tpu.memory_space<vmem>>) target(%dma_start3A_193 : memref<40x32xf32, #tpu.memory_space<vmem_shared>>) target_semaphore(%run_scoped3A : memref<!tpu.dma_semaphore, #tpu.memory_space<semaphore_mem>>)
      %dma_wait3A_194 = arith.constant 0 : i32
      %dma_wait3A_195 = tpu.memref_slice %arg11[%add3A_36, %dma_wait3A_194] : memref<10240x32xf32, #tpu.memory_space<vmem_shared>> -> memref<40x32xf32, #tpu.memory_space<vmem_shared>>
      %dma_wait3A_196 = arith.constant 0 : i32
      %dma_wait3A_197 = tpu.memref_slice %arg11[%add3A_36, %dma_wait3A_196] : memref<10240x32xf32, #tpu.memory_space<vmem_shared>> -> memref<40x32xf32, #tpu.memory_space<vmem_shared>>
      tpu.wait_dma2 semaphore(%run_scoped3A : memref<!tpu.dma_semaphore, #tpu.memory_space<semaphore_mem>>) src(%arg9 : memref<40x32xf32, #tpu.memory_space<vmem>>) dst(%dma_wait3A_197 : memref<40x32xf32, #tpu.memory_space<vmem_shared>>)
      tpu.yield
    }) : () -> ()
    %add3A_37 = arith.constant 480 : i32
    %add3A_38 = arith.addi %mul3A_0, %add3A_37 : i32
    "tpu.region"() ({
      %run_scoped3A = tpu.sem_alloc : memref<!tpu.dma_semaphore, #tpu.memory_space<semaphore_mem>>
      %dma_start3A_190 = arith.constant 0 : i32
      %dma_start3A_191 = tpu.memref_slice %arg11[%add3A_38, %dma_start3A_190] : memref<10240x32xf32, #tpu.memory_space<vmem_shared>> -> memref<40x32xf32, #tpu.memory_space<vmem_shared>>
      %dma_start3A_192 = arith.constant 0 : i32
      %dma_start3A_193 = tpu.memref_slice %arg11[%add3A_38, %dma_start3A_192] : memref<10240x32xf32, #tpu.memory_space<vmem_shared>> -> memref<40x32xf32, #tpu.memory_space<vmem_shared>>
      tpu.enqueue_dma source(%arg9 : memref<40x32xf32, #tpu.memory_space<vmem>>) target(%dma_start3A_193 : memref<40x32xf32, #tpu.memory_space<vmem_shared>>) target_semaphore(%run_scoped3A : memref<!tpu.dma_semaphore, #tpu.memory_space<semaphore_mem>>)
      %dma_wait3A_194 = arith.constant 0 : i32
      %dma_wait3A_195 = tpu.memref_slice %arg11[%add3A_38, %dma_wait3A_194] : memref<10240x32xf32, #tpu.memory_space<vmem_shared>> -> memref<40x32xf32, #tpu.memory_space<vmem_shared>>
      %dma_wait3A_196 = arith.constant 0 : i32
      %dma_wait3A_197 = tpu.memref_slice %arg11[%add3A_38, %dma_wait3A_196] : memref<10240x32xf32, #tpu.memory_space<vmem_shared>> -> memref<40x32xf32, #tpu.memory_space<vmem_shared>>
      tpu.wait_dma2 semaphore(%run_scoped3A : memref<!tpu.dma_semaphore, #tpu.memory_space<semaphore_mem>>) src(%arg9 : memref<40x32xf32, #tpu.memory_space<vmem>>) dst(%dma_wait3A_197 : memref<40x32xf32, #tpu.memory_space<vmem_shared>>)
      tpu.yield
    }) : () -> ()
    %add3A_39 = arith.constant 520 : i32
    %add3A_40 = arith.addi %mul3A_0, %add3A_39 : i32
    "tpu.region"() ({
      %run_scoped3A = tpu.sem_alloc : memref<!tpu.dma_semaphore, #tpu.memory_space<semaphore_mem>>
      %dma_start3A_190 = arith.constant 0 : i32
      %dma_start3A_191 = tpu.memref_slice %arg11[%add3A_40, %dma_start3A_190] : memref<10240x32xf32, #tpu.memory_space<vmem_shared>> -> memref<40x32xf32, #tpu.memory_space<vmem_shared>>
      %dma_start3A_192 = arith.constant 0 : i32
      %dma_start3A_193 = tpu.memref_slice %arg11[%add3A_40, %dma_start3A_192] : memref<10240x32xf32, #tpu.memory_space<vmem_shared>> -> memref<40x32xf32, #tpu.memory_space<vmem_shared>>
      tpu.enqueue_dma source(%arg9 : memref<40x32xf32, #tpu.memory_space<vmem>>) target(%dma_start3A_193 : memref<40x32xf32, #tpu.memory_space<vmem_shared>>) target_semaphore(%run_scoped3A : memref<!tpu.dma_semaphore, #tpu.memory_space<semaphore_mem>>)
      %dma_wait3A_194 = arith.constant 0 : i32
      %dma_wait3A_195 = tpu.memref_slice %arg11[%add3A_40, %dma_wait3A_194] : memref<10240x32xf32, #tpu.memory_space<vmem_shared>> -> memref<40x32xf32, #tpu.memory_space<vmem_shared>>
      %dma_wait3A_196 = arith.constant 0 : i32
      %dma_wait3A_197 = tpu.memref_slice %arg11[%add3A_40, %dma_wait3A_196] : memref<10240x32xf32, #tpu.memory_space<vmem_shared>> -> memref<40x32xf32, #tpu.memory_space<vmem_shared>>
      tpu.wait_dma2 semaphore(%run_scoped3A : memref<!tpu.dma_semaphore, #tpu.memory_space<semaphore_mem>>) src(%arg9 : memref<40x32xf32, #tpu.memory_space<vmem>>) dst(%dma_wait3A_197 : memref<40x32xf32, #tpu.memory_space<vmem_shared>>)
      tpu.yield
    }) : () -> ()
    %add3A_41 = arith.constant 560 : i32
    %add3A_42 = arith.addi %mul3A_0, %add3A_41 : i32
    "tpu.region"() ({
      %run_scoped3A = tpu.sem_alloc : memref<!tpu.dma_semaphore, #tpu.memory_space<semaphore_mem>>
      %dma_start3A_190 = arith.constant 0 : i32
      %dma_start3A_191 = tpu.memref_slice %arg11[%add3A_42, %dma_start3A_190] : memref<10240x32xf32, #tpu.memory_space<vmem_shared>> -> memref<40x32xf32, #tpu.memory_space<vmem_shared>>
      %dma_start3A_192 = arith.constant 0 : i32
      %dma_start3A_193 = tpu.memref_slice %arg11[%add3A_42, %dma_start3A_192] : memref<10240x32xf32, #tpu.memory_space<vmem_shared>> -> memref<40x32xf32, #tpu.memory_space<vmem_shared>>
      tpu.enqueue_dma source(%arg9 : memref<40x32xf32, #tpu.memory_space<vmem>>) target(%dma_start3A_193 : memref<40x32xf32, #tpu.memory_space<vmem_shared>>) target_semaphore(%run_scoped3A : memref<!tpu.dma_semaphore, #tpu.memory_space<semaphore_mem>>)
      %dma_wait3A_194 = arith.constant 0 : i32
      %dma_wait3A_195 = tpu.memref_slice %arg11[%add3A_42, %dma_wait3A_194] : memref<10240x32xf32, #tpu.memory_space<vmem_shared>> -> memref<40x32xf32, #tpu.memory_space<vmem_shared>>
      %dma_wait3A_196 = arith.constant 0 : i32
      %dma_wait3A_197 = tpu.memref_slice %arg11[%add3A_42, %dma_wait3A_196] : memref<10240x32xf32, #tpu.memory_space<vmem_shared>> -> memref<40x32xf32, #tpu.memory_space<vmem_shared>>
      tpu.wait_dma2 semaphore(%run_scoped3A : memref<!tpu.dma_semaphore, #tpu.memory_space<semaphore_mem>>) src(%arg9 : memref<40x32xf32, #tpu.memory_space<vmem>>) dst(%dma_wait3A_197 : memref<40x32xf32, #tpu.memory_space<vmem_shared>>)
      tpu.yield
    }) : () -> ()
    %add3A_43 = arith.constant 600 : i32
    %add3A_44 = arith.addi %mul3A_0, %add3A_43 : i32
    "tpu.region"() ({
      %run_scoped3A = tpu.sem_alloc : memref<!tpu.dma_semaphore, #tpu.memory_space<semaphore_mem>>
      %dma_start3A_190 = arith.constant 0 : i32
      %dma_start3A_191 = tpu.memref_slice %arg11[%add3A_44, %dma_start3A_190] : memref<10240x32xf32, #tpu.memory_space<vmem_shared>> -> memref<40x32xf32, #tpu.memory_space<vmem_shared>>
      %dma_start3A_192 = arith.constant 0 : i32
      %dma_start3A_193 = tpu.memref_slice %arg11[%add3A_44, %dma_start3A_192] : memref<10240x32xf32, #tpu.memory_space<vmem_shared>> -> memref<40x32xf32, #tpu.memory_space<vmem_shared>>
      tpu.enqueue_dma source(%arg9 : memref<40x32xf32, #tpu.memory_space<vmem>>) target(%dma_start3A_193 : memref<40x32xf32, #tpu.memory_space<vmem_shared>>) target_semaphore(%run_scoped3A : memref<!tpu.dma_semaphore, #tpu.memory_space<semaphore_mem>>)
      %dma_wait3A_194 = arith.constant 0 : i32
      %dma_wait3A_195 = tpu.memref_slice %arg11[%add3A_44, %dma_wait3A_194] : memref<10240x32xf32, #tpu.memory_space<vmem_shared>> -> memref<40x32xf32, #tpu.memory_space<vmem_shared>>
      %dma_wait3A_196 = arith.constant 0 : i32
      %dma_wait3A_197 = tpu.memref_slice %arg11[%add3A_44, %dma_wait3A_196] : memref<10240x32xf32, #tpu.memory_space<vmem_shared>> -> memref<40x32xf32, #tpu.memory_space<vmem_shared>>
      tpu.wait_dma2 semaphore(%run_scoped3A : memref<!tpu.dma_semaphore, #tpu.memory_space<semaphore_mem>>) src(%arg9 : memref<40x32xf32, #tpu.memory_space<vmem>>) dst(%dma_wait3A_197 : memref<40x32xf32, #tpu.memory_space<vmem_shared>>)
      tpu.yield
    }) : () -> ()
    %dma_wait3A = arith.constant 0 : i32
    %dma_wait3A_45 = tpu.memref_slice %arg10[%mul3A_0, %dma_wait3A] : memref<10240x32xf32, #tpu.memory_space<vmem_shared>> -> memref<640x32xf32, #tpu.memory_space<vmem_shared>>
    %dma_wait3A_46 = arith.constant 0 : i32
    %dma_wait3A_47 = tpu.memref_slice %arg2[%arg0, %mul3A_0, %dma_wait3A_46] : memref<2x10240x32xf32, #tpu.memory_space<hbm>> -> memref<1x640x32xf32, #tpu.memory_space<hbm>>
    %dma_wait3A_48 = tpu.memref_squeeze %dma_wait3A_47 : memref<1x640x32xf32, #tpu.memory_space<hbm>> -> memref<640x32xf32, #tpu.memory_space<hbm>>
    tpu.wait_dma2 semaphore(%arg14 : memref<!tpu.dma_semaphore, #tpu.memory_space<semaphore_mem>>) src(%dma_wait3A_48 : memref<640x32xf32, #tpu.memory_space<hbm>>) dst(%dma_wait3A_45 : memref<640x32xf32, #tpu.memory_space<vmem_shared>>)
    %barrier3A = arith.constant 0 : index
    tpu.barrier barrier_id(%barrier3A)
    %dma_start3A_49 = arith.constant 0 : i32
    %dma_start3A_50 = arith.constant 0 : i32
    %dma_start3A_51 = arith.constant 0 : i32
    %dma_start3A_52 = arith.constant 0 : i32
    %dma_start3A_53 = arith.constant 0 : i32
    %dma_start3A_54 = tpu.memref_slice %arg8[%dma_start3A_50, %dma_start3A_52, %dma_start3A_53] : memref<5x125x32xf32, #tpu.memory_space<vmem>> -> memref<1x125x32xf32, #tpu.memory_space<vmem>>
    %dma_start3A_55 = tpu.memref_squeeze %dma_start3A_54 : memref<1x125x32xf32, #tpu.memory_space<vmem>> -> memref<125x32xf32, #tpu.memory_space<vmem>>
    %dma_start3A_56 = arith.constant 0 : i32
    %dma_start3A_57 = tpu.memref_slice %arg6[%dma_start3A_49, %dma_start3A_56] : memref<160x125xi32, #tpu.memory_space<vmem>> -> memref<1x125xi32, #tpu.memory_space<vmem>>
    %dma_start3A_58 = tpu.memref_squeeze %dma_start3A_57 : memref<1x125xi32, #tpu.memory_space<vmem>> -> memref<125xi32, #tpu.memory_space<vmem>>
    %dma_start3A_59 = arith.constant 0 : i32
    %dma_start3A_60 = arith.constant 0 : i32
    %dma_start3A_61 = tpu.memref_slice %arg10[%dma_start3A_59, %dma_start3A_60] : memref<10240x32xf32, #tpu.memory_space<vmem_shared>> -> memref<10240x32xf32, #tpu.memory_space<vmem_shared>>
    %dma_start3A_62 = tpu.memref_slice %arg12[%dma_start3A_51] : memref<5x!tpu.dma_semaphore, #tpu.memory_space<semaphore_mem>> -> memref<1x!tpu.dma_semaphore, #tpu.memory_space<semaphore_mem>>
    %dma_start3A_63 = tpu.memref_squeeze %dma_start3A_62 : memref<1x!tpu.dma_semaphore, #tpu.memory_space<semaphore_mem>> -> memref<!tpu.dma_semaphore, #tpu.memory_space<semaphore_mem>>
    tpu.enqueue_indirect_dma source(%dma_start3A_61 : memref<10240x32xf32, #tpu.memory_space<vmem_shared>>) target(%dma_start3A_55 : memref<125x32xf32, #tpu.memory_space<vmem>>) offsets(%dma_start3A_58 : memref<125xi32, #tpu.memory_space<vmem>>) semaphore(%dma_start3A_63 : memref<!tpu.dma_semaphore, #tpu.memory_space<semaphore_mem>>)
    %dma_start3A_64 = arith.constant 1 : i32
    %dma_start3A_65 = arith.constant 1 : i32
    %dma_start3A_66 = arith.constant 1 : i32
    %dma_start3A_67 = arith.constant 0 : i32
    %dma_start3A_68 = arith.constant 0 : i32
    %dma_start3A_69 = tpu.memref_slice %arg8[%dma_start3A_65, %dma_start3A_67, %dma_start3A_68] : memref<5x125x32xf32, #tpu.memory_space<vmem>> -> memref<1x125x32xf32, #tpu.memory_space<vmem>>
    %dma_start3A_70 = tpu.memref_squeeze %dma_start3A_69 : memref<1x125x32xf32, #tpu.memory_space<vmem>> -> memref<125x32xf32, #tpu.memory_space<vmem>>
    %dma_start3A_71 = arith.constant 0 : i32
    %dma_start3A_72 = tpu.memref_slice %arg6[%dma_start3A_64, %dma_start3A_71] : memref<160x125xi32, #tpu.memory_space<vmem>> -> memref<1x125xi32, #tpu.memory_space<vmem>>
    %dma_start3A_73 = tpu.memref_squeeze %dma_start3A_72 : memref<1x125xi32, #tpu.memory_space<vmem>> -> memref<125xi32, #tpu.memory_space<vmem>>
    %dma_start3A_74 = arith.constant 0 : i32
    %dma_start3A_75 = arith.constant 0 : i32
    %dma_start3A_76 = tpu.memref_slice %arg10[%dma_start3A_74, %dma_start3A_75] : memref<10240x32xf32, #tpu.memory_space<vmem_shared>> -> memref<10240x32xf32, #tpu.memory_space<vmem_shared>>
    %dma_start3A_77 = tpu.memref_slice %arg12[%dma_start3A_66] : memref<5x!tpu.dma_semaphore, #tpu.memory_space<semaphore_mem>> -> memref<1x!tpu.dma_semaphore, #tpu.memory_space<semaphore_mem>>
    %dma_start3A_78 = tpu.memref_squeeze %dma_start3A_77 : memref<1x!tpu.dma_semaphore, #tpu.memory_space<semaphore_mem>> -> memref<!tpu.dma_semaphore, #tpu.memory_space<semaphore_mem>>
    tpu.enqueue_indirect_dma source(%dma_start3A_76 : memref<10240x32xf32, #tpu.memory_space<vmem_shared>>) target(%dma_start3A_70 : memref<125x32xf32, #tpu.memory_space<vmem>>) offsets(%dma_start3A_73 : memref<125xi32, #tpu.memory_space<vmem>>) semaphore(%dma_start3A_78 : memref<!tpu.dma_semaphore, #tpu.memory_space<semaphore_mem>>)
    %dma_start3A_79 = arith.constant 2 : i32
    %dma_start3A_80 = arith.constant 2 : i32
    %dma_start3A_81 = arith.constant 2 : i32
    %dma_start3A_82 = arith.constant 0 : i32
    %dma_start3A_83 = arith.constant 0 : i32
    %dma_start3A_84 = tpu.memref_slice %arg8[%dma_start3A_80, %dma_start3A_82, %dma_start3A_83] : memref<5x125x32xf32, #tpu.memory_space<vmem>> -> memref<1x125x32xf32, #tpu.memory_space<vmem>>
    %dma_start3A_85 = tpu.memref_squeeze %dma_start3A_84 : memref<1x125x32xf32, #tpu.memory_space<vmem>> -> memref<125x32xf32, #tpu.memory_space<vmem>>
    %dma_start3A_86 = arith.constant 0 : i32
    %dma_start3A_87 = tpu.memref_slice %arg6[%dma_start3A_79, %dma_start3A_86] : memref<160x125xi32, #tpu.memory_space<vmem>> -> memref<1x125xi32, #tpu.memory_space<vmem>>
    %dma_start3A_88 = tpu.memref_squeeze %dma_start3A_87 : memref<1x125xi32, #tpu.memory_space<vmem>> -> memref<125xi32, #tpu.memory_space<vmem>>
    %dma_start3A_89 = arith.constant 0 : i32
    %dma_start3A_90 = arith.constant 0 : i32
    %dma_start3A_91 = tpu.memref_slice %arg10[%dma_start3A_89, %dma_start3A_90] : memref<10240x32xf32, #tpu.memory_space<vmem_shared>> -> memref<10240x32xf32, #tpu.memory_space<vmem_shared>>
    %dma_start3A_92 = tpu.memref_slice %arg12[%dma_start3A_81] : memref<5x!tpu.dma_semaphore, #tpu.memory_space<semaphore_mem>> -> memref<1x!tpu.dma_semaphore, #tpu.memory_space<semaphore_mem>>
    %dma_start3A_93 = tpu.memref_squeeze %dma_start3A_92 : memref<1x!tpu.dma_semaphore, #tpu.memory_space<semaphore_mem>> -> memref<!tpu.dma_semaphore, #tpu.memory_space<semaphore_mem>>
    tpu.enqueue_indirect_dma source(%dma_start3A_91 : memref<10240x32xf32, #tpu.memory_space<vmem_shared>>) target(%dma_start3A_85 : memref<125x32xf32, #tpu.memory_space<vmem>>) offsets(%dma_start3A_88 : memref<125xi32, #tpu.memory_space<vmem>>) semaphore(%dma_start3A_93 : memref<!tpu.dma_semaphore, #tpu.memory_space<semaphore_mem>>)
    %scan3A_94 = arith.constant 0 : i32
    %scan3A_95 = arith.constant 32 : i32
    %scan3A_96 = arith.addi %scan3A_94, %scan3A_95 : i32
    %scan3A_97 = arith.constant 1 : i32
    scf.for %scan3A_190 = %scan3A_94 to %scan3A_96 step %scan3A_97  : i32 {
      %mul3A_191 = arith.constant 5 : i32
      %mul3A_192 = arith.muli %scan3A_190, %mul3A_191 : i32
      %add3A_193 = arith.constant 0 : i32
      %add3A_194 = arith.addi %add3A_193, %mul3A_192 : i32
      %add3A_195 = arith.constant 0 : i32
      %add3A_196 = arith.addi %add3A_194, %add3A_195 : i32
      %add3A_197 = arith.constant 3 : i32
      %add3A_198 = arith.addi %add3A_196, %add3A_197 : i32
      %lt3A = arith.constant 160 : i32
      %lt3A_199 = arith.cmpi slt, %add3A_198, %lt3A : i32
      %convert_element_type3A = arith.extui %lt3A_199 : i1 to i32
      %cond3A = arith.constant 0 : i32
      %cond3A_200 = arith.cmpi ne, %convert_element_type3A, %cond3A : i32
      scf.if %cond3A_200 {
        %ge3A = arith.constant 2 : i32
        %ge3A_397 = arith.cmpi sge, %add3A_196, %ge3A : i32
        %convert_element_type3A_398 = arith.extui %ge3A_397 : i1 to i32
        %cond3A_399 = arith.constant 0 : i32
        %cond3A_400 = arith.cmpi ne, %convert_element_type3A_398, %cond3A_399 : i32
        scf.if %cond3A_400 {
          %dma_wait3A_417 = arith.constant 3 : i32
          %dma_wait3A_418 = arith.constant 3 : i32
          %dma_wait3A_419 = arith.constant 0 : i32
          %dma_wait3A_420 = arith.constant 0 : i32
          %dma_wait3A_421 = tpu.memref_slice %arg8[%dma_wait3A_417, %dma_wait3A_419, %dma_wait3A_420] : memref<5x125x32xf32, #tpu.memory_space<vmem>> -> memref<1x125x32xf32, #tpu.memory_space<vmem>>
          %dma_wait3A_422 = tpu.memref_squeeze %dma_wait3A_421 : memref<1x125x32xf32, #tpu.memory_space<vmem>> -> memref<125x32xf32, #tpu.memory_space<vmem>>
          %dma_wait3A_423 = arith.constant 0 : i32
          %dma_wait3A_424 = arith.constant 0 : i32
          %dma_wait3A_425 = tpu.memref_slice %arg11[%dma_wait3A_423, %dma_wait3A_424] : memref<10240x32xf32, #tpu.memory_space<vmem_shared>> -> memref<125x32xf32, #tpu.memory_space<vmem_shared>>
          %dma_wait3A_426 = tpu.memref_slice %arg13[%dma_wait3A_418] : memref<5x!tpu.dma_semaphore, #tpu.memory_space<semaphore_mem>> -> memref<1x!tpu.dma_semaphore, #tpu.memory_space<semaphore_mem>>
          %dma_wait3A_427 = tpu.memref_squeeze %dma_wait3A_426 : memref<1x!tpu.dma_semaphore, #tpu.memory_space<semaphore_mem>> -> memref<!tpu.dma_semaphore, #tpu.memory_space<semaphore_mem>>
          %dma_wait3A_428 = arith.constant 0 : i32
          %dma_wait3A_429 = arith.constant 0 : i32
          %dma_wait3A_430 = tpu.memref_slice %arg11[%dma_wait3A_428, %dma_wait3A_429] : memref<10240x32xf32, #tpu.memory_space<vmem_shared>> -> memref<125x32xf32, #tpu.memory_space<vmem_shared>>
          %dma_wait3A_431 = arith.constant 0 : i32
          %dma_wait3A_432 = arith.constant 0 : i32
          %dma_wait3A_433 = tpu.memref_slice %arg8[%dma_wait3A_417, %dma_wait3A_431, %dma_wait3A_432] : memref<5x125x32xf32, #tpu.memory_space<vmem>> -> memref<1x125x32xf32, #tpu.memory_space<vmem>>
          %dma_wait3A_434 = tpu.memref_squeeze %dma_wait3A_433 : memref<1x125x32xf32, #tpu.memory_space<vmem>> -> memref<125x32xf32, #tpu.memory_space<vmem>>
          tpu.wait_dma2 semaphore(%dma_wait3A_427 : memref<!tpu.dma_semaphore, #tpu.memory_space<semaphore_mem>>) src(%dma_wait3A_434 : memref<125x32xf32, #tpu.memory_space<vmem>>) dst(%dma_wait3A_430 : memref<125x32xf32, #tpu.memory_space<vmem_shared>>)
        } else {
        }
        %add3A_401 = arith.constant 3 : i32
        %add3A_402 = arith.addi %add3A_196, %add3A_401 : i32
        %dma_start3A_403 = arith.constant 3 : i32
        %dma_start3A_404 = arith.constant 3 : i32
        %dma_start3A_405 = arith.constant 0 : i32
        %dma_start3A_406 = arith.constant 0 : i32
        %dma_start3A_407 = tpu.memref_slice %arg8[%dma_start3A_403, %dma_start3A_405, %dma_start3A_406] : memref<5x125x32xf32, #tpu.memory_space<vmem>> -> memref<1x125x32xf32, #tpu.memory_space<vmem>>
        %dma_start3A_408 = tpu.memref_squeeze %dma_start3A_407 : memref<1x125x32xf32, #tpu.memory_space<vmem>> -> memref<125x32xf32, #tpu.memory_space<vmem>>
        %dma_start3A_409 = arith.constant 0 : i32
        %dma_start3A_410 = tpu.memref_slice %arg6[%add3A_402, %dma_start3A_409] : memref<160x125xi32, #tpu.memory_space<vmem>> -> memref<1x125xi32, #tpu.memory_space<vmem>>
        %dma_start3A_411 = tpu.memref_squeeze %dma_start3A_410 : memref<1x125xi32, #tpu.memory_space<vmem>> -> memref<125xi32, #tpu.memory_space<vmem>>
        %dma_start3A_412 = arith.constant 0 : i32
        %dma_start3A_413 = arith.constant 0 : i32
        %dma_start3A_414 = tpu.memref_slice %arg10[%dma_start3A_412, %dma_start3A_413] : memref<10240x32xf32, #tpu.memory_space<vmem_shared>> -> memref<10240x32xf32, #tpu.memory_space<vmem_shared>>
        %dma_start3A_415 = tpu.memref_slice %arg12[%dma_start3A_404] : memref<5x!tpu.dma_semaphore, #tpu.memory_space<semaphore_mem>> -> memref<1x!tpu.dma_semaphore, #tpu.memory_space<semaphore_mem>>
        %dma_start3A_416 = tpu.memref_squeeze %dma_start3A_415 : memref<1x!tpu.dma_semaphore, #tpu.memory_space<semaphore_mem>> -> memref<!tpu.dma_semaphore, #tpu.memory_space<semaphore_mem>>
        tpu.enqueue_indirect_dma source(%dma_start3A_414 : memref<10240x32xf32, #tpu.memory_space<vmem_shared>>) target(%dma_start3A_408 : memref<125x32xf32, #tpu.memory_space<vmem>>) offsets(%dma_start3A_411 : memref<125xi32, #tpu.memory_space<vmem>>) semaphore(%dma_start3A_416 : memref<!tpu.dma_semaphore, #tpu.memory_space<semaphore_mem>>)
      } else {
      }
      %dma_wait3A_201 = arith.constant 0 : i32
      %dma_wait3A_202 = arith.constant 0 : i32
      %dma_wait3A_203 = arith.constant 0 : i32
      %dma_wait3A_204 = arith.constant 0 : i32
      %dma_wait3A_205 = tpu.memref_slice %arg8[%dma_wait3A_201, %dma_wait3A_203, %dma_wait3A_204] : memref<5x125x32xf32, #tpu.memory_space<vmem>> -> memref<1x125x32xf32, #tpu.memory_space<vmem>>
      %dma_wait3A_206 = tpu.memref_squeeze %dma_wait3A_205 : memref<1x125x32xf32, #tpu.memory_space<vmem>> -> memref<125x32xf32, #tpu.memory_space<vmem>>
      %dma_wait3A_207 = arith.constant 0 : i32
      %dma_wait3A_208 = arith.constant 0 : i32
      %dma_wait3A_209 = tpu.memref_slice %arg10[%dma_wait3A_207, %dma_wait3A_208] : memref<10240x32xf32, #tpu.memory_space<vmem_shared>> -> memref<125x32xf32, #tpu.memory_space<vmem_shared>>
      %dma_wait3A_210 = tpu.memref_slice %arg12[%dma_wait3A_202] : memref<5x!tpu.dma_semaphore, #tpu.memory_space<semaphore_mem>> -> memref<1x!tpu.dma_semaphore, #tpu.memory_space<semaphore_mem>>
      %dma_wait3A_211 = tpu.memref_squeeze %dma_wait3A_210 : memref<1x!tpu.dma_semaphore, #tpu.memory_space<semaphore_mem>> -> memref<!tpu.dma_semaphore, #tpu.memory_space<semaphore_mem>>
      %dma_wait3A_212 = arith.constant 0 : i32
      %dma_wait3A_213 = arith.constant 0 : i32
      %dma_wait3A_214 = tpu.memref_slice %arg8[%dma_wait3A_201, %dma_wait3A_212, %dma_wait3A_213] : memref<5x125x32xf32, #tpu.memory_space<vmem>> -> memref<1x125x32xf32, #tpu.memory_space<vmem>>
      %dma_wait3A_215 = tpu.memref_squeeze %dma_wait3A_214 : memref<1x125x32xf32, #tpu.memory_space<vmem>> -> memref<125x32xf32, #tpu.memory_space<vmem>>
      %dma_wait3A_216 = arith.constant 0 : i32
      %dma_wait3A_217 = arith.constant 0 : i32
      %dma_wait3A_218 = tpu.memref_slice %arg10[%dma_wait3A_216, %dma_wait3A_217] : memref<10240x32xf32, #tpu.memory_space<vmem_shared>> -> memref<125x32xf32, #tpu.memory_space<vmem_shared>>
      tpu.wait_dma2 semaphore(%dma_wait3A_211 : memref<!tpu.dma_semaphore, #tpu.memory_space<semaphore_mem>>) src(%dma_wait3A_218 : memref<125x32xf32, #tpu.memory_space<vmem_shared>>) dst(%dma_wait3A_215 : memref<125x32xf32, #tpu.memory_space<vmem>>)
      %dma_start3A_219 = arith.constant 0 : i32
      %dma_start3A_220 = arith.constant 0 : i32
      %dma_start3A_221 = arith.constant 0 : i32
      %dma_start3A_222 = arith.constant 0 : i32
      %dma_start3A_223 = tpu.memref_slice %arg8[%dma_start3A_219, %dma_start3A_221, %dma_start3A_222] : memref<5x125x32xf32, #tpu.memory_space<vmem>> -> memref<1x125x32xf32, #tpu.memory_space<vmem>>
      %dma_start3A_224 = tpu.memref_squeeze %dma_start3A_223 : memref<1x125x32xf32, #tpu.memory_space<vmem>> -> memref<125x32xf32, #tpu.memory_space<vmem>>
      %dma_start3A_225 = arith.constant 0 : i32
      %dma_start3A_226 = tpu.memref_slice %arg7[%add3A_196, %dma_start3A_225] : memref<160x125xi32, #tpu.memory_space<vmem>> -> memref<1x125xi32, #tpu.memory_space<vmem>>
      %dma_start3A_227 = tpu.memref_squeeze %dma_start3A_226 : memref<1x125xi32, #tpu.memory_space<vmem>> -> memref<125xi32, #tpu.memory_space<vmem>>
      %dma_start3A_228 = arith.constant 0 : i32
      %dma_start3A_229 = arith.constant 0 : i32
      %dma_start3A_230 = tpu.memref_slice %arg11[%dma_start3A_228, %dma_start3A_229] : memref<10240x32xf32, #tpu.memory_space<vmem_shared>> -> memref<10240x32xf32, #tpu.memory_space<vmem_shared>>
      %dma_start3A_231 = tpu.memref_slice %arg13[%dma_start3A_220] : memref<5x!tpu.dma_semaphore, #tpu.memory_space<semaphore_mem>> -> memref<1x!tpu.dma_semaphore, #tpu.memory_space<semaphore_mem>>
      %dma_start3A_232 = tpu.memref_squeeze %dma_start3A_231 : memref<1x!tpu.dma_semaphore, #tpu.memory_space<semaphore_mem>> -> memref<!tpu.dma_semaphore, #tpu.memory_space<semaphore_mem>>
      tpu.enqueue_indirect_dma source(%dma_start3A_224 : memref<125x32xf32, #tpu.memory_space<vmem>>) target(%dma_start3A_230 : memref<10240x32xf32, #tpu.memory_space<vmem_shared>>) offsets(%dma_start3A_227 : memref<125xi32, #tpu.memory_space<vmem>>) semaphore(%dma_start3A_232 : memref<!tpu.dma_semaphore, #tpu.memory_space<semaphore_mem>>) {add = true}
      %add3A_233 = arith.constant 1 : i32
      %add3A_234 = arith.addi %add3A_194, %add3A_233 : i32
      %add3A_235 = arith.constant 3 : i32
      %add3A_236 = arith.addi %add3A_234, %add3A_235 : i32
      %lt3A_237 = arith.constant 160 : i32
      %lt3A_238 = arith.cmpi slt, %add3A_236, %lt3A_237 : i32
      %convert_element_type3A_239 = arith.extui %lt3A_238 : i1 to i32
      %cond3A_240 = arith.constant 0 : i32
      %cond3A_241 = arith.cmpi ne, %convert_element_type3A_239, %cond3A_240 : i32
      scf.if %cond3A_241 {
        %ge3A = arith.constant 2 : i32
        %ge3A_397 = arith.cmpi sge, %add3A_234, %ge3A : i32
        %convert_element_type3A_398 = arith.extui %ge3A_397 : i1 to i32
        %cond3A_399 = arith.constant 0 : i32
        %cond3A_400 = arith.cmpi ne, %convert_element_type3A_398, %cond3A_399 : i32
        scf.if %cond3A_400 {
          %dma_wait3A_417 = arith.constant 4 : i32
          %dma_wait3A_418 = arith.constant 4 : i32
          %dma_wait3A_419 = arith.constant 0 : i32
          %dma_wait3A_420 = arith.constant 0 : i32
          %dma_wait3A_421 = tpu.memref_slice %arg8[%dma_wait3A_417, %dma_wait3A_419, %dma_wait3A_420] : memref<5x125x32xf32, #tpu.memory_space<vmem>> -> memref<1x125x32xf32, #tpu.memory_space<vmem>>
          %dma_wait3A_422 = tpu.memref_squeeze %dma_wait3A_421 : memref<1x125x32xf32, #tpu.memory_space<vmem>> -> memref<125x32xf32, #tpu.memory_space<vmem>>
          %dma_wait3A_423 = arith.constant 0 : i32
          %dma_wait3A_424 = arith.constant 0 : i32
          %dma_wait3A_425 = tpu.memref_slice %arg11[%dma_wait3A_423, %dma_wait3A_424] : memref<10240x32xf32, #tpu.memory_space<vmem_shared>> -> memref<125x32xf32, #tpu.memory_space<vmem_shared>>
          %dma_wait3A_426 = tpu.memref_slice %arg13[%dma_wait3A_418] : memref<5x!tpu.dma_semaphore, #tpu.memory_space<semaphore_mem>> -> memref<1x!tpu.dma_semaphore, #tpu.memory_space<semaphore_mem>>
          %dma_wait3A_427 = tpu.memref_squeeze %dma_wait3A_426 : memref<1x!tpu.dma_semaphore, #tpu.memory_space<semaphore_mem>> -> memref<!tpu.dma_semaphore, #tpu.memory_space<semaphore_mem>>
          %dma_wait3A_428 = arith.constant 0 : i32
          %dma_wait3A_429 = arith.constant 0 : i32
          %dma_wait3A_430 = tpu.memref_slice %arg11[%dma_wait3A_428, %dma_wait3A_429] : memref<10240x32xf32, #tpu.memory_space<vmem_shared>> -> memref<125x32xf32, #tpu.memory_space<vmem_shared>>
          %dma_wait3A_431 = arith.constant 0 : i32
          %dma_wait3A_432 = arith.constant 0 : i32
          %dma_wait3A_433 = tpu.memref_slice %arg8[%dma_wait3A_417, %dma_wait3A_431, %dma_wait3A_432] : memref<5x125x32xf32, #tpu.memory_space<vmem>> -> memref<1x125x32xf32, #tpu.memory_space<vmem>>
          %dma_wait3A_434 = tpu.memref_squeeze %dma_wait3A_433 : memref<1x125x32xf32, #tpu.memory_space<vmem>> -> memref<125x32xf32, #tpu.memory_space<vmem>>
          tpu.wait_dma2 semaphore(%dma_wait3A_427 : memref<!tpu.dma_semaphore, #tpu.memory_space<semaphore_mem>>) src(%dma_wait3A_434 : memref<125x32xf32, #tpu.memory_space<vmem>>) dst(%dma_wait3A_430 : memref<125x32xf32, #tpu.memory_space<vmem_shared>>)
        } else {
        }
        %add3A_401 = arith.constant 3 : i32
        %add3A_402 = arith.addi %add3A_234, %add3A_401 : i32
        %dma_start3A_403 = arith.constant 4 : i32
        %dma_start3A_404 = arith.constant 4 : i32
        %dma_start3A_405 = arith.constant 0 : i32
        %dma_start3A_406 = arith.constant 0 : i32
        %dma_start3A_407 = tpu.memref_slice %arg8[%dma_start3A_403, %dma_start3A_405, %dma_start3A_406] : memref<5x125x32xf32, #tpu.memory_space<vmem>> -> memref<1x125x32xf32, #tpu.memory_space<vmem>>
        %dma_start3A_408 = tpu.memref_squeeze %dma_start3A_407 : memref<1x125x32xf32, #tpu.memory_space<vmem>> -> memref<125x32xf32, #tpu.memory_space<vmem>>
        %dma_start3A_409 = arith.constant 0 : i32
        %dma_start3A_410 = tpu.memref_slice %arg6[%add3A_402, %dma_start3A_409] : memref<160x125xi32, #tpu.memory_space<vmem>> -> memref<1x125xi32, #tpu.memory_space<vmem>>
        %dma_start3A_411 = tpu.memref_squeeze %dma_start3A_410 : memref<1x125xi32, #tpu.memory_space<vmem>> -> memref<125xi32, #tpu.memory_space<vmem>>
        %dma_start3A_412 = arith.constant 0 : i32
        %dma_start3A_413 = arith.constant 0 : i32
        %dma_start3A_414 = tpu.memref_slice %arg10[%dma_start3A_412, %dma_start3A_413] : memref<10240x32xf32, #tpu.memory_space<vmem_shared>> -> memref<10240x32xf32, #tpu.memory_space<vmem_shared>>
        %dma_start3A_415 = tpu.memref_slice %arg12[%dma_start3A_404] : memref<5x!tpu.dma_semaphore, #tpu.memory_space<semaphore_mem>> -> memref<1x!tpu.dma_semaphore, #tpu.memory_space<semaphore_mem>>
        %dma_start3A_416 = tpu.memref_squeeze %dma_start3A_415 : memref<1x!tpu.dma_semaphore, #tpu.memory_space<semaphore_mem>> -> memref<!tpu.dma_semaphore, #tpu.memory_space<semaphore_mem>>
        tpu.enqueue_indirect_dma source(%dma_start3A_414 : memref<10240x32xf32, #tpu.memory_space<vmem_shared>>) target(%dma_start3A_408 : memref<125x32xf32, #tpu.memory_space<vmem>>) offsets(%dma_start3A_411 : memref<125xi32, #tpu.memory_space<vmem>>) semaphore(%dma_start3A_416 : memref<!tpu.dma_semaphore, #tpu.memory_space<semaphore_mem>>)
      } else {
      }
      %dma_wait3A_242 = arith.constant 1 : i32
      %dma_wait3A_243 = arith.constant 1 : i32
      %dma_wait3A_244 = arith.constant 0 : i32
      %dma_wait3A_245 = arith.constant 0 : i32
      %dma_wait3A_246 = tpu.memref_slice %arg8[%dma_wait3A_242, %dma_wait3A_244, %dma_wait3A_245] : memref<5x125x32xf32, #tpu.memory_space<vmem>> -> memref<1x125x32xf32, #tpu.memory_space<vmem>>
      %dma_wait3A_247 = tpu.memref_squeeze %dma_wait3A_246 : memref<1x125x32xf32, #tpu.memory_space<vmem>> -> memref<125x32xf32, #tpu.memory_space<vmem>>
      %dma_wait3A_248 = arith.constant 0 : i32
      %dma_wait3A_249 = arith.constant 0 : i32
      %dma_wait3A_250 = tpu.memref_slice %arg10[%dma_wait3A_248, %dma_wait3A_249] : memref<10240x32xf32, #tpu.memory_space<vmem_shared>> -> memref<125x32xf32, #tpu.memory_space<vmem_shared>>
      %dma_wait3A_251 = tpu.memref_slice %arg12[%dma_wait3A_243] : memref<5x!tpu.dma_semaphore, #tpu.memory_space<semaphore_mem>> -> memref<1x!tpu.dma_semaphore, #tpu.memory_space<semaphore_mem>>
      %dma_wait3A_252 = tpu.memref_squeeze %dma_wait3A_251 : memref<1x!tpu.dma_semaphore, #tpu.memory_space<semaphore_mem>> -> memref<!tpu.dma_semaphore, #tpu.memory_space<semaphore_mem>>
      %dma_wait3A_253 = arith.constant 0 : i32
      %dma_wait3A_254 = arith.constant 0 : i32
      %dma_wait3A_255 = tpu.memref_slice %arg8[%dma_wait3A_242, %dma_wait3A_253, %dma_wait3A_254] : memref<5x125x32xf32, #tpu.memory_space<vmem>> -> memref<1x125x32xf32, #tpu.memory_space<vmem>>
      %dma_wait3A_256 = tpu.memref_squeeze %dma_wait3A_255 : memref<1x125x32xf32, #tpu.memory_space<vmem>> -> memref<125x32xf32, #tpu.memory_space<vmem>>
      %dma_wait3A_257 = arith.constant 0 : i32
      %dma_wait3A_258 = arith.constant 0 : i32
      %dma_wait3A_259 = tpu.memref_slice %arg10[%dma_wait3A_257, %dma_wait3A_258] : memref<10240x32xf32, #tpu.memory_space<vmem_shared>> -> memref<125x32xf32, #tpu.memory_space<vmem_shared>>
      tpu.wait_dma2 semaphore(%dma_wait3A_252 : memref<!tpu.dma_semaphore, #tpu.memory_space<semaphore_mem>>) src(%dma_wait3A_259 : memref<125x32xf32, #tpu.memory_space<vmem_shared>>) dst(%dma_wait3A_256 : memref<125x32xf32, #tpu.memory_space<vmem>>)
      %dma_start3A_260 = arith.constant 1 : i32
      %dma_start3A_261 = arith.constant 1 : i32
      %dma_start3A_262 = arith.constant 0 : i32
      %dma_start3A_263 = arith.constant 0 : i32
      %dma_start3A_264 = tpu.memref_slice %arg8[%dma_start3A_260, %dma_start3A_262, %dma_start3A_263] : memref<5x125x32xf32, #tpu.memory_space<vmem>> -> memref<1x125x32xf32, #tpu.memory_space<vmem>>
      %dma_start3A_265 = tpu.memref_squeeze %dma_start3A_264 : memref<1x125x32xf32, #tpu.memory_space<vmem>> -> memref<125x32xf32, #tpu.memory_space<vmem>>
      %dma_start3A_266 = arith.constant 0 : i32
      %dma_start3A_267 = tpu.memref_slice %arg7[%add3A_234, %dma_start3A_266] : memref<160x125xi32, #tpu.memory_space<vmem>> -> memref<1x125xi32, #tpu.memory_space<vmem>>
      %dma_start3A_268 = tpu.memref_squeeze %dma_start3A_267 : memref<1x125xi32, #tpu.memory_space<vmem>> -> memref<125xi32, #tpu.memory_space<vmem>>
      %dma_start3A_269 = arith.constant 0 : i32
      %dma_start3A_270 = arith.constant 0 : i32
      %dma_start3A_271 = tpu.memref_slice %arg11[%dma_start3A_269, %dma_start3A_270] : memref<10240x32xf32, #tpu.memory_space<vmem_shared>> -> memref<10240x32xf32, #tpu.memory_space<vmem_shared>>
      %dma_start3A_272 = tpu.memref_slice %arg13[%dma_start3A_261] : memref<5x!tpu.dma_semaphore, #tpu.memory_space<semaphore_mem>> -> memref<1x!tpu.dma_semaphore, #tpu.memory_space<semaphore_mem>>
      %dma_start3A_273 = tpu.memref_squeeze %dma_start3A_272 : memref<1x!tpu.dma_semaphore, #tpu.memory_space<semaphore_mem>> -> memref<!tpu.dma_semaphore, #tpu.memory_space<semaphore_mem>>
      tpu.enqueue_indirect_dma source(%dma_start3A_265 : memref<125x32xf32, #tpu.memory_space<vmem>>) target(%dma_start3A_271 : memref<10240x32xf32, #tpu.memory_space<vmem_shared>>) offsets(%dma_start3A_268 : memref<125xi32, #tpu.memory_space<vmem>>) semaphore(%dma_start3A_273 : memref<!tpu.dma_semaphore, #tpu.memory_space<semaphore_mem>>) {add = true}
      %add3A_274 = arith.constant 2 : i32
      %add3A_275 = arith.addi %add3A_194, %add3A_274 : i32
      %add3A_276 = arith.constant 3 : i32
      %add3A_277 = arith.addi %add3A_275, %add3A_276 : i32
      %lt3A_278 = arith.constant 160 : i32
      %lt3A_279 = arith.cmpi slt, %add3A_277, %lt3A_278 : i32
      %convert_element_type3A_280 = arith.extui %lt3A_279 : i1 to i32
      %cond3A_281 = arith.constant 0 : i32
      %cond3A_282 = arith.cmpi ne, %convert_element_type3A_280, %cond3A_281 : i32
      scf.if %cond3A_282 {
        %ge3A = arith.constant 2 : i32
        %ge3A_397 = arith.cmpi sge, %add3A_275, %ge3A : i32
        %convert_element_type3A_398 = arith.extui %ge3A_397 : i1 to i32
        %cond3A_399 = arith.constant 0 : i32
        %cond3A_400 = arith.cmpi ne, %convert_element_type3A_398, %cond3A_399 : i32
        scf.if %cond3A_400 {
          %dma_wait3A_417 = arith.constant 0 : i32
          %dma_wait3A_418 = arith.constant 0 : i32
          %dma_wait3A_419 = arith.constant 0 : i32
          %dma_wait3A_420 = arith.constant 0 : i32
          %dma_wait3A_421 = tpu.memref_slice %arg8[%dma_wait3A_417, %dma_wait3A_419, %dma_wait3A_420] : memref<5x125x32xf32, #tpu.memory_space<vmem>> -> memref<1x125x32xf32, #tpu.memory_space<vmem>>
          %dma_wait3A_422 = tpu.memref_squeeze %dma_wait3A_421 : memref<1x125x32xf32, #tpu.memory_space<vmem>> -> memref<125x32xf32, #tpu.memory_space<vmem>>
          %dma_wait3A_423 = arith.constant 0 : i32
          %dma_wait3A_424 = arith.constant 0 : i32
          %dma_wait3A_425 = tpu.memref_slice %arg11[%dma_wait3A_423, %dma_wait3A_424] : memref<10240x32xf32, #tpu.memory_space<vmem_shared>> -> memref<125x32xf32, #tpu.memory_space<vmem_shared>>
          %dma_wait3A_426 = tpu.memref_slice %arg13[%dma_wait3A_418] : memref<5x!tpu.dma_semaphore, #tpu.memory_space<semaphore_mem>> -> memref<1x!tpu.dma_semaphore, #tpu.memory_space<semaphore_mem>>
          %dma_wait3A_427 = tpu.memref_squeeze %dma_wait3A_426 : memref<1x!tpu.dma_semaphore, #tpu.memory_space<semaphore_mem>> -> memref<!tpu.dma_semaphore, #tpu.memory_space<semaphore_mem>>
          %dma_wait3A_428 = arith.constant 0 : i32
          %dma_wait3A_429 = arith.constant 0 : i32
          %dma_wait3A_430 = tpu.memref_slice %arg11[%dma_wait3A_428, %dma_wait3A_429] : memref<10240x32xf32, #tpu.memory_space<vmem_shared>> -> memref<125x32xf32, #tpu.memory_space<vmem_shared>>
          %dma_wait3A_431 = arith.constant 0 : i32
          %dma_wait3A_432 = arith.constant 0 : i32
          %dma_wait3A_433 = tpu.memref_slice %arg8[%dma_wait3A_417, %dma_wait3A_431, %dma_wait3A_432] : memref<5x125x32xf32, #tpu.memory_space<vmem>> -> memref<1x125x32xf32, #tpu.memory_space<vmem>>
          %dma_wait3A_434 = tpu.memref_squeeze %dma_wait3A_433 : memref<1x125x32xf32, #tpu.memory_space<vmem>> -> memref<125x32xf32, #tpu.memory_space<vmem>>
          tpu.wait_dma2 semaphore(%dma_wait3A_427 : memref<!tpu.dma_semaphore, #tpu.memory_space<semaphore_mem>>) src(%dma_wait3A_434 : memref<125x32xf32, #tpu.memory_space<vmem>>) dst(%dma_wait3A_430 : memref<125x32xf32, #tpu.memory_space<vmem_shared>>)
        } else {
        }
        %add3A_401 = arith.constant 3 : i32
        %add3A_402 = arith.addi %add3A_275, %add3A_401 : i32
        %dma_start3A_403 = arith.constant 0 : i32
        %dma_start3A_404 = arith.constant 0 : i32
        %dma_start3A_405 = arith.constant 0 : i32
        %dma_start3A_406 = arith.constant 0 : i32
        %dma_start3A_407 = tpu.memref_slice %arg8[%dma_start3A_403, %dma_start3A_405, %dma_start3A_406] : memref<5x125x32xf32, #tpu.memory_space<vmem>> -> memref<1x125x32xf32, #tpu.memory_space<vmem>>
        %dma_start3A_408 = tpu.memref_squeeze %dma_start3A_407 : memref<1x125x32xf32, #tpu.memory_space<vmem>> -> memref<125x32xf32, #tpu.memory_space<vmem>>
        %dma_start3A_409 = arith.constant 0 : i32
        %dma_start3A_410 = tpu.memref_slice %arg6[%add3A_402, %dma_start3A_409] : memref<160x125xi32, #tpu.memory_space<vmem>> -> memref<1x125xi32, #tpu.memory_space<vmem>>
        %dma_start3A_411 = tpu.memref_squeeze %dma_start3A_410 : memref<1x125xi32, #tpu.memory_space<vmem>> -> memref<125xi32, #tpu.memory_space<vmem>>
        %dma_start3A_412 = arith.constant 0 : i32
        %dma_start3A_413 = arith.constant 0 : i32
        %dma_start3A_414 = tpu.memref_slice %arg10[%dma_start3A_412, %dma_start3A_413] : memref<10240x32xf32, #tpu.memory_space<vmem_shared>> -> memref<10240x32xf32, #tpu.memory_space<vmem_shared>>
        %dma_start3A_415 = tpu.memref_slice %arg12[%dma_start3A_404] : memref<5x!tpu.dma_semaphore, #tpu.memory_space<semaphore_mem>> -> memref<1x!tpu.dma_semaphore, #tpu.memory_space<semaphore_mem>>
        %dma_start3A_416 = tpu.memref_squeeze %dma_start3A_415 : memref<1x!tpu.dma_semaphore, #tpu.memory_space<semaphore_mem>> -> memref<!tpu.dma_semaphore, #tpu.memory_space<semaphore_mem>>
        tpu.enqueue_indirect_dma source(%dma_start3A_414 : memref<10240x32xf32, #tpu.memory_space<vmem_shared>>) target(%dma_start3A_408 : memref<125x32xf32, #tpu.memory_space<vmem>>) offsets(%dma_start3A_411 : memref<125xi32, #tpu.memory_space<vmem>>) semaphore(%dma_start3A_416 : memref<!tpu.dma_semaphore, #tpu.memory_space<semaphore_mem>>)
      } else {
      }
      %dma_wait3A_283 = arith.constant 2 : i32
      %dma_wait3A_284 = arith.constant 2 : i32
      %dma_wait3A_285 = arith.constant 0 : i32
      %dma_wait3A_286 = arith.constant 0 : i32
      %dma_wait3A_287 = tpu.memref_slice %arg8[%dma_wait3A_283, %dma_wait3A_285, %dma_wait3A_286] : memref<5x125x32xf32, #tpu.memory_space<vmem>> -> memref<1x125x32xf32, #tpu.memory_space<vmem>>
      %dma_wait3A_288 = tpu.memref_squeeze %dma_wait3A_287 : memref<1x125x32xf32, #tpu.memory_space<vmem>> -> memref<125x32xf32, #tpu.memory_space<vmem>>
      %dma_wait3A_289 = arith.constant 0 : i32
      %dma_wait3A_290 = arith.constant 0 : i32
      %dma_wait3A_291 = tpu.memref_slice %arg10[%dma_wait3A_289, %dma_wait3A_290] : memref<10240x32xf32, #tpu.memory_space<vmem_shared>> -> memref<125x32xf32, #tpu.memory_space<vmem_shared>>
      %dma_wait3A_292 = tpu.memref_slice %arg12[%dma_wait3A_284] : memref<5x!tpu.dma_semaphore, #tpu.memory_space<semaphore_mem>> -> memref<1x!tpu.dma_semaphore, #tpu.memory_space<semaphore_mem>>
      %dma_wait3A_293 = tpu.memref_squeeze %dma_wait3A_292 : memref<1x!tpu.dma_semaphore, #tpu.memory_space<semaphore_mem>> -> memref<!tpu.dma_semaphore, #tpu.memory_space<semaphore_mem>>
      %dma_wait3A_294 = arith.constant 0 : i32
      %dma_wait3A_295 = arith.constant 0 : i32
      %dma_wait3A_296 = tpu.memref_slice %arg8[%dma_wait3A_283, %dma_wait3A_294, %dma_wait3A_295] : memref<5x125x32xf32, #tpu.memory_space<vmem>> -> memref<1x125x32xf32, #tpu.memory_space<vmem>>
      %dma_wait3A_297 = tpu.memref_squeeze %dma_wait3A_296 : memref<1x125x32xf32, #tpu.memory_space<vmem>> -> memref<125x32xf32, #tpu.memory_space<vmem>>
      %dma_wait3A_298 = arith.constant 0 : i32
      %dma_wait3A_299 = arith.constant 0 : i32
      %dma_wait3A_300 = tpu.memref_slice %arg10[%dma_wait3A_298, %dma_wait3A_299] : memref<10240x32xf32, #tpu.memory_space<vmem_shared>> -> memref<125x32xf32, #tpu.memory_space<vmem_shared>>
      tpu.wait_dma2 semaphore(%dma_wait3A_293 : memref<!tpu.dma_semaphore, #tpu.memory_space<semaphore_mem>>) src(%dma_wait3A_300 : memref<125x32xf32, #tpu.memory_space<vmem_shared>>) dst(%dma_wait3A_297 : memref<125x32xf32, #tpu.memory_space<vmem>>)
      %dma_start3A_301 = arith.constant 2 : i32
      %dma_start3A_302 = arith.constant 2 : i32
      %dma_start3A_303 = arith.constant 0 : i32
      %dma_start3A_304 = arith.constant 0 : i32
      %dma_start3A_305 = tpu.memref_slice %arg8[%dma_start3A_301, %dma_start3A_303, %dma_start3A_304] : memref<5x125x32xf32, #tpu.memory_space<vmem>> -> memref<1x125x32xf32, #tpu.memory_space<vmem>>
      %dma_start3A_306 = tpu.memref_squeeze %dma_start3A_305 : memref<1x125x32xf32, #tpu.memory_space<vmem>> -> memref<125x32xf32, #tpu.memory_space<vmem>>
      %dma_start3A_307 = arith.constant 0 : i32
      %dma_start3A_308 = tpu.memref_slice %arg7[%add3A_275, %dma_start3A_307] : memref<160x125xi32, #tpu.memory_space<vmem>> -> memref<1x125xi32, #tpu.memory_space<vmem>>
      %dma_start3A_309 = tpu.memref_squeeze %dma_start3A_308 : memref<1x125xi32, #tpu.memory_space<vmem>> -> memref<125xi32, #tpu.memory_space<vmem>>
      %dma_start3A_310 = arith.constant 0 : i32
      %dma_start3A_311 = arith.constant 0 : i32
      %dma_start3A_312 = tpu.memref_slice %arg11[%dma_start3A_310, %dma_start3A_311] : memref<10240x32xf32, #tpu.memory_space<vmem_shared>> -> memref<10240x32xf32, #tpu.memory_space<vmem_shared>>
      %dma_start3A_313 = tpu.memref_slice %arg13[%dma_start3A_302] : memref<5x!tpu.dma_semaphore, #tpu.memory_space<semaphore_mem>> -> memref<1x!tpu.dma_semaphore, #tpu.memory_space<semaphore_mem>>
      %dma_start3A_314 = tpu.memref_squeeze %dma_start3A_313 : memref<1x!tpu.dma_semaphore, #tpu.memory_space<semaphore_mem>> -> memref<!tpu.dma_semaphore, #tpu.memory_space<semaphore_mem>>
      tpu.enqueue_indirect_dma source(%dma_start3A_306 : memref<125x32xf32, #tpu.memory_space<vmem>>) target(%dma_start3A_312 : memref<10240x32xf32, #tpu.memory_space<vmem_shared>>) offsets(%dma_start3A_309 : memref<125xi32, #tpu.memory_space<vmem>>) semaphore(%dma_start3A_314 : memref<!tpu.dma_semaphore, #tpu.memory_space<semaphore_mem>>) {add = true}
      %add3A_315 = arith.constant 3 : i32
      %add3A_316 = arith.addi %add3A_194, %add3A_315 : i32
      %add3A_317 = arith.constant 3 : i32
      %add3A_318 = arith.addi %add3A_316, %add3A_317 : i32
      %lt3A_319 = arith.constant 160 : i32
      %lt3A_320 = arith.cmpi slt, %add3A_318, %lt3A_319 : i32
      %convert_element_type3A_321 = arith.extui %lt3A_320 : i1 to i32
      %cond3A_322 = arith.constant 0 : i32
      %cond3A_323 = arith.cmpi ne, %convert_element_type3A_321, %cond3A_322 : i32
      scf.if %cond3A_323 {
        %ge3A = arith.constant 2 : i32
        %ge3A_397 = arith.cmpi sge, %add3A_316, %ge3A : i32
        %convert_element_type3A_398 = arith.extui %ge3A_397 : i1 to i32
        %cond3A_399 = arith.constant 0 : i32
        %cond3A_400 = arith.cmpi ne, %convert_element_type3A_398, %cond3A_399 : i32
        scf.if %cond3A_400 {
          %dma_wait3A_417 = arith.constant 1 : i32
          %dma_wait3A_418 = arith.constant 1 : i32
          %dma_wait3A_419 = arith.constant 0 : i32
          %dma_wait3A_420 = arith.constant 0 : i32
          %dma_wait3A_421 = tpu.memref_slice %arg8[%dma_wait3A_417, %dma_wait3A_419, %dma_wait3A_420] : memref<5x125x32xf32, #tpu.memory_space<vmem>> -> memref<1x125x32xf32, #tpu.memory_space<vmem>>
          %dma_wait3A_422 = tpu.memref_squeeze %dma_wait3A_421 : memref<1x125x32xf32, #tpu.memory_space<vmem>> -> memref<125x32xf32, #tpu.memory_space<vmem>>
          %dma_wait3A_423 = arith.constant 0 : i32
          %dma_wait3A_424 = arith.constant 0 : i32
          %dma_wait3A_425 = tpu.memref_slice %arg11[%dma_wait3A_423, %dma_wait3A_424] : memref<10240x32xf32, #tpu.memory_space<vmem_shared>> -> memref<125x32xf32, #tpu.memory_space<vmem_shared>>
          %dma_wait3A_426 = tpu.memref_slice %arg13[%dma_wait3A_418] : memref<5x!tpu.dma_semaphore, #tpu.memory_space<semaphore_mem>> -> memref<1x!tpu.dma_semaphore, #tpu.memory_space<semaphore_mem>>
          %dma_wait3A_427 = tpu.memref_squeeze %dma_wait3A_426 : memref<1x!tpu.dma_semaphore, #tpu.memory_space<semaphore_mem>> -> memref<!tpu.dma_semaphore, #tpu.memory_space<semaphore_mem>>
          %dma_wait3A_428 = arith.constant 0 : i32
          %dma_wait3A_429 = arith.constant 0 : i32
          %dma_wait3A_430 = tpu.memref_slice %arg11[%dma_wait3A_428, %dma_wait3A_429] : memref<10240x32xf32, #tpu.memory_space<vmem_shared>> -> memref<125x32xf32, #tpu.memory_space<vmem_shared>>
          %dma_wait3A_431 = arith.constant 0 : i32
          %dma_wait3A_432 = arith.constant 0 : i32
          %dma_wait3A_433 = tpu.memref_slice %arg8[%dma_wait3A_417, %dma_wait3A_431, %dma_wait3A_432] : memref<5x125x32xf32, #tpu.memory_space<vmem>> -> memref<1x125x32xf32, #tpu.memory_space<vmem>>
          %dma_wait3A_434 = tpu.memref_squeeze %dma_wait3A_433 : memref<1x125x32xf32, #tpu.memory_space<vmem>> -> memref<125x32xf32, #tpu.memory_space<vmem>>
          tpu.wait_dma2 semaphore(%dma_wait3A_427 : memref<!tpu.dma_semaphore, #tpu.memory_space<semaphore_mem>>) src(%dma_wait3A_434 : memref<125x32xf32, #tpu.memory_space<vmem>>) dst(%dma_wait3A_430 : memref<125x32xf32, #tpu.memory_space<vmem_shared>>)
        } else {
        }
        %add3A_401 = arith.constant 3 : i32
        %add3A_402 = arith.addi %add3A_316, %add3A_401 : i32
        %dma_start3A_403 = arith.constant 1 : i32
        %dma_start3A_404 = arith.constant 1 : i32
        %dma_start3A_405 = arith.constant 0 : i32
        %dma_start3A_406 = arith.constant 0 : i32
        %dma_start3A_407 = tpu.memref_slice %arg8[%dma_start3A_403, %dma_start3A_405, %dma_start3A_406] : memref<5x125x32xf32, #tpu.memory_space<vmem>> -> memref<1x125x32xf32, #tpu.memory_space<vmem>>
        %dma_start3A_408 = tpu.memref_squeeze %dma_start3A_407 : memref<1x125x32xf32, #tpu.memory_space<vmem>> -> memref<125x32xf32, #tpu.memory_space<vmem>>
        %dma_start3A_409 = arith.constant 0 : i32
        %dma_start3A_410 = tpu.memref_slice %arg6[%add3A_402, %dma_start3A_409] : memref<160x125xi32, #tpu.memory_space<vmem>> -> memref<1x125xi32, #tpu.memory_space<vmem>>
        %dma_start3A_411 = tpu.memref_squeeze %dma_start3A_410 : memref<1x125xi32, #tpu.memory_space<vmem>> -> memref<125xi32, #tpu.memory_space<vmem>>
        %dma_start3A_412 = arith.constant 0 : i32
        %dma_start3A_413 = arith.constant 0 : i32
        %dma_start3A_414 = tpu.memref_slice %arg10[%dma_start3A_412, %dma_start3A_413] : memref<10240x32xf32, #tpu.memory_space<vmem_shared>> -> memref<10240x32xf32, #tpu.memory_space<vmem_shared>>
        %dma_start3A_415 = tpu.memref_slice %arg12[%dma_start3A_404] : memref<5x!tpu.dma_semaphore, #tpu.memory_space<semaphore_mem>> -> memref<1x!tpu.dma_semaphore, #tpu.memory_space<semaphore_mem>>
        %dma_start3A_416 = tpu.memref_squeeze %dma_start3A_415 : memref<1x!tpu.dma_semaphore, #tpu.memory_space<semaphore_mem>> -> memref<!tpu.dma_semaphore, #tpu.memory_space<semaphore_mem>>
        tpu.enqueue_indirect_dma source(%dma_start3A_414 : memref<10240x32xf32, #tpu.memory_space<vmem_shared>>) target(%dma_start3A_408 : memref<125x32xf32, #tpu.memory_space<vmem>>) offsets(%dma_start3A_411 : memref<125xi32, #tpu.memory_space<vmem>>) semaphore(%dma_start3A_416 : memref<!tpu.dma_semaphore, #tpu.memory_space<semaphore_mem>>)
      } else {
      }
      %dma_wait3A_324 = arith.constant 3 : i32
      %dma_wait3A_325 = arith.constant 3 : i32
      %dma_wait3A_326 = arith.constant 0 : i32
      %dma_wait3A_327 = arith.constant 0 : i32
      %dma_wait3A_328 = tpu.memref_slice %arg8[%dma_wait3A_324, %dma_wait3A_326, %dma_wait3A_327] : memref<5x125x32xf32, #tpu.memory_space<vmem>> -> memref<1x125x32xf32, #tpu.memory_space<vmem>>
      %dma_wait3A_329 = tpu.memref_squeeze %dma_wait3A_328 : memref<1x125x32xf32, #tpu.memory_space<vmem>> -> memref<125x32xf32, #tpu.memory_space<vmem>>
      %dma_wait3A_330 = arith.constant 0 : i32
      %dma_wait3A_331 = arith.constant 0 : i32
      %dma_wait3A_332 = tpu.memref_slice %arg10[%dma_wait3A_330, %dma_wait3A_331] : memref<10240x32xf32, #tpu.memory_space<vmem_shared>> -> memref<125x32xf32, #tpu.memory_space<vmem_shared>>
      %dma_wait3A_333 = tpu.memref_slice %arg12[%dma_wait3A_325] : memref<5x!tpu.dma_semaphore, #tpu.memory_space<semaphore_mem>> -> memref<1x!tpu.dma_semaphore, #tpu.memory_space<semaphore_mem>>
      %dma_wait3A_334 = tpu.memref_squeeze %dma_wait3A_333 : memref<1x!tpu.dma_semaphore, #tpu.memory_space<semaphore_mem>> -> memref<!tpu.dma_semaphore, #tpu.memory_space<semaphore_mem>>
      %dma_wait3A_335 = arith.constant 0 : i32
      %dma_wait3A_336 = arith.constant 0 : i32
      %dma_wait3A_337 = tpu.memref_slice %arg8[%dma_wait3A_324, %dma_wait3A_335, %dma_wait3A_336] : memref<5x125x32xf32, #tpu.memory_space<vmem>> -> memref<1x125x32xf32, #tpu.memory_space<vmem>>
      %dma_wait3A_338 = tpu.memref_squeeze %dma_wait3A_337 : memref<1x125x32xf32, #tpu.memory_space<vmem>> -> memref<125x32xf32, #tpu.memory_space<vmem>>
      %dma_wait3A_339 = arith.constant 0 : i32
      %dma_wait3A_340 = arith.constant 0 : i32
      %dma_wait3A_341 = tpu.memref_slice %arg10[%dma_wait3A_339, %dma_wait3A_340] : memref<10240x32xf32, #tpu.memory_space<vmem_shared>> -> memref<125x32xf32, #tpu.memory_space<vmem_shared>>
      tpu.wait_dma2 semaphore(%dma_wait3A_334 : memref<!tpu.dma_semaphore, #tpu.memory_space<semaphore_mem>>) src(%dma_wait3A_341 : memref<125x32xf32, #tpu.memory_space<vmem_shared>>) dst(%dma_wait3A_338 : memref<125x32xf32, #tpu.memory_space<vmem>>)
      %dma_start3A_342 = arith.constant 3 : i32
      %dma_start3A_343 = arith.constant 3 : i32
      %dma_start3A_344 = arith.constant 0 : i32
      %dma_start3A_345 = arith.constant 0 : i32
      %dma_start3A_346 = tpu.memref_slice %arg8[%dma_start3A_342, %dma_start3A_344, %dma_start3A_345] : memref<5x125x32xf32, #tpu.memory_space<vmem>> -> memref<1x125x32xf32, #tpu.memory_space<vmem>>
      %dma_start3A_347 = tpu.memref_squeeze %dma_start3A_346 : memref<1x125x32xf32, #tpu.memory_space<vmem>> -> memref<125x32xf32, #tpu.memory_space<vmem>>
      %dma_start3A_348 = arith.constant 0 : i32
      %dma_start3A_349 = tpu.memref_slice %arg7[%add3A_316, %dma_start3A_348] : memref<160x125xi32, #tpu.memory_space<vmem>> -> memref<1x125xi32, #tpu.memory_space<vmem>>
      %dma_start3A_350 = tpu.memref_squeeze %dma_start3A_349 : memref<1x125xi32, #tpu.memory_space<vmem>> -> memref<125xi32, #tpu.memory_space<vmem>>
      %dma_start3A_351 = arith.constant 0 : i32
      %dma_start3A_352 = arith.constant 0 : i32
      %dma_start3A_353 = tpu.memref_slice %arg11[%dma_start3A_351, %dma_start3A_352] : memref<10240x32xf32, #tpu.memory_space<vmem_shared>> -> memref<10240x32xf32, #tpu.memory_space<vmem_shared>>
      %dma_start3A_354 = tpu.memref_slice %arg13[%dma_start3A_343] : memref<5x!tpu.dma_semaphore, #tpu.memory_space<semaphore_mem>> -> memref<1x!tpu.dma_semaphore, #tpu.memory_space<semaphore_mem>>
      %dma_start3A_355 = tpu.memref_squeeze %dma_start3A_354 : memref<1x!tpu.dma_semaphore, #tpu.memory_space<semaphore_mem>> -> memref<!tpu.dma_semaphore, #tpu.memory_space<semaphore_mem>>
      tpu.enqueue_indirect_dma source(%dma_start3A_347 : memref<125x32xf32, #tpu.memory_space<vmem>>) target(%dma_start3A_353 : memref<10240x32xf32, #tpu.memory_space<vmem_shared>>) offsets(%dma_start3A_350 : memref<125xi32, #tpu.memory_space<vmem>>) semaphore(%dma_start3A_355 : memref<!tpu.dma_semaphore, #tpu.memory_space<semaphore_mem>>) {add = true}
      %add3A_356 = arith.constant 4 : i32
      %add3A_357 = arith.addi %add3A_194, %add3A_356 : i32
      %add3A_358 = arith.constant 3 : i32
      %add3A_359 = arith.addi %add3A_357, %add3A_358 : i32
      %lt3A_360 = arith.constant 160 : i32
      %lt3A_361 = arith.cmpi slt, %add3A_359, %lt3A_360 : i32
      %convert_element_type3A_362 = arith.extui %lt3A_361 : i1 to i32
      %cond3A_363 = arith.constant 0 : i32
      %cond3A_364 = arith.cmpi ne, %convert_element_type3A_362, %cond3A_363 : i32
      scf.if %cond3A_364 {
        %ge3A = arith.constant 2 : i32
        %ge3A_397 = arith.cmpi sge, %add3A_357, %ge3A : i32
        %convert_element_type3A_398 = arith.extui %ge3A_397 : i1 to i32
        %cond3A_399 = arith.constant 0 : i32
        %cond3A_400 = arith.cmpi ne, %convert_element_type3A_398, %cond3A_399 : i32
        scf.if %cond3A_400 {
          %dma_wait3A_417 = arith.constant 2 : i32
          %dma_wait3A_418 = arith.constant 2 : i32
          %dma_wait3A_419 = arith.constant 0 : i32
          %dma_wait3A_420 = arith.constant 0 : i32
          %dma_wait3A_421 = tpu.memref_slice %arg8[%dma_wait3A_417, %dma_wait3A_419, %dma_wait3A_420] : memref<5x125x32xf32, #tpu.memory_space<vmem>> -> memref<1x125x32xf32, #tpu.memory_space<vmem>>
          %dma_wait3A_422 = tpu.memref_squeeze %dma_wait3A_421 : memref<1x125x32xf32, #tpu.memory_space<vmem>> -> memref<125x32xf32, #tpu.memory_space<vmem>>
          %dma_wait3A_423 = arith.constant 0 : i32
          %dma_wait3A_424 = arith.constant 0 : i32
          %dma_wait3A_425 = tpu.memref_slice %arg11[%dma_wait3A_423, %dma_wait3A_424] : memref<10240x32xf32, #tpu.memory_space<vmem_shared>> -> memref<125x32xf32, #tpu.memory_space<vmem_shared>>
          %dma_wait3A_426 = tpu.memref_slice %arg13[%dma_wait3A_418] : memref<5x!tpu.dma_semaphore, #tpu.memory_space<semaphore_mem>> -> memref<1x!tpu.dma_semaphore, #tpu.memory_space<semaphore_mem>>
          %dma_wait3A_427 = tpu.memref_squeeze %dma_wait3A_426 : memref<1x!tpu.dma_semaphore, #tpu.memory_space<semaphore_mem>> -> memref<!tpu.dma_semaphore, #tpu.memory_space<semaphore_mem>>
          %dma_wait3A_428 = arith.constant 0 : i32
          %dma_wait3A_429 = arith.constant 0 : i32
          %dma_wait3A_430 = tpu.memref_slice %arg11[%dma_wait3A_428, %dma_wait3A_429] : memref<10240x32xf32, #tpu.memory_space<vmem_shared>> -> memref<125x32xf32, #tpu.memory_space<vmem_shared>>
          %dma_wait3A_431 = arith.constant 0 : i32
          %dma_wait3A_432 = arith.constant 0 : i32
          %dma_wait3A_433 = tpu.memref_slice %arg8[%dma_wait3A_417, %dma_wait3A_431, %dma_wait3A_432] : memref<5x125x32xf32, #tpu.memory_space<vmem>> -> memref<1x125x32xf32, #tpu.memory_space<vmem>>
          %dma_wait3A_434 = tpu.memref_squeeze %dma_wait3A_433 : memref<1x125x32xf32, #tpu.memory_space<vmem>> -> memref<125x32xf32, #tpu.memory_space<vmem>>
          tpu.wait_dma2 semaphore(%dma_wait3A_427 : memref<!tpu.dma_semaphore, #tpu.memory_space<semaphore_mem>>) src(%dma_wait3A_434 : memref<125x32xf32, #tpu.memory_space<vmem>>) dst(%dma_wait3A_430 : memref<125x32xf32, #tpu.memory_space<vmem_shared>>)
        } else {
        }
        %add3A_401 = arith.constant 3 : i32
        %add3A_402 = arith.addi %add3A_357, %add3A_401 : i32
        %dma_start3A_403 = arith.constant 2 : i32
        %dma_start3A_404 = arith.constant 2 : i32
        %dma_start3A_405 = arith.constant 0 : i32
        %dma_start3A_406 = arith.constant 0 : i32
        %dma_start3A_407 = tpu.memref_slice %arg8[%dma_start3A_403, %dma_start3A_405, %dma_start3A_406] : memref<5x125x32xf32, #tpu.memory_space<vmem>> -> memref<1x125x32xf32, #tpu.memory_space<vmem>>
        %dma_start3A_408 = tpu.memref_squeeze %dma_start3A_407 : memref<1x125x32xf32, #tpu.memory_space<vmem>> -> memref<125x32xf32, #tpu.memory_space<vmem>>
        %dma_start3A_409 = arith.constant 0 : i32
        %dma_start3A_410 = tpu.memref_slice %arg6[%add3A_402, %dma_start3A_409] : memref<160x125xi32, #tpu.memory_space<vmem>> -> memref<1x125xi32, #tpu.memory_space<vmem>>
        %dma_start3A_411 = tpu.memref_squeeze %dma_start3A_410 : memref<1x125xi32, #tpu.memory_space<vmem>> -> memref<125xi32, #tpu.memory_space<vmem>>
        %dma_start3A_412 = arith.constant 0 : i32
        %dma_start3A_413 = arith.constant 0 : i32
        %dma_start3A_414 = tpu.memref_slice %arg10[%dma_start3A_412, %dma_start3A_413] : memref<10240x32xf32, #tpu.memory_space<vmem_shared>> -> memref<10240x32xf32, #tpu.memory_space<vmem_shared>>
        %dma_start3A_415 = tpu.memref_slice %arg12[%dma_start3A_404] : memref<5x!tpu.dma_semaphore, #tpu.memory_space<semaphore_mem>> -> memref<1x!tpu.dma_semaphore, #tpu.memory_space<semaphore_mem>>
        %dma_start3A_416 = tpu.memref_squeeze %dma_start3A_415 : memref<1x!tpu.dma_semaphore, #tpu.memory_space<semaphore_mem>> -> memref<!tpu.dma_semaphore, #tpu.memory_space<semaphore_mem>>
        tpu.enqueue_indirect_dma source(%dma_start3A_414 : memref<10240x32xf32, #tpu.memory_space<vmem_shared>>) target(%dma_start3A_408 : memref<125x32xf32, #tpu.memory_space<vmem>>) offsets(%dma_start3A_411 : memref<125xi32, #tpu.memory_space<vmem>>) semaphore(%dma_start3A_416 : memref<!tpu.dma_semaphore, #tpu.memory_space<semaphore_mem>>)
      } else {
      }
      %dma_wait3A_365 = arith.constant 4 : i32
      %dma_wait3A_366 = arith.constant 4 : i32
      %dma_wait3A_367 = arith.constant 0 : i32
      %dma_wait3A_368 = arith.constant 0 : i32
      %dma_wait3A_369 = tpu.memref_slice %arg8[%dma_wait3A_365, %dma_wait3A_367, %dma_wait3A_368] : memref<5x125x32xf32, #tpu.memory_space<vmem>> -> memref<1x125x32xf32, #tpu.memory_space<vmem>>
      %dma_wait3A_370 = tpu.memref_squeeze %dma_wait3A_369 : memref<1x125x32xf32, #tpu.memory_space<vmem>> -> memref<125x32xf32, #tpu.memory_space<vmem>>
      %dma_wait3A_371 = arith.constant 0 : i32
      %dma_wait3A_372 = arith.constant 0 : i32
      %dma_wait3A_373 = tpu.memref_slice %arg10[%dma_wait3A_371, %dma_wait3A_372] : memref<10240x32xf32, #tpu.memory_space<vmem_shared>> -> memref<125x32xf32, #tpu.memory_space<vmem_shared>>
      %dma_wait3A_374 = tpu.memref_slice %arg12[%dma_wait3A_366] : memref<5x!tpu.dma_semaphore, #tpu.memory_space<semaphore_mem>> -> memref<1x!tpu.dma_semaphore, #tpu.memory_space<semaphore_mem>>
      %dma_wait3A_375 = tpu.memref_squeeze %dma_wait3A_374 : memref<1x!tpu.dma_semaphore, #tpu.memory_space<semaphore_mem>> -> memref<!tpu.dma_semaphore, #tpu.memory_space<semaphore_mem>>
      %dma_wait3A_376 = arith.constant 0 : i32
      %dma_wait3A_377 = arith.constant 0 : i32
      %dma_wait3A_378 = tpu.memref_slice %arg8[%dma_wait3A_365, %dma_wait3A_376, %dma_wait3A_377] : memref<5x125x32xf32, #tpu.memory_space<vmem>> -> memref<1x125x32xf32, #tpu.memory_space<vmem>>
      %dma_wait3A_379 = tpu.memref_squeeze %dma_wait3A_378 : memref<1x125x32xf32, #tpu.memory_space<vmem>> -> memref<125x32xf32, #tpu.memory_space<vmem>>
      %dma_wait3A_380 = arith.constant 0 : i32
      %dma_wait3A_381 = arith.constant 0 : i32
      %dma_wait3A_382 = tpu.memref_slice %arg10[%dma_wait3A_380, %dma_wait3A_381] : memref<10240x32xf32, #tpu.memory_space<vmem_shared>> -> memref<125x32xf32, #tpu.memory_space<vmem_shared>>
      tpu.wait_dma2 semaphore(%dma_wait3A_375 : memref<!tpu.dma_semaphore, #tpu.memory_space<semaphore_mem>>) src(%dma_wait3A_382 : memref<125x32xf32, #tpu.memory_space<vmem_shared>>) dst(%dma_wait3A_379 : memref<125x32xf32, #tpu.memory_space<vmem>>)
      %dma_start3A_383 = arith.constant 4 : i32
      %dma_start3A_384 = arith.constant 4 : i32
      %dma_start3A_385 = arith.constant 0 : i32
      %dma_start3A_386 = arith.constant 0 : i32
      %dma_start3A_387 = tpu.memref_slice %arg8[%dma_start3A_383, %dma_start3A_385, %dma_start3A_386] : memref<5x125x32xf32, #tpu.memory_space<vmem>> -> memref<1x125x32xf32, #tpu.memory_space<vmem>>
      %dma_start3A_388 = tpu.memref_squeeze %dma_start3A_387 : memref<1x125x32xf32, #tpu.memory_space<vmem>> -> memref<125x32xf32, #tpu.memory_space<vmem>>
      %dma_start3A_389 = arith.constant 0 : i32
      %dma_start3A_390 = tpu.memref_slice %arg7[%add3A_357, %dma_start3A_389] : memref<160x125xi32, #tpu.memory_space<vmem>> -> memref<1x125xi32, #tpu.memory_space<vmem>>
      %dma_start3A_391 = tpu.memref_squeeze %dma_start3A_390 : memref<1x125xi32, #tpu.memory_space<vmem>> -> memref<125xi32, #tpu.memory_space<vmem>>
      %dma_start3A_392 = arith.constant 0 : i32
      %dma_start3A_393 = arith.constant 0 : i32
      %dma_start3A_394 = tpu.memref_slice %arg11[%dma_start3A_392, %dma_start3A_393] : memref<10240x32xf32, #tpu.memory_space<vmem_shared>> -> memref<10240x32xf32, #tpu.memory_space<vmem_shared>>
      %dma_start3A_395 = tpu.memref_slice %arg13[%dma_start3A_384] : memref<5x!tpu.dma_semaphore, #tpu.memory_space<semaphore_mem>> -> memref<1x!tpu.dma_semaphore, #tpu.memory_space<semaphore_mem>>
      %dma_start3A_396 = tpu.memref_squeeze %dma_start3A_395 : memref<1x!tpu.dma_semaphore, #tpu.memory_space<semaphore_mem>> -> memref<!tpu.dma_semaphore, #tpu.memory_space<semaphore_mem>>
      tpu.enqueue_indirect_dma source(%dma_start3A_388 : memref<125x32xf32, #tpu.memory_space<vmem>>) target(%dma_start3A_394 : memref<10240x32xf32, #tpu.memory_space<vmem_shared>>) offsets(%dma_start3A_391 : memref<125xi32, #tpu.memory_space<vmem>>) semaphore(%dma_start3A_396 : memref<!tpu.dma_semaphore, #tpu.memory_space<semaphore_mem>>) {add = true}
    }
    %scan3A_98 = arith.constant 32 : i32
    %dma_wait3A_99 = arith.constant 0 : i32
    %dma_wait3A_100 = arith.constant 0 : i32
    %dma_wait3A_101 = arith.constant 0 : i32
    %dma_wait3A_102 = arith.constant 0 : i32
    %dma_wait3A_103 = tpu.memref_slice %arg8[%dma_wait3A_99, %dma_wait3A_101, %dma_wait3A_102] : memref<5x125x32xf32, #tpu.memory_space<vmem>> -> memref<1x125x32xf32, #tpu.memory_space<vmem>>
    %dma_wait3A_104 = tpu.memref_squeeze %dma_wait3A_103 : memref<1x125x32xf32, #tpu.memory_space<vmem>> -> memref<125x32xf32, #tpu.memory_space<vmem>>
    %dma_wait3A_105 = arith.constant 0 : i32
    %dma_wait3A_106 = arith.constant 0 : i32
    %dma_wait3A_107 = tpu.memref_slice %arg11[%dma_wait3A_105, %dma_wait3A_106] : memref<10240x32xf32, #tpu.memory_space<vmem_shared>> -> memref<125x32xf32, #tpu.memory_space<vmem_shared>>
    %dma_wait3A_108 = tpu.memref_slice %arg13[%dma_wait3A_100] : memref<5x!tpu.dma_semaphore, #tpu.memory_space<semaphore_mem>> -> memref<1x!tpu.dma_semaphore, #tpu.memory_space<semaphore_mem>>
    %dma_wait3A_109 = tpu.memref_squeeze %dma_wait3A_108 : memref<1x!tpu.dma_semaphore, #tpu.memory_space<semaphore_mem>> -> memref<!tpu.dma_semaphore, #tpu.memory_space<semaphore_mem>>
    %dma_wait3A_110 = arith.constant 0 : i32
    %dma_wait3A_111 = arith.constant 0 : i32
    %dma_wait3A_112 = tpu.memref_slice %arg11[%dma_wait3A_110, %dma_wait3A_111] : memref<10240x32xf32, #tpu.memory_space<vmem_shared>> -> memref<125x32xf32, #tpu.memory_space<vmem_shared>>
    %dma_wait3A_113 = arith.constant 0 : i32
    %dma_wait3A_114 = arith.constant 0 : i32
    %dma_wait3A_115 = tpu.memref_slice %arg8[%dma_wait3A_99, %dma_wait3A_113, %dma_wait3A_114] : memref<5x125x32xf32, #tpu.memory_space<vmem>> -> memref<1x125x32xf32, #tpu.memory_space<vmem>>
    %dma_wait3A_116 = tpu.memref_squeeze %dma_wait3A_115 : memref<1x125x32xf32, #tpu.memory_space<vmem>> -> memref<125x32xf32, #tpu.memory_space<vmem>>
    tpu.wait_dma2 semaphore(%dma_wait3A_109 : memref<!tpu.dma_semaphore, #tpu.memory_space<semaphore_mem>>) src(%dma_wait3A_116 : memref<125x32xf32, #tpu.memory_space<vmem>>) dst(%dma_wait3A_112 : memref<125x32xf32, #tpu.memory_space<vmem_shared>>)
    %dma_wait3A_117 = arith.constant 1 : i32
    %dma_wait3A_118 = arith.constant 1 : i32
    %dma_wait3A_119 = arith.constant 0 : i32
    %dma_wait3A_120 = arith.constant 0 : i32
    %dma_wait3A_121 = tpu.memref_slice %arg8[%dma_wait3A_117, %dma_wait3A_119, %dma_wait3A_120] : memref<5x125x32xf32, #tpu.memory_space<vmem>> -> memref<1x125x32xf32, #tpu.memory_space<vmem>>
    %dma_wait3A_122 = tpu.memref_squeeze %dma_wait3A_121 : memref<1x125x32xf32, #tpu.memory_space<vmem>> -> memref<125x32xf32, #tpu.memory_space<vmem>>
    %dma_wait3A_123 = arith.constant 0 : i32
    %dma_wait3A_124 = arith.constant 0 : i32
    %dma_wait3A_125 = tpu.memref_slice %arg11[%dma_wait3A_123, %dma_wait3A_124] : memref<10240x32xf32, #tpu.memory_space<vmem_shared>> -> memref<125x32xf32, #tpu.memory_space<vmem_shared>>
    %dma_wait3A_126 = tpu.memref_slice %arg13[%dma_wait3A_118] : memref<5x!tpu.dma_semaphore, #tpu.memory_space<semaphore_mem>> -> memref<1x!tpu.dma_semaphore, #tpu.memory_space<semaphore_mem>>
    %dma_wait3A_127 = tpu.memref_squeeze %dma_wait3A_126 : memref<1x!tpu.dma_semaphore, #tpu.memory_space<semaphore_mem>> -> memref<!tpu.dma_semaphore, #tpu.memory_space<semaphore_mem>>
    %dma_wait3A_128 = arith.constant 0 : i32
    %dma_wait3A_129 = arith.constant 0 : i32
    %dma_wait3A_130 = tpu.memref_slice %arg11[%dma_wait3A_128, %dma_wait3A_129] : memref<10240x32xf32, #tpu.memory_space<vmem_shared>> -> memref<125x32xf32, #tpu.memory_space<vmem_shared>>
    %dma_wait3A_131 = arith.constant 0 : i32
    %dma_wait3A_132 = arith.constant 0 : i32
    %dma_wait3A_133 = tpu.memref_slice %arg8[%dma_wait3A_117, %dma_wait3A_131, %dma_wait3A_132] : memref<5x125x32xf32, #tpu.memory_space<vmem>> -> memref<1x125x32xf32, #tpu.memory_space<vmem>>
    %dma_wait3A_134 = tpu.memref_squeeze %dma_wait3A_133 : memref<1x125x32xf32, #tpu.memory_space<vmem>> -> memref<125x32xf32, #tpu.memory_space<vmem>>
    tpu.wait_dma2 semaphore(%dma_wait3A_127 : memref<!tpu.dma_semaphore, #tpu.memory_space<semaphore_mem>>) src(%dma_wait3A_134 : memref<125x32xf32, #tpu.memory_space<vmem>>) dst(%dma_wait3A_130 : memref<125x32xf32, #tpu.memory_space<vmem_shared>>)
    %dma_wait3A_135 = arith.constant 2 : i32
    %dma_wait3A_136 = arith.constant 2 : i32
    %dma_wait3A_137 = arith.constant 0 : i32
    %dma_wait3A_138 = arith.constant 0 : i32
    %dma_wait3A_139 = tpu.memref_slice %arg8[%dma_wait3A_135, %dma_wait3A_137, %dma_wait3A_138] : memref<5x125x32xf32, #tpu.memory_space<vmem>> -> memref<1x125x32xf32, #tpu.memory_space<vmem>>
    %dma_wait3A_140 = tpu.memref_squeeze %dma_wait3A_139 : memref<1x125x32xf32, #tpu.memory_space<vmem>> -> memref<125x32xf32, #tpu.memory_space<vmem>>
    %dma_wait3A_141 = arith.constant 0 : i32
    %dma_wait3A_142 = arith.constant 0 : i32
    %dma_wait3A_143 = tpu.memref_slice %arg11[%dma_wait3A_141, %dma_wait3A_142] : memref<10240x32xf32, #tpu.memory_space<vmem_shared>> -> memref<125x32xf32, #tpu.memory_space<vmem_shared>>
    %dma_wait3A_144 = tpu.memref_slice %arg13[%dma_wait3A_136] : memref<5x!tpu.dma_semaphore, #tpu.memory_space<semaphore_mem>> -> memref<1x!tpu.dma_semaphore, #tpu.memory_space<semaphore_mem>>
    %dma_wait3A_145 = tpu.memref_squeeze %dma_wait3A_144 : memref<1x!tpu.dma_semaphore, #tpu.memory_space<semaphore_mem>> -> memref<!tpu.dma_semaphore, #tpu.memory_space<semaphore_mem>>
    %dma_wait3A_146 = arith.constant 0 : i32
    %dma_wait3A_147 = arith.constant 0 : i32
    %dma_wait3A_148 = tpu.memref_slice %arg11[%dma_wait3A_146, %dma_wait3A_147] : memref<10240x32xf32, #tpu.memory_space<vmem_shared>> -> memref<125x32xf32, #tpu.memory_space<vmem_shared>>
    %dma_wait3A_149 = arith.constant 0 : i32
    %dma_wait3A_150 = arith.constant 0 : i32
    %dma_wait3A_151 = tpu.memref_slice %arg8[%dma_wait3A_135, %dma_wait3A_149, %dma_wait3A_150] : memref<5x125x32xf32, #tpu.memory_space<vmem>> -> memref<1x125x32xf32, #tpu.memory_space<vmem>>
    %dma_wait3A_152 = tpu.memref_squeeze %dma_wait3A_151 : memref<1x125x32xf32, #tpu.memory_space<vmem>> -> memref<125x32xf32, #tpu.memory_space<vmem>>
    tpu.wait_dma2 semaphore(%dma_wait3A_145 : memref<!tpu.dma_semaphore, #tpu.memory_space<semaphore_mem>>) src(%dma_wait3A_152 : memref<125x32xf32, #tpu.memory_space<vmem>>) dst(%dma_wait3A_148 : memref<125x32xf32, #tpu.memory_space<vmem_shared>>)
    %dma_wait3A_153 = arith.constant 3 : i32
    %dma_wait3A_154 = arith.constant 3 : i32
    %dma_wait3A_155 = arith.constant 0 : i32
    %dma_wait3A_156 = arith.constant 0 : i32
    %dma_wait3A_157 = tpu.memref_slice %arg8[%dma_wait3A_153, %dma_wait3A_155, %dma_wait3A_156] : memref<5x125x32xf32, #tpu.memory_space<vmem>> -> memref<1x125x32xf32, #tpu.memory_space<vmem>>
    %dma_wait3A_158 = tpu.memref_squeeze %dma_wait3A_157 : memref<1x125x32xf32, #tpu.memory_space<vmem>> -> memref<125x32xf32, #tpu.memory_space<vmem>>
    %dma_wait3A_159 = arith.constant 0 : i32
    %dma_wait3A_160 = arith.constant 0 : i32
    %dma_wait3A_161 = tpu.memref_slice %arg11[%dma_wait3A_159, %dma_wait3A_160] : memref<10240x32xf32, #tpu.memory_space<vmem_shared>> -> memref<125x32xf32, #tpu.memory_space<vmem_shared>>
    %dma_wait3A_162 = tpu.memref_slice %arg13[%dma_wait3A_154] : memref<5x!tpu.dma_semaphore, #tpu.memory_space<semaphore_mem>> -> memref<1x!tpu.dma_semaphore, #tpu.memory_space<semaphore_mem>>
    %dma_wait3A_163 = tpu.memref_squeeze %dma_wait3A_162 : memref<1x!tpu.dma_semaphore, #tpu.memory_space<semaphore_mem>> -> memref<!tpu.dma_semaphore, #tpu.memory_space<semaphore_mem>>
    %dma_wait3A_164 = arith.constant 0 : i32
    %dma_wait3A_165 = arith.constant 0 : i32
    %dma_wait3A_166 = tpu.memref_slice %arg11[%dma_wait3A_164, %dma_wait3A_165] : memref<10240x32xf32, #tpu.memory_space<vmem_shared>> -> memref<125x32xf32, #tpu.memory_space<vmem_shared>>
    %dma_wait3A_167 = arith.constant 0 : i32
    %dma_wait3A_168 = arith.constant 0 : i32
    %dma_wait3A_169 = tpu.memref_slice %arg8[%dma_wait3A_153, %dma_wait3A_167, %dma_wait3A_168] : memref<5x125x32xf32, #tpu.memory_space<vmem>> -> memref<1x125x32xf32, #tpu.memory_space<vmem>>
    %dma_wait3A_170 = tpu.memref_squeeze %dma_wait3A_169 : memref<1x125x32xf32, #tpu.memory_space<vmem>> -> memref<125x32xf32, #tpu.memory_space<vmem>>
    tpu.wait_dma2 semaphore(%dma_wait3A_163 : memref<!tpu.dma_semaphore, #tpu.memory_space<semaphore_mem>>) src(%dma_wait3A_170 : memref<125x32xf32, #tpu.memory_space<vmem>>) dst(%dma_wait3A_166 : memref<125x32xf32, #tpu.memory_space<vmem_shared>>)
    %dma_wait3A_171 = arith.constant 4 : i32
    %dma_wait3A_172 = arith.constant 4 : i32
    %dma_wait3A_173 = arith.constant 0 : i32
    %dma_wait3A_174 = arith.constant 0 : i32
    %dma_wait3A_175 = tpu.memref_slice %arg8[%dma_wait3A_171, %dma_wait3A_173, %dma_wait3A_174] : memref<5x125x32xf32, #tpu.memory_space<vmem>> -> memref<1x125x32xf32, #tpu.memory_space<vmem>>
    %dma_wait3A_176 = tpu.memref_squeeze %dma_wait3A_175 : memref<1x125x32xf32, #tpu.memory_space<vmem>> -> memref<125x32xf32, #tpu.memory_space<vmem>>
    %dma_wait3A_177 = arith.constant 0 : i32
    %dma_wait3A_178 = arith.constant 0 : i32
    %dma_wait3A_179 = tpu.memref_slice %arg11[%dma_wait3A_177, %dma_wait3A_178] : memref<10240x32xf32, #tpu.memory_space<vmem_shared>> -> memref<125x32xf32, #tpu.memory_space<vmem_shared>>
    %dma_wait3A_180 = tpu.memref_slice %arg13[%dma_wait3A_172] : memref<5x!tpu.dma_semaphore, #tpu.memory_space<semaphore_mem>> -> memref<1x!tpu.dma_semaphore, #tpu.memory_space<semaphore_mem>>
    %dma_wait3A_181 = tpu.memref_squeeze %dma_wait3A_180 : memref<1x!tpu.dma_semaphore, #tpu.memory_space<semaphore_mem>> -> memref<!tpu.dma_semaphore, #tpu.memory_space<semaphore_mem>>
    %dma_wait3A_182 = arith.constant 0 : i32
    %dma_wait3A_183 = arith.constant 0 : i32
    %dma_wait3A_184 = tpu.memref_slice %arg11[%dma_wait3A_182, %dma_wait3A_183] : memref<10240x32xf32, #tpu.memory_space<vmem_shared>> -> memref<125x32xf32, #tpu.memory_space<vmem_shared>>
    %dma_wait3A_185 = arith.constant 0 : i32
    %dma_wait3A_186 = arith.constant 0 : i32
    %dma_wait3A_187 = tpu.memref_slice %arg8[%dma_wait3A_171, %dma_wait3A_185, %dma_wait3A_186] : memref<5x125x32xf32, #tpu.memory_space<vmem>> -> memref<1x125x32xf32, #tpu.memory_space<vmem>>
    %dma_wait3A_188 = tpu.memref_squeeze %dma_wait3A_187 : memref<1x125x32xf32, #tpu.memory_space<vmem>> -> memref<125x32xf32, #tpu.memory_space<vmem>>
    tpu.wait_dma2 semaphore(%dma_wait3A_181 : memref<!tpu.dma_semaphore, #tpu.memory_space<semaphore_mem>>) src(%dma_wait3A_188 : memref<125x32xf32, #tpu.memory_space<vmem>>) dst(%dma_wait3A_184 : memref<125x32xf32, #tpu.memory_space<vmem_shared>>)
    %barrier3A_189 = arith.constant 0 : index
    tpu.barrier barrier_id(%barrier3A_189)
    "tpu.region"() ({
      %run_scoped3A = tpu.sem_alloc : memref<!tpu.dma_semaphore, #tpu.memory_space<semaphore_mem>>
      %dma_start3A_190 = arith.constant 0 : i32
      %dma_start3A_191 = tpu.memref_slice %arg5[%arg0, %mul3A_0, %dma_start3A_190] : memref<2x10240x32xf32, #tpu.memory_space<hbm>> -> memref<1x640x32xf32, #tpu.memory_space<hbm>>
      %dma_start3A_192 = tpu.memref_squeeze %dma_start3A_191 : memref<1x640x32xf32, #tpu.memory_space<hbm>> -> memref<640x32xf32, #tpu.memory_space<hbm>>
      %dma_start3A_193 = arith.constant 0 : i32
      %dma_start3A_194 = tpu.memref_slice %arg11[%mul3A_0, %dma_start3A_193] : memref<10240x32xf32, #tpu.memory_space<vmem_shared>> -> memref<640x32xf32, #tpu.memory_space<vmem_shared>>
      tpu.enqueue_dma source(%dma_start3A_194 : memref<640x32xf32, #tpu.memory_space<vmem_shared>>) target(%dma_start3A_192 : memref<640x32xf32, #tpu.memory_space<hbm>>) target_semaphore(%run_scoped3A : memref<!tpu.dma_semaphore, #tpu.memory_space<semaphore_mem>>)
      %dma_wait3A_195 = arith.constant 0 : i32
      %dma_wait3A_196 = tpu.memref_slice %arg5[%arg0, %mul3A_0, %dma_wait3A_195] : memref<2x10240x32xf32, #tpu.memory_space<hbm>> -> memref<1x640x32xf32, #tpu.memory_space<hbm>>
      %dma_wait3A_197 = tpu.memref_squeeze %dma_wait3A_196 : memref<1x640x32xf32, #tpu.memory_space<hbm>> -> memref<640x32xf32, #tpu.memory_space<hbm>>
      %dma_wait3A_198 = arith.constant 0 : i32
      %dma_wait3A_199 = tpu.memref_slice %arg11[%mul3A_0, %dma_wait3A_198] : memref<10240x32xf32, #tpu.memory_space<vmem_shared>> -> memref<640x32xf32, #tpu.memory_space<vmem_shared>>
      tpu.wait_dma2 semaphore(%run_scoped3A : memref<!tpu.dma_semaphore, #tpu.memory_space<semaphore_mem>>) src(%dma_wait3A_199 : memref<640x32xf32, #tpu.memory_space<vmem_shared>>) dst(%dma_wait3A_197 : memref<640x32xf32, #tpu.memory_space<hbm>>)
      tpu.yield
    }) : () -> ()
    return
  }
}

#map = affine_map<(d0, d1) -> (0, 0, 0)>
#map1 = affine_map<(d0, d1) -> (0, 0)>
module attributes {stable_mosaic.version = 14 : i64} {
  func.func @_sc_scatter(%arg0: i32, %arg1: i32, %arg2: memref<2x10240x32xf32, #tpu.memory_space<hbm>>, %arg3: memref<2560x125xi32, #tpu.memory_space<hbm>>, %arg4: memref<2560x125xi32, #tpu.memory_space<hbm>>, %arg5: memref<2x10240x32xf32, #tpu.memory_space<hbm>>, %arg6: memref<160x125xi32, #tpu.memory_space<vmem>>, %arg7: memref<160x125xi32, #tpu.memory_space<vmem>>, %arg8: memref<5x125x32xf32, #tpu.memory_space<vmem>>, %arg9: memref<40x32xf32, #tpu.memory_space<vmem>>, %arg10: memref<10240x32xf32, #tpu.memory_space<vmem_shared>>, %arg11: memref<10240x32xf32, #tpu.memory_space<vmem_shared>>, %arg12: memref<5x!tpu.dma_semaphore, #tpu.memory_space<semaphore_mem>>, %arg13: memref<5x!tpu.dma_semaphore, #tpu.memory_space<semaphore_mem>>, %arg14: memref<!tpu.dma_semaphore, #tpu.memory_space<semaphore_mem>>) attributes {dimension_semantics = [#tpu.dimension_semantics<core_parallel>, #tpu.dimension_semantics<subcore_parallel>], iteration_bounds = array<i64: 2, 16>, scalar_prefetch = 0 : i64, scratch_operands = 9 : i64, tpu.core_type = #tpu.core_type<sc_vector_subcore>, window_params = [{transform_indices = #map}, {transform_indices = #map1}, {transform_indices = #map1}, {transform_indices = #map}]} {
    %mul3A = arith.constant 640 : i32
    %mul3A_0 = arith.muli %arg1, %mul3A : i32
    %dma_start3A = arith.constant 0 : i32
    %dma_start3A_1 = tpu.memref_slice %arg10[%mul3A_0, %dma_start3A] : memref<10240x32xf32, #tpu.memory_space<vmem_shared>> -> memref<640x32xf32, #tpu.memory_space<vmem_shared>>
    %dma_start3A_2 = arith.constant 0 : i32
    %dma_start3A_3 = tpu.memref_slice %arg2[%arg0, %mul3A_0, %dma_start3A_2] : memref<2x10240x32xf32, #tpu.memory_space<hbm>> -> memref<1x640x32xf32, #tpu.memory_space<hbm>>
    %dma_start3A_4 = tpu.memref_squeeze %dma_start3A_3 : memref<1x640x32xf32, #tpu.memory_space<hbm>> -> memref<640x32xf32, #tpu.memory_space<hbm>>
    tpu.enqueue_dma source(%dma_start3A_4 : memref<640x32xf32, #tpu.memory_space<hbm>>) target(%dma_start3A_1 : memref<640x32xf32, #tpu.memory_space<vmem_shared>>) target_semaphore(%arg14 : memref<!tpu.dma_semaphore, #tpu.memory_space<semaphore_mem>>)
    %mul3A_5 = arith.constant 160 : i32
    %mul3A_6 = arith.muli %arg1, %mul3A_5 : i32
    "tpu.region"() ({
      %run_scoped3A = tpu.sem_alloc : memref<!tpu.dma_semaphore, #tpu.memory_space<semaphore_mem>>
      %dma_start3A_190 = arith.constant 0 : i32
      %dma_start3A_191 = tpu.memref_slice %arg3[%mul3A_6, %dma_start3A_190] : memref<2560x125xi32, #tpu.memory_space<hbm>> -> memref<160x125xi32, #tpu.memory_space<hbm>>
      %dma_start3A_192 = arith.constant 0 : i32
      %dma_start3A_193 = tpu.memref_slice %arg3[%mul3A_6, %dma_start3A_192] : memref<2560x125xi32, #tpu.memory_space<hbm>> -> memref<160x125xi32, #tpu.memory_space<hbm>>
      tpu.enqueue_dma source(%dma_start3A_193 : memref<160x125xi32, #tpu.memory_space<hbm>>) target(%arg6 : memref<160x125xi32, #tpu.memory_space<vmem>>) target_semaphore(%run_scoped3A : memref<!tpu.dma_semaphore, #tpu.memory_space<semaphore_mem>>)
      %dma_wait3A_194 = arith.constant 0 : i32
      %dma_wait3A_195 = tpu.memref_slice %arg3[%mul3A_6, %dma_wait3A_194] : memref<2560x125xi32, #tpu.memory_space<hbm>> -> memref<160x125xi32, #tpu.memory_space<hbm>>
      %dma_wait3A_196 = arith.constant 0 : i32
      %dma_wait3A_197 = tpu.memref_slice %arg3[%mul3A_6, %dma_wait3A_196] : memref<2560x125xi32, #tpu.memory_space<hbm>> -> memref<160x125xi32, #tpu.memory_space<hbm>>
      tpu.wait_dma2 semaphore(%run_scoped3A : memref<!tpu.dma_semaphore, #tpu.memory_space<semaphore_mem>>) src(%dma_wait3A_197 : memref<160x125xi32, #tpu.memory_space<hbm>>) dst(%arg6 : memref<160x125xi32, #tpu.memory_space<vmem>>)
      tpu.yield
    }) : () -> ()
    %mul3A_7 = arith.constant 160 : i32
    %mul3A_8 = arith.muli %arg1, %mul3A_7 : i32
    "tpu.region"() ({
      %run_scoped3A = tpu.sem_alloc : memref<!tpu.dma_semaphore, #tpu.memory_space<semaphore_mem>>
      %dma_start3A_190 = arith.constant 0 : i32
      %dma_start3A_191 = tpu.memref_slice %arg4[%mul3A_8, %dma_start3A_190] : memref<2560x125xi32, #tpu.memory_space<hbm>> -> memref<160x125xi32, #tpu.memory_space<hbm>>
      %dma_start3A_192 = arith.constant 0 : i32
      %dma_start3A_193 = tpu.memref_slice %arg4[%mul3A_8, %dma_start3A_192] : memref<2560x125xi32, #tpu.memory_space<hbm>> -> memref<160x125xi32, #tpu.memory_space<hbm>>
      tpu.enqueue_dma source(%dma_start3A_193 : memref<160x125xi32, #tpu.memory_space<hbm>>) target(%arg7 : memref<160x125xi32, #tpu.memory_space<vmem>>) target_semaphore(%run_scoped3A : memref<!tpu.dma_semaphore, #tpu.memory_space<semaphore_mem>>)
      %dma_wait3A_194 = arith.constant 0 : i32
      %dma_wait3A_195 = tpu.memref_slice %arg4[%mul3A_8, %dma_wait3A_194] : memref<2560x125xi32, #tpu.memory_space<hbm>> -> memref<160x125xi32, #tpu.memory_space<hbm>>
      %dma_wait3A_196 = arith.constant 0 : i32
      %dma_wait3A_197 = tpu.memref_slice %arg4[%mul3A_8, %dma_wait3A_196] : memref<2560x125xi32, #tpu.memory_space<hbm>> -> memref<160x125xi32, #tpu.memory_space<hbm>>
      tpu.wait_dma2 semaphore(%run_scoped3A : memref<!tpu.dma_semaphore, #tpu.memory_space<semaphore_mem>>) src(%dma_wait3A_197 : memref<160x125xi32, #tpu.memory_space<hbm>>) dst(%arg7 : memref<160x125xi32, #tpu.memory_space<vmem>>)
      tpu.yield
    }) : () -> ()
    %broadcast_in_dim3A = arith.constant 0.000000e+00 : f32
    %broadcast_in_dim3A_9 = vector.broadcast %broadcast_in_dim3A : f32 to vector<16xf32>
    %scan3A = arith.constant 0 : i32
    %scan3A_10 = arith.constant 40 : i32
    %scan3A_11 = arith.addi %scan3A, %scan3A_10 : i32
    %scan3A_12 = arith.constant 1 : i32
    scf.for %scan3A_190 = %scan3A to %scan3A_11 step %scan3A_12  : i32 {
      %mul3A_191 = arith.constant 1 : i32
      %mul3A_192 = arith.muli %scan3A_190, %mul3A_191 : i32
      %add3A_193 = arith.constant 0 : i32
      %add3A_194 = arith.addi %add3A_193, %mul3A_192 : i32
      %swap3A = arith.index_cast %add3A_194 : i32 to index
      %swap3A_195 = arith.constant 0 : index
      %swap3A_196 = tpu.vector_load %arg9[%swap3A, %swap3A_195] {strides = array<i32>} : memref<40x32xf32, #tpu.memory_space<vmem>>, vector<1x16xf32>,
      %swap3A_197 = vector.shape_cast %swap3A_196 : vector<1x16xf32> to vector<16xf32>
      %swap3A_198 = vector.shape_cast %broadcast_in_dim3A_9 : vector<16xf32> to vector<1x16xf32>
      tpu.vector_store %arg9[%swap3A, %swap3A_195], %swap3A_198 {strides = array<i32>} : memref<40x32xf32, #tpu.memory_space<vmem>>, vector<1x16xf32>,
      %swap3A_199 = arith.index_cast %add3A_194 : i32 to index
      %swap3A_200 = arith.constant 16 : index
      %swap3A_201 = tpu.vector_load %arg9[%swap3A_199, %swap3A_200] {strides = array<i32>} : memref<40x32xf32, #tpu.memory_space<vmem>>, vector<1x16xf32>,
      %swap3A_202 = vector.shape_cast %swap3A_201 : vector<1x16xf32> to vector<16xf32>
      %swap3A_203 = vector.shape_cast %broadcast_in_dim3A_9 : vector<16xf32> to vector<1x16xf32>
      tpu.vector_store %arg9[%swap3A_199, %swap3A_200], %swap3A_203 {strides = array<i32>} : memref<40x32xf32, #tpu.memory_space<vmem>>, vector<1x16xf32>,
    }
    %scan3A_13 = arith.constant 40 : i32
    %add3A = arith.constant 0 : i32
    %add3A_14 = arith.addi %mul3A_0, %add3A : i32
    "tpu.region"() ({
      %run_scoped3A = tpu.sem_alloc : memref<!tpu.dma_semaphore, #tpu.memory_space<semaphore_mem>>
      %dma_start3A_190 = arith.constant 0 : i32
      %dma_start3A_191 = tpu.memref_slice %arg11[%add3A_14, %dma_start3A_190] : memref<10240x32xf32, #tpu.memory_space<vmem_shared>> -> memref<40x32xf32, #tpu.memory_space<vmem_shared>>
      %dma_start3A_192 = arith.constant 0 : i32
      %dma_start3A_193 = tpu.memref_slice %arg11[%add3A_14, %dma_start3A_192] : memref<10240x32xf32, #tpu.memory_space<vmem_shared>> -> memref<40x32xf32, #tpu.memory_space<vmem_shared>>
      tpu.enqueue_dma source(%arg9 : memref<40x32xf32, #tpu.memory_space<vmem>>) target(%dma_start3A_193 : memref<40x32xf32, #tpu.memory_space<vmem_shared>>) target_semaphore(%run_scoped3A : memref<!tpu.dma_semaphore, #tpu.memory_space<semaphore_mem>>)
      %dma_wait3A_194 = arith.constant 0 : i32
      %dma_wait3A_195 = tpu.memref_slice %arg11[%add3A_14, %dma_wait3A_194] : memref<10240x32xf32, #tpu.memory_space<vmem_shared>> -> memref<40x32xf32, #tpu.memory_space<vmem_shared>>
      %dma_wait3A_196 = arith.constant 0 : i32
      %dma_wait3A_197 = tpu.memref_slice %arg11[%add3A_14, %dma_wait3A_196] : memref<10240x32xf32, #tpu.memory_space<vmem_shared>> -> memref<40x32xf32, #tpu.memory_space<vmem_shared>>
      tpu.wait_dma2 semaphore(%run_scoped3A : memref<!tpu.dma_semaphore, #tpu.memory_space<semaphore_mem>>) src(%arg9 : memref<40x32xf32, #tpu.memory_space<vmem>>) dst(%dma_wait3A_197 : memref<40x32xf32, #tpu.memory_space<vmem_shared>>)
      tpu.yield
    }) : () -> ()
    %add3A_15 = arith.constant 40 : i32
    %add3A_16 = arith.addi %mul3A_0, %add3A_15 : i32
    "tpu.region"() ({
      %run_scoped3A = tpu.sem_alloc : memref<!tpu.dma_semaphore, #tpu.memory_space<semaphore_mem>>
      %dma_start3A_190 = arith.constant 0 : i32
      %dma_start3A_191 = tpu.memref_slice %arg11[%add3A_16, %dma_start3A_190] : memref<10240x32xf32, #tpu.memory_space<vmem_shared>> -> memref<40x32xf32, #tpu.memory_space<vmem_shared>>
      %dma_start3A_192 = arith.constant 0 : i32
      %dma_start3A_193 = tpu.memref_slice %arg11[%add3A_16, %dma_start3A_192] : memref<10240x32xf32, #tpu.memory_space<vmem_shared>> -> memref<40x32xf32, #tpu.memory_space<vmem_shared>>
      tpu.enqueue_dma source(%arg9 : memref<40x32xf32, #tpu.memory_space<vmem>>) target(%dma_start3A_193 : memref<40x32xf32, #tpu.memory_space<vmem_shared>>) target_semaphore(%run_scoped3A : memref<!tpu.dma_semaphore, #tpu.memory_space<semaphore_mem>>)
      %dma_wait3A_194 = arith.constant 0 : i32
      %dma_wait3A_195 = tpu.memref_slice %arg11[%add3A_16, %dma_wait3A_194] : memref<10240x32xf32, #tpu.memory_space<vmem_shared>> -> memref<40x32xf32, #tpu.memory_space<vmem_shared>>
      %dma_wait3A_196 = arith.constant 0 : i32
      %dma_wait3A_197 = tpu.memref_slice %arg11[%add3A_16, %dma_wait3A_196] : memref<10240x32xf32, #tpu.memory_space<vmem_shared>> -> memref<40x32xf32, #tpu.memory_space<vmem_shared>>
      tpu.wait_dma2 semaphore(%run_scoped3A : memref<!tpu.dma_semaphore, #tpu.memory_space<semaphore_mem>>) src(%arg9 : memref<40x32xf32, #tpu.memory_space<vmem>>) dst(%dma_wait3A_197 : memref<40x32xf32, #tpu.memory_space<vmem_shared>>)
      tpu.yield
    }) : () -> ()
    %add3A_17 = arith.constant 80 : i32
    %add3A_18 = arith.addi %mul3A_0, %add3A_17 : i32
    "tpu.region"() ({
      %run_scoped3A = tpu.sem_alloc : memref<!tpu.dma_semaphore, #tpu.memory_space<semaphore_mem>>
      %dma_start3A_190 = arith.constant 0 : i32
      %dma_start3A_191 = tpu.memref_slice %arg11[%add3A_18, %dma_start3A_190] : memref<10240x32xf32, #tpu.memory_space<vmem_shared>> -> memref<40x32xf32, #tpu.memory_space<vmem_shared>>
      %dma_start3A_192 = arith.constant 0 : i32
      %dma_start3A_193 = tpu.memref_slice %arg11[%add3A_18, %dma_start3A_192] : memref<10240x32xf32, #tpu.memory_space<vmem_shared>> -> memref<40x32xf32, #tpu.memory_space<vmem_shared>>
      tpu.enqueue_dma source(%arg9 : memref<40x32xf32, #tpu.memory_space<vmem>>) target(%dma_start3A_193 : memref<40x32xf32, #tpu.memory_space<vmem_shared>>) target_semaphore(%run_scoped3A : memref<!tpu.dma_semaphore, #tpu.memory_space<semaphore_mem>>)
      %dma_wait3A_194 = arith.constant 0 : i32
      %dma_wait3A_195 = tpu.memref_slice %arg11[%add3A_18, %dma_wait3A_194] : memref<10240x32xf32, #tpu.memory_space<vmem_shared>> -> memref<40x32xf32, #tpu.memory_space<vmem_shared>>
      %dma_wait3A_196 = arith.constant 0 : i32
      %dma_wait3A_197 = tpu.memref_slice %arg11[%add3A_18, %dma_wait3A_196] : memref<10240x32xf32, #tpu.memory_space<vmem_shared>> -> memref<40x32xf32, #tpu.memory_space<vmem_shared>>
      tpu.wait_dma2 semaphore(%run_scoped3A : memref<!tpu.dma_semaphore, #tpu.memory_space<semaphore_mem>>) src(%arg9 : memref<40x32xf32, #tpu.memory_space<vmem>>) dst(%dma_wait3A_197 : memref<40x32xf32, #tpu.memory_space<vmem_shared>>)
      tpu.yield
    }) : () -> ()
    %add3A_19 = arith.constant 120 : i32
    %add3A_20 = arith.addi %mul3A_0, %add3A_19 : i32
    "tpu.region"() ({
      %run_scoped3A = tpu.sem_alloc : memref<!tpu.dma_semaphore, #tpu.memory_space<semaphore_mem>>
      %dma_start3A_190 = arith.constant 0 : i32
      %dma_start3A_191 = tpu.memref_slice %arg11[%add3A_20, %dma_start3A_190] : memref<10240x32xf32, #tpu.memory_space<vmem_shared>> -> memref<40x32xf32, #tpu.memory_space<vmem_shared>>
      %dma_start3A_192 = arith.constant 0 : i32
      %dma_start3A_193 = tpu.memref_slice %arg11[%add3A_20, %dma_start3A_192] : memref<10240x32xf32, #tpu.memory_space<vmem_shared>> -> memref<40x32xf32, #tpu.memory_space<vmem_shared>>
      tpu.enqueue_dma source(%arg9 : memref<40x32xf32, #tpu.memory_space<vmem>>) target(%dma_start3A_193 : memref<40x32xf32, #tpu.memory_space<vmem_shared>>) target_semaphore(%run_scoped3A : memref<!tpu.dma_semaphore, #tpu.memory_space<semaphore_mem>>)
      %dma_wait3A_194 = arith.constant 0 : i32
      %dma_wait3A_195 = tpu.memref_slice %arg11[%add3A_20, %dma_wait3A_194] : memref<10240x32xf32, #tpu.memory_space<vmem_shared>> -> memref<40x32xf32, #tpu.memory_space<vmem_shared>>
      %dma_wait3A_196 = arith.constant 0 : i32
      %dma_wait3A_197 = tpu.memref_slice %arg11[%add3A_20, %dma_wait3A_196] : memref<10240x32xf32, #tpu.memory_space<vmem_shared>> -> memref<40x32xf32, #tpu.memory_space<vmem_shared>>
      tpu.wait_dma2 semaphore(%run_scoped3A : memref<!tpu.dma_semaphore, #tpu.memory_space<semaphore_mem>>) src(%arg9 : memref<40x32xf32, #tpu.memory_space<vmem>>) dst(%dma_wait3A_197 : memref<40x32xf32, #tpu.memory_space<vmem_shared>>)
      tpu.yield
    }) : () -> ()
    %add3A_21 = arith.constant 160 : i32
    %add3A_22 = arith.addi %mul3A_0, %add3A_21 : i32
    "tpu.region"() ({
      %run_scoped3A = tpu.sem_alloc : memref<!tpu.dma_semaphore, #tpu.memory_space<semaphore_mem>>
      %dma_start3A_190 = arith.constant 0 : i32
      %dma_start3A_191 = tpu.memref_slice %arg11[%add3A_22, %dma_start3A_190] : memref<10240x32xf32, #tpu.memory_space<vmem_shared>> -> memref<40x32xf32, #tpu.memory_space<vmem_shared>>
      %dma_start3A_192 = arith.constant 0 : i32
      %dma_start3A_193 = tpu.memref_slice %arg11[%add3A_22, %dma_start3A_192] : memref<10240x32xf32, #tpu.memory_space<vmem_shared>> -> memref<40x32xf32, #tpu.memory_space<vmem_shared>>
      tpu.enqueue_dma source(%arg9 : memref<40x32xf32, #tpu.memory_space<vmem>>) target(%dma_start3A_193 : memref<40x32xf32, #tpu.memory_space<vmem_shared>>) target_semaphore(%run_scoped3A : memref<!tpu.dma_semaphore, #tpu.memory_space<semaphore_mem>>)
      %dma_wait3A_194 = arith.constant 0 : i32
      %dma_wait3A_195 = tpu.memref_slice %arg11[%add3A_22, %dma_wait3A_194] : memref<10240x32xf32, #tpu.memory_space<vmem_shared>> -> memref<40x32xf32, #tpu.memory_space<vmem_shared>>
      %dma_wait3A_196 = arith.constant 0 : i32
      %dma_wait3A_197 = tpu.memref_slice %arg11[%add3A_22, %dma_wait3A_196] : memref<10240x32xf32, #tpu.memory_space<vmem_shared>> -> memref<40x32xf32, #tpu.memory_space<vmem_shared>>
      tpu.wait_dma2 semaphore(%run_scoped3A : memref<!tpu.dma_semaphore, #tpu.memory_space<semaphore_mem>>) src(%arg9 : memref<40x32xf32, #tpu.memory_space<vmem>>) dst(%dma_wait3A_197 : memref<40x32xf32, #tpu.memory_space<vmem_shared>>)
      tpu.yield
    }) : () -> ()
    %add3A_23 = arith.constant 200 : i32
    %add3A_24 = arith.addi %mul3A_0, %add3A_23 : i32
    "tpu.region"() ({
      %run_scoped3A = tpu.sem_alloc : memref<!tpu.dma_semaphore, #tpu.memory_space<semaphore_mem>>
      %dma_start3A_190 = arith.constant 0 : i32
      %dma_start3A_191 = tpu.memref_slice %arg11[%add3A_24, %dma_start3A_190] : memref<10240x32xf32, #tpu.memory_space<vmem_shared>> -> memref<40x32xf32, #tpu.memory_space<vmem_shared>>
      %dma_start3A_192 = arith.constant 0 : i32
      %dma_start3A_193 = tpu.memref_slice %arg11[%add3A_24, %dma_start3A_192] : memref<10240x32xf32, #tpu.memory_space<vmem_shared>> -> memref<40x32xf32, #tpu.memory_space<vmem_shared>>
      tpu.enqueue_dma source(%arg9 : memref<40x32xf32, #tpu.memory_space<vmem>>) target(%dma_start3A_193 : memref<40x32xf32, #tpu.memory_space<vmem_shared>>) target_semaphore(%run_scoped3A : memref<!tpu.dma_semaphore, #tpu.memory_space<semaphore_mem>>)
      %dma_wait3A_194 = arith.constant 0 : i32
      %dma_wait3A_195 = tpu.memref_slice %arg11[%add3A_24, %dma_wait3A_194] : memref<10240x32xf32, #tpu.memory_space<vmem_shared>> -> memref<40x32xf32, #tpu.memory_space<vmem_shared>>
      %dma_wait3A_196 = arith.constant 0 : i32
      %dma_wait3A_197 = tpu.memref_slice %arg11[%add3A_24, %dma_wait3A_196] : memref<10240x32xf32, #tpu.memory_space<vmem_shared>> -> memref<40x32xf32, #tpu.memory_space<vmem_shared>>
      tpu.wait_dma2 semaphore(%run_scoped3A : memref<!tpu.dma_semaphore, #tpu.memory_space<semaphore_mem>>) src(%arg9 : memref<40x32xf32, #tpu.memory_space<vmem>>) dst(%dma_wait3A_197 : memref<40x32xf32, #tpu.memory_space<vmem_shared>>)
      tpu.yield
    }) : () -> ()
    %add3A_25 = arith.constant 240 : i32
    %add3A_26 = arith.addi %mul3A_0, %add3A_25 : i32
    "tpu.region"() ({
      %run_scoped3A = tpu.sem_alloc : memref<!tpu.dma_semaphore, #tpu.memory_space<semaphore_mem>>
      %dma_start3A_190 = arith.constant 0 : i32
      %dma_start3A_191 = tpu.memref_slice %arg11[%add3A_26, %dma_start3A_190] : memref<10240x32xf32, #tpu.memory_space<vmem_shared>> -> memref<40x32xf32, #tpu.memory_space<vmem_shared>>
      %dma_start3A_192 = arith.constant 0 : i32
      %dma_start3A_193 = tpu.memref_slice %arg11[%add3A_26, %dma_start3A_192] : memref<10240x32xf32, #tpu.memory_space<vmem_shared>> -> memref<40x32xf32, #tpu.memory_space<vmem_shared>>
      tpu.enqueue_dma source(%arg9 : memref<40x32xf32, #tpu.memory_space<vmem>>) target(%dma_start3A_193 : memref<40x32xf32, #tpu.memory_space<vmem_shared>>) target_semaphore(%run_scoped3A : memref<!tpu.dma_semaphore, #tpu.memory_space<semaphore_mem>>)
      %dma_wait3A_194 = arith.constant 0 : i32
      %dma_wait3A_195 = tpu.memref_slice %arg11[%add3A_26, %dma_wait3A_194] : memref<10240x32xf32, #tpu.memory_space<vmem_shared>> -> memref<40x32xf32, #tpu.memory_space<vmem_shared>>
      %dma_wait3A_196 = arith.constant 0 : i32
      %dma_wait3A_197 = tpu.memref_slice %arg11[%add3A_26, %dma_wait3A_196] : memref<10240x32xf32, #tpu.memory_space<vmem_shared>> -> memref<40x32xf32, #tpu.memory_space<vmem_shared>>
      tpu.wait_dma2 semaphore(%run_scoped3A : memref<!tpu.dma_semaphore, #tpu.memory_space<semaphore_mem>>) src(%arg9 : memref<40x32xf32, #tpu.memory_space<vmem>>) dst(%dma_wait3A_197 : memref<40x32xf32, #tpu.memory_space<vmem_shared>>)
      tpu.yield
    }) : () -> ()
    %add3A_27 = arith.constant 280 : i32
    %add3A_28 = arith.addi %mul3A_0, %add3A_27 : i32
    "tpu.region"() ({
      %run_scoped3A = tpu.sem_alloc : memref<!tpu.dma_semaphore, #tpu.memory_space<semaphore_mem>>
      %dma_start3A_190 = arith.constant 0 : i32
      %dma_start3A_191 = tpu.memref_slice %arg11[%add3A_28, %dma_start3A_190] : memref<10240x32xf32, #tpu.memory_space<vmem_shared>> -> memref<40x32xf32, #tpu.memory_space<vmem_shared>>
      %dma_start3A_192 = arith.constant 0 : i32
      %dma_start3A_193 = tpu.memref_slice %arg11[%add3A_28, %dma_start3A_192] : memref<10240x32xf32, #tpu.memory_space<vmem_shared>> -> memref<40x32xf32, #tpu.memory_space<vmem_shared>>
      tpu.enqueue_dma source(%arg9 : memref<40x32xf32, #tpu.memory_space<vmem>>) target(%dma_start3A_193 : memref<40x32xf32, #tpu.memory_space<vmem_shared>>) target_semaphore(%run_scoped3A : memref<!tpu.dma_semaphore, #tpu.memory_space<semaphore_mem>>)
      %dma_wait3A_194 = arith.constant 0 : i32
      %dma_wait3A_195 = tpu.memref_slice %arg11[%add3A_28, %dma_wait3A_194] : memref<10240x32xf32, #tpu.memory_space<vmem_shared>> -> memref<40x32xf32, #tpu.memory_space<vmem_shared>>
      %dma_wait3A_196 = arith.constant 0 : i32
      %dma_wait3A_197 = tpu.memref_slice %arg11[%add3A_28, %dma_wait3A_196] : memref<10240x32xf32, #tpu.memory_space<vmem_shared>> -> memref<40x32xf32, #tpu.memory_space<vmem_shared>>
      tpu.wait_dma2 semaphore(%run_scoped3A : memref<!tpu.dma_semaphore, #tpu.memory_space<semaphore_mem>>) src(%arg9 : memref<40x32xf32, #tpu.memory_space<vmem>>) dst(%dma_wait3A_197 : memref<40x32xf32, #tpu.memory_space<vmem_shared>>)
      tpu.yield
    }) : () -> ()
    %add3A_29 = arith.constant 320 : i32
    %add3A_30 = arith.addi %mul3A_0, %add3A_29 : i32
    "tpu.region"() ({
      %run_scoped3A = tpu.sem_alloc : memref<!tpu.dma_semaphore, #tpu.memory_space<semaphore_mem>>
      %dma_start3A_190 = arith.constant 0 : i32
      %dma_start3A_191 = tpu.memref_slice %arg11[%add3A_30, %dma_start3A_190] : memref<10240x32xf32, #tpu.memory_space<vmem_shared>> -> memref<40x32xf32, #tpu.memory_space<vmem_shared>>
      %dma_start3A_192 = arith.constant 0 : i32
      %dma_start3A_193 = tpu.memref_slice %arg11[%add3A_30, %dma_start3A_192] : memref<10240x32xf32, #tpu.memory_space<vmem_shared>> -> memref<40x32xf32, #tpu.memory_space<vmem_shared>>
      tpu.enqueue_dma source(%arg9 : memref<40x32xf32, #tpu.memory_space<vmem>>) target(%dma_start3A_193 : memref<40x32xf32, #tpu.memory_space<vmem_shared>>) target_semaphore(%run_scoped3A : memref<!tpu.dma_semaphore, #tpu.memory_space<semaphore_mem>>)
      %dma_wait3A_194 = arith.constant 0 : i32
      %dma_wait3A_195 = tpu.memref_slice %arg11[%add3A_30, %dma_wait3A_194] : memref<10240x32xf32, #tpu.memory_space<vmem_shared>> -> memref<40x32xf32, #tpu.memory_space<vmem_shared>>
      %dma_wait3A_196 = arith.constant 0 : i32
      %dma_wait3A_197 = tpu.memref_slice %arg11[%add3A_30, %dma_wait3A_196] : memref<10240x32xf32, #tpu.memory_space<vmem_shared>> -> memref<40x32xf32, #tpu.memory_space<vmem_shared>>
      tpu.wait_dma2 semaphore(%run_scoped3A : memref<!tpu.dma_semaphore, #tpu.memory_space<semaphore_mem>>) src(%arg9 : memref<40x32xf32, #tpu.memory_space<vmem>>) dst(%dma_wait3A_197 : memref<40x32xf32, #tpu.memory_space<vmem_shared>>)
      tpu.yield
    }) : () -> ()
    %add3A_31 = arith.constant 360 : i32
    %add3A_32 = arith.addi %mul3A_0, %add3A_31 : i32
    "tpu.region"() ({
      %run_scoped3A = tpu.sem_alloc : memref<!tpu.dma_semaphore, #tpu.memory_space<semaphore_mem>>
      %dma_start3A_190 = arith.constant 0 : i32
      %dma_start3A_191 = tpu.memref_slice %arg11[%add3A_32, %dma_start3A_190] : memref<10240x32xf32, #tpu.memory_space<vmem_shared>> -> memref<40x32xf32, #tpu.memory_space<vmem_shared>>
      %dma_start3A_192 = arith.constant 0 : i32
      %dma_start3A_193 = tpu.memref_slice %arg11[%add3A_32, %dma_start3A_192] : memref<10240x32xf32, #tpu.memory_space<vmem_shared>> -> memref<40x32xf32, #tpu.memory_space<vmem_shared>>
      tpu.enqueue_dma source(%arg9 : memref<40x32xf32, #tpu.memory_space<vmem>>) target(%dma_start3A_193 : memref<40x32xf32, #tpu.memory_space<vmem_shared>>) target_semaphore(%run_scoped3A : memref<!tpu.dma_semaphore, #tpu.memory_space<semaphore_mem>>)
      %dma_wait3A_194 = arith.constant 0 : i32
      %dma_wait3A_195 = tpu.memref_slice %arg11[%add3A_32, %dma_wait3A_194] : memref<10240x32xf32, #tpu.memory_space<vmem_shared>> -> memref<40x32xf32, #tpu.memory_space<vmem_shared>>
      %dma_wait3A_196 = arith.constant 0 : i32
      %dma_wait3A_197 = tpu.memref_slice %arg11[%add3A_32, %dma_wait3A_196] : memref<10240x32xf32, #tpu.memory_space<vmem_shared>> -> memref<40x32xf32, #tpu.memory_space<vmem_shared>>
      tpu.wait_dma2 semaphore(%run_scoped3A : memref<!tpu.dma_semaphore, #tpu.memory_space<semaphore_mem>>) src(%arg9 : memref<40x32xf32, #tpu.memory_space<vmem>>) dst(%dma_wait3A_197 : memref<40x32xf32, #tpu.memory_space<vmem_shared>>)
      tpu.yield
    }) : () -> ()
    %add3A_33 = arith.constant 400 : i32
    %add3A_34 = arith.addi %mul3A_0, %add3A_33 : i32
    "tpu.region"() ({
      %run_scoped3A = tpu.sem_alloc : memref<!tpu.dma_semaphore, #tpu.memory_space<semaphore_mem>>
      %dma_start3A_190 = arith.constant 0 : i32
      %dma_start3A_191 = tpu.memref_slice %arg11[%add3A_34, %dma_start3A_190] : memref<10240x32xf32, #tpu.memory_space<vmem_shared>> -> memref<40x32xf32, #tpu.memory_space<vmem_shared>>
      %dma_start3A_192 = arith.constant 0 : i32
      %dma_start3A_193 = tpu.memref_slice %arg11[%add3A_34, %dma_start3A_192] : memref<10240x32xf32, #tpu.memory_space<vmem_shared>> -> memref<40x32xf32, #tpu.memory_space<vmem_shared>>
      tpu.enqueue_dma source(%arg9 : memref<40x32xf32, #tpu.memory_space<vmem>>) target(%dma_start3A_193 : memref<40x32xf32, #tpu.memory_space<vmem_shared>>) target_semaphore(%run_scoped3A : memref<!tpu.dma_semaphore, #tpu.memory_space<semaphore_mem>>)
      %dma_wait3A_194 = arith.constant 0 : i32
      %dma_wait3A_195 = tpu.memref_slice %arg11[%add3A_34, %dma_wait3A_194] : memref<10240x32xf32, #tpu.memory_space<vmem_shared>> -> memref<40x32xf32, #tpu.memory_space<vmem_shared>>
      %dma_wait3A_196 = arith.constant 0 : i32
      %dma_wait3A_197 = tpu.memref_slice %arg11[%add3A_34, %dma_wait3A_196] : memref<10240x32xf32, #tpu.memory_space<vmem_shared>> -> memref<40x32xf32, #tpu.memory_space<vmem_shared>>
      tpu.wait_dma2 semaphore(%run_scoped3A : memref<!tpu.dma_semaphore, #tpu.memory_space<semaphore_mem>>) src(%arg9 : memref<40x32xf32, #tpu.memory_space<vmem>>) dst(%dma_wait3A_197 : memref<40x32xf32, #tpu.memory_space<vmem_shared>>)
      tpu.yield
    }) : () -> ()
    %add3A_35 = arith.constant 440 : i32
    %add3A_36 = arith.addi %mul3A_0, %add3A_35 : i32
    "tpu.region"() ({
      %run_scoped3A = tpu.sem_alloc : memref<!tpu.dma_semaphore, #tpu.memory_space<semaphore_mem>>
      %dma_start3A_190 = arith.constant 0 : i32
      %dma_start3A_191 = tpu.memref_slice %arg11[%add3A_36, %dma_start3A_190] : memref<10240x32xf32, #tpu.memory_space<vmem_shared>> -> memref<40x32xf32, #tpu.memory_space<vmem_shared>>
      %dma_start3A_192 = arith.constant 0 : i32
      %dma_start3A_193 = tpu.memref_slice %arg11[%add3A_36, %dma_start3A_192] : memref<10240x32xf32, #tpu.memory_space<vmem_shared>> -> memref<40x32xf32, #tpu.memory_space<vmem_shared>>
      tpu.enqueue_dma source(%arg9 : memref<40x32xf32, #tpu.memory_space<vmem>>) target(%dma_start3A_193 : memref<40x32xf32, #tpu.memory_space<vmem_shared>>) target_semaphore(%run_scoped3A : memref<!tpu.dma_semaphore, #tpu.memory_space<semaphore_mem>>)
      %dma_wait3A_194 = arith.constant 0 : i32
      %dma_wait3A_195 = tpu.memref_slice %arg11[%add3A_36, %dma_wait3A_194] : memref<10240x32xf32, #tpu.memory_space<vmem_shared>> -> memref<40x32xf32, #tpu.memory_space<vmem_shared>>
      %dma_wait3A_196 = arith.constant 0 : i32
      %dma_wait3A_197 = tpu.memref_slice %arg11[%add3A_36, %dma_wait3A_196] : memref<10240x32xf32, #tpu.memory_space<vmem_shared>> -> memref<40x32xf32, #tpu.memory_space<vmem_shared>>
      tpu.wait_dma2 semaphore(%run_scoped3A : memref<!tpu.dma_semaphore, #tpu.memory_space<semaphore_mem>>) src(%arg9 : memref<40x32xf32, #tpu.memory_space<vmem>>) dst(%dma_wait3A_197 : memref<40x32xf32, #tpu.memory_space<vmem_shared>>)
      tpu.yield
    }) : () -> ()
    %add3A_37 = arith.constant 480 : i32
    %add3A_38 = arith.addi %mul3A_0, %add3A_37 : i32
    "tpu.region"() ({
      %run_scoped3A = tpu.sem_alloc : memref<!tpu.dma_semaphore, #tpu.memory_space<semaphore_mem>>
      %dma_start3A_190 = arith.constant 0 : i32
      %dma_start3A_191 = tpu.memref_slice %arg11[%add3A_38, %dma_start3A_190] : memref<10240x32xf32, #tpu.memory_space<vmem_shared>> -> memref<40x32xf32, #tpu.memory_space<vmem_shared>>
      %dma_start3A_192 = arith.constant 0 : i32
      %dma_start3A_193 = tpu.memref_slice %arg11[%add3A_38, %dma_start3A_192] : memref<10240x32xf32, #tpu.memory_space<vmem_shared>> -> memref<40x32xf32, #tpu.memory_space<vmem_shared>>
      tpu.enqueue_dma source(%arg9 : memref<40x32xf32, #tpu.memory_space<vmem>>) target(%dma_start3A_193 : memref<40x32xf32, #tpu.memory_space<vmem_shared>>) target_semaphore(%run_scoped3A : memref<!tpu.dma_semaphore, #tpu.memory_space<semaphore_mem>>)
      %dma_wait3A_194 = arith.constant 0 : i32
      %dma_wait3A_195 = tpu.memref_slice %arg11[%add3A_38, %dma_wait3A_194] : memref<10240x32xf32, #tpu.memory_space<vmem_shared>> -> memref<40x32xf32, #tpu.memory_space<vmem_shared>>
      %dma_wait3A_196 = arith.constant 0 : i32
      %dma_wait3A_197 = tpu.memref_slice %arg11[%add3A_38, %dma_wait3A_196] : memref<10240x32xf32, #tpu.memory_space<vmem_shared>> -> memref<40x32xf32, #tpu.memory_space<vmem_shared>>
      tpu.wait_dma2 semaphore(%run_scoped3A : memref<!tpu.dma_semaphore, #tpu.memory_space<semaphore_mem>>) src(%arg9 : memref<40x32xf32, #tpu.memory_space<vmem>>) dst(%dma_wait3A_197 : memref<40x32xf32, #tpu.memory_space<vmem_shared>>)
      tpu.yield
    }) : () -> ()
    %add3A_39 = arith.constant 520 : i32
    %add3A_40 = arith.addi %mul3A_0, %add3A_39 : i32
    "tpu.region"() ({
      %run_scoped3A = tpu.sem_alloc : memref<!tpu.dma_semaphore, #tpu.memory_space<semaphore_mem>>
      %dma_start3A_190 = arith.constant 0 : i32
      %dma_start3A_191 = tpu.memref_slice %arg11[%add3A_40, %dma_start3A_190] : memref<10240x32xf32, #tpu.memory_space<vmem_shared>> -> memref<40x32xf32, #tpu.memory_space<vmem_shared>>
      %dma_start3A_192 = arith.constant 0 : i32
      %dma_start3A_193 = tpu.memref_slice %arg11[%add3A_40, %dma_start3A_192] : memref<10240x32xf32, #tpu.memory_space<vmem_shared>> -> memref<40x32xf32, #tpu.memory_space<vmem_shared>>
      tpu.enqueue_dma source(%arg9 : memref<40x32xf32, #tpu.memory_space<vmem>>) target(%dma_start3A_193 : memref<40x32xf32, #tpu.memory_space<vmem_shared>>) target_semaphore(%run_scoped3A : memref<!tpu.dma_semaphore, #tpu.memory_space<semaphore_mem>>)
      %dma_wait3A_194 = arith.constant 0 : i32
      %dma_wait3A_195 = tpu.memref_slice %arg11[%add3A_40, %dma_wait3A_194] : memref<10240x32xf32, #tpu.memory_space<vmem_shared>> -> memref<40x32xf32, #tpu.memory_space<vmem_shared>>
      %dma_wait3A_196 = arith.constant 0 : i32
      %dma_wait3A_197 = tpu.memref_slice %arg11[%add3A_40, %dma_wait3A_196] : memref<10240x32xf32, #tpu.memory_space<vmem_shared>> -> memref<40x32xf32, #tpu.memory_space<vmem_shared>>
      tpu.wait_dma2 semaphore(%run_scoped3A : memref<!tpu.dma_semaphore, #tpu.memory_space<semaphore_mem>>) src(%arg9 : memref<40x32xf32, #tpu.memory_space<vmem>>) dst(%dma_wait3A_197 : memref<40x32xf32, #tpu.memory_space<vmem_shared>>)
      tpu.yield
    }) : () -> ()
    %add3A_41 = arith.constant 560 : i32
    %add3A_42 = arith.addi %mul3A_0, %add3A_41 : i32
    "tpu.region"() ({
      %run_scoped3A = tpu.sem_alloc : memref<!tpu.dma_semaphore, #tpu.memory_space<semaphore_mem>>
      %dma_start3A_190 = arith.constant 0 : i32
      %dma_start3A_191 = tpu.memref_slice %arg11[%add3A_42, %dma_start3A_190] : memref<10240x32xf32, #tpu.memory_space<vmem_shared>> -> memref<40x32xf32, #tpu.memory_space<vmem_shared>>
      %dma_start3A_192 = arith.constant 0 : i32
      %dma_start3A_193 = tpu.memref_slice %arg11[%add3A_42, %dma_start3A_192] : memref<10240x32xf32, #tpu.memory_space<vmem_shared>> -> memref<40x32xf32, #tpu.memory_space<vmem_shared>>
      tpu.enqueue_dma source(%arg9 : memref<40x32xf32, #tpu.memory_space<vmem>>) target(%dma_start3A_193 : memref<40x32xf32, #tpu.memory_space<vmem_shared>>) target_semaphore(%run_scoped3A : memref<!tpu.dma_semaphore, #tpu.memory_space<semaphore_mem>>)
      %dma_wait3A_194 = arith.constant 0 : i32
      %dma_wait3A_195 = tpu.memref_slice %arg11[%add3A_42, %dma_wait3A_194] : memref<10240x32xf32, #tpu.memory_space<vmem_shared>> -> memref<40x32xf32, #tpu.memory_space<vmem_shared>>
      %dma_wait3A_196 = arith.constant 0 : i32
      %dma_wait3A_197 = tpu.memref_slice %arg11[%add3A_42, %dma_wait3A_196] : memref<10240x32xf32, #tpu.memory_space<vmem_shared>> -> memref<40x32xf32, #tpu.memory_space<vmem_shared>>
      tpu.wait_dma2 semaphore(%run_scoped3A : memref<!tpu.dma_semaphore, #tpu.memory_space<semaphore_mem>>) src(%arg9 : memref<40x32xf32, #tpu.memory_space<vmem>>) dst(%dma_wait3A_197 : memref<40x32xf32, #tpu.memory_space<vmem_shared>>)
      tpu.yield
    }) : () -> ()
    %add3A_43 = arith.constant 600 : i32
    %add3A_44 = arith.addi %mul3A_0, %add3A_43 : i32
    "tpu.region"() ({
      %run_scoped3A = tpu.sem_alloc : memref<!tpu.dma_semaphore, #tpu.memory_space<semaphore_mem>>
      %dma_start3A_190 = arith.constant 0 : i32
      %dma_start3A_191 = tpu.memref_slice %arg11[%add3A_44, %dma_start3A_190] : memref<10240x32xf32, #tpu.memory_space<vmem_shared>> -> memref<40x32xf32, #tpu.memory_space<vmem_shared>>
      %dma_start3A_192 = arith.constant 0 : i32
      %dma_start3A_193 = tpu.memref_slice %arg11[%add3A_44, %dma_start3A_192] : memref<10240x32xf32, #tpu.memory_space<vmem_shared>> -> memref<40x32xf32, #tpu.memory_space<vmem_shared>>
      tpu.enqueue_dma source(%arg9 : memref<40x32xf32, #tpu.memory_space<vmem>>) target(%dma_start3A_193 : memref<40x32xf32, #tpu.memory_space<vmem_shared>>) target_semaphore(%run_scoped3A : memref<!tpu.dma_semaphore, #tpu.memory_space<semaphore_mem>>)
      %dma_wait3A_194 = arith.constant 0 : i32
      %dma_wait3A_195 = tpu.memref_slice %arg11[%add3A_44, %dma_wait3A_194] : memref<10240x32xf32, #tpu.memory_space<vmem_shared>> -> memref<40x32xf32, #tpu.memory_space<vmem_shared>>
      %dma_wait3A_196 = arith.constant 0 : i32
      %dma_wait3A_197 = tpu.memref_slice %arg11[%add3A_44, %dma_wait3A_196] : memref<10240x32xf32, #tpu.memory_space<vmem_shared>> -> memref<40x32xf32, #tpu.memory_space<vmem_shared>>
      tpu.wait_dma2 semaphore(%run_scoped3A : memref<!tpu.dma_semaphore, #tpu.memory_space<semaphore_mem>>) src(%arg9 : memref<40x32xf32, #tpu.memory_space<vmem>>) dst(%dma_wait3A_197 : memref<40x32xf32, #tpu.memory_space<vmem_shared>>)
      tpu.yield
    }) : () -> ()
    %dma_wait3A = arith.constant 0 : i32
    %dma_wait3A_45 = tpu.memref_slice %arg10[%mul3A_0, %dma_wait3A] : memref<10240x32xf32, #tpu.memory_space<vmem_shared>> -> memref<640x32xf32, #tpu.memory_space<vmem_shared>>
    %dma_wait3A_46 = arith.constant 0 : i32
    %dma_wait3A_47 = tpu.memref_slice %arg2[%arg0, %mul3A_0, %dma_wait3A_46] : memref<2x10240x32xf32, #tpu.memory_space<hbm>> -> memref<1x640x32xf32, #tpu.memory_space<hbm>>
    %dma_wait3A_48 = tpu.memref_squeeze %dma_wait3A_47 : memref<1x640x32xf32, #tpu.memory_space<hbm>> -> memref<640x32xf32, #tpu.memory_space<hbm>>
    tpu.wait_dma2 semaphore(%arg14 : memref<!tpu.dma_semaphore, #tpu.memory_space<semaphore_mem>>) src(%dma_wait3A_48 : memref<640x32xf32, #tpu.memory_space<hbm>>) dst(%dma_wait3A_45 : memref<640x32xf32, #tpu.memory_space<vmem_shared>>)
    %barrier3A = arith.constant 0 : index
    tpu.barrier barrier_id(%barrier3A)
    %dma_start3A_49 = arith.constant 0 : i32
    %dma_start3A_50 = arith.constant 0 : i32
    %dma_start3A_51 = arith.constant 0 : i32
    %dma_start3A_52 = arith.constant 0 : i32
    %dma_start3A_53 = arith.constant 0 : i32
    %dma_start3A_54 = tpu.memref_slice %arg8[%dma_start3A_50, %dma_start3A_52, %dma_start3A_53] : memref<5x125x32xf32, #tpu.memory_space<vmem>> -> memref<1x125x32xf32, #tpu.memory_space<vmem>>
    %dma_start3A_55 = tpu.memref_squeeze %dma_start3A_54 : memref<1x125x32xf32, #tpu.memory_space<vmem>> -> memref<125x32xf32, #tpu.memory_space<vmem>>
    %dma_start3A_56 = arith.constant 0 : i32
    %dma_start3A_57 = tpu.memref_slice %arg6[%dma_start3A_49, %dma_start3A_56] : memref<160x125xi32, #tpu.memory_space<vmem>> -> memref<1x125xi32, #tpu.memory_space<vmem>>
    %dma_start3A_58 = tpu.memref_squeeze %dma_start3A_57 : memref<1x125xi32, #tpu.memory_space<vmem>> -> memref<125xi32, #tpu.memory_space<vmem>>
    %dma_start3A_59 = arith.constant 0 : i32
    %dma_start3A_60 = arith.constant 0 : i32
    %dma_start3A_61 = tpu.memref_slice %arg10[%dma_start3A_59, %dma_start3A_60] : memref<10240x32xf32, #tpu.memory_space<vmem_shared>> -> memref<10240x32xf32, #tpu.memory_space<vmem_shared>>
    %dma_start3A_62 = tpu.memref_slice %arg12[%dma_start3A_51] : memref<5x!tpu.dma_semaphore, #tpu.memory_space<semaphore_mem>> -> memref<1x!tpu.dma_semaphore, #tpu.memory_space<semaphore_mem>>
    %dma_start3A_63 = tpu.memref_squeeze %dma_start3A_62 : memref<1x!tpu.dma_semaphore, #tpu.memory_space<semaphore_mem>> -> memref<!tpu.dma_semaphore, #tpu.memory_space<semaphore_mem>>
    tpu.enqueue_indirect_dma source(%dma_start3A_61 : memref<10240x32xf32, #tpu.memory_space<vmem_shared>>) target(%dma_start3A_55 : memref<125x32xf32, #tpu.memory_space<vmem>>) offsets(%dma_start3A_58 : memref<125xi32, #tpu.memory_space<vmem>>) semaphore(%dma_start3A_63 : memref<!tpu.dma_semaphore, #tpu.memory_space<semaphore_mem>>)
    %dma_start3A_64 = arith.constant 1 : i32
    %dma_start3A_65 = arith.constant 1 : i32
    %dma_start3A_66 = arith.constant 1 : i32
    %dma_start3A_67 = arith.constant 0 : i32
    %dma_start3A_68 = arith.constant 0 : i32
    %dma_start3A_69 = tpu.memref_slice %arg8[%dma_start3A_65, %dma_start3A_67, %dma_start3A_68] : memref<5x125x32xf32, #tpu.memory_space<vmem>> -> memref<1x125x32xf32, #tpu.memory_space<vmem>>
    %dma_start3A_70 = tpu.memref_squeeze %dma_start3A_69 : memref<1x125x32xf32, #tpu.memory_space<vmem>> -> memref<125x32xf32, #tpu.memory_space<vmem>>
    %dma_start3A_71 = arith.constant 0 : i32
    %dma_start3A_72 = tpu.memref_slice %arg6[%dma_start3A_64, %dma_start3A_71] : memref<160x125xi32, #tpu.memory_space<vmem>> -> memref<1x125xi32, #tpu.memory_space<vmem>>
    %dma_start3A_73 = tpu.memref_squeeze %dma_start3A_72 : memref<1x125xi32, #tpu.memory_space<vmem>> -> memref<125xi32, #tpu.memory_space<vmem>>
    %dma_start3A_74 = arith.constant 0 : i32
    %dma_start3A_75 = arith.constant 0 : i32
    %dma_start3A_76 = tpu.memref_slice %arg10[%dma_start3A_74, %dma_start3A_75] : memref<10240x32xf32, #tpu.memory_space<vmem_shared>> -> memref<10240x32xf32, #tpu.memory_space<vmem_shared>>
    %dma_start3A_77 = tpu.memref_slice %arg12[%dma_start3A_66] : memref<5x!tpu.dma_semaphore, #tpu.memory_space<semaphore_mem>> -> memref<1x!tpu.dma_semaphore, #tpu.memory_space<semaphore_mem>>
    %dma_start3A_78 = tpu.memref_squeeze %dma_start3A_77 : memref<1x!tpu.dma_semaphore, #tpu.memory_space<semaphore_mem>> -> memref<!tpu.dma_semaphore, #tpu.memory_space<semaphore_mem>>
    tpu.enqueue_indirect_dma source(%dma_start3A_76 : memref<10240x32xf32, #tpu.memory_space<vmem_shared>>) target(%dma_start3A_70 : memref<125x32xf32, #tpu.memory_space<vmem>>) offsets(%dma_start3A_73 : memref<125xi32, #tpu.memory_space<vmem>>) semaphore(%dma_start3A_78 : memref<!tpu.dma_semaphore, #tpu.memory_space<semaphore_mem>>)
    %dma_start3A_79 = arith.constant 2 : i32
    %dma_start3A_80 = arith.constant 2 : i32
    %dma_start3A_81 = arith.constant 2 : i32
    %dma_start3A_82 = arith.constant 0 : i32
    %dma_start3A_83 = arith.constant 0 : i32
    %dma_start3A_84 = tpu.memref_slice %arg8[%dma_start3A_80, %dma_start3A_82, %dma_start3A_83] : memref<5x125x32xf32, #tpu.memory_space<vmem>> -> memref<1x125x32xf32, #tpu.memory_space<vmem>>
    %dma_start3A_85 = tpu.memref_squeeze %dma_start3A_84 : memref<1x125x32xf32, #tpu.memory_space<vmem>> -> memref<125x32xf32, #tpu.memory_space<vmem>>
    %dma_start3A_86 = arith.constant 0 : i32
    %dma_start3A_87 = tpu.memref_slice %arg6[%dma_start3A_79, %dma_start3A_86] : memref<160x125xi32, #tpu.memory_space<vmem>> -> memref<1x125xi32, #tpu.memory_space<vmem>>
    %dma_start3A_88 = tpu.memref_squeeze %dma_start3A_87 : memref<1x125xi32, #tpu.memory_space<vmem>> -> memref<125xi32, #tpu.memory_space<vmem>>
    %dma_start3A_89 = arith.constant 0 : i32
    %dma_start3A_90 = arith.constant 0 : i32
    %dma_start3A_91 = tpu.memref_slice %arg10[%dma_start3A_89, %dma_start3A_90] : memref<10240x32xf32, #tpu.memory_space<vmem_shared>> -> memref<10240x32xf32, #tpu.memory_space<vmem_shared>>
    %dma_start3A_92 = tpu.memref_slice %arg12[%dma_start3A_81] : memref<5x!tpu.dma_semaphore, #tpu.memory_space<semaphore_mem>> -> memref<1x!tpu.dma_semaphore, #tpu.memory_space<semaphore_mem>>
    %dma_start3A_93 = tpu.memref_squeeze %dma_start3A_92 : memref<1x!tpu.dma_semaphore, #tpu.memory_space<semaphore_mem>> -> memref<!tpu.dma_semaphore, #tpu.memory_space<semaphore_mem>>
    tpu.enqueue_indirect_dma source(%dma_start3A_91 : memref<10240x32xf32, #tpu.memory_space<vmem_shared>>) target(%dma_start3A_85 : memref<125x32xf32, #tpu.memory_space<vmem>>) offsets(%dma_start3A_88 : memref<125xi32, #tpu.memory_space<vmem>>) semaphore(%dma_start3A_93 : memref<!tpu.dma_semaphore, #tpu.memory_space<semaphore_mem>>)
    %scan3A_94 = arith.constant 0 : i32
    %scan3A_95 = arith.constant 32 : i32
    %scan3A_96 = arith.addi %scan3A_94, %scan3A_95 : i32
    %scan3A_97 = arith.constant 1 : i32
    scf.for %scan3A_190 = %scan3A_94 to %scan3A_96 step %scan3A_97  : i32 {
      %mul3A_191 = arith.constant 5 : i32
      %mul3A_192 = arith.muli %scan3A_190, %mul3A_191 : i32
      %add3A_193 = arith.constant 0 : i32
      %add3A_194 = arith.addi %add3A_193, %mul3A_192 : i32
      %add3A_195 = arith.constant 0 : i32
      %add3A_196 = arith.addi %add3A_194, %add3A_195 : i32
      %add3A_197 = arith.constant 3 : i32
      %add3A_198 = arith.addi %add3A_196, %add3A_197 : i32
      %lt3A = arith.constant 160 : i32
      %lt3A_199 = arith.cmpi slt, %add3A_198, %lt3A : i32
      %convert_element_type3A = arith.extui %lt3A_199 : i1 to i32
      %cond3A = arith.constant 0 : i32
      %cond3A_200 = arith.cmpi ne, %convert_element_type3A, %cond3A : i32
      scf.if %cond3A_200 {
        %ge3A = arith.constant 2 : i32
        %ge3A_397 = arith.cmpi sge, %add3A_196, %ge3A : i32
        %convert_element_type3A_398 = arith.extui %ge3A_397 : i1 to i32
        %cond3A_399 = arith.constant 0 : i32
        %cond3A_400 = arith.cmpi ne, %convert_element_type3A_398, %cond3A_399 : i32
        scf.if %cond3A_400 {
          %dma_wait3A_417 = arith.constant 3 : i32
          %dma_wait3A_418 = arith.constant 3 : i32
          %dma_wait3A_419 = arith.constant 0 : i32
          %dma_wait3A_420 = arith.constant 0 : i32
          %dma_wait3A_421 = tpu.memref_slice %arg8[%dma_wait3A_417, %dma_wait3A_419, %dma_wait3A_420] : memref<5x125x32xf32, #tpu.memory_space<vmem>> -> memref<1x125x32xf32, #tpu.memory_space<vmem>>
          %dma_wait3A_422 = tpu.memref_squeeze %dma_wait3A_421 : memref<1x125x32xf32, #tpu.memory_space<vmem>> -> memref<125x32xf32, #tpu.memory_space<vmem>>
          %dma_wait3A_423 = arith.constant 0 : i32
          %dma_wait3A_424 = arith.constant 0 : i32
          %dma_wait3A_425 = tpu.memref_slice %arg11[%dma_wait3A_423, %dma_wait3A_424] : memref<10240x32xf32, #tpu.memory_space<vmem_shared>> -> memref<125x32xf32, #tpu.memory_space<vmem_shared>>
          %dma_wait3A_426 = tpu.memref_slice %arg13[%dma_wait3A_418] : memref<5x!tpu.dma_semaphore, #tpu.memory_space<semaphore_mem>> -> memref<1x!tpu.dma_semaphore, #tpu.memory_space<semaphore_mem>>
          %dma_wait3A_427 = tpu.memref_squeeze %dma_wait3A_426 : memref<1x!tpu.dma_semaphore, #tpu.memory_space<semaphore_mem>> -> memref<!tpu.dma_semaphore, #tpu.memory_space<semaphore_mem>>
          %dma_wait3A_428 = arith.constant 0 : i32
          %dma_wait3A_429 = arith.constant 0 : i32
          %dma_wait3A_430 = tpu.memref_slice %arg11[%dma_wait3A_428, %dma_wait3A_429] : memref<10240x32xf32, #tpu.memory_space<vmem_shared>> -> memref<125x32xf32, #tpu.memory_space<vmem_shared>>
          %dma_wait3A_431 = arith.constant 0 : i32
          %dma_wait3A_432 = arith.constant 0 : i32
          %dma_wait3A_433 = tpu.memref_slice %arg8[%dma_wait3A_417, %dma_wait3A_431, %dma_wait3A_432] : memref<5x125x32xf32, #tpu.memory_space<vmem>> -> memref<1x125x32xf32, #tpu.memory_space<vmem>>
          %dma_wait3A_434 = tpu.memref_squeeze %dma_wait3A_433 : memref<1x125x32xf32, #tpu.memory_space<vmem>> -> memref<125x32xf32, #tpu.memory_space<vmem>>
          tpu.wait_dma2 semaphore(%dma_wait3A_427 : memref<!tpu.dma_semaphore, #tpu.memory_space<semaphore_mem>>) src(%dma_wait3A_434 : memref<125x32xf32, #tpu.memory_space<vmem>>) dst(%dma_wait3A_430 : memref<125x32xf32, #tpu.memory_space<vmem_shared>>)
        } else {
        }
        %add3A_401 = arith.constant 3 : i32
        %add3A_402 = arith.addi %add3A_196, %add3A_401 : i32
        %dma_start3A_403 = arith.constant 3 : i32
        %dma_start3A_404 = arith.constant 3 : i32
        %dma_start3A_405 = arith.constant 0 : i32
        %dma_start3A_406 = arith.constant 0 : i32
        %dma_start3A_407 = tpu.memref_slice %arg8[%dma_start3A_403, %dma_start3A_405, %dma_start3A_406] : memref<5x125x32xf32, #tpu.memory_space<vmem>> -> memref<1x125x32xf32, #tpu.memory_space<vmem>>
        %dma_start3A_408 = tpu.memref_squeeze %dma_start3A_407 : memref<1x125x32xf32, #tpu.memory_space<vmem>> -> memref<125x32xf32, #tpu.memory_space<vmem>>
        %dma_start3A_409 = arith.constant 0 : i32
        %dma_start3A_410 = tpu.memref_slice %arg6[%add3A_402, %dma_start3A_409] : memref<160x125xi32, #tpu.memory_space<vmem>> -> memref<1x125xi32, #tpu.memory_space<vmem>>
        %dma_start3A_411 = tpu.memref_squeeze %dma_start3A_410 : memref<1x125xi32, #tpu.memory_space<vmem>> -> memref<125xi32, #tpu.memory_space<vmem>>
        %dma_start3A_412 = arith.constant 0 : i32
        %dma_start3A_413 = arith.constant 0 : i32
        %dma_start3A_414 = tpu.memref_slice %arg10[%dma_start3A_412, %dma_start3A_413] : memref<10240x32xf32, #tpu.memory_space<vmem_shared>> -> memref<10240x32xf32, #tpu.memory_space<vmem_shared>>
        %dma_start3A_415 = tpu.memref_slice %arg12[%dma_start3A_404] : memref<5x!tpu.dma_semaphore, #tpu.memory_space<semaphore_mem>> -> memref<1x!tpu.dma_semaphore, #tpu.memory_space<semaphore_mem>>
        %dma_start3A_416 = tpu.memref_squeeze %dma_start3A_415 : memref<1x!tpu.dma_semaphore, #tpu.memory_space<semaphore_mem>> -> memref<!tpu.dma_semaphore, #tpu.memory_space<semaphore_mem>>
        tpu.enqueue_indirect_dma source(%dma_start3A_414 : memref<10240x32xf32, #tpu.memory_space<vmem_shared>>) target(%dma_start3A_408 : memref<125x32xf32, #tpu.memory_space<vmem>>) offsets(%dma_start3A_411 : memref<125xi32, #tpu.memory_space<vmem>>) semaphore(%dma_start3A_416 : memref<!tpu.dma_semaphore, #tpu.memory_space<semaphore_mem>>)
      } else {
      }
      %dma_wait3A_201 = arith.constant 0 : i32
      %dma_wait3A_202 = arith.constant 0 : i32
      %dma_wait3A_203 = arith.constant 0 : i32
      %dma_wait3A_204 = arith.constant 0 : i32
      %dma_wait3A_205 = tpu.memref_slice %arg8[%dma_wait3A_201, %dma_wait3A_203, %dma_wait3A_204] : memref<5x125x32xf32, #tpu.memory_space<vmem>> -> memref<1x125x32xf32, #tpu.memory_space<vmem>>
      %dma_wait3A_206 = tpu.memref_squeeze %dma_wait3A_205 : memref<1x125x32xf32, #tpu.memory_space<vmem>> -> memref<125x32xf32, #tpu.memory_space<vmem>>
      %dma_wait3A_207 = arith.constant 0 : i32
      %dma_wait3A_208 = arith.constant 0 : i32
      %dma_wait3A_209 = tpu.memref_slice %arg10[%dma_wait3A_207, %dma_wait3A_208] : memref<10240x32xf32, #tpu.memory_space<vmem_shared>> -> memref<125x32xf32, #tpu.memory_space<vmem_shared>>
      %dma_wait3A_210 = tpu.memref_slice %arg12[%dma_wait3A_202] : memref<5x!tpu.dma_semaphore, #tpu.memory_space<semaphore_mem>> -> memref<1x!tpu.dma_semaphore, #tpu.memory_space<semaphore_mem>>
      %dma_wait3A_211 = tpu.memref_squeeze %dma_wait3A_210 : memref<1x!tpu.dma_semaphore, #tpu.memory_space<semaphore_mem>> -> memref<!tpu.dma_semaphore, #tpu.memory_space<semaphore_mem>>
      %dma_wait3A_212 = arith.constant 0 : i32
      %dma_wait3A_213 = arith.constant 0 : i32
      %dma_wait3A_214 = tpu.memref_slice %arg8[%dma_wait3A_201, %dma_wait3A_212, %dma_wait3A_213] : memref<5x125x32xf32, #tpu.memory_space<vmem>> -> memref<1x125x32xf32, #tpu.memory_space<vmem>>
      %dma_wait3A_215 = tpu.memref_squeeze %dma_wait3A_214 : memref<1x125x32xf32, #tpu.memory_space<vmem>> -> memref<125x32xf32, #tpu.memory_space<vmem>>
      %dma_wait3A_216 = arith.constant 0 : i32
      %dma_wait3A_217 = arith.constant 0 : i32
      %dma_wait3A_218 = tpu.memref_slice %arg10[%dma_wait3A_216, %dma_wait3A_217] : memref<10240x32xf32, #tpu.memory_space<vmem_shared>> -> memref<125x32xf32, #tpu.memory_space<vmem_shared>>
      tpu.wait_dma2 semaphore(%dma_wait3A_211 : memref<!tpu.dma_semaphore, #tpu.memory_space<semaphore_mem>>) src(%dma_wait3A_218 : memref<125x32xf32, #tpu.memory_space<vmem_shared>>) dst(%dma_wait3A_215 : memref<125x32xf32, #tpu.memory_space<vmem>>)
      %dma_start3A_219 = arith.constant 0 : i32
      %dma_start3A_220 = arith.constant 0 : i32
      %dma_start3A_221 = arith.constant 0 : i32
      %dma_start3A_222 = arith.constant 0 : i32
      %dma_start3A_223 = tpu.memref_slice %arg8[%dma_start3A_219, %dma_start3A_221, %dma_start3A_222] : memref<5x125x32xf32, #tpu.memory_space<vmem>> -> memref<1x125x32xf32, #tpu.memory_space<vmem>>
      %dma_start3A_224 = tpu.memref_squeeze %dma_start3A_223 : memref<1x125x32xf32, #tpu.memory_space<vmem>> -> memref<125x32xf32, #tpu.memory_space<vmem>>
      %dma_start3A_225 = arith.constant 0 : i32
      %dma_start3A_226 = tpu.memref_slice %arg7[%add3A_196, %dma_start3A_225] : memref<160x125xi32, #tpu.memory_space<vmem>> -> memref<1x125xi32, #tpu.memory_space<vmem>>
      %dma_start3A_227 = tpu.memref_squeeze %dma_start3A_226 : memref<1x125xi32, #tpu.memory_space<vmem>> -> memref<125xi32, #tpu.memory_space<vmem>>
      %dma_start3A_228 = arith.constant 0 : i32
      %dma_start3A_229 = arith.constant 0 : i32
      %dma_start3A_230 = tpu.memref_slice %arg11[%dma_start3A_228, %dma_start3A_229] : memref<10240x32xf32, #tpu.memory_space<vmem_shared>> -> memref<10240x32xf32, #tpu.memory_space<vmem_shared>>
      %dma_start3A_231 = tpu.memref_slice %arg13[%dma_start3A_220] : memref<5x!tpu.dma_semaphore, #tpu.memory_space<semaphore_mem>> -> memref<1x!tpu.dma_semaphore, #tpu.memory_space<semaphore_mem>>
      %dma_start3A_232 = tpu.memref_squeeze %dma_start3A_231 : memref<1x!tpu.dma_semaphore, #tpu.memory_space<semaphore_mem>> -> memref<!tpu.dma_semaphore, #tpu.memory_space<semaphore_mem>>
      tpu.enqueue_indirect_dma source(%dma_start3A_224 : memref<125x32xf32, #tpu.memory_space<vmem>>) target(%dma_start3A_230 : memref<10240x32xf32, #tpu.memory_space<vmem_shared>>) offsets(%dma_start3A_227 : memref<125xi32, #tpu.memory_space<vmem>>) semaphore(%dma_start3A_232 : memref<!tpu.dma_semaphore, #tpu.memory_space<semaphore_mem>>) {add = true}
      %add3A_233 = arith.constant 1 : i32
      %add3A_234 = arith.addi %add3A_194, %add3A_233 : i32
      %add3A_235 = arith.constant 3 : i32
      %add3A_236 = arith.addi %add3A_234, %add3A_235 : i32
      %lt3A_237 = arith.constant 160 : i32
      %lt3A_238 = arith.cmpi slt, %add3A_236, %lt3A_237 : i32
      %convert_element_type3A_239 = arith.extui %lt3A_238 : i1 to i32
      %cond3A_240 = arith.constant 0 : i32
      %cond3A_241 = arith.cmpi ne, %convert_element_type3A_239, %cond3A_240 : i32
      scf.if %cond3A_241 {
        %ge3A = arith.constant 2 : i32
        %ge3A_397 = arith.cmpi sge, %add3A_234, %ge3A : i32
        %convert_element_type3A_398 = arith.extui %ge3A_397 : i1 to i32
        %cond3A_399 = arith.constant 0 : i32
        %cond3A_400 = arith.cmpi ne, %convert_element_type3A_398, %cond3A_399 : i32
        scf.if %cond3A_400 {
          %dma_wait3A_417 = arith.constant 4 : i32
          %dma_wait3A_418 = arith.constant 4 : i32
          %dma_wait3A_419 = arith.constant 0 : i32
          %dma_wait3A_420 = arith.constant 0 : i32
          %dma_wait3A_421 = tpu.memref_slice %arg8[%dma_wait3A_417, %dma_wait3A_419, %dma_wait3A_420] : memref<5x125x32xf32, #tpu.memory_space<vmem>> -> memref<1x125x32xf32, #tpu.memory_space<vmem>>
          %dma_wait3A_422 = tpu.memref_squeeze %dma_wait3A_421 : memref<1x125x32xf32, #tpu.memory_space<vmem>> -> memref<125x32xf32, #tpu.memory_space<vmem>>
          %dma_wait3A_423 = arith.constant 0 : i32
          %dma_wait3A_424 = arith.constant 0 : i32
          %dma_wait3A_425 = tpu.memref_slice %arg11[%dma_wait3A_423, %dma_wait3A_424] : memref<10240x32xf32, #tpu.memory_space<vmem_shared>> -> memref<125x32xf32, #tpu.memory_space<vmem_shared>>
          %dma_wait3A_426 = tpu.memref_slice %arg13[%dma_wait3A_418] : memref<5x!tpu.dma_semaphore, #tpu.memory_space<semaphore_mem>> -> memref<1x!tpu.dma_semaphore, #tpu.memory_space<semaphore_mem>>
          %dma_wait3A_427 = tpu.memref_squeeze %dma_wait3A_426 : memref<1x!tpu.dma_semaphore, #tpu.memory_space<semaphore_mem>> -> memref<!tpu.dma_semaphore, #tpu.memory_space<semaphore_mem>>
          %dma_wait3A_428 = arith.constant 0 : i32
          %dma_wait3A_429 = arith.constant 0 : i32
          %dma_wait3A_430 = tpu.memref_slice %arg11[%dma_wait3A_428, %dma_wait3A_429] : memref<10240x32xf32, #tpu.memory_space<vmem_shared>> -> memref<125x32xf32, #tpu.memory_space<vmem_shared>>
          %dma_wait3A_431 = arith.constant 0 : i32
          %dma_wait3A_432 = arith.constant 0 : i32
          %dma_wait3A_433 = tpu.memref_slice %arg8[%dma_wait3A_417, %dma_wait3A_431, %dma_wait3A_432] : memref<5x125x32xf32, #tpu.memory_space<vmem>> -> memref<1x125x32xf32, #tpu.memory_space<vmem>>
          %dma_wait3A_434 = tpu.memref_squeeze %dma_wait3A_433 : memref<1x125x32xf32, #tpu.memory_space<vmem>> -> memref<125x32xf32, #tpu.memory_space<vmem>>
          tpu.wait_dma2 semaphore(%dma_wait3A_427 : memref<!tpu.dma_semaphore, #tpu.memory_space<semaphore_mem>>) src(%dma_wait3A_434 : memref<125x32xf32, #tpu.memory_space<vmem>>) dst(%dma_wait3A_430 : memref<125x32xf32, #tpu.memory_space<vmem_shared>>)
        } else {
        }
        %add3A_401 = arith.constant 3 : i32
        %add3A_402 = arith.addi %add3A_234, %add3A_401 : i32
        %dma_start3A_403 = arith.constant 4 : i32
        %dma_start3A_404 = arith.constant 4 : i32
        %dma_start3A_405 = arith.constant 0 : i32
        %dma_start3A_406 = arith.constant 0 : i32
        %dma_start3A_407 = tpu.memref_slice %arg8[%dma_start3A_403, %dma_start3A_405, %dma_start3A_406] : memref<5x125x32xf32, #tpu.memory_space<vmem>> -> memref<1x125x32xf32, #tpu.memory_space<vmem>>
        %dma_start3A_408 = tpu.memref_squeeze %dma_start3A_407 : memref<1x125x32xf32, #tpu.memory_space<vmem>> -> memref<125x32xf32, #tpu.memory_space<vmem>>
        %dma_start3A_409 = arith.constant 0 : i32
        %dma_start3A_410 = tpu.memref_slice %arg6[%add3A_402, %dma_start3A_409] : memref<160x125xi32, #tpu.memory_space<vmem>> -> memref<1x125xi32, #tpu.memory_space<vmem>>
        %dma_start3A_411 = tpu.memref_squeeze %dma_start3A_410 : memref<1x125xi32, #tpu.memory_space<vmem>> -> memref<125xi32, #tpu.memory_space<vmem>>
        %dma_start3A_412 = arith.constant 0 : i32
        %dma_start3A_413 = arith.constant 0 : i32
        %dma_start3A_414 = tpu.memref_slice %arg10[%dma_start3A_412, %dma_start3A_413] : memref<10240x32xf32, #tpu.memory_space<vmem_shared>> -> memref<10240x32xf32, #tpu.memory_space<vmem_shared>>
        %dma_start3A_415 = tpu.memref_slice %arg12[%dma_start3A_404] : memref<5x!tpu.dma_semaphore, #tpu.memory_space<semaphore_mem>> -> memref<1x!tpu.dma_semaphore, #tpu.memory_space<semaphore_mem>>
        %dma_start3A_416 = tpu.memref_squeeze %dma_start3A_415 : memref<1x!tpu.dma_semaphore, #tpu.memory_space<semaphore_mem>> -> memref<!tpu.dma_semaphore, #tpu.memory_space<semaphore_mem>>
        tpu.enqueue_indirect_dma source(%dma_start3A_414 : memref<10240x32xf32, #tpu.memory_space<vmem_shared>>) target(%dma_start3A_408 : memref<125x32xf32, #tpu.memory_space<vmem>>) offsets(%dma_start3A_411 : memref<125xi32, #tpu.memory_space<vmem>>) semaphore(%dma_start3A_416 : memref<!tpu.dma_semaphore, #tpu.memory_space<semaphore_mem>>)
      } else {
      }
      %dma_wait3A_242 = arith.constant 1 : i32
      %dma_wait3A_243 = arith.constant 1 : i32
      %dma_wait3A_244 = arith.constant 0 : i32
      %dma_wait3A_245 = arith.constant 0 : i32
      %dma_wait3A_246 = tpu.memref_slice %arg8[%dma_wait3A_242, %dma_wait3A_244, %dma_wait3A_245] : memref<5x125x32xf32, #tpu.memory_space<vmem>> -> memref<1x125x32xf32, #tpu.memory_space<vmem>>
      %dma_wait3A_247 = tpu.memref_squeeze %dma_wait3A_246 : memref<1x125x32xf32, #tpu.memory_space<vmem>> -> memref<125x32xf32, #tpu.memory_space<vmem>>
      %dma_wait3A_248 = arith.constant 0 : i32
      %dma_wait3A_249 = arith.constant 0 : i32
      %dma_wait3A_250 = tpu.memref_slice %arg10[%dma_wait3A_248, %dma_wait3A_249] : memref<10240x32xf32, #tpu.memory_space<vmem_shared>> -> memref<125x32xf32, #tpu.memory_space<vmem_shared>>
      %dma_wait3A_251 = tpu.memref_slice %arg12[%dma_wait3A_243] : memref<5x!tpu.dma_semaphore, #tpu.memory_space<semaphore_mem>> -> memref<1x!tpu.dma_semaphore, #tpu.memory_space<semaphore_mem>>
      %dma_wait3A_252 = tpu.memref_squeeze %dma_wait3A_251 : memref<1x!tpu.dma_semaphore, #tpu.memory_space<semaphore_mem>> -> memref<!tpu.dma_semaphore, #tpu.memory_space<semaphore_mem>>
      %dma_wait3A_253 = arith.constant 0 : i32
      %dma_wait3A_254 = arith.constant 0 : i32
      %dma_wait3A_255 = tpu.memref_slice %arg8[%dma_wait3A_242, %dma_wait3A_253, %dma_wait3A_254] : memref<5x125x32xf32, #tpu.memory_space<vmem>> -> memref<1x125x32xf32, #tpu.memory_space<vmem>>
      %dma_wait3A_256 = tpu.memref_squeeze %dma_wait3A_255 : memref<1x125x32xf32, #tpu.memory_space<vmem>> -> memref<125x32xf32, #tpu.memory_space<vmem>>
      %dma_wait3A_257 = arith.constant 0 : i32
      %dma_wait3A_258 = arith.constant 0 : i32
      %dma_wait3A_259 = tpu.memref_slice %arg10[%dma_wait3A_257, %dma_wait3A_258] : memref<10240x32xf32, #tpu.memory_space<vmem_shared>> -> memref<125x32xf32, #tpu.memory_space<vmem_shared>>
      tpu.wait_dma2 semaphore(%dma_wait3A_252 : memref<!tpu.dma_semaphore, #tpu.memory_space<semaphore_mem>>) src(%dma_wait3A_259 : memref<125x32xf32, #tpu.memory_space<vmem_shared>>) dst(%dma_wait3A_256 : memref<125x32xf32, #tpu.memory_space<vmem>>)
      %dma_start3A_260 = arith.constant 1 : i32
      %dma_start3A_261 = arith.constant 1 : i32
      %dma_start3A_262 = arith.constant 0 : i32
      %dma_start3A_263 = arith.constant 0 : i32
      %dma_start3A_264 = tpu.memref_slice %arg8[%dma_start3A_260, %dma_start3A_262, %dma_start3A_263] : memref<5x125x32xf32, #tpu.memory_space<vmem>> -> memref<1x125x32xf32, #tpu.memory_space<vmem>>
      %dma_start3A_265 = tpu.memref_squeeze %dma_start3A_264 : memref<1x125x32xf32, #tpu.memory_space<vmem>> -> memref<125x32xf32, #tpu.memory_space<vmem>>
      %dma_start3A_266 = arith.constant 0 : i32
      %dma_start3A_267 = tpu.memref_slice %arg7[%add3A_234, %dma_start3A_266] : memref<160x125xi32, #tpu.memory_space<vmem>> -> memref<1x125xi32, #tpu.memory_space<vmem>>
      %dma_start3A_268 = tpu.memref_squeeze %dma_start3A_267 : memref<1x125xi32, #tpu.memory_space<vmem>> -> memref<125xi32, #tpu.memory_space<vmem>>
      %dma_start3A_269 = arith.constant 0 : i32
      %dma_start3A_270 = arith.constant 0 : i32
      %dma_start3A_271 = tpu.memref_slice %arg11[%dma_start3A_269, %dma_start3A_270] : memref<10240x32xf32, #tpu.memory_space<vmem_shared>> -> memref<10240x32xf32, #tpu.memory_space<vmem_shared>>
      %dma_start3A_272 = tpu.memref_slice %arg13[%dma_start3A_261] : memref<5x!tpu.dma_semaphore, #tpu.memory_space<semaphore_mem>> -> memref<1x!tpu.dma_semaphore, #tpu.memory_space<semaphore_mem>>
      %dma_start3A_273 = tpu.memref_squeeze %dma_start3A_272 : memref<1x!tpu.dma_semaphore, #tpu.memory_space<semaphore_mem>> -> memref<!tpu.dma_semaphore, #tpu.memory_space<semaphore_mem>>
      tpu.enqueue_indirect_dma source(%dma_start3A_265 : memref<125x32xf32, #tpu.memory_space<vmem>>) target(%dma_start3A_271 : memref<10240x32xf32, #tpu.memory_space<vmem_shared>>) offsets(%dma_start3A_268 : memref<125xi32, #tpu.memory_space<vmem>>) semaphore(%dma_start3A_273 : memref<!tpu.dma_semaphore, #tpu.memory_space<semaphore_mem>>) {add = true}
      %add3A_274 = arith.constant 2 : i32
      %add3A_275 = arith.addi %add3A_194, %add3A_274 : i32
      %add3A_276 = arith.constant 3 : i32
      %add3A_277 = arith.addi %add3A_275, %add3A_276 : i32
      %lt3A_278 = arith.constant 160 : i32
      %lt3A_279 = arith.cmpi slt, %add3A_277, %lt3A_278 : i32
      %convert_element_type3A_280 = arith.extui %lt3A_279 : i1 to i32
      %cond3A_281 = arith.constant 0 : i32
      %cond3A_282 = arith.cmpi ne, %convert_element_type3A_280, %cond3A_281 : i32
      scf.if %cond3A_282 {
        %ge3A = arith.constant 2 : i32
        %ge3A_397 = arith.cmpi sge, %add3A_275, %ge3A : i32
        %convert_element_type3A_398 = arith.extui %ge3A_397 : i1 to i32
        %cond3A_399 = arith.constant 0 : i32
        %cond3A_400 = arith.cmpi ne, %convert_element_type3A_398, %cond3A_399 : i32
        scf.if %cond3A_400 {
          %dma_wait3A_417 = arith.constant 0 : i32
          %dma_wait3A_418 = arith.constant 0 : i32
          %dma_wait3A_419 = arith.constant 0 : i32
          %dma_wait3A_420 = arith.constant 0 : i32
          %dma_wait3A_421 = tpu.memref_slice %arg8[%dma_wait3A_417, %dma_wait3A_419, %dma_wait3A_420] : memref<5x125x32xf32, #tpu.memory_space<vmem>> -> memref<1x125x32xf32, #tpu.memory_space<vmem>>
          %dma_wait3A_422 = tpu.memref_squeeze %dma_wait3A_421 : memref<1x125x32xf32, #tpu.memory_space<vmem>> -> memref<125x32xf32, #tpu.memory_space<vmem>>
          %dma_wait3A_423 = arith.constant 0 : i32
          %dma_wait3A_424 = arith.constant 0 : i32
          %dma_wait3A_425 = tpu.memref_slice %arg11[%dma_wait3A_423, %dma_wait3A_424] : memref<10240x32xf32, #tpu.memory_space<vmem_shared>> -> memref<125x32xf32, #tpu.memory_space<vmem_shared>>
          %dma_wait3A_426 = tpu.memref_slice %arg13[%dma_wait3A_418] : memref<5x!tpu.dma_semaphore, #tpu.memory_space<semaphore_mem>> -> memref<1x!tpu.dma_semaphore, #tpu.memory_space<semaphore_mem>>
          %dma_wait3A_427 = tpu.memref_squeeze %dma_wait3A_426 : memref<1x!tpu.dma_semaphore, #tpu.memory_space<semaphore_mem>> -> memref<!tpu.dma_semaphore, #tpu.memory_space<semaphore_mem>>
          %dma_wait3A_428 = arith.constant 0 : i32
          %dma_wait3A_429 = arith.constant 0 : i32
          %dma_wait3A_430 = tpu.memref_slice %arg11[%dma_wait3A_428, %dma_wait3A_429] : memref<10240x32xf32, #tpu.memory_space<vmem_shared>> -> memref<125x32xf32, #tpu.memory_space<vmem_shared>>
          %dma_wait3A_431 = arith.constant 0 : i32
          %dma_wait3A_432 = arith.constant 0 : i32
          %dma_wait3A_433 = tpu.memref_slice %arg8[%dma_wait3A_417, %dma_wait3A_431, %dma_wait3A_432] : memref<5x125x32xf32, #tpu.memory_space<vmem>> -> memref<1x125x32xf32, #tpu.memory_space<vmem>>
          %dma_wait3A_434 = tpu.memref_squeeze %dma_wait3A_433 : memref<1x125x32xf32, #tpu.memory_space<vmem>> -> memref<125x32xf32, #tpu.memory_space<vmem>>
          tpu.wait_dma2 semaphore(%dma_wait3A_427 : memref<!tpu.dma_semaphore, #tpu.memory_space<semaphore_mem>>) src(%dma_wait3A_434 : memref<125x32xf32, #tpu.memory_space<vmem>>) dst(%dma_wait3A_430 : memref<125x32xf32, #tpu.memory_space<vmem_shared>>)
        } else {
        }
        %add3A_401 = arith.constant 3 : i32
        %add3A_402 = arith.addi %add3A_275, %add3A_401 : i32
        %dma_start3A_403 = arith.constant 0 : i32
        %dma_start3A_404 = arith.constant 0 : i32
        %dma_start3A_405 = arith.constant 0 : i32
        %dma_start3A_406 = arith.constant 0 : i32
        %dma_start3A_407 = tpu.memref_slice %arg8[%dma_start3A_403, %dma_start3A_405, %dma_start3A_406] : memref<5x125x32xf32, #tpu.memory_space<vmem>> -> memref<1x125x32xf32, #tpu.memory_space<vmem>>
        %dma_start3A_408 = tpu.memref_squeeze %dma_start3A_407 : memref<1x125x32xf32, #tpu.memory_space<vmem>> -> memref<125x32xf32, #tpu.memory_space<vmem>>
        %dma_start3A_409 = arith.constant 0 : i32
        %dma_start3A_410 = tpu.memref_slice %arg6[%add3A_402, %dma_start3A_409] : memref<160x125xi32, #tpu.memory_space<vmem>> -> memref<1x125xi32, #tpu.memory_space<vmem>>
        %dma_start3A_411 = tpu.memref_squeeze %dma_start3A_410 : memref<1x125xi32, #tpu.memory_space<vmem>> -> memref<125xi32, #tpu.memory_space<vmem>>
        %dma_start3A_412 = arith.constant 0 : i32
        %dma_start3A_413 = arith.constant 0 : i32
        %dma_start3A_414 = tpu.memref_slice %arg10[%dma_start3A_412, %dma_start3A_413] : memref<10240x32xf32, #tpu.memory_space<vmem_shared>> -> memref<10240x32xf32, #tpu.memory_space<vmem_shared>>
        %dma_start3A_415 = tpu.memref_slice %arg12[%dma_start3A_404] : memref<5x!tpu.dma_semaphore, #tpu.memory_space<semaphore_mem>> -> memref<1x!tpu.dma_semaphore, #tpu.memory_space<semaphore_mem>>
        %dma_start3A_416 = tpu.memref_squeeze %dma_start3A_415 : memref<1x!tpu.dma_semaphore, #tpu.memory_space<semaphore_mem>> -> memref<!tpu.dma_semaphore, #tpu.memory_space<semaphore_mem>>
        tpu.enqueue_indirect_dma source(%dma_start3A_414 : memref<10240x32xf32, #tpu.memory_space<vmem_shared>>) target(%dma_start3A_408 : memref<125x32xf32, #tpu.memory_space<vmem>>) offsets(%dma_start3A_411 : memref<125xi32, #tpu.memory_space<vmem>>) semaphore(%dma_start3A_416 : memref<!tpu.dma_semaphore, #tpu.memory_space<semaphore_mem>>)
      } else {
      }
      %dma_wait3A_283 = arith.constant 2 : i32
      %dma_wait3A_284 = arith.constant 2 : i32
      %dma_wait3A_285 = arith.constant 0 : i32
      %dma_wait3A_286 = arith.constant 0 : i32
      %dma_wait3A_287 = tpu.memref_slice %arg8[%dma_wait3A_283, %dma_wait3A_285, %dma_wait3A_286] : memref<5x125x32xf32, #tpu.memory_space<vmem>> -> memref<1x125x32xf32, #tpu.memory_space<vmem>>
      %dma_wait3A_288 = tpu.memref_squeeze %dma_wait3A_287 : memref<1x125x32xf32, #tpu.memory_space<vmem>> -> memref<125x32xf32, #tpu.memory_space<vmem>>
      %dma_wait3A_289 = arith.constant 0 : i32
      %dma_wait3A_290 = arith.constant 0 : i32
      %dma_wait3A_291 = tpu.memref_slice %arg10[%dma_wait3A_289, %dma_wait3A_290] : memref<10240x32xf32, #tpu.memory_space<vmem_shared>> -> memref<125x32xf32, #tpu.memory_space<vmem_shared>>
      %dma_wait3A_292 = tpu.memref_slice %arg12[%dma_wait3A_284] : memref<5x!tpu.dma_semaphore, #tpu.memory_space<semaphore_mem>> -> memref<1x!tpu.dma_semaphore, #tpu.memory_space<semaphore_mem>>
      %dma_wait3A_293 = tpu.memref_squeeze %dma_wait3A_292 : memref<1x!tpu.dma_semaphore, #tpu.memory_space<semaphore_mem>> -> memref<!tpu.dma_semaphore, #tpu.memory_space<semaphore_mem>>
      %dma_wait3A_294 = arith.constant 0 : i32
      %dma_wait3A_295 = arith.constant 0 : i32
      %dma_wait3A_296 = tpu.memref_slice %arg8[%dma_wait3A_283, %dma_wait3A_294, %dma_wait3A_295] : memref<5x125x32xf32, #tpu.memory_space<vmem>> -> memref<1x125x32xf32, #tpu.memory_space<vmem>>
      %dma_wait3A_297 = tpu.memref_squeeze %dma_wait3A_296 : memref<1x125x32xf32, #tpu.memory_space<vmem>> -> memref<125x32xf32, #tpu.memory_space<vmem>>
      %dma_wait3A_298 = arith.constant 0 : i32
      %dma_wait3A_299 = arith.constant 0 : i32
      %dma_wait3A_300 = tpu.memref_slice %arg10[%dma_wait3A_298, %dma_wait3A_299] : memref<10240x32xf32, #tpu.memory_space<vmem_shared>> -> memref<125x32xf32, #tpu.memory_space<vmem_shared>>
      tpu.wait_dma2 semaphore(%dma_wait3A_293 : memref<!tpu.dma_semaphore, #tpu.memory_space<semaphore_mem>>) src(%dma_wait3A_300 : memref<125x32xf32, #tpu.memory_space<vmem_shared>>) dst(%dma_wait3A_297 : memref<125x32xf32, #tpu.memory_space<vmem>>)
      %dma_start3A_301 = arith.constant 2 : i32
      %dma_start3A_302 = arith.constant 2 : i32
      %dma_start3A_303 = arith.constant 0 : i32
      %dma_start3A_304 = arith.constant 0 : i32
      %dma_start3A_305 = tpu.memref_slice %arg8[%dma_start3A_301, %dma_start3A_303, %dma_start3A_304] : memref<5x125x32xf32, #tpu.memory_space<vmem>> -> memref<1x125x32xf32, #tpu.memory_space<vmem>>
      %dma_start3A_306 = tpu.memref_squeeze %dma_start3A_305 : memref<1x125x32xf32, #tpu.memory_space<vmem>> -> memref<125x32xf32, #tpu.memory_space<vmem>>
      %dma_start3A_307 = arith.constant 0 : i32
      %dma_start3A_308 = tpu.memref_slice %arg7[%add3A_275, %dma_start3A_307] : memref<160x125xi32, #tpu.memory_space<vmem>> -> memref<1x125xi32, #tpu.memory_space<vmem>>
      %dma_start3A_309 = tpu.memref_squeeze %dma_start3A_308 : memref<1x125xi32, #tpu.memory_space<vmem>> -> memref<125xi32, #tpu.memory_space<vmem>>
      %dma_start3A_310 = arith.constant 0 : i32
      %dma_start3A_311 = arith.constant 0 : i32
      %dma_start3A_312 = tpu.memref_slice %arg11[%dma_start3A_310, %dma_start3A_311] : memref<10240x32xf32, #tpu.memory_space<vmem_shared>> -> memref<10240x32xf32, #tpu.memory_space<vmem_shared>>
      %dma_start3A_313 = tpu.memref_slice %arg13[%dma_start3A_302] : memref<5x!tpu.dma_semaphore, #tpu.memory_space<semaphore_mem>> -> memref<1x!tpu.dma_semaphore, #tpu.memory_space<semaphore_mem>>
      %dma_start3A_314 = tpu.memref_squeeze %dma_start3A_313 : memref<1x!tpu.dma_semaphore, #tpu.memory_space<semaphore_mem>> -> memref<!tpu.dma_semaphore, #tpu.memory_space<semaphore_mem>>
      tpu.enqueue_indirect_dma source(%dma_start3A_306 : memref<125x32xf32, #tpu.memory_space<vmem>>) target(%dma_start3A_312 : memref<10240x32xf32, #tpu.memory_space<vmem_shared>>) offsets(%dma_start3A_309 : memref<125xi32, #tpu.memory_space<vmem>>) semaphore(%dma_start3A_314 : memref<!tpu.dma_semaphore, #tpu.memory_space<semaphore_mem>>) {add = true}
      %add3A_315 = arith.constant 3 : i32
      %add3A_316 = arith.addi %add3A_194, %add3A_315 : i32
      %add3A_317 = arith.constant 3 : i32
      %add3A_318 = arith.addi %add3A_316, %add3A_317 : i32
      %lt3A_319 = arith.constant 160 : i32
      %lt3A_320 = arith.cmpi slt, %add3A_318, %lt3A_319 : i32
      %convert_element_type3A_321 = arith.extui %lt3A_320 : i1 to i32
      %cond3A_322 = arith.constant 0 : i32
      %cond3A_323 = arith.cmpi ne, %convert_element_type3A_321, %cond3A_322 : i32
      scf.if %cond3A_323 {
        %ge3A = arith.constant 2 : i32
        %ge3A_397 = arith.cmpi sge, %add3A_316, %ge3A : i32
        %convert_element_type3A_398 = arith.extui %ge3A_397 : i1 to i32
        %cond3A_399 = arith.constant 0 : i32
        %cond3A_400 = arith.cmpi ne, %convert_element_type3A_398, %cond3A_399 : i32
        scf.if %cond3A_400 {
          %dma_wait3A_417 = arith.constant 1 : i32
          %dma_wait3A_418 = arith.constant 1 : i32
          %dma_wait3A_419 = arith.constant 0 : i32
          %dma_wait3A_420 = arith.constant 0 : i32
          %dma_wait3A_421 = tpu.memref_slice %arg8[%dma_wait3A_417, %dma_wait3A_419, %dma_wait3A_420] : memref<5x125x32xf32, #tpu.memory_space<vmem>> -> memref<1x125x32xf32, #tpu.memory_space<vmem>>
          %dma_wait3A_422 = tpu.memref_squeeze %dma_wait3A_421 : memref<1x125x32xf32, #tpu.memory_space<vmem>> -> memref<125x32xf32, #tpu.memory_space<vmem>>
          %dma_wait3A_423 = arith.constant 0 : i32
          %dma_wait3A_424 = arith.constant 0 : i32
          %dma_wait3A_425 = tpu.memref_slice %arg11[%dma_wait3A_423, %dma_wait3A_424] : memref<10240x32xf32, #tpu.memory_space<vmem_shared>> -> memref<125x32xf32, #tpu.memory_space<vmem_shared>>
          %dma_wait3A_426 = tpu.memref_slice %arg13[%dma_wait3A_418] : memref<5x!tpu.dma_semaphore, #tpu.memory_space<semaphore_mem>> -> memref<1x!tpu.dma_semaphore, #tpu.memory_space<semaphore_mem>>
          %dma_wait3A_427 = tpu.memref_squeeze %dma_wait3A_426 : memref<1x!tpu.dma_semaphore, #tpu.memory_space<semaphore_mem>> -> memref<!tpu.dma_semaphore, #tpu.memory_space<semaphore_mem>>
          %dma_wait3A_428 = arith.constant 0 : i32
          %dma_wait3A_429 = arith.constant 0 : i32
          %dma_wait3A_430 = tpu.memref_slice %arg11[%dma_wait3A_428, %dma_wait3A_429] : memref<10240x32xf32, #tpu.memory_space<vmem_shared>> -> memref<125x32xf32, #tpu.memory_space<vmem_shared>>
          %dma_wait3A_431 = arith.constant 0 : i32
          %dma_wait3A_432 = arith.constant 0 : i32
          %dma_wait3A_433 = tpu.memref_slice %arg8[%dma_wait3A_417, %dma_wait3A_431, %dma_wait3A_432] : memref<5x125x32xf32, #tpu.memory_space<vmem>> -> memref<1x125x32xf32, #tpu.memory_space<vmem>>
          %dma_wait3A_434 = tpu.memref_squeeze %dma_wait3A_433 : memref<1x125x32xf32, #tpu.memory_space<vmem>> -> memref<125x32xf32, #tpu.memory_space<vmem>>
          tpu.wait_dma2 semaphore(%dma_wait3A_427 : memref<!tpu.dma_semaphore, #tpu.memory_space<semaphore_mem>>) src(%dma_wait3A_434 : memref<125x32xf32, #tpu.memory_space<vmem>>) dst(%dma_wait3A_430 : memref<125x32xf32, #tpu.memory_space<vmem_shared>>)
        } else {
        }
        %add3A_401 = arith.constant 3 : i32
        %add3A_402 = arith.addi %add3A_316, %add3A_401 : i32
        %dma_start3A_403 = arith.constant 1 : i32
        %dma_start3A_404 = arith.constant 1 : i32
        %dma_start3A_405 = arith.constant 0 : i32
        %dma_start3A_406 = arith.constant 0 : i32
        %dma_start3A_407 = tpu.memref_slice %arg8[%dma_start3A_403, %dma_start3A_405, %dma_start3A_406] : memref<5x125x32xf32, #tpu.memory_space<vmem>> -> memref<1x125x32xf32, #tpu.memory_space<vmem>>
        %dma_start3A_408 = tpu.memref_squeeze %dma_start3A_407 : memref<1x125x32xf32, #tpu.memory_space<vmem>> -> memref<125x32xf32, #tpu.memory_space<vmem>>
        %dma_start3A_409 = arith.constant 0 : i32
        %dma_start3A_410 = tpu.memref_slice %arg6[%add3A_402, %dma_start3A_409] : memref<160x125xi32, #tpu.memory_space<vmem>> -> memref<1x125xi32, #tpu.memory_space<vmem>>
        %dma_start3A_411 = tpu.memref_squeeze %dma_start3A_410 : memref<1x125xi32, #tpu.memory_space<vmem>> -> memref<125xi32, #tpu.memory_space<vmem>>
        %dma_start3A_412 = arith.constant 0 : i32
        %dma_start3A_413 = arith.constant 0 : i32
        %dma_start3A_414 = tpu.memref_slice %arg10[%dma_start3A_412, %dma_start3A_413] : memref<10240x32xf32, #tpu.memory_space<vmem_shared>> -> memref<10240x32xf32, #tpu.memory_space<vmem_shared>>
        %dma_start3A_415 = tpu.memref_slice %arg12[%dma_start3A_404] : memref<5x!tpu.dma_semaphore, #tpu.memory_space<semaphore_mem>> -> memref<1x!tpu.dma_semaphore, #tpu.memory_space<semaphore_mem>>
        %dma_start3A_416 = tpu.memref_squeeze %dma_start3A_415 : memref<1x!tpu.dma_semaphore, #tpu.memory_space<semaphore_mem>> -> memref<!tpu.dma_semaphore, #tpu.memory_space<semaphore_mem>>
        tpu.enqueue_indirect_dma source(%dma_start3A_414 : memref<10240x32xf32, #tpu.memory_space<vmem_shared>>) target(%dma_start3A_408 : memref<125x32xf32, #tpu.memory_space<vmem>>) offsets(%dma_start3A_411 : memref<125xi32, #tpu.memory_space<vmem>>) semaphore(%dma_start3A_416 : memref<!tpu.dma_semaphore, #tpu.memory_space<semaphore_mem>>)
      } else {
      }
      %dma_wait3A_324 = arith.constant 3 : i32
      %dma_wait3A_325 = arith.constant 3 : i32
      %dma_wait3A_326 = arith.constant 0 : i32
      %dma_wait3A_327 = arith.constant 0 : i32
      %dma_wait3A_328 = tpu.memref_slice %arg8[%dma_wait3A_324, %dma_wait3A_326, %dma_wait3A_327] : memref<5x125x32xf32, #tpu.memory_space<vmem>> -> memref<1x125x32xf32, #tpu.memory_space<vmem>>
      %dma_wait3A_329 = tpu.memref_squeeze %dma_wait3A_328 : memref<1x125x32xf32, #tpu.memory_space<vmem>> -> memref<125x32xf32, #tpu.memory_space<vmem>>
      %dma_wait3A_330 = arith.constant 0 : i32
      %dma_wait3A_331 = arith.constant 0 : i32
      %dma_wait3A_332 = tpu.memref_slice %arg10[%dma_wait3A_330, %dma_wait3A_331] : memref<10240x32xf32, #tpu.memory_space<vmem_shared>> -> memref<125x32xf32, #tpu.memory_space<vmem_shared>>
      %dma_wait3A_333 = tpu.memref_slice %arg12[%dma_wait3A_325] : memref<5x!tpu.dma_semaphore, #tpu.memory_space<semaphore_mem>> -> memref<1x!tpu.dma_semaphore, #tpu.memory_space<semaphore_mem>>
      %dma_wait3A_334 = tpu.memref_squeeze %dma_wait3A_333 : memref<1x!tpu.dma_semaphore, #tpu.memory_space<semaphore_mem>> -> memref<!tpu.dma_semaphore, #tpu.memory_space<semaphore_mem>>
      %dma_wait3A_335 = arith.constant 0 : i32
      %dma_wait3A_336 = arith.constant 0 : i32
      %dma_wait3A_337 = tpu.memref_slice %arg8[%dma_wait3A_324, %dma_wait3A_335, %dma_wait3A_336] : memref<5x125x32xf32, #tpu.memory_space<vmem>> -> memref<1x125x32xf32, #tpu.memory_space<vmem>>
      %dma_wait3A_338 = tpu.memref_squeeze %dma_wait3A_337 : memref<1x125x32xf32, #tpu.memory_space<vmem>> -> memref<125x32xf32, #tpu.memory_space<vmem>>
      %dma_wait3A_339 = arith.constant 0 : i32
      %dma_wait3A_340 = arith.constant 0 : i32
      %dma_wait3A_341 = tpu.memref_slice %arg10[%dma_wait3A_339, %dma_wait3A_340] : memref<10240x32xf32, #tpu.memory_space<vmem_shared>> -> memref<125x32xf32, #tpu.memory_space<vmem_shared>>
      tpu.wait_dma2 semaphore(%dma_wait3A_334 : memref<!tpu.dma_semaphore, #tpu.memory_space<semaphore_mem>>) src(%dma_wait3A_341 : memref<125x32xf32, #tpu.memory_space<vmem_shared>>) dst(%dma_wait3A_338 : memref<125x32xf32, #tpu.memory_space<vmem>>)
      %dma_start3A_342 = arith.constant 3 : i32
      %dma_start3A_343 = arith.constant 3 : i32
      %dma_start3A_344 = arith.constant 0 : i32
      %dma_start3A_345 = arith.constant 0 : i32
      %dma_start3A_346 = tpu.memref_slice %arg8[%dma_start3A_342, %dma_start3A_344, %dma_start3A_345] : memref<5x125x32xf32, #tpu.memory_space<vmem>> -> memref<1x125x32xf32, #tpu.memory_space<vmem>>
      %dma_start3A_347 = tpu.memref_squeeze %dma_start3A_346 : memref<1x125x32xf32, #tpu.memory_space<vmem>> -> memref<125x32xf32, #tpu.memory_space<vmem>>
      %dma_start3A_348 = arith.constant 0 : i32
      %dma_start3A_349 = tpu.memref_slice %arg7[%add3A_316, %dma_start3A_348] : memref<160x125xi32, #tpu.memory_space<vmem>> -> memref<1x125xi32, #tpu.memory_space<vmem>>
      %dma_start3A_350 = tpu.memref_squeeze %dma_start3A_349 : memref<1x125xi32, #tpu.memory_space<vmem>> -> memref<125xi32, #tpu.memory_space<vmem>>
      %dma_start3A_351 = arith.constant 0 : i32
      %dma_start3A_352 = arith.constant 0 : i32
      %dma_start3A_353 = tpu.memref_slice %arg11[%dma_start3A_351, %dma_start3A_352] : memref<10240x32xf32, #tpu.memory_space<vmem_shared>> -> memref<10240x32xf32, #tpu.memory_space<vmem_shared>>
      %dma_start3A_354 = tpu.memref_slice %arg13[%dma_start3A_343] : memref<5x!tpu.dma_semaphore, #tpu.memory_space<semaphore_mem>> -> memref<1x!tpu.dma_semaphore, #tpu.memory_space<semaphore_mem>>
      %dma_start3A_355 = tpu.memref_squeeze %dma_start3A_354 : memref<1x!tpu.dma_semaphore, #tpu.memory_space<semaphore_mem>> -> memref<!tpu.dma_semaphore, #tpu.memory_space<semaphore_mem>>
      tpu.enqueue_indirect_dma source(%dma_start3A_347 : memref<125x32xf32, #tpu.memory_space<vmem>>) target(%dma_start3A_353 : memref<10240x32xf32, #tpu.memory_space<vmem_shared>>) offsets(%dma_start3A_350 : memref<125xi32, #tpu.memory_space<vmem>>) semaphore(%dma_start3A_355 : memref<!tpu.dma_semaphore, #tpu.memory_space<semaphore_mem>>) {add = true}
      %add3A_356 = arith.constant 4 : i32
      %add3A_357 = arith.addi %add3A_194, %add3A_356 : i32
      %add3A_358 = arith.constant 3 : i32
      %add3A_359 = arith.addi %add3A_357, %add3A_358 : i32
      %lt3A_360 = arith.constant 160 : i32
      %lt3A_361 = arith.cmpi slt, %add3A_359, %lt3A_360 : i32
      %convert_element_type3A_362 = arith.extui %lt3A_361 : i1 to i32
      %cond3A_363 = arith.constant 0 : i32
      %cond3A_364 = arith.cmpi ne, %convert_element_type3A_362, %cond3A_363 : i32
      scf.if %cond3A_364 {
        %ge3A = arith.constant 2 : i32
        %ge3A_397 = arith.cmpi sge, %add3A_357, %ge3A : i32
        %convert_element_type3A_398 = arith.extui %ge3A_397 : i1 to i32
        %cond3A_399 = arith.constant 0 : i32
        %cond3A_400 = arith.cmpi ne, %convert_element_type3A_398, %cond3A_399 : i32
        scf.if %cond3A_400 {
          %dma_wait3A_417 = arith.constant 2 : i32
          %dma_wait3A_418 = arith.constant 2 : i32
          %dma_wait3A_419 = arith.constant 0 : i32
          %dma_wait3A_420 = arith.constant 0 : i32
          %dma_wait3A_421 = tpu.memref_slice %arg8[%dma_wait3A_417, %dma_wait3A_419, %dma_wait3A_420] : memref<5x125x32xf32, #tpu.memory_space<vmem>> -> memref<1x125x32xf32, #tpu.memory_space<vmem>>
          %dma_wait3A_422 = tpu.memref_squeeze %dma_wait3A_421 : memref<1x125x32xf32, #tpu.memory_space<vmem>> -> memref<125x32xf32, #tpu.memory_space<vmem>>
          %dma_wait3A_423 = arith.constant 0 : i32
          %dma_wait3A_424 = arith.constant 0 : i32
          %dma_wait3A_425 = tpu.memref_slice %arg11[%dma_wait3A_423, %dma_wait3A_424] : memref<10240x32xf32, #tpu.memory_space<vmem_shared>> -> memref<125x32xf32, #tpu.memory_space<vmem_shared>>
          %dma_wait3A_426 = tpu.memref_slice %arg13[%dma_wait3A_418] : memref<5x!tpu.dma_semaphore, #tpu.memory_space<semaphore_mem>> -> memref<1x!tpu.dma_semaphore, #tpu.memory_space<semaphore_mem>>
          %dma_wait3A_427 = tpu.memref_squeeze %dma_wait3A_426 : memref<1x!tpu.dma_semaphore, #tpu.memory_space<semaphore_mem>> -> memref<!tpu.dma_semaphore, #tpu.memory_space<semaphore_mem>>
          %dma_wait3A_428 = arith.constant 0 : i32
          %dma_wait3A_429 = arith.constant 0 : i32
          %dma_wait3A_430 = tpu.memref_slice %arg11[%dma_wait3A_428, %dma_wait3A_429] : memref<10240x32xf32, #tpu.memory_space<vmem_shared>> -> memref<125x32xf32, #tpu.memory_space<vmem_shared>>
          %dma_wait3A_431 = arith.constant 0 : i32
          %dma_wait3A_432 = arith.constant 0 : i32
          %dma_wait3A_433 = tpu.memref_slice %arg8[%dma_wait3A_417, %dma_wait3A_431, %dma_wait3A_432] : memref<5x125x32xf32, #tpu.memory_space<vmem>> -> memref<1x125x32xf32, #tpu.memory_space<vmem>>
          %dma_wait3A_434 = tpu.memref_squeeze %dma_wait3A_433 : memref<1x125x32xf32, #tpu.memory_space<vmem>> -> memref<125x32xf32, #tpu.memory_space<vmem>>
          tpu.wait_dma2 semaphore(%dma_wait3A_427 : memref<!tpu.dma_semaphore, #tpu.memory_space<semaphore_mem>>) src(%dma_wait3A_434 : memref<125x32xf32, #tpu.memory_space<vmem>>) dst(%dma_wait3A_430 : memref<125x32xf32, #tpu.memory_space<vmem_shared>>)
        } else {
        }
        %add3A_401 = arith.constant 3 : i32
        %add3A_402 = arith.addi %add3A_357, %add3A_401 : i32
        %dma_start3A_403 = arith.constant 2 : i32
        %dma_start3A_404 = arith.constant 2 : i32
        %dma_start3A_405 = arith.constant 0 : i32
        %dma_start3A_406 = arith.constant 0 : i32
        %dma_start3A_407 = tpu.memref_slice %arg8[%dma_start3A_403, %dma_start3A_405, %dma_start3A_406] : memref<5x125x32xf32, #tpu.memory_space<vmem>> -> memref<1x125x32xf32, #tpu.memory_space<vmem>>
        %dma_start3A_408 = tpu.memref_squeeze %dma_start3A_407 : memref<1x125x32xf32, #tpu.memory_space<vmem>> -> memref<125x32xf32, #tpu.memory_space<vmem>>
        %dma_start3A_409 = arith.constant 0 : i32
        %dma_start3A_410 = tpu.memref_slice %arg6[%add3A_402, %dma_start3A_409] : memref<160x125xi32, #tpu.memory_space<vmem>> -> memref<1x125xi32, #tpu.memory_space<vmem>>
        %dma_start3A_411 = tpu.memref_squeeze %dma_start3A_410 : memref<1x125xi32, #tpu.memory_space<vmem>> -> memref<125xi32, #tpu.memory_space<vmem>>
        %dma_start3A_412 = arith.constant 0 : i32
        %dma_start3A_413 = arith.constant 0 : i32
        %dma_start3A_414 = tpu.memref_slice %arg10[%dma_start3A_412, %dma_start3A_413] : memref<10240x32xf32, #tpu.memory_space<vmem_shared>> -> memref<10240x32xf32, #tpu.memory_space<vmem_shared>>
        %dma_start3A_415 = tpu.memref_slice %arg12[%dma_start3A_404] : memref<5x!tpu.dma_semaphore, #tpu.memory_space<semaphore_mem>> -> memref<1x!tpu.dma_semaphore, #tpu.memory_space<semaphore_mem>>
        %dma_start3A_416 = tpu.memref_squeeze %dma_start3A_415 : memref<1x!tpu.dma_semaphore, #tpu.memory_space<semaphore_mem>> -> memref<!tpu.dma_semaphore, #tpu.memory_space<semaphore_mem>>
        tpu.enqueue_indirect_dma source(%dma_start3A_414 : memref<10240x32xf32, #tpu.memory_space<vmem_shared>>) target(%dma_start3A_408 : memref<125x32xf32, #tpu.memory_space<vmem>>) offsets(%dma_start3A_411 : memref<125xi32, #tpu.memory_space<vmem>>) semaphore(%dma_start3A_416 : memref<!tpu.dma_semaphore, #tpu.memory_space<semaphore_mem>>)
      } else {
      }
      %dma_wait3A_365 = arith.constant 4 : i32
      %dma_wait3A_366 = arith.constant 4 : i32
      %dma_wait3A_367 = arith.constant 0 : i32
      %dma_wait3A_368 = arith.constant 0 : i32
      %dma_wait3A_369 = tpu.memref_slice %arg8[%dma_wait3A_365, %dma_wait3A_367, %dma_wait3A_368] : memref<5x125x32xf32, #tpu.memory_space<vmem>> -> memref<1x125x32xf32, #tpu.memory_space<vmem>>
      %dma_wait3A_370 = tpu.memref_squeeze %dma_wait3A_369 : memref<1x125x32xf32, #tpu.memory_space<vmem>> -> memref<125x32xf32, #tpu.memory_space<vmem>>
      %dma_wait3A_371 = arith.constant 0 : i32
      %dma_wait3A_372 = arith.constant 0 : i32
      %dma_wait3A_373 = tpu.memref_slice %arg10[%dma_wait3A_371, %dma_wait3A_372] : memref<10240x32xf32, #tpu.memory_space<vmem_shared>> -> memref<125x32xf32, #tpu.memory_space<vmem_shared>>
      %dma_wait3A_374 = tpu.memref_slice %arg12[%dma_wait3A_366] : memref<5x!tpu.dma_semaphore, #tpu.memory_space<semaphore_mem>> -> memref<1x!tpu.dma_semaphore, #tpu.memory_space<semaphore_mem>>
      %dma_wait3A_375 = tpu.memref_squeeze %dma_wait3A_374 : memref<1x!tpu.dma_semaphore, #tpu.memory_space<semaphore_mem>> -> memref<!tpu.dma_semaphore, #tpu.memory_space<semaphore_mem>>
      %dma_wait3A_376 = arith.constant 0 : i32
      %dma_wait3A_377 = arith.constant 0 : i32
      %dma_wait3A_378 = tpu.memref_slice %arg8[%dma_wait3A_365, %dma_wait3A_376, %dma_wait3A_377] : memref<5x125x32xf32, #tpu.memory_space<vmem>> -> memref<1x125x32xf32, #tpu.memory_space<vmem>>
      %dma_wait3A_379 = tpu.memref_squeeze %dma_wait3A_378 : memref<1x125x32xf32, #tpu.memory_space<vmem>> -> memref<125x32xf32, #tpu.memory_space<vmem>>
      %dma_wait3A_380 = arith.constant 0 : i32
      %dma_wait3A_381 = arith.constant 0 : i32
      %dma_wait3A_382 = tpu.memref_slice %arg10[%dma_wait3A_380, %dma_wait3A_381] : memref<10240x32xf32, #tpu.memory_space<vmem_shared>> -> memref<125x32xf32, #tpu.memory_space<vmem_shared>>
      tpu.wait_dma2 semaphore(%dma_wait3A_375 : memref<!tpu.dma_semaphore, #tpu.memory_space<semaphore_mem>>) src(%dma_wait3A_382 : memref<125x32xf32, #tpu.memory_space<vmem_shared>>) dst(%dma_wait3A_379 : memref<125x32xf32, #tpu.memory_space<vmem>>)
      %dma_start3A_383 = arith.constant 4 : i32
      %dma_start3A_384 = arith.constant 4 : i32
      %dma_start3A_385 = arith.constant 0 : i32
      %dma_start3A_386 = arith.constant 0 : i32
      %dma_start3A_387 = tpu.memref_slice %arg8[%dma_start3A_383, %dma_start3A_385, %dma_start3A_386] : memref<5x125x32xf32, #tpu.memory_space<vmem>> -> memref<1x125x32xf32, #tpu.memory_space<vmem>>
      %dma_start3A_388 = tpu.memref_squeeze %dma_start3A_387 : memref<1x125x32xf32, #tpu.memory_space<vmem>> -> memref<125x32xf32, #tpu.memory_space<vmem>>
      %dma_start3A_389 = arith.constant 0 : i32
      %dma_start3A_390 = tpu.memref_slice %arg7[%add3A_357, %dma_start3A_389] : memref<160x125xi32, #tpu.memory_space<vmem>> -> memref<1x125xi32, #tpu.memory_space<vmem>>
      %dma_start3A_391 = tpu.memref_squeeze %dma_start3A_390 : memref<1x125xi32, #tpu.memory_space<vmem>> -> memref<125xi32, #tpu.memory_space<vmem>>
      %dma_start3A_392 = arith.constant 0 : i32
      %dma_start3A_393 = arith.constant 0 : i32
      %dma_start3A_394 = tpu.memref_slice %arg11[%dma_start3A_392, %dma_start3A_393] : memref<10240x32xf32, #tpu.memory_space<vmem_shared>> -> memref<10240x32xf32, #tpu.memory_space<vmem_shared>>
      %dma_start3A_395 = tpu.memref_slice %arg13[%dma_start3A_384] : memref<5x!tpu.dma_semaphore, #tpu.memory_space<semaphore_mem>> -> memref<1x!tpu.dma_semaphore, #tpu.memory_space<semaphore_mem>>
      %dma_start3A_396 = tpu.memref_squeeze %dma_start3A_395 : memref<1x!tpu.dma_semaphore, #tpu.memory_space<semaphore_mem>> -> memref<!tpu.dma_semaphore, #tpu.memory_space<semaphore_mem>>
      tpu.enqueue_indirect_dma source(%dma_start3A_388 : memref<125x32xf32, #tpu.memory_space<vmem>>) target(%dma_start3A_394 : memref<10240x32xf32, #tpu.memory_space<vmem_shared>>) offsets(%dma_start3A_391 : memref<125xi32, #tpu.memory_space<vmem>>) semaphore(%dma_start3A_396 : memref<!tpu.dma_semaphore, #tpu.memory_space<semaphore_mem>>) {add = true}
    }
    %scan3A_98 = arith.constant 32 : i32
    %dma_wait3A_99 = arith.constant 0 : i32
    %dma_wait3A_100 = arith.constant 0 : i32
    %dma_wait3A_101 = arith.constant 0 : i32
    %dma_wait3A_102 = arith.constant 0 : i32
    %dma_wait3A_103 = tpu.memref_slice %arg8[%dma_wait3A_99, %dma_wait3A_101, %dma_wait3A_102] : memref<5x125x32xf32, #tpu.memory_space<vmem>> -> memref<1x125x32xf32, #tpu.memory_space<vmem>>
    %dma_wait3A_104 = tpu.memref_squeeze %dma_wait3A_103 : memref<1x125x32xf32, #tpu.memory_space<vmem>> -> memref<125x32xf32, #tpu.memory_space<vmem>>
    %dma_wait3A_105 = arith.constant 0 : i32
    %dma_wait3A_106 = arith.constant 0 : i32
    %dma_wait3A_107 = tpu.memref_slice %arg11[%dma_wait3A_105, %dma_wait3A_106] : memref<10240x32xf32, #tpu.memory_space<vmem_shared>> -> memref<125x32xf32, #tpu.memory_space<vmem_shared>>
    %dma_wait3A_108 = tpu.memref_slice %arg13[%dma_wait3A_100] : memref<5x!tpu.dma_semaphore, #tpu.memory_space<semaphore_mem>> -> memref<1x!tpu.dma_semaphore, #tpu.memory_space<semaphore_mem>>
    %dma_wait3A_109 = tpu.memref_squeeze %dma_wait3A_108 : memref<1x!tpu.dma_semaphore, #tpu.memory_space<semaphore_mem>> -> memref<!tpu.dma_semaphore, #tpu.memory_space<semaphore_mem>>
    %dma_wait3A_110 = arith.constant 0 : i32
    %dma_wait3A_111 = arith.constant 0 : i32
    %dma_wait3A_112 = tpu.memref_slice %arg11[%dma_wait3A_110, %dma_wait3A_111] : memref<10240x32xf32, #tpu.memory_space<vmem_shared>> -> memref<125x32xf32, #tpu.memory_space<vmem_shared>>
    %dma_wait3A_113 = arith.constant 0 : i32
    %dma_wait3A_114 = arith.constant 0 : i32
    %dma_wait3A_115 = tpu.memref_slice %arg8[%dma_wait3A_99, %dma_wait3A_113, %dma_wait3A_114] : memref<5x125x32xf32, #tpu.memory_space<vmem>> -> memref<1x125x32xf32, #tpu.memory_space<vmem>>
    %dma_wait3A_116 = tpu.memref_squeeze %dma_wait3A_115 : memref<1x125x32xf32, #tpu.memory_space<vmem>> -> memref<125x32xf32, #tpu.memory_space<vmem>>
    tpu.wait_dma2 semaphore(%dma_wait3A_109 : memref<!tpu.dma_semaphore, #tpu.memory_space<semaphore_mem>>) src(%dma_wait3A_116 : memref<125x32xf32, #tpu.memory_space<vmem>>) dst(%dma_wait3A_112 : memref<125x32xf32, #tpu.memory_space<vmem_shared>>)
    %dma_wait3A_117 = arith.constant 1 : i32
    %dma_wait3A_118 = arith.constant 1 : i32
    %dma_wait3A_119 = arith.constant 0 : i32
    %dma_wait3A_120 = arith.constant 0 : i32
    %dma_wait3A_121 = tpu.memref_slice %arg8[%dma_wait3A_117, %dma_wait3A_119, %dma_wait3A_120] : memref<5x125x32xf32, #tpu.memory_space<vmem>> -> memref<1x125x32xf32, #tpu.memory_space<vmem>>
    %dma_wait3A_122 = tpu.memref_squeeze %dma_wait3A_121 : memref<1x125x32xf32, #tpu.memory_space<vmem>> -> memref<125x32xf32, #tpu.memory_space<vmem>>
    %dma_wait3A_123 = arith.constant 0 : i32
    %dma_wait3A_124 = arith.constant 0 : i32
    %dma_wait3A_125 = tpu.memref_slice %arg11[%dma_wait3A_123, %dma_wait3A_124] : memref<10240x32xf32, #tpu.memory_space<vmem_shared>> -> memref<125x32xf32, #tpu.memory_space<vmem_shared>>
    %dma_wait3A_126 = tpu.memref_slice %arg13[%dma_wait3A_118] : memref<5x!tpu.dma_semaphore, #tpu.memory_space<semaphore_mem>> -> memref<1x!tpu.dma_semaphore, #tpu.memory_space<semaphore_mem>>
    %dma_wait3A_127 = tpu.memref_squeeze %dma_wait3A_126 : memref<1x!tpu.dma_semaphore, #tpu.memory_space<semaphore_mem>> -> memref<!tpu.dma_semaphore, #tpu.memory_space<semaphore_mem>>
    %dma_wait3A_128 = arith.constant 0 : i32
    %dma_wait3A_129 = arith.constant 0 : i32
    %dma_wait3A_130 = tpu.memref_slice %arg11[%dma_wait3A_128, %dma_wait3A_129] : memref<10240x32xf32, #tpu.memory_space<vmem_shared>> -> memref<125x32xf32, #tpu.memory_space<vmem_shared>>
    %dma_wait3A_131 = arith.constant 0 : i32
    %dma_wait3A_132 = arith.constant 0 : i32
    %dma_wait3A_133 = tpu.memref_slice %arg8[%dma_wait3A_117, %dma_wait3A_131, %dma_wait3A_132] : memref<5x125x32xf32, #tpu.memory_space<vmem>> -> memref<1x125x32xf32, #tpu.memory_space<vmem>>
    %dma_wait3A_134 = tpu.memref_squeeze %dma_wait3A_133 : memref<1x125x32xf32, #tpu.memory_space<vmem>> -> memref<125x32xf32, #tpu.memory_space<vmem>>
    tpu.wait_dma2 semaphore(%dma_wait3A_127 : memref<!tpu.dma_semaphore, #tpu.memory_space<semaphore_mem>>) src(%dma_wait3A_134 : memref<125x32xf32, #tpu.memory_space<vmem>>) dst(%dma_wait3A_130 : memref<125x32xf32, #tpu.memory_space<vmem_shared>>)
    %dma_wait3A_135 = arith.constant 2 : i32
    %dma_wait3A_136 = arith.constant 2 : i32
    %dma_wait3A_137 = arith.constant 0 : i32
    %dma_wait3A_138 = arith.constant 0 : i32
    %dma_wait3A_139 = tpu.memref_slice %arg8[%dma_wait3A_135, %dma_wait3A_137, %dma_wait3A_138] : memref<5x125x32xf32, #tpu.memory_space<vmem>> -> memref<1x125x32xf32, #tpu.memory_space<vmem>>
    %dma_wait3A_140 = tpu.memref_squeeze %dma_wait3A_139 : memref<1x125x32xf32, #tpu.memory_space<vmem>> -> memref<125x32xf32, #tpu.memory_space<vmem>>
    %dma_wait3A_141 = arith.constant 0 : i32
    %dma_wait3A_142 = arith.constant 0 : i32
    %dma_wait3A_143 = tpu.memref_slice %arg11[%dma_wait3A_141, %dma_wait3A_142] : memref<10240x32xf32, #tpu.memory_space<vmem_shared>> -> memref<125x32xf32, #tpu.memory_space<vmem_shared>>
    %dma_wait3A_144 = tpu.memref_slice %arg13[%dma_wait3A_136] : memref<5x!tpu.dma_semaphore, #tpu.memory_space<semaphore_mem>> -> memref<1x!tpu.dma_semaphore, #tpu.memory_space<semaphore_mem>>
    %dma_wait3A_145 = tpu.memref_squeeze %dma_wait3A_144 : memref<1x!tpu.dma_semaphore, #tpu.memory_space<semaphore_mem>> -> memref<!tpu.dma_semaphore, #tpu.memory_space<semaphore_mem>>
    %dma_wait3A_146 = arith.constant 0 : i32
    %dma_wait3A_147 = arith.constant 0 : i32
    %dma_wait3A_148 = tpu.memref_slice %arg11[%dma_wait3A_146, %dma_wait3A_147] : memref<10240x32xf32, #tpu.memory_space<vmem_shared>> -> memref<125x32xf32, #tpu.memory_space<vmem_shared>>
    %dma_wait3A_149 = arith.constant 0 : i32
    %dma_wait3A_150 = arith.constant 0 : i32
    %dma_wait3A_151 = tpu.memref_slice %arg8[%dma_wait3A_135, %dma_wait3A_149, %dma_wait3A_150] : memref<5x125x32xf32, #tpu.memory_space<vmem>> -> memref<1x125x32xf32, #tpu.memory_space<vmem>>
    %dma_wait3A_152 = tpu.memref_squeeze %dma_wait3A_151 : memref<1x125x32xf32, #tpu.memory_space<vmem>> -> memref<125x32xf32, #tpu.memory_space<vmem>>
    tpu.wait_dma2 semaphore(%dma_wait3A_145 : memref<!tpu.dma_semaphore, #tpu.memory_space<semaphore_mem>>) src(%dma_wait3A_152 : memref<125x32xf32, #tpu.memory_space<vmem>>) dst(%dma_wait3A_148 : memref<125x32xf32, #tpu.memory_space<vmem_shared>>)
    %dma_wait3A_153 = arith.constant 3 : i32
    %dma_wait3A_154 = arith.constant 3 : i32
    %dma_wait3A_155 = arith.constant 0 : i32
    %dma_wait3A_156 = arith.constant 0 : i32
    %dma_wait3A_157 = tpu.memref_slice %arg8[%dma_wait3A_153, %dma_wait3A_155, %dma_wait3A_156] : memref<5x125x32xf32, #tpu.memory_space<vmem>> -> memref<1x125x32xf32, #tpu.memory_space<vmem>>
    %dma_wait3A_158 = tpu.memref_squeeze %dma_wait3A_157 : memref<1x125x32xf32, #tpu.memory_space<vmem>> -> memref<125x32xf32, #tpu.memory_space<vmem>>
    %dma_wait3A_159 = arith.constant 0 : i32
    %dma_wait3A_160 = arith.constant 0 : i32
    %dma_wait3A_161 = tpu.memref_slice %arg11[%dma_wait3A_159, %dma_wait3A_160] : memref<10240x32xf32, #tpu.memory_space<vmem_shared>> -> memref<125x32xf32, #tpu.memory_space<vmem_shared>>
    %dma_wait3A_162 = tpu.memref_slice %arg13[%dma_wait3A_154] : memref<5x!tpu.dma_semaphore, #tpu.memory_space<semaphore_mem>> -> memref<1x!tpu.dma_semaphore, #tpu.memory_space<semaphore_mem>>
    %dma_wait3A_163 = tpu.memref_squeeze %dma_wait3A_162 : memref<1x!tpu.dma_semaphore, #tpu.memory_space<semaphore_mem>> -> memref<!tpu.dma_semaphore, #tpu.memory_space<semaphore_mem>>
    %dma_wait3A_164 = arith.constant 0 : i32
    %dma_wait3A_165 = arith.constant 0 : i32
    %dma_wait3A_166 = tpu.memref_slice %arg11[%dma_wait3A_164, %dma_wait3A_165] : memref<10240x32xf32, #tpu.memory_space<vmem_shared>> -> memref<125x32xf32, #tpu.memory_space<vmem_shared>>
    %dma_wait3A_167 = arith.constant 0 : i32
    %dma_wait3A_168 = arith.constant 0 : i32
    %dma_wait3A_169 = tpu.memref_slice %arg8[%dma_wait3A_153, %dma_wait3A_167, %dma_wait3A_168] : memref<5x125x32xf32, #tpu.memory_space<vmem>> -> memref<1x125x32xf32, #tpu.memory_space<vmem>>
    %dma_wait3A_170 = tpu.memref_squeeze %dma_wait3A_169 : memref<1x125x32xf32, #tpu.memory_space<vmem>> -> memref<125x32xf32, #tpu.memory_space<vmem>>
    tpu.wait_dma2 semaphore(%dma_wait3A_163 : memref<!tpu.dma_semaphore, #tpu.memory_space<semaphore_mem>>) src(%dma_wait3A_170 : memref<125x32xf32, #tpu.memory_space<vmem>>) dst(%dma_wait3A_166 : memref<125x32xf32, #tpu.memory_space<vmem_shared>>)
    %dma_wait3A_171 = arith.constant 4 : i32
    %dma_wait3A_172 = arith.constant 4 : i32
    %dma_wait3A_173 = arith.constant 0 : i32
    %dma_wait3A_174 = arith.constant 0 : i32
    %dma_wait3A_175 = tpu.memref_slice %arg8[%dma_wait3A_171, %dma_wait3A_173, %dma_wait3A_174] : memref<5x125x32xf32, #tpu.memory_space<vmem>> -> memref<1x125x32xf32, #tpu.memory_space<vmem>>
    %dma_wait3A_176 = tpu.memref_squeeze %dma_wait3A_175 : memref<1x125x32xf32, #tpu.memory_space<vmem>> -> memref<125x32xf32, #tpu.memory_space<vmem>>
    %dma_wait3A_177 = arith.constant 0 : i32
    %dma_wait3A_178 = arith.constant 0 : i32
    %dma_wait3A_179 = tpu.memref_slice %arg11[%dma_wait3A_177, %dma_wait3A_178] : memref<10240x32xf32, #tpu.memory_space<vmem_shared>> -> memref<125x32xf32, #tpu.memory_space<vmem_shared>>
    %dma_wait3A_180 = tpu.memref_slice %arg13[%dma_wait3A_172] : memref<5x!tpu.dma_semaphore, #tpu.memory_space<semaphore_mem>> -> memref<1x!tpu.dma_semaphore, #tpu.memory_space<semaphore_mem>>
    %dma_wait3A_181 = tpu.memref_squeeze %dma_wait3A_180 : memref<1x!tpu.dma_semaphore, #tpu.memory_space<semaphore_mem>> -> memref<!tpu.dma_semaphore, #tpu.memory_space<semaphore_mem>>
    %dma_wait3A_182 = arith.constant 0 : i32
    %dma_wait3A_183 = arith.constant 0 : i32
    %dma_wait3A_184 = tpu.memref_slice %arg11[%dma_wait3A_182, %dma_wait3A_183] : memref<10240x32xf32, #tpu.memory_space<vmem_shared>> -> memref<125x32xf32, #tpu.memory_space<vmem_shared>>
    %dma_wait3A_185 = arith.constant 0 : i32
    %dma_wait3A_186 = arith.constant 0 : i32
    %dma_wait3A_187 = tpu.memref_slice %arg8[%dma_wait3A_171, %dma_wait3A_185, %dma_wait3A_186] : memref<5x125x32xf32, #tpu.memory_space<vmem>> -> memref<1x125x32xf32, #tpu.memory_space<vmem>>
    %dma_wait3A_188 = tpu.memref_squeeze %dma_wait3A_187 : memref<1x125x32xf32, #tpu.memory_space<vmem>> -> memref<125x32xf32, #tpu.memory_space<vmem>>
    tpu.wait_dma2 semaphore(%dma_wait3A_181 : memref<!tpu.dma_semaphore, #tpu.memory_space<semaphore_mem>>) src(%dma_wait3A_188 : memref<125x32xf32, #tpu.memory_space<vmem>>) dst(%dma_wait3A_184 : memref<125x32xf32, #tpu.memory_space<vmem_shared>>)
    %barrier3A_189 = arith.constant 0 : index
    tpu.barrier barrier_id(%barrier3A_189)
    "tpu.region"() ({
      %run_scoped3A = tpu.sem_alloc : memref<!tpu.dma_semaphore, #tpu.memory_space<semaphore_mem>>
      %dma_start3A_190 = arith.constant 0 : i32
      %dma_start3A_191 = tpu.memref_slice %arg5[%arg0, %mul3A_0, %dma_start3A_190] : memref<2x10240x32xf32, #tpu.memory_space<hbm>> -> memref<1x640x32xf32, #tpu.memory_space<hbm>>
      %dma_start3A_192 = tpu.memref_squeeze %dma_start3A_191 : memref<1x640x32xf32, #tpu.memory_space<hbm>> -> memref<640x32xf32, #tpu.memory_space<hbm>>
      %dma_start3A_193 = arith.constant 0 : i32
      %dma_start3A_194 = tpu.memref_slice %arg11[%mul3A_0, %dma_start3A_193] : memref<10240x32xf32, #tpu.memory_space<vmem_shared>> -> memref<640x32xf32, #tpu.memory_space<vmem_shared>>
      tpu.enqueue_dma source(%dma_start3A_194 : memref<640x32xf32, #tpu.memory_space<vmem_shared>>) target(%dma_start3A_192 : memref<640x32xf32, #tpu.memory_space<hbm>>) target_semaphore(%run_scoped3A : memref<!tpu.dma_semaphore, #tpu.memory_space<semaphore_mem>>)
      %dma_wait3A_195 = arith.constant 0 : i32
      %dma_wait3A_196 = tpu.memref_slice %arg5[%arg0, %mul3A_0, %dma_wait3A_195] : memref<2x10240x32xf32, #tpu.memory_space<hbm>> -> memref<1x640x32xf32, #tpu.memory_space<hbm>>
      %dma_wait3A_197 = tpu.memref_squeeze %dma_wait3A_196 : memref<1x640x32xf32, #tpu.memory_space<hbm>> -> memref<640x32xf32, #tpu.memory_space<hbm>>
      %dma_wait3A_198 = arith.constant 0 : i32
      %dma_wait3A_199 = tpu.memref_slice %arg11[%mul3A_0, %dma_wait3A_198] : memref<10240x32xf32, #tpu.memory_space<vmem_shared>> -> memref<640x32xf32, #tpu.memory_space<vmem_shared>>
      tpu.wait_dma2 semaphore(%run_scoped3A : memref<!tpu.dma_semaphore, #tpu.memory_space<semaphore_mem>>) src(%dma_wait3A_199 : memref<640x32xf32, #tpu.memory_space<vmem_shared>>) dst(%dma_wait3A_197 : memref<640x32xf32, #tpu.memory_space<hbm>>)
      tpu.yield
    }) : () -> ()
    return
  }
}

#map = affine_map<(d0, d1) -> (0, 0, 0)>
#map1 = affine_map<(d0, d1) -> (0, 0)>
module attributes {stable_mosaic.version = 14 : i64} {
  func.func @_sc_scatter(%arg0: i32, %arg1: i32, %arg2: memref<2x10240x32xf32, #tpu.memory_space<hbm>>, %arg3: memref<2560x125xi32, #tpu.memory_space<hbm>>, %arg4: memref<2560x125xi32, #tpu.memory_space<hbm>>, %arg5: memref<2x10240x32xf32, #tpu.memory_space<hbm>>, %arg6: memref<160x125xi32, #tpu.memory_space<vmem>>, %arg7: memref<160x125xi32, #tpu.memory_space<vmem>>, %arg8: memref<5x125x32xf32, #tpu.memory_space<vmem>>, %arg9: memref<40x32xf32, #tpu.memory_space<vmem>>, %arg10: memref<10240x32xf32, #tpu.memory_space<vmem_shared>>, %arg11: memref<10240x32xf32, #tpu.memory_space<vmem_shared>>, %arg12: memref<5x!tpu.dma_semaphore, #tpu.memory_space<semaphore_mem>>, %arg13: memref<5x!tpu.dma_semaphore, #tpu.memory_space<semaphore_mem>>, %arg14: memref<!tpu.dma_semaphore, #tpu.memory_space<semaphore_mem>>) attributes {dimension_semantics = [#tpu.dimension_semantics<core_parallel>, #tpu.dimension_semantics<subcore_parallel>], iteration_bounds = array<i64: 2, 16>, scalar_prefetch = 0 : i64, scratch_operands = 9 : i64, tpu.core_type = #tpu.core_type<sc_vector_subcore>, window_params = [{transform_indices = #map}, {transform_indices = #map1}, {transform_indices = #map1}, {transform_indices = #map}]} {
    %mul3A = arith.constant 640 : i32
    %mul3A_0 = arith.muli %arg1, %mul3A : i32
    %dma_start3A = arith.constant 0 : i32
    %dma_start3A_1 = tpu.memref_slice %arg10[%mul3A_0, %dma_start3A] : memref<10240x32xf32, #tpu.memory_space<vmem_shared>> -> memref<640x32xf32, #tpu.memory_space<vmem_shared>>
    %dma_start3A_2 = arith.constant 0 : i32
    %dma_start3A_3 = tpu.memref_slice %arg2[%arg0, %mul3A_0, %dma_start3A_2] : memref<2x10240x32xf32, #tpu.memory_space<hbm>> -> memref<1x640x32xf32, #tpu.memory_space<hbm>>
    %dma_start3A_4 = tpu.memref_squeeze %dma_start3A_3 : memref<1x640x32xf32, #tpu.memory_space<hbm>> -> memref<640x32xf32, #tpu.memory_space<hbm>>
    tpu.enqueue_dma source(%dma_start3A_4 : memref<640x32xf32, #tpu.memory_space<hbm>>) target(%dma_start3A_1 : memref<640x32xf32, #tpu.memory_space<vmem_shared>>) target_semaphore(%arg14 : memref<!tpu.dma_semaphore, #tpu.memory_space<semaphore_mem>>)
    %mul3A_5 = arith.constant 160 : i32
    %mul3A_6 = arith.muli %arg1, %mul3A_5 : i32
    "tpu.region"() ({
      %run_scoped3A = tpu.sem_alloc : memref<!tpu.dma_semaphore, #tpu.memory_space<semaphore_mem>>
      %dma_start3A_190 = arith.constant 0 : i32
      %dma_start3A_191 = tpu.memref_slice %arg3[%mul3A_6, %dma_start3A_190] : memref<2560x125xi32, #tpu.memory_space<hbm>> -> memref<160x125xi32, #tpu.memory_space<hbm>>
      %dma_start3A_192 = arith.constant 0 : i32
      %dma_start3A_193 = tpu.memref_slice %arg3[%mul3A_6, %dma_start3A_192] : memref<2560x125xi32, #tpu.memory_space<hbm>> -> memref<160x125xi32, #tpu.memory_space<hbm>>
      tpu.enqueue_dma source(%dma_start3A_193 : memref<160x125xi32, #tpu.memory_space<hbm>>) target(%arg6 : memref<160x125xi32, #tpu.memory_space<vmem>>) target_semaphore(%run_scoped3A : memref<!tpu.dma_semaphore, #tpu.memory_space<semaphore_mem>>)
      %dma_wait3A_194 = arith.constant 0 : i32
      %dma_wait3A_195 = tpu.memref_slice %arg3[%mul3A_6, %dma_wait3A_194] : memref<2560x125xi32, #tpu.memory_space<hbm>> -> memref<160x125xi32, #tpu.memory_space<hbm>>
      %dma_wait3A_196 = arith.constant 0 : i32
      %dma_wait3A_197 = tpu.memref_slice %arg3[%mul3A_6, %dma_wait3A_196] : memref<2560x125xi32, #tpu.memory_space<hbm>> -> memref<160x125xi32, #tpu.memory_space<hbm>>
      tpu.wait_dma2 semaphore(%run_scoped3A : memref<!tpu.dma_semaphore, #tpu.memory_space<semaphore_mem>>) src(%dma_wait3A_197 : memref<160x125xi32, #tpu.memory_space<hbm>>) dst(%arg6 : memref<160x125xi32, #tpu.memory_space<vmem>>)
      tpu.yield
    }) : () -> ()
    %mul3A_7 = arith.constant 160 : i32
    %mul3A_8 = arith.muli %arg1, %mul3A_7 : i32
    "tpu.region"() ({
      %run_scoped3A = tpu.sem_alloc : memref<!tpu.dma_semaphore, #tpu.memory_space<semaphore_mem>>
      %dma_start3A_190 = arith.constant 0 : i32
      %dma_start3A_191 = tpu.memref_slice %arg4[%mul3A_8, %dma_start3A_190] : memref<2560x125xi32, #tpu.memory_space<hbm>> -> memref<160x125xi32, #tpu.memory_space<hbm>>
      %dma_start3A_192 = arith.constant 0 : i32
      %dma_start3A_193 = tpu.memref_slice %arg4[%mul3A_8, %dma_start3A_192] : memref<2560x125xi32, #tpu.memory_space<hbm>> -> memref<160x125xi32, #tpu.memory_space<hbm>>
      tpu.enqueue_dma source(%dma_start3A_193 : memref<160x125xi32, #tpu.memory_space<hbm>>) target(%arg7 : memref<160x125xi32, #tpu.memory_space<vmem>>) target_semaphore(%run_scoped3A : memref<!tpu.dma_semaphore, #tpu.memory_space<semaphore_mem>>)
      %dma_wait3A_194 = arith.constant 0 : i32
      %dma_wait3A_195 = tpu.memref_slice %arg4[%mul3A_8, %dma_wait3A_194] : memref<2560x125xi32, #tpu.memory_space<hbm>> -> memref<160x125xi32, #tpu.memory_space<hbm>>
      %dma_wait3A_196 = arith.constant 0 : i32
      %dma_wait3A_197 = tpu.memref_slice %arg4[%mul3A_8, %dma_wait3A_196] : memref<2560x125xi32, #tpu.memory_space<hbm>> -> memref<160x125xi32, #tpu.memory_space<hbm>>
      tpu.wait_dma2 semaphore(%run_scoped3A : memref<!tpu.dma_semaphore, #tpu.memory_space<semaphore_mem>>) src(%dma_wait3A_197 : memref<160x125xi32, #tpu.memory_space<hbm>>) dst(%arg7 : memref<160x125xi32, #tpu.memory_space<vmem>>)
      tpu.yield
    }) : () -> ()
    %broadcast_in_dim3A = arith.constant 0.000000e+00 : f32
    %broadcast_in_dim3A_9 = vector.broadcast %broadcast_in_dim3A : f32 to vector<16xf32>
    %scan3A = arith.constant 0 : i32
    %scan3A_10 = arith.constant 40 : i32
    %scan3A_11 = arith.addi %scan3A, %scan3A_10 : i32
    %scan3A_12 = arith.constant 1 : i32
    scf.for %scan3A_190 = %scan3A to %scan3A_11 step %scan3A_12  : i32 {
      %mul3A_191 = arith.constant 1 : i32
      %mul3A_192 = arith.muli %scan3A_190, %mul3A_191 : i32
      %add3A_193 = arith.constant 0 : i32
      %add3A_194 = arith.addi %add3A_193, %mul3A_192 : i32
      %swap3A = arith.index_cast %add3A_194 : i32 to index
      %swap3A_195 = arith.constant 0 : index
      %swap3A_196 = tpu.vector_load %arg9[%swap3A, %swap3A_195] {strides = array<i32>} : memref<40x32xf32, #tpu.memory_space<vmem>>, vector<1x16xf32>,
      %swap3A_197 = vector.shape_cast %swap3A_196 : vector<1x16xf32> to vector<16xf32>
      %swap3A_198 = vector.shape_cast %broadcast_in_dim3A_9 : vector<16xf32> to vector<1x16xf32>
      tpu.vector_store %arg9[%swap3A, %swap3A_195], %swap3A_198 {strides = array<i32>} : memref<40x32xf32, #tpu.memory_space<vmem>>, vector<1x16xf32>,
      %swap3A_199 = arith.index_cast %add3A_194 : i32 to index
      %swap3A_200 = arith.constant 16 : index
      %swap3A_201 = tpu.vector_load %arg9[%swap3A_199, %swap3A_200] {strides = array<i32>} : memref<40x32xf32, #tpu.memory_space<vmem>>, vector<1x16xf32>,
      %swap3A_202 = vector.shape_cast %swap3A_201 : vector<1x16xf32> to vector<16xf32>
      %swap3A_203 = vector.shape_cast %broadcast_in_dim3A_9 : vector<16xf32> to vector<1x16xf32>
      tpu.vector_store %arg9[%swap3A_199, %swap3A_200], %swap3A_203 {strides = array<i32>} : memref<40x32xf32, #tpu.memory_space<vmem>>, vector<1x16xf32>,
    }
    %scan3A_13 = arith.constant 40 : i32
    %add3A = arith.constant 0 : i32
    %add3A_14 = arith.addi %mul3A_0, %add3A : i32
    "tpu.region"() ({
      %run_scoped3A = tpu.sem_alloc : memref<!tpu.dma_semaphore, #tpu.memory_space<semaphore_mem>>
      %dma_start3A_190 = arith.constant 0 : i32
      %dma_start3A_191 = tpu.memref_slice %arg11[%add3A_14, %dma_start3A_190] : memref<10240x32xf32, #tpu.memory_space<vmem_shared>> -> memref<40x32xf32, #tpu.memory_space<vmem_shared>>
      %dma_start3A_192 = arith.constant 0 : i32
      %dma_start3A_193 = tpu.memref_slice %arg11[%add3A_14, %dma_start3A_192] : memref<10240x32xf32, #tpu.memory_space<vmem_shared>> -> memref<40x32xf32, #tpu.memory_space<vmem_shared>>
      tpu.enqueue_dma source(%arg9 : memref<40x32xf32, #tpu.memory_space<vmem>>) target(%dma_start3A_193 : memref<40x32xf32, #tpu.memory_space<vmem_shared>>) target_semaphore(%run_scoped3A : memref<!tpu.dma_semaphore, #tpu.memory_space<semaphore_mem>>)
      %dma_wait3A_194 = arith.constant 0 : i32
      %dma_wait3A_195 = tpu.memref_slice %arg11[%add3A_14, %dma_wait3A_194] : memref<10240x32xf32, #tpu.memory_space<vmem_shared>> -> memref<40x32xf32, #tpu.memory_space<vmem_shared>>
      %dma_wait3A_196 = arith.constant 0 : i32
      %dma_wait3A_197 = tpu.memref_slice %arg11[%add3A_14, %dma_wait3A_196] : memref<10240x32xf32, #tpu.memory_space<vmem_shared>> -> memref<40x32xf32, #tpu.memory_space<vmem_shared>>
      tpu.wait_dma2 semaphore(%run_scoped3A : memref<!tpu.dma_semaphore, #tpu.memory_space<semaphore_mem>>) src(%arg9 : memref<40x32xf32, #tpu.memory_space<vmem>>) dst(%dma_wait3A_197 : memref<40x32xf32, #tpu.memory_space<vmem_shared>>)
      tpu.yield
    }) : () -> ()
    %add3A_15 = arith.constant 40 : i32
    %add3A_16 = arith.addi %mul3A_0, %add3A_15 : i32
    "tpu.region"() ({
      %run_scoped3A = tpu.sem_alloc : memref<!tpu.dma_semaphore, #tpu.memory_space<semaphore_mem>>
      %dma_start3A_190 = arith.constant 0 : i32
      %dma_start3A_191 = tpu.memref_slice %arg11[%add3A_16, %dma_start3A_190] : memref<10240x32xf32, #tpu.memory_space<vmem_shared>> -> memref<40x32xf32, #tpu.memory_space<vmem_shared>>
      %dma_start3A_192 = arith.constant 0 : i32
      %dma_start3A_193 = tpu.memref_slice %arg11[%add3A_16, %dma_start3A_192] : memref<10240x32xf32, #tpu.memory_space<vmem_shared>> -> memref<40x32xf32, #tpu.memory_space<vmem_shared>>
      tpu.enqueue_dma source(%arg9 : memref<40x32xf32, #tpu.memory_space<vmem>>) target(%dma_start3A_193 : memref<40x32xf32, #tpu.memory_space<vmem_shared>>) target_semaphore(%run_scoped3A : memref<!tpu.dma_semaphore, #tpu.memory_space<semaphore_mem>>)
      %dma_wait3A_194 = arith.constant 0 : i32
      %dma_wait3A_195 = tpu.memref_slice %arg11[%add3A_16, %dma_wait3A_194] : memref<10240x32xf32, #tpu.memory_space<vmem_shared>> -> memref<40x32xf32, #tpu.memory_space<vmem_shared>>
      %dma_wait3A_196 = arith.constant 0 : i32
      %dma_wait3A_197 = tpu.memref_slice %arg11[%add3A_16, %dma_wait3A_196] : memref<10240x32xf32, #tpu.memory_space<vmem_shared>> -> memref<40x32xf32, #tpu.memory_space<vmem_shared>>
      tpu.wait_dma2 semaphore(%run_scoped3A : memref<!tpu.dma_semaphore, #tpu.memory_space<semaphore_mem>>) src(%arg9 : memref<40x32xf32, #tpu.memory_space<vmem>>) dst(%dma_wait3A_197 : memref<40x32xf32, #tpu.memory_space<vmem_shared>>)
      tpu.yield
    }) : () -> ()
    %add3A_17 = arith.constant 80 : i32
    %add3A_18 = arith.addi %mul3A_0, %add3A_17 : i32
    "tpu.region"() ({
      %run_scoped3A = tpu.sem_alloc : memref<!tpu.dma_semaphore, #tpu.memory_space<semaphore_mem>>
      %dma_start3A_190 = arith.constant 0 : i32
      %dma_start3A_191 = tpu.memref_slice %arg11[%add3A_18, %dma_start3A_190] : memref<10240x32xf32, #tpu.memory_space<vmem_shared>> -> memref<40x32xf32, #tpu.memory_space<vmem_shared>>
      %dma_start3A_192 = arith.constant 0 : i32
      %dma_start3A_193 = tpu.memref_slice %arg11[%add3A_18, %dma_start3A_192] : memref<10240x32xf32, #tpu.memory_space<vmem_shared>> -> memref<40x32xf32, #tpu.memory_space<vmem_shared>>
      tpu.enqueue_dma source(%arg9 : memref<40x32xf32, #tpu.memory_space<vmem>>) target(%dma_start3A_193 : memref<40x32xf32, #tpu.memory_space<vmem_shared>>) target_semaphore(%run_scoped3A : memref<!tpu.dma_semaphore, #tpu.memory_space<semaphore_mem>>)
      %dma_wait3A_194 = arith.constant 0 : i32
      %dma_wait3A_195 = tpu.memref_slice %arg11[%add3A_18, %dma_wait3A_194] : memref<10240x32xf32, #tpu.memory_space<vmem_shared>> -> memref<40x32xf32, #tpu.memory_space<vmem_shared>>
      %dma_wait3A_196 = arith.constant 0 : i32
      %dma_wait3A_197 = tpu.memref_slice %arg11[%add3A_18, %dma_wait3A_196] : memref<10240x32xf32, #tpu.memory_space<vmem_shared>> -> memref<40x32xf32, #tpu.memory_space<vmem_shared>>
      tpu.wait_dma2 semaphore(%run_scoped3A : memref<!tpu.dma_semaphore, #tpu.memory_space<semaphore_mem>>) src(%arg9 : memref<40x32xf32, #tpu.memory_space<vmem>>) dst(%dma_wait3A_197 : memref<40x32xf32, #tpu.memory_space<vmem_shared>>)
      tpu.yield
    }) : () -> ()
    %add3A_19 = arith.constant 120 : i32
    %add3A_20 = arith.addi %mul3A_0, %add3A_19 : i32
    "tpu.region"() ({
      %run_scoped3A = tpu.sem_alloc : memref<!tpu.dma_semaphore, #tpu.memory_space<semaphore_mem>>
      %dma_start3A_190 = arith.constant 0 : i32
      %dma_start3A_191 = tpu.memref_slice %arg11[%add3A_20, %dma_start3A_190] : memref<10240x32xf32, #tpu.memory_space<vmem_shared>> -> memref<40x32xf32, #tpu.memory_space<vmem_shared>>
      %dma_start3A_192 = arith.constant 0 : i32
      %dma_start3A_193 = tpu.memref_slice %arg11[%add3A_20, %dma_start3A_192] : memref<10240x32xf32, #tpu.memory_space<vmem_shared>> -> memref<40x32xf32, #tpu.memory_space<vmem_shared>>
      tpu.enqueue_dma source(%arg9 : memref<40x32xf32, #tpu.memory_space<vmem>>) target(%dma_start3A_193 : memref<40x32xf32, #tpu.memory_space<vmem_shared>>) target_semaphore(%run_scoped3A : memref<!tpu.dma_semaphore, #tpu.memory_space<semaphore_mem>>)
      %dma_wait3A_194 = arith.constant 0 : i32
      %dma_wait3A_195 = tpu.memref_slice %arg11[%add3A_20, %dma_wait3A_194] : memref<10240x32xf32, #tpu.memory_space<vmem_shared>> -> memref<40x32xf32, #tpu.memory_space<vmem_shared>>
      %dma_wait3A_196 = arith.constant 0 : i32
      %dma_wait3A_197 = tpu.memref_slice %arg11[%add3A_20, %dma_wait3A_196] : memref<10240x32xf32, #tpu.memory_space<vmem_shared>> -> memref<40x32xf32, #tpu.memory_space<vmem_shared>>
      tpu.wait_dma2 semaphore(%run_scoped3A : memref<!tpu.dma_semaphore, #tpu.memory_space<semaphore_mem>>) src(%arg9 : memref<40x32xf32, #tpu.memory_space<vmem>>) dst(%dma_wait3A_197 : memref<40x32xf32, #tpu.memory_space<vmem_shared>>)
      tpu.yield
    }) : () -> ()
    %add3A_21 = arith.constant 160 : i32
    %add3A_22 = arith.addi %mul3A_0, %add3A_21 : i32
    "tpu.region"() ({
      %run_scoped3A = tpu.sem_alloc : memref<!tpu.dma_semaphore, #tpu.memory_space<semaphore_mem>>
      %dma_start3A_190 = arith.constant 0 : i32
      %dma_start3A_191 = tpu.memref_slice %arg11[%add3A_22, %dma_start3A_190] : memref<10240x32xf32, #tpu.memory_space<vmem_shared>> -> memref<40x32xf32, #tpu.memory_space<vmem_shared>>
      %dma_start3A_192 = arith.constant 0 : i32
      %dma_start3A_193 = tpu.memref_slice %arg11[%add3A_22, %dma_start3A_192] : memref<10240x32xf32, #tpu.memory_space<vmem_shared>> -> memref<40x32xf32, #tpu.memory_space<vmem_shared>>
      tpu.enqueue_dma source(%arg9 : memref<40x32xf32, #tpu.memory_space<vmem>>) target(%dma_start3A_193 : memref<40x32xf32, #tpu.memory_space<vmem_shared>>) target_semaphore(%run_scoped3A : memref<!tpu.dma_semaphore, #tpu.memory_space<semaphore_mem>>)
      %dma_wait3A_194 = arith.constant 0 : i32
      %dma_wait3A_195 = tpu.memref_slice %arg11[%add3A_22, %dma_wait3A_194] : memref<10240x32xf32, #tpu.memory_space<vmem_shared>> -> memref<40x32xf32, #tpu.memory_space<vmem_shared>>
      %dma_wait3A_196 = arith.constant 0 : i32
      %dma_wait3A_197 = tpu.memref_slice %arg11[%add3A_22, %dma_wait3A_196] : memref<10240x32xf32, #tpu.memory_space<vmem_shared>> -> memref<40x32xf32, #tpu.memory_space<vmem_shared>>
      tpu.wait_dma2 semaphore(%run_scoped3A : memref<!tpu.dma_semaphore, #tpu.memory_space<semaphore_mem>>) src(%arg9 : memref<40x32xf32, #tpu.memory_space<vmem>>) dst(%dma_wait3A_197 : memref<40x32xf32, #tpu.memory_space<vmem_shared>>)
      tpu.yield
    }) : () -> ()
    %add3A_23 = arith.constant 200 : i32
    %add3A_24 = arith.addi %mul3A_0, %add3A_23 : i32
    "tpu.region"() ({
      %run_scoped3A = tpu.sem_alloc : memref<!tpu.dma_semaphore, #tpu.memory_space<semaphore_mem>>
      %dma_start3A_190 = arith.constant 0 : i32
      %dma_start3A_191 = tpu.memref_slice %arg11[%add3A_24, %dma_start3A_190] : memref<10240x32xf32, #tpu.memory_space<vmem_shared>> -> memref<40x32xf32, #tpu.memory_space<vmem_shared>>
      %dma_start3A_192 = arith.constant 0 : i32
      %dma_start3A_193 = tpu.memref_slice %arg11[%add3A_24, %dma_start3A_192] : memref<10240x32xf32, #tpu.memory_space<vmem_shared>> -> memref<40x32xf32, #tpu.memory_space<vmem_shared>>
      tpu.enqueue_dma source(%arg9 : memref<40x32xf32, #tpu.memory_space<vmem>>) target(%dma_start3A_193 : memref<40x32xf32, #tpu.memory_space<vmem_shared>>) target_semaphore(%run_scoped3A : memref<!tpu.dma_semaphore, #tpu.memory_space<semaphore_mem>>)
      %dma_wait3A_194 = arith.constant 0 : i32
      %dma_wait3A_195 = tpu.memref_slice %arg11[%add3A_24, %dma_wait3A_194] : memref<10240x32xf32, #tpu.memory_space<vmem_shared>> -> memref<40x32xf32, #tpu.memory_space<vmem_shared>>
      %dma_wait3A_196 = arith.constant 0 : i32
      %dma_wait3A_197 = tpu.memref_slice %arg11[%add3A_24, %dma_wait3A_196] : memref<10240x32xf32, #tpu.memory_space<vmem_shared>> -> memref<40x32xf32, #tpu.memory_space<vmem_shared>>
      tpu.wait_dma2 semaphore(%run_scoped3A : memref<!tpu.dma_semaphore, #tpu.memory_space<semaphore_mem>>) src(%arg9 : memref<40x32xf32, #tpu.memory_space<vmem>>) dst(%dma_wait3A_197 : memref<40x32xf32, #tpu.memory_space<vmem_shared>>)
      tpu.yield
    }) : () -> ()
    %add3A_25 = arith.constant 240 : i32
    %add3A_26 = arith.addi %mul3A_0, %add3A_25 : i32
    "tpu.region"() ({
      %run_scoped3A = tpu.sem_alloc : memref<!tpu.dma_semaphore, #tpu.memory_space<semaphore_mem>>
      %dma_start3A_190 = arith.constant 0 : i32
      %dma_start3A_191 = tpu.memref_slice %arg11[%add3A_26, %dma_start3A_190] : memref<10240x32xf32, #tpu.memory_space<vmem_shared>> -> memref<40x32xf32, #tpu.memory_space<vmem_shared>>
      %dma_start3A_192 = arith.constant 0 : i32
      %dma_start3A_193 = tpu.memref_slice %arg11[%add3A_26, %dma_start3A_192] : memref<10240x32xf32, #tpu.memory_space<vmem_shared>> -> memref<40x32xf32, #tpu.memory_space<vmem_shared>>
      tpu.enqueue_dma source(%arg9 : memref<40x32xf32, #tpu.memory_space<vmem>>) target(%dma_start3A_193 : memref<40x32xf32, #tpu.memory_space<vmem_shared>>) target_semaphore(%run_scoped3A : memref<!tpu.dma_semaphore, #tpu.memory_space<semaphore_mem>>)
      %dma_wait3A_194 = arith.constant 0 : i32
      %dma_wait3A_195 = tpu.memref_slice %arg11[%add3A_26, %dma_wait3A_194] : memref<10240x32xf32, #tpu.memory_space<vmem_shared>> -> memref<40x32xf32, #tpu.memory_space<vmem_shared>>
      %dma_wait3A_196 = arith.constant 0 : i32
      %dma_wait3A_197 = tpu.memref_slice %arg11[%add3A_26, %dma_wait3A_196] : memref<10240x32xf32, #tpu.memory_space<vmem_shared>> -> memref<40x32xf32, #tpu.memory_space<vmem_shared>>
      tpu.wait_dma2 semaphore(%run_scoped3A : memref<!tpu.dma_semaphore, #tpu.memory_space<semaphore_mem>>) src(%arg9 : memref<40x32xf32, #tpu.memory_space<vmem>>) dst(%dma_wait3A_197 : memref<40x32xf32, #tpu.memory_space<vmem_shared>>)
      tpu.yield
    }) : () -> ()
    %add3A_27 = arith.constant 280 : i32
    %add3A_28 = arith.addi %mul3A_0, %add3A_27 : i32
    "tpu.region"() ({
      %run_scoped3A = tpu.sem_alloc : memref<!tpu.dma_semaphore, #tpu.memory_space<semaphore_mem>>
      %dma_start3A_190 = arith.constant 0 : i32
      %dma_start3A_191 = tpu.memref_slice %arg11[%add3A_28, %dma_start3A_190] : memref<10240x32xf32, #tpu.memory_space<vmem_shared>> -> memref<40x32xf32, #tpu.memory_space<vmem_shared>>
      %dma_start3A_192 = arith.constant 0 : i32
      %dma_start3A_193 = tpu.memref_slice %arg11[%add3A_28, %dma_start3A_192] : memref<10240x32xf32, #tpu.memory_space<vmem_shared>> -> memref<40x32xf32, #tpu.memory_space<vmem_shared>>
      tpu.enqueue_dma source(%arg9 : memref<40x32xf32, #tpu.memory_space<vmem>>) target(%dma_start3A_193 : memref<40x32xf32, #tpu.memory_space<vmem_shared>>) target_semaphore(%run_scoped3A : memref<!tpu.dma_semaphore, #tpu.memory_space<semaphore_mem>>)
      %dma_wait3A_194 = arith.constant 0 : i32
      %dma_wait3A_195 = tpu.memref_slice %arg11[%add3A_28, %dma_wait3A_194] : memref<10240x32xf32, #tpu.memory_space<vmem_shared>> -> memref<40x32xf32, #tpu.memory_space<vmem_shared>>
      %dma_wait3A_196 = arith.constant 0 : i32
      %dma_wait3A_197 = tpu.memref_slice %arg11[%add3A_28, %dma_wait3A_196] : memref<10240x32xf32, #tpu.memory_space<vmem_shared>> -> memref<40x32xf32, #tpu.memory_space<vmem_shared>>
      tpu.wait_dma2 semaphore(%run_scoped3A : memref<!tpu.dma_semaphore, #tpu.memory_space<semaphore_mem>>) src(%arg9 : memref<40x32xf32, #tpu.memory_space<vmem>>) dst(%dma_wait3A_197 : memref<40x32xf32, #tpu.memory_space<vmem_shared>>)
      tpu.yield
    }) : () -> ()
    %add3A_29 = arith.constant 320 : i32
    %add3A_30 = arith.addi %mul3A_0, %add3A_29 : i32
    "tpu.region"() ({
      %run_scoped3A = tpu.sem_alloc : memref<!tpu.dma_semaphore, #tpu.memory_space<semaphore_mem>>
      %dma_start3A_190 = arith.constant 0 : i32
      %dma_start3A_191 = tpu.memref_slice %arg11[%add3A_30, %dma_start3A_190] : memref<10240x32xf32, #tpu.memory_space<vmem_shared>> -> memref<40x32xf32, #tpu.memory_space<vmem_shared>>
      %dma_start3A_192 = arith.constant 0 : i32
      %dma_start3A_193 = tpu.memref_slice %arg11[%add3A_30, %dma_start3A_192] : memref<10240x32xf32, #tpu.memory_space<vmem_shared>> -> memref<40x32xf32, #tpu.memory_space<vmem_shared>>
      tpu.enqueue_dma source(%arg9 : memref<40x32xf32, #tpu.memory_space<vmem>>) target(%dma_start3A_193 : memref<40x32xf32, #tpu.memory_space<vmem_shared>>) target_semaphore(%run_scoped3A : memref<!tpu.dma_semaphore, #tpu.memory_space<semaphore_mem>>)
      %dma_wait3A_194 = arith.constant 0 : i32
      %dma_wait3A_195 = tpu.memref_slice %arg11[%add3A_30, %dma_wait3A_194] : memref<10240x32xf32, #tpu.memory_space<vmem_shared>> -> memref<40x32xf32, #tpu.memory_space<vmem_shared>>
      %dma_wait3A_196 = arith.constant 0 : i32
      %dma_wait3A_197 = tpu.memref_slice %arg11[%add3A_30, %dma_wait3A_196] : memref<10240x32xf32, #tpu.memory_space<vmem_shared>> -> memref<40x32xf32, #tpu.memory_space<vmem_shared>>
      tpu.wait_dma2 semaphore(%run_scoped3A : memref<!tpu.dma_semaphore, #tpu.memory_space<semaphore_mem>>) src(%arg9 : memref<40x32xf32, #tpu.memory_space<vmem>>) dst(%dma_wait3A_197 : memref<40x32xf32, #tpu.memory_space<vmem_shared>>)
      tpu.yield
    }) : () -> ()
    %add3A_31 = arith.constant 360 : i32
    %add3A_32 = arith.addi %mul3A_0, %add3A_31 : i32
    "tpu.region"() ({
      %run_scoped3A = tpu.sem_alloc : memref<!tpu.dma_semaphore, #tpu.memory_space<semaphore_mem>>
      %dma_start3A_190 = arith.constant 0 : i32
      %dma_start3A_191 = tpu.memref_slice %arg11[%add3A_32, %dma_start3A_190] : memref<10240x32xf32, #tpu.memory_space<vmem_shared>> -> memref<40x32xf32, #tpu.memory_space<vmem_shared>>
      %dma_start3A_192 = arith.constant 0 : i32
      %dma_start3A_193 = tpu.memref_slice %arg11[%add3A_32, %dma_start3A_192] : memref<10240x32xf32, #tpu.memory_space<vmem_shared>> -> memref<40x32xf32, #tpu.memory_space<vmem_shared>>
      tpu.enqueue_dma source(%arg9 : memref<40x32xf32, #tpu.memory_space<vmem>>) target(%dma_start3A_193 : memref<40x32xf32, #tpu.memory_space<vmem_shared>>) target_semaphore(%run_scoped3A : memref<!tpu.dma_semaphore, #tpu.memory_space<semaphore_mem>>)
      %dma_wait3A_194 = arith.constant 0 : i32
      %dma_wait3A_195 = tpu.memref_slice %arg11[%add3A_32, %dma_wait3A_194] : memref<10240x32xf32, #tpu.memory_space<vmem_shared>> -> memref<40x32xf32, #tpu.memory_space<vmem_shared>>
      %dma_wait3A_196 = arith.constant 0 : i32
      %dma_wait3A_197 = tpu.memref_slice %arg11[%add3A_32, %dma_wait3A_196] : memref<10240x32xf32, #tpu.memory_space<vmem_shared>> -> memref<40x32xf32, #tpu.memory_space<vmem_shared>>
      tpu.wait_dma2 semaphore(%run_scoped3A : memref<!tpu.dma_semaphore, #tpu.memory_space<semaphore_mem>>) src(%arg9 : memref<40x32xf32, #tpu.memory_space<vmem>>) dst(%dma_wait3A_197 : memref<40x32xf32, #tpu.memory_space<vmem_shared>>)
      tpu.yield
    }) : () -> ()
    %add3A_33 = arith.constant 400 : i32
    %add3A_34 = arith.addi %mul3A_0, %add3A_33 : i32
    "tpu.region"() ({
      %run_scoped3A = tpu.sem_alloc : memref<!tpu.dma_semaphore, #tpu.memory_space<semaphore_mem>>
      %dma_start3A_190 = arith.constant 0 : i32
      %dma_start3A_191 = tpu.memref_slice %arg11[%add3A_34, %dma_start3A_190] : memref<10240x32xf32, #tpu.memory_space<vmem_shared>> -> memref<40x32xf32, #tpu.memory_space<vmem_shared>>
      %dma_start3A_192 = arith.constant 0 : i32
      %dma_start3A_193 = tpu.memref_slice %arg11[%add3A_34, %dma_start3A_192] : memref<10240x32xf32, #tpu.memory_space<vmem_shared>> -> memref<40x32xf32, #tpu.memory_space<vmem_shared>>
      tpu.enqueue_dma source(%arg9 : memref<40x32xf32, #tpu.memory_space<vmem>>) target(%dma_start3A_193 : memref<40x32xf32, #tpu.memory_space<vmem_shared>>) target_semaphore(%run_scoped3A : memref<!tpu.dma_semaphore, #tpu.memory_space<semaphore_mem>>)
      %dma_wait3A_194 = arith.constant 0 : i32
      %dma_wait3A_195 = tpu.memref_slice %arg11[%add3A_34, %dma_wait3A_194] : memref<10240x32xf32, #tpu.memory_space<vmem_shared>> -> memref<40x32xf32, #tpu.memory_space<vmem_shared>>
      %dma_wait3A_196 = arith.constant 0 : i32
      %dma_wait3A_197 = tpu.memref_slice %arg11[%add3A_34, %dma_wait3A_196] : memref<10240x32xf32, #tpu.memory_space<vmem_shared>> -> memref<40x32xf32, #tpu.memory_space<vmem_shared>>
      tpu.wait_dma2 semaphore(%run_scoped3A : memref<!tpu.dma_semaphore, #tpu.memory_space<semaphore_mem>>) src(%arg9 : memref<40x32xf32, #tpu.memory_space<vmem>>) dst(%dma_wait3A_197 : memref<40x32xf32, #tpu.memory_space<vmem_shared>>)
      tpu.yield
    }) : () -> ()
    %add3A_35 = arith.constant 440 : i32
    %add3A_36 = arith.addi %mul3A_0, %add3A_35 : i32
    "tpu.region"() ({
      %run_scoped3A = tpu.sem_alloc : memref<!tpu.dma_semaphore, #tpu.memory_space<semaphore_mem>>
      %dma_start3A_190 = arith.constant 0 : i32
      %dma_start3A_191 = tpu.memref_slice %arg11[%add3A_36, %dma_start3A_190] : memref<10240x32xf32, #tpu.memory_space<vmem_shared>> -> memref<40x32xf32, #tpu.memory_space<vmem_shared>>
      %dma_start3A_192 = arith.constant 0 : i32
      %dma_start3A_193 = tpu.memref_slice %arg11[%add3A_36, %dma_start3A_192] : memref<10240x32xf32, #tpu.memory_space<vmem_shared>> -> memref<40x32xf32, #tpu.memory_space<vmem_shared>>
      tpu.enqueue_dma source(%arg9 : memref<40x32xf32, #tpu.memory_space<vmem>>) target(%dma_start3A_193 : memref<40x32xf32, #tpu.memory_space<vmem_shared>>) target_semaphore(%run_scoped3A : memref<!tpu.dma_semaphore, #tpu.memory_space<semaphore_mem>>)
      %dma_wait3A_194 = arith.constant 0 : i32
      %dma_wait3A_195 = tpu.memref_slice %arg11[%add3A_36, %dma_wait3A_194] : memref<10240x32xf32, #tpu.memory_space<vmem_shared>> -> memref<40x32xf32, #tpu.memory_space<vmem_shared>>
      %dma_wait3A_196 = arith.constant 0 : i32
      %dma_wait3A_197 = tpu.memref_slice %arg11[%add3A_36, %dma_wait3A_196] : memref<10240x32xf32, #tpu.memory_space<vmem_shared>> -> memref<40x32xf32, #tpu.memory_space<vmem_shared>>
      tpu.wait_dma2 semaphore(%run_scoped3A : memref<!tpu.dma_semaphore, #tpu.memory_space<semaphore_mem>>) src(%arg9 : memref<40x32xf32, #tpu.memory_space<vmem>>) dst(%dma_wait3A_197 : memref<40x32xf32, #tpu.memory_space<vmem_shared>>)
      tpu.yield
    }) : () -> ()
    %add3A_37 = arith.constant 480 : i32
    %add3A_38 = arith.addi %mul3A_0, %add3A_37 : i32
    "tpu.region"() ({
      %run_scoped3A = tpu.sem_alloc : memref<!tpu.dma_semaphore, #tpu.memory_space<semaphore_mem>>
      %dma_start3A_190 = arith.constant 0 : i32
      %dma_start3A_191 = tpu.memref_slice %arg11[%add3A_38, %dma_start3A_190] : memref<10240x32xf32, #tpu.memory_space<vmem_shared>> -> memref<40x32xf32, #tpu.memory_space<vmem_shared>>
      %dma_start3A_192 = arith.constant 0 : i32
      %dma_start3A_193 = tpu.memref_slice %arg11[%add3A_38, %dma_start3A_192] : memref<10240x32xf32, #tpu.memory_space<vmem_shared>> -> memref<40x32xf32, #tpu.memory_space<vmem_shared>>
      tpu.enqueue_dma source(%arg9 : memref<40x32xf32, #tpu.memory_space<vmem>>) target(%dma_start3A_193 : memref<40x32xf32, #tpu.memory_space<vmem_shared>>) target_semaphore(%run_scoped3A : memref<!tpu.dma_semaphore, #tpu.memory_space<semaphore_mem>>)
      %dma_wait3A_194 = arith.constant 0 : i32
      %dma_wait3A_195 = tpu.memref_slice %arg11[%add3A_38, %dma_wait3A_194] : memref<10240x32xf32, #tpu.memory_space<vmem_shared>> -> memref<40x32xf32, #tpu.memory_space<vmem_shared>>
      %dma_wait3A_196 = arith.constant 0 : i32
      %dma_wait3A_197 = tpu.memref_slice %arg11[%add3A_38, %dma_wait3A_196] : memref<10240x32xf32, #tpu.memory_space<vmem_shared>> -> memref<40x32xf32, #tpu.memory_space<vmem_shared>>
      tpu.wait_dma2 semaphore(%run_scoped3A : memref<!tpu.dma_semaphore, #tpu.memory_space<semaphore_mem>>) src(%arg9 : memref<40x32xf32, #tpu.memory_space<vmem>>) dst(%dma_wait3A_197 : memref<40x32xf32, #tpu.memory_space<vmem_shared>>)
      tpu.yield
    }) : () -> ()
    %add3A_39 = arith.constant 520 : i32
    %add3A_40 = arith.addi %mul3A_0, %add3A_39 : i32
    "tpu.region"() ({
      %run_scoped3A = tpu.sem_alloc : memref<!tpu.dma_semaphore, #tpu.memory_space<semaphore_mem>>
      %dma_start3A_190 = arith.constant 0 : i32
      %dma_start3A_191 = tpu.memref_slice %arg11[%add3A_40, %dma_start3A_190] : memref<10240x32xf32, #tpu.memory_space<vmem_shared>> -> memref<40x32xf32, #tpu.memory_space<vmem_shared>>
      %dma_start3A_192 = arith.constant 0 : i32
      %dma_start3A_193 = tpu.memref_slice %arg11[%add3A_40, %dma_start3A_192] : memref<10240x32xf32, #tpu.memory_space<vmem_shared>> -> memref<40x32xf32, #tpu.memory_space<vmem_shared>>
      tpu.enqueue_dma source(%arg9 : memref<40x32xf32, #tpu.memory_space<vmem>>) target(%dma_start3A_193 : memref<40x32xf32, #tpu.memory_space<vmem_shared>>) target_semaphore(%run_scoped3A : memref<!tpu.dma_semaphore, #tpu.memory_space<semaphore_mem>>)
      %dma_wait3A_194 = arith.constant 0 : i32
      %dma_wait3A_195 = tpu.memref_slice %arg11[%add3A_40, %dma_wait3A_194] : memref<10240x32xf32, #tpu.memory_space<vmem_shared>> -> memref<40x32xf32, #tpu.memory_space<vmem_shared>>
      %dma_wait3A_196 = arith.constant 0 : i32
      %dma_wait3A_197 = tpu.memref_slice %arg11[%add3A_40, %dma_wait3A_196] : memref<10240x32xf32, #tpu.memory_space<vmem_shared>> -> memref<40x32xf32, #tpu.memory_space<vmem_shared>>
      tpu.wait_dma2 semaphore(%run_scoped3A : memref<!tpu.dma_semaphore, #tpu.memory_space<semaphore_mem>>) src(%arg9 : memref<40x32xf32, #tpu.memory_space<vmem>>) dst(%dma_wait3A_197 : memref<40x32xf32, #tpu.memory_space<vmem_shared>>)
      tpu.yield
    }) : () -> ()
    %add3A_41 = arith.constant 560 : i32
    %add3A_42 = arith.addi %mul3A_0, %add3A_41 : i32
    "tpu.region"() ({
      %run_scoped3A = tpu.sem_alloc : memref<!tpu.dma_semaphore, #tpu.memory_space<semaphore_mem>>
      %dma_start3A_190 = arith.constant 0 : i32
      %dma_start3A_191 = tpu.memref_slice %arg11[%add3A_42, %dma_start3A_190] : memref<10240x32xf32, #tpu.memory_space<vmem_shared>> -> memref<40x32xf32, #tpu.memory_space<vmem_shared>>
      %dma_start3A_192 = arith.constant 0 : i32
      %dma_start3A_193 = tpu.memref_slice %arg11[%add3A_42, %dma_start3A_192] : memref<10240x32xf32, #tpu.memory_space<vmem_shared>> -> memref<40x32xf32, #tpu.memory_space<vmem_shared>>
      tpu.enqueue_dma source(%arg9 : memref<40x32xf32, #tpu.memory_space<vmem>>) target(%dma_start3A_193 : memref<40x32xf32, #tpu.memory_space<vmem_shared>>) target_semaphore(%run_scoped3A : memref<!tpu.dma_semaphore, #tpu.memory_space<semaphore_mem>>)
      %dma_wait3A_194 = arith.constant 0 : i32
      %dma_wait3A_195 = tpu.memref_slice %arg11[%add3A_42, %dma_wait3A_194] : memref<10240x32xf32, #tpu.memory_space<vmem_shared>> -> memref<40x32xf32, #tpu.memory_space<vmem_shared>>
      %dma_wait3A_196 = arith.constant 0 : i32
      %dma_wait3A_197 = tpu.memref_slice %arg11[%add3A_42, %dma_wait3A_196] : memref<10240x32xf32, #tpu.memory_space<vmem_shared>> -> memref<40x32xf32, #tpu.memory_space<vmem_shared>>
      tpu.wait_dma2 semaphore(%run_scoped3A : memref<!tpu.dma_semaphore, #tpu.memory_space<semaphore_mem>>) src(%arg9 : memref<40x32xf32, #tpu.memory_space<vmem>>) dst(%dma_wait3A_197 : memref<40x32xf32, #tpu.memory_space<vmem_shared>>)
      tpu.yield
    }) : () -> ()
    %add3A_43 = arith.constant 600 : i32
    %add3A_44 = arith.addi %mul3A_0, %add3A_43 : i32
    "tpu.region"() ({
      %run_scoped3A = tpu.sem_alloc : memref<!tpu.dma_semaphore, #tpu.memory_space<semaphore_mem>>
      %dma_start3A_190 = arith.constant 0 : i32
      %dma_start3A_191 = tpu.memref_slice %arg11[%add3A_44, %dma_start3A_190] : memref<10240x32xf32, #tpu.memory_space<vmem_shared>> -> memref<40x32xf32, #tpu.memory_space<vmem_shared>>
      %dma_start3A_192 = arith.constant 0 : i32
      %dma_start3A_193 = tpu.memref_slice %arg11[%add3A_44, %dma_start3A_192] : memref<10240x32xf32, #tpu.memory_space<vmem_shared>> -> memref<40x32xf32, #tpu.memory_space<vmem_shared>>
      tpu.enqueue_dma source(%arg9 : memref<40x32xf32, #tpu.memory_space<vmem>>) target(%dma_start3A_193 : memref<40x32xf32, #tpu.memory_space<vmem_shared>>) target_semaphore(%run_scoped3A : memref<!tpu.dma_semaphore, #tpu.memory_space<semaphore_mem>>)
      %dma_wait3A_194 = arith.constant 0 : i32
      %dma_wait3A_195 = tpu.memref_slice %arg11[%add3A_44, %dma_wait3A_194] : memref<10240x32xf32, #tpu.memory_space<vmem_shared>> -> memref<40x32xf32, #tpu.memory_space<vmem_shared>>
      %dma_wait3A_196 = arith.constant 0 : i32
      %dma_wait3A_197 = tpu.memref_slice %arg11[%add3A_44, %dma_wait3A_196] : memref<10240x32xf32, #tpu.memory_space<vmem_shared>> -> memref<40x32xf32, #tpu.memory_space<vmem_shared>>
      tpu.wait_dma2 semaphore(%run_scoped3A : memref<!tpu.dma_semaphore, #tpu.memory_space<semaphore_mem>>) src(%arg9 : memref<40x32xf32, #tpu.memory_space<vmem>>) dst(%dma_wait3A_197 : memref<40x32xf32, #tpu.memory_space<vmem_shared>>)
      tpu.yield
    }) : () -> ()
    %dma_wait3A = arith.constant 0 : i32
    %dma_wait3A_45 = tpu.memref_slice %arg10[%mul3A_0, %dma_wait3A] : memref<10240x32xf32, #tpu.memory_space<vmem_shared>> -> memref<640x32xf32, #tpu.memory_space<vmem_shared>>
    %dma_wait3A_46 = arith.constant 0 : i32
    %dma_wait3A_47 = tpu.memref_slice %arg2[%arg0, %mul3A_0, %dma_wait3A_46] : memref<2x10240x32xf32, #tpu.memory_space<hbm>> -> memref<1x640x32xf32, #tpu.memory_space<hbm>>
    %dma_wait3A_48 = tpu.memref_squeeze %dma_wait3A_47 : memref<1x640x32xf32, #tpu.memory_space<hbm>> -> memref<640x32xf32, #tpu.memory_space<hbm>>
    tpu.wait_dma2 semaphore(%arg14 : memref<!tpu.dma_semaphore, #tpu.memory_space<semaphore_mem>>) src(%dma_wait3A_48 : memref<640x32xf32, #tpu.memory_space<hbm>>) dst(%dma_wait3A_45 : memref<640x32xf32, #tpu.memory_space<vmem_shared>>)
    %barrier3A = arith.constant 0 : index
    tpu.barrier barrier_id(%barrier3A)
    %dma_start3A_49 = arith.constant 0 : i32
    %dma_start3A_50 = arith.constant 0 : i32
    %dma_start3A_51 = arith.constant 0 : i32
    %dma_start3A_52 = arith.constant 0 : i32
    %dma_start3A_53 = arith.constant 0 : i32
    %dma_start3A_54 = tpu.memref_slice %arg8[%dma_start3A_50, %dma_start3A_52, %dma_start3A_53] : memref<5x125x32xf32, #tpu.memory_space<vmem>> -> memref<1x125x32xf32, #tpu.memory_space<vmem>>
    %dma_start3A_55 = tpu.memref_squeeze %dma_start3A_54 : memref<1x125x32xf32, #tpu.memory_space<vmem>> -> memref<125x32xf32, #tpu.memory_space<vmem>>
    %dma_start3A_56 = arith.constant 0 : i32
    %dma_start3A_57 = tpu.memref_slice %arg6[%dma_start3A_49, %dma_start3A_56] : memref<160x125xi32, #tpu.memory_space<vmem>> -> memref<1x125xi32, #tpu.memory_space<vmem>>
    %dma_start3A_58 = tpu.memref_squeeze %dma_start3A_57 : memref<1x125xi32, #tpu.memory_space<vmem>> -> memref<125xi32, #tpu.memory_space<vmem>>
    %dma_start3A_59 = arith.constant 0 : i32
    %dma_start3A_60 = arith.constant 0 : i32
    %dma_start3A_61 = tpu.memref_slice %arg10[%dma_start3A_59, %dma_start3A_60] : memref<10240x32xf32, #tpu.memory_space<vmem_shared>> -> memref<10240x32xf32, #tpu.memory_space<vmem_shared>>
    %dma_start3A_62 = tpu.memref_slice %arg12[%dma_start3A_51] : memref<5x!tpu.dma_semaphore, #tpu.memory_space<semaphore_mem>> -> memref<1x!tpu.dma_semaphore, #tpu.memory_space<semaphore_mem>>
    %dma_start3A_63 = tpu.memref_squeeze %dma_start3A_62 : memref<1x!tpu.dma_semaphore, #tpu.memory_space<semaphore_mem>> -> memref<!tpu.dma_semaphore, #tpu.memory_space<semaphore_mem>>
    tpu.enqueue_indirect_dma source(%dma_start3A_61 : memref<10240x32xf32, #tpu.memory_space<vmem_shared>>) target(%dma_start3A_55 : memref<125x32xf32, #tpu.memory_space<vmem>>) offsets(%dma_start3A_58 : memref<125xi32, #tpu.memory_space<vmem>>) semaphore(%dma_start3A_63 : memref<!tpu.dma_semaphore, #tpu.memory_space<semaphore_mem>>)
    %dma_start3A_64 = arith.constant 1 : i32
    %dma_start3A_65 = arith.constant 1 : i32
    %dma_start3A_66 = arith.constant 1 : i32
    %dma_start3A_67 = arith.constant 0 : i32
    %dma_start3A_68 = arith.constant 0 : i32
    %dma_start3A_69 = tpu.memref_slice %arg8[%dma_start3A_65, %dma_start3A_67, %dma_start3A_68] : memref<5x125x32xf32, #tpu.memory_space<vmem>> -> memref<1x125x32xf32, #tpu.memory_space<vmem>>
    %dma_start3A_70 = tpu.memref_squeeze %dma_start3A_69 : memref<1x125x32xf32, #tpu.memory_space<vmem>> -> memref<125x32xf32, #tpu.memory_space<vmem>>
    %dma_start3A_71 = arith.constant 0 : i32
    %dma_start3A_72 = tpu.memref_slice %arg6[%dma_start3A_64, %dma_start3A_71] : memref<160x125xi32, #tpu.memory_space<vmem>> -> memref<1x125xi32, #tpu.memory_space<vmem>>
    %dma_start3A_73 = tpu.memref_squeeze %dma_start3A_72 : memref<1x125xi32, #tpu.memory_space<vmem>> -> memref<125xi32, #tpu.memory_space<vmem>>
    %dma_start3A_74 = arith.constant 0 : i32
    %dma_start3A_75 = arith.constant 0 : i32
    %dma_start3A_76 = tpu.memref_slice %arg10[%dma_start3A_74, %dma_start3A_75] : memref<10240x32xf32, #tpu.memory_space<vmem_shared>> -> memref<10240x32xf32, #tpu.memory_space<vmem_shared>>
    %dma_start3A_77 = tpu.memref_slice %arg12[%dma_start3A_66] : memref<5x!tpu.dma_semaphore, #tpu.memory_space<semaphore_mem>> -> memref<1x!tpu.dma_semaphore, #tpu.memory_space<semaphore_mem>>
    %dma_start3A_78 = tpu.memref_squeeze %dma_start3A_77 : memref<1x!tpu.dma_semaphore, #tpu.memory_space<semaphore_mem>> -> memref<!tpu.dma_semaphore, #tpu.memory_space<semaphore_mem>>
    tpu.enqueue_indirect_dma source(%dma_start3A_76 : memref<10240x32xf32, #tpu.memory_space<vmem_shared>>) target(%dma_start3A_70 : memref<125x32xf32, #tpu.memory_space<vmem>>) offsets(%dma_start3A_73 : memref<125xi32, #tpu.memory_space<vmem>>) semaphore(%dma_start3A_78 : memref<!tpu.dma_semaphore, #tpu.memory_space<semaphore_mem>>)
    %dma_start3A_79 = arith.constant 2 : i32
    %dma_start3A_80 = arith.constant 2 : i32
    %dma_start3A_81 = arith.constant 2 : i32
    %dma_start3A_82 = arith.constant 0 : i32
    %dma_start3A_83 = arith.constant 0 : i32
    %dma_start3A_84 = tpu.memref_slice %arg8[%dma_start3A_80, %dma_start3A_82, %dma_start3A_83] : memref<5x125x32xf32, #tpu.memory_space<vmem>> -> memref<1x125x32xf32, #tpu.memory_space<vmem>>
    %dma_start3A_85 = tpu.memref_squeeze %dma_start3A_84 : memref<1x125x32xf32, #tpu.memory_space<vmem>> -> memref<125x32xf32, #tpu.memory_space<vmem>>
    %dma_start3A_86 = arith.constant 0 : i32
    %dma_start3A_87 = tpu.memref_slice %arg6[%dma_start3A_79, %dma_start3A_86] : memref<160x125xi32, #tpu.memory_space<vmem>> -> memref<1x125xi32, #tpu.memory_space<vmem>>
    %dma_start3A_88 = tpu.memref_squeeze %dma_start3A_87 : memref<1x125xi32, #tpu.memory_space<vmem>> -> memref<125xi32, #tpu.memory_space<vmem>>
    %dma_start3A_89 = arith.constant 0 : i32
    %dma_start3A_90 = arith.constant 0 : i32
    %dma_start3A_91 = tpu.memref_slice %arg10[%dma_start3A_89, %dma_start3A_90] : memref<10240x32xf32, #tpu.memory_space<vmem_shared>> -> memref<10240x32xf32, #tpu.memory_space<vmem_shared>>
    %dma_start3A_92 = tpu.memref_slice %arg12[%dma_start3A_81] : memref<5x!tpu.dma_semaphore, #tpu.memory_space<semaphore_mem>> -> memref<1x!tpu.dma_semaphore, #tpu.memory_space<semaphore_mem>>
    %dma_start3A_93 = tpu.memref_squeeze %dma_start3A_92 : memref<1x!tpu.dma_semaphore, #tpu.memory_space<semaphore_mem>> -> memref<!tpu.dma_semaphore, #tpu.memory_space<semaphore_mem>>
    tpu.enqueue_indirect_dma source(%dma_start3A_91 : memref<10240x32xf32, #tpu.memory_space<vmem_shared>>) target(%dma_start3A_85 : memref<125x32xf32, #tpu.memory_space<vmem>>) offsets(%dma_start3A_88 : memref<125xi32, #tpu.memory_space<vmem>>) semaphore(%dma_start3A_93 : memref<!tpu.dma_semaphore, #tpu.memory_space<semaphore_mem>>)
    %scan3A_94 = arith.constant 0 : i32
    %scan3A_95 = arith.constant 32 : i32
    %scan3A_96 = arith.addi %scan3A_94, %scan3A_95 : i32
    %scan3A_97 = arith.constant 1 : i32
    scf.for %scan3A_190 = %scan3A_94 to %scan3A_96 step %scan3A_97  : i32 {
      %mul3A_191 = arith.constant 5 : i32
      %mul3A_192 = arith.muli %scan3A_190, %mul3A_191 : i32
      %add3A_193 = arith.constant 0 : i32
      %add3A_194 = arith.addi %add3A_193, %mul3A_192 : i32
      %add3A_195 = arith.constant 0 : i32
      %add3A_196 = arith.addi %add3A_194, %add3A_195 : i32
      %add3A_197 = arith.constant 3 : i32
      %add3A_198 = arith.addi %add3A_196, %add3A_197 : i32
      %lt3A = arith.constant 160 : i32
      %lt3A_199 = arith.cmpi slt, %add3A_198, %lt3A : i32
      %convert_element_type3A = arith.extui %lt3A_199 : i1 to i32
      %cond3A = arith.constant 0 : i32
      %cond3A_200 = arith.cmpi ne, %convert_element_type3A, %cond3A : i32
      scf.if %cond3A_200 {
        %ge3A = arith.constant 2 : i32
        %ge3A_397 = arith.cmpi sge, %add3A_196, %ge3A : i32
        %convert_element_type3A_398 = arith.extui %ge3A_397 : i1 to i32
        %cond3A_399 = arith.constant 0 : i32
        %cond3A_400 = arith.cmpi ne, %convert_element_type3A_398, %cond3A_399 : i32
        scf.if %cond3A_400 {
          %dma_wait3A_417 = arith.constant 3 : i32
          %dma_wait3A_418 = arith.constant 3 : i32
          %dma_wait3A_419 = arith.constant 0 : i32
          %dma_wait3A_420 = arith.constant 0 : i32
          %dma_wait3A_421 = tpu.memref_slice %arg8[%dma_wait3A_417, %dma_wait3A_419, %dma_wait3A_420] : memref<5x125x32xf32, #tpu.memory_space<vmem>> -> memref<1x125x32xf32, #tpu.memory_space<vmem>>
          %dma_wait3A_422 = tpu.memref_squeeze %dma_wait3A_421 : memref<1x125x32xf32, #tpu.memory_space<vmem>> -> memref<125x32xf32, #tpu.memory_space<vmem>>
          %dma_wait3A_423 = arith.constant 0 : i32
          %dma_wait3A_424 = arith.constant 0 : i32
          %dma_wait3A_425 = tpu.memref_slice %arg11[%dma_wait3A_423, %dma_wait3A_424] : memref<10240x32xf32, #tpu.memory_space<vmem_shared>> -> memref<125x32xf32, #tpu.memory_space<vmem_shared>>
          %dma_wait3A_426 = tpu.memref_slice %arg13[%dma_wait3A_418] : memref<5x!tpu.dma_semaphore, #tpu.memory_space<semaphore_mem>> -> memref<1x!tpu.dma_semaphore, #tpu.memory_space<semaphore_mem>>
          %dma_wait3A_427 = tpu.memref_squeeze %dma_wait3A_426 : memref<1x!tpu.dma_semaphore, #tpu.memory_space<semaphore_mem>> -> memref<!tpu.dma_semaphore, #tpu.memory_space<semaphore_mem>>
          %dma_wait3A_428 = arith.constant 0 : i32
          %dma_wait3A_429 = arith.constant 0 : i32
          %dma_wait3A_430 = tpu.memref_slice %arg11[%dma_wait3A_428, %dma_wait3A_429] : memref<10240x32xf32, #tpu.memory_space<vmem_shared>> -> memref<125x32xf32, #tpu.memory_space<vmem_shared>>
          %dma_wait3A_431 = arith.constant 0 : i32
          %dma_wait3A_432 = arith.constant 0 : i32
          %dma_wait3A_433 = tpu.memref_slice %arg8[%dma_wait3A_417, %dma_wait3A_431, %dma_wait3A_432] : memref<5x125x32xf32, #tpu.memory_space<vmem>> -> memref<1x125x32xf32, #tpu.memory_space<vmem>>
          %dma_wait3A_434 = tpu.memref_squeeze %dma_wait3A_433 : memref<1x125x32xf32, #tpu.memory_space<vmem>> -> memref<125x32xf32, #tpu.memory_space<vmem>>
          tpu.wait_dma2 semaphore(%dma_wait3A_427 : memref<!tpu.dma_semaphore, #tpu.memory_space<semaphore_mem>>) src(%dma_wait3A_434 : memref<125x32xf32, #tpu.memory_space<vmem>>) dst(%dma_wait3A_430 : memref<125x32xf32, #tpu.memory_space<vmem_shared>>)
        } else {
        }
        %add3A_401 = arith.constant 3 : i32
        %add3A_402 = arith.addi %add3A_196, %add3A_401 : i32
        %dma_start3A_403 = arith.constant 3 : i32
        %dma_start3A_404 = arith.constant 3 : i32
        %dma_start3A_405 = arith.constant 0 : i32
        %dma_start3A_406 = arith.constant 0 : i32
        %dma_start3A_407 = tpu.memref_slice %arg8[%dma_start3A_403, %dma_start3A_405, %dma_start3A_406] : memref<5x125x32xf32, #tpu.memory_space<vmem>> -> memref<1x125x32xf32, #tpu.memory_space<vmem>>
        %dma_start3A_408 = tpu.memref_squeeze %dma_start3A_407 : memref<1x125x32xf32, #tpu.memory_space<vmem>> -> memref<125x32xf32, #tpu.memory_space<vmem>>
        %dma_start3A_409 = arith.constant 0 : i32
        %dma_start3A_410 = tpu.memref_slice %arg6[%add3A_402, %dma_start3A_409] : memref<160x125xi32, #tpu.memory_space<vmem>> -> memref<1x125xi32, #tpu.memory_space<vmem>>
        %dma_start3A_411 = tpu.memref_squeeze %dma_start3A_410 : memref<1x125xi32, #tpu.memory_space<vmem>> -> memref<125xi32, #tpu.memory_space<vmem>>
        %dma_start3A_412 = arith.constant 0 : i32
        %dma_start3A_413 = arith.constant 0 : i32
        %dma_start3A_414 = tpu.memref_slice %arg10[%dma_start3A_412, %dma_start3A_413] : memref<10240x32xf32, #tpu.memory_space<vmem_shared>> -> memref<10240x32xf32, #tpu.memory_space<vmem_shared>>
        %dma_start3A_415 = tpu.memref_slice %arg12[%dma_start3A_404] : memref<5x!tpu.dma_semaphore, #tpu.memory_space<semaphore_mem>> -> memref<1x!tpu.dma_semaphore, #tpu.memory_space<semaphore_mem>>
        %dma_start3A_416 = tpu.memref_squeeze %dma_start3A_415 : memref<1x!tpu.dma_semaphore, #tpu.memory_space<semaphore_mem>> -> memref<!tpu.dma_semaphore, #tpu.memory_space<semaphore_mem>>
        tpu.enqueue_indirect_dma source(%dma_start3A_414 : memref<10240x32xf32, #tpu.memory_space<vmem_shared>>) target(%dma_start3A_408 : memref<125x32xf32, #tpu.memory_space<vmem>>) offsets(%dma_start3A_411 : memref<125xi32, #tpu.memory_space<vmem>>) semaphore(%dma_start3A_416 : memref<!tpu.dma_semaphore, #tpu.memory_space<semaphore_mem>>)
      } else {
      }
      %dma_wait3A_201 = arith.constant 0 : i32
      %dma_wait3A_202 = arith.constant 0 : i32
      %dma_wait3A_203 = arith.constant 0 : i32
      %dma_wait3A_204 = arith.constant 0 : i32
      %dma_wait3A_205 = tpu.memref_slice %arg8[%dma_wait3A_201, %dma_wait3A_203, %dma_wait3A_204] : memref<5x125x32xf32, #tpu.memory_space<vmem>> -> memref<1x125x32xf32, #tpu.memory_space<vmem>>
      %dma_wait3A_206 = tpu.memref_squeeze %dma_wait3A_205 : memref<1x125x32xf32, #tpu.memory_space<vmem>> -> memref<125x32xf32, #tpu.memory_space<vmem>>
      %dma_wait3A_207 = arith.constant 0 : i32
      %dma_wait3A_208 = arith.constant 0 : i32
      %dma_wait3A_209 = tpu.memref_slice %arg10[%dma_wait3A_207, %dma_wait3A_208] : memref<10240x32xf32, #tpu.memory_space<vmem_shared>> -> memref<125x32xf32, #tpu.memory_space<vmem_shared>>
      %dma_wait3A_210 = tpu.memref_slice %arg12[%dma_wait3A_202] : memref<5x!tpu.dma_semaphore, #tpu.memory_space<semaphore_mem>> -> memref<1x!tpu.dma_semaphore, #tpu.memory_space<semaphore_mem>>
      %dma_wait3A_211 = tpu.memref_squeeze %dma_wait3A_210 : memref<1x!tpu.dma_semaphore, #tpu.memory_space<semaphore_mem>> -> memref<!tpu.dma_semaphore, #tpu.memory_space<semaphore_mem>>
      %dma_wait3A_212 = arith.constant 0 : i32
      %dma_wait3A_213 = arith.constant 0 : i32
      %dma_wait3A_214 = tpu.memref_slice %arg8[%dma_wait3A_201, %dma_wait3A_212, %dma_wait3A_213] : memref<5x125x32xf32, #tpu.memory_space<vmem>> -> memref<1x125x32xf32, #tpu.memory_space<vmem>>
      %dma_wait3A_215 = tpu.memref_squeeze %dma_wait3A_214 : memref<1x125x32xf32, #tpu.memory_space<vmem>> -> memref<125x32xf32, #tpu.memory_space<vmem>>
      %dma_wait3A_216 = arith.constant 0 : i32
      %dma_wait3A_217 = arith.constant 0 : i32
      %dma_wait3A_218 = tpu.memref_slice %arg10[%dma_wait3A_216, %dma_wait3A_217] : memref<10240x32xf32, #tpu.memory_space<vmem_shared>> -> memref<125x32xf32, #tpu.memory_space<vmem_shared>>
      tpu.wait_dma2 semaphore(%dma_wait3A_211 : memref<!tpu.dma_semaphore, #tpu.memory_space<semaphore_mem>>) src(%dma_wait3A_218 : memref<125x32xf32, #tpu.memory_space<vmem_shared>>) dst(%dma_wait3A_215 : memref<125x32xf32, #tpu.memory_space<vmem>>)
      %dma_start3A_219 = arith.constant 0 : i32
      %dma_start3A_220 = arith.constant 0 : i32
      %dma_start3A_221 = arith.constant 0 : i32
      %dma_start3A_222 = arith.constant 0 : i32
      %dma_start3A_223 = tpu.memref_slice %arg8[%dma_start3A_219, %dma_start3A_221, %dma_start3A_222] : memref<5x125x32xf32, #tpu.memory_space<vmem>> -> memref<1x125x32xf32, #tpu.memory_space<vmem>>
      %dma_start3A_224 = tpu.memref_squeeze %dma_start3A_223 : memref<1x125x32xf32, #tpu.memory_space<vmem>> -> memref<125x32xf32, #tpu.memory_space<vmem>>
      %dma_start3A_225 = arith.constant 0 : i32
      %dma_start3A_226 = tpu.memref_slice %arg7[%add3A_196, %dma_start3A_225] : memref<160x125xi32, #tpu.memory_space<vmem>> -> memref<1x125xi32, #tpu.memory_space<vmem>>
      %dma_start3A_227 = tpu.memref_squeeze %dma_start3A_226 : memref<1x125xi32, #tpu.memory_space<vmem>> -> memref<125xi32, #tpu.memory_space<vmem>>
      %dma_start3A_228 = arith.constant 0 : i32
      %dma_start3A_229 = arith.constant 0 : i32
      %dma_start3A_230 = tpu.memref_slice %arg11[%dma_start3A_228, %dma_start3A_229] : memref<10240x32xf32, #tpu.memory_space<vmem_shared>> -> memref<10240x32xf32, #tpu.memory_space<vmem_shared>>
      %dma_start3A_231 = tpu.memref_slice %arg13[%dma_start3A_220] : memref<5x!tpu.dma_semaphore, #tpu.memory_space<semaphore_mem>> -> memref<1x!tpu.dma_semaphore, #tpu.memory_space<semaphore_mem>>
      %dma_start3A_232 = tpu.memref_squeeze %dma_start3A_231 : memref<1x!tpu.dma_semaphore, #tpu.memory_space<semaphore_mem>> -> memref<!tpu.dma_semaphore, #tpu.memory_space<semaphore_mem>>
      tpu.enqueue_indirect_dma source(%dma_start3A_224 : memref<125x32xf32, #tpu.memory_space<vmem>>) target(%dma_start3A_230 : memref<10240x32xf32, #tpu.memory_space<vmem_shared>>) offsets(%dma_start3A_227 : memref<125xi32, #tpu.memory_space<vmem>>) semaphore(%dma_start3A_232 : memref<!tpu.dma_semaphore, #tpu.memory_space<semaphore_mem>>) {add = true}
      %add3A_233 = arith.constant 1 : i32
      %add3A_234 = arith.addi %add3A_194, %add3A_233 : i32
      %add3A_235 = arith.constant 3 : i32
      %add3A_236 = arith.addi %add3A_234, %add3A_235 : i32
      %lt3A_237 = arith.constant 160 : i32
      %lt3A_238 = arith.cmpi slt, %add3A_236, %lt3A_237 : i32
      %convert_element_type3A_239 = arith.extui %lt3A_238 : i1 to i32
      %cond3A_240 = arith.constant 0 : i32
      %cond3A_241 = arith.cmpi ne, %convert_element_type3A_239, %cond3A_240 : i32
      scf.if %cond3A_241 {
        %ge3A = arith.constant 2 : i32
        %ge3A_397 = arith.cmpi sge, %add3A_234, %ge3A : i32
        %convert_element_type3A_398 = arith.extui %ge3A_397 : i1 to i32
        %cond3A_399 = arith.constant 0 : i32
        %cond3A_400 = arith.cmpi ne, %convert_element_type3A_398, %cond3A_399 : i32
        scf.if %cond3A_400 {
          %dma_wait3A_417 = arith.constant 4 : i32
          %dma_wait3A_418 = arith.constant 4 : i32
          %dma_wait3A_419 = arith.constant 0 : i32
          %dma_wait3A_420 = arith.constant 0 : i32
          %dma_wait3A_421 = tpu.memref_slice %arg8[%dma_wait3A_417, %dma_wait3A_419, %dma_wait3A_420] : memref<5x125x32xf32, #tpu.memory_space<vmem>> -> memref<1x125x32xf32, #tpu.memory_space<vmem>>
          %dma_wait3A_422 = tpu.memref_squeeze %dma_wait3A_421 : memref<1x125x32xf32, #tpu.memory_space<vmem>> -> memref<125x32xf32, #tpu.memory_space<vmem>>
          %dma_wait3A_423 = arith.constant 0 : i32
          %dma_wait3A_424 = arith.constant 0 : i32
          %dma_wait3A_425 = tpu.memref_slice %arg11[%dma_wait3A_423, %dma_wait3A_424] : memref<10240x32xf32, #tpu.memory_space<vmem_shared>> -> memref<125x32xf32, #tpu.memory_space<vmem_shared>>
          %dma_wait3A_426 = tpu.memref_slice %arg13[%dma_wait3A_418] : memref<5x!tpu.dma_semaphore, #tpu.memory_space<semaphore_mem>> -> memref<1x!tpu.dma_semaphore, #tpu.memory_space<semaphore_mem>>
          %dma_wait3A_427 = tpu.memref_squeeze %dma_wait3A_426 : memref<1x!tpu.dma_semaphore, #tpu.memory_space<semaphore_mem>> -> memref<!tpu.dma_semaphore, #tpu.memory_space<semaphore_mem>>
          %dma_wait3A_428 = arith.constant 0 : i32
          %dma_wait3A_429 = arith.constant 0 : i32
          %dma_wait3A_430 = tpu.memref_slice %arg11[%dma_wait3A_428, %dma_wait3A_429] : memref<10240x32xf32, #tpu.memory_space<vmem_shared>> -> memref<125x32xf32, #tpu.memory_space<vmem_shared>>
          %dma_wait3A_431 = arith.constant 0 : i32
          %dma_wait3A_432 = arith.constant 0 : i32
          %dma_wait3A_433 = tpu.memref_slice %arg8[%dma_wait3A_417, %dma_wait3A_431, %dma_wait3A_432] : memref<5x125x32xf32, #tpu.memory_space<vmem>> -> memref<1x125x32xf32, #tpu.memory_space<vmem>>
          %dma_wait3A_434 = tpu.memref_squeeze %dma_wait3A_433 : memref<1x125x32xf32, #tpu.memory_space<vmem>> -> memref<125x32xf32, #tpu.memory_space<vmem>>
          tpu.wait_dma2 semaphore(%dma_wait3A_427 : memref<!tpu.dma_semaphore, #tpu.memory_space<semaphore_mem>>) src(%dma_wait3A_434 : memref<125x32xf32, #tpu.memory_space<vmem>>) dst(%dma_wait3A_430 : memref<125x32xf32, #tpu.memory_space<vmem_shared>>)
        } else {
        }
        %add3A_401 = arith.constant 3 : i32
        %add3A_402 = arith.addi %add3A_234, %add3A_401 : i32
        %dma_start3A_403 = arith.constant 4 : i32
        %dma_start3A_404 = arith.constant 4 : i32
        %dma_start3A_405 = arith.constant 0 : i32
        %dma_start3A_406 = arith.constant 0 : i32
        %dma_start3A_407 = tpu.memref_slice %arg8[%dma_start3A_403, %dma_start3A_405, %dma_start3A_406] : memref<5x125x32xf32, #tpu.memory_space<vmem>> -> memref<1x125x32xf32, #tpu.memory_space<vmem>>
        %dma_start3A_408 = tpu.memref_squeeze %dma_start3A_407 : memref<1x125x32xf32, #tpu.memory_space<vmem>> -> memref<125x32xf32, #tpu.memory_space<vmem>>
        %dma_start3A_409 = arith.constant 0 : i32
        %dma_start3A_410 = tpu.memref_slice %arg6[%add3A_402, %dma_start3A_409] : memref<160x125xi32, #tpu.memory_space<vmem>> -> memref<1x125xi32, #tpu.memory_space<vmem>>
        %dma_start3A_411 = tpu.memref_squeeze %dma_start3A_410 : memref<1x125xi32, #tpu.memory_space<vmem>> -> memref<125xi32, #tpu.memory_space<vmem>>
        %dma_start3A_412 = arith.constant 0 : i32
        %dma_start3A_413 = arith.constant 0 : i32
        %dma_start3A_414 = tpu.memref_slice %arg10[%dma_start3A_412, %dma_start3A_413] : memref<10240x32xf32, #tpu.memory_space<vmem_shared>> -> memref<10240x32xf32, #tpu.memory_space<vmem_shared>>
        %dma_start3A_415 = tpu.memref_slice %arg12[%dma_start3A_404] : memref<5x!tpu.dma_semaphore, #tpu.memory_space<semaphore_mem>> -> memref<1x!tpu.dma_semaphore, #tpu.memory_space<semaphore_mem>>
        %dma_start3A_416 = tpu.memref_squeeze %dma_start3A_415 : memref<1x!tpu.dma_semaphore, #tpu.memory_space<semaphore_mem>> -> memref<!tpu.dma_semaphore, #tpu.memory_space<semaphore_mem>>
        tpu.enqueue_indirect_dma source(%dma_start3A_414 : memref<10240x32xf32, #tpu.memory_space<vmem_shared>>) target(%dma_start3A_408 : memref<125x32xf32, #tpu.memory_space<vmem>>) offsets(%dma_start3A_411 : memref<125xi32, #tpu.memory_space<vmem>>) semaphore(%dma_start3A_416 : memref<!tpu.dma_semaphore, #tpu.memory_space<semaphore_mem>>)
      } else {
      }
      %dma_wait3A_242 = arith.constant 1 : i32
      %dma_wait3A_243 = arith.constant 1 : i32
      %dma_wait3A_244 = arith.constant 0 : i32
      %dma_wait3A_245 = arith.constant 0 : i32
      %dma_wait3A_246 = tpu.memref_slice %arg8[%dma_wait3A_242, %dma_wait3A_244, %dma_wait3A_245] : memref<5x125x32xf32, #tpu.memory_space<vmem>> -> memref<1x125x32xf32, #tpu.memory_space<vmem>>
      %dma_wait3A_247 = tpu.memref_squeeze %dma_wait3A_246 : memref<1x125x32xf32, #tpu.memory_space<vmem>> -> memref<125x32xf32, #tpu.memory_space<vmem>>
      %dma_wait3A_248 = arith.constant 0 : i32
      %dma_wait3A_249 = arith.constant 0 : i32
      %dma_wait3A_250 = tpu.memref_slice %arg10[%dma_wait3A_248, %dma_wait3A_249] : memref<10240x32xf32, #tpu.memory_space<vmem_shared>> -> memref<125x32xf32, #tpu.memory_space<vmem_shared>>
      %dma_wait3A_251 = tpu.memref_slice %arg12[%dma_wait3A_243] : memref<5x!tpu.dma_semaphore, #tpu.memory_space<semaphore_mem>> -> memref<1x!tpu.dma_semaphore, #tpu.memory_space<semaphore_mem>>
      %dma_wait3A_252 = tpu.memref_squeeze %dma_wait3A_251 : memref<1x!tpu.dma_semaphore, #tpu.memory_space<semaphore_mem>> -> memref<!tpu.dma_semaphore, #tpu.memory_space<semaphore_mem>>
      %dma_wait3A_253 = arith.constant 0 : i32
      %dma_wait3A_254 = arith.constant 0 : i32
      %dma_wait3A_255 = tpu.memref_slice %arg8[%dma_wait3A_242, %dma_wait3A_253, %dma_wait3A_254] : memref<5x125x32xf32, #tpu.memory_space<vmem>> -> memref<1x125x32xf32, #tpu.memory_space<vmem>>
      %dma_wait3A_256 = tpu.memref_squeeze %dma_wait3A_255 : memref<1x125x32xf32, #tpu.memory_space<vmem>> -> memref<125x32xf32, #tpu.memory_space<vmem>>
      %dma_wait3A_257 = arith.constant 0 : i32
      %dma_wait3A_258 = arith.constant 0 : i32
      %dma_wait3A_259 = tpu.memref_slice %arg10[%dma_wait3A_257, %dma_wait3A_258] : memref<10240x32xf32, #tpu.memory_space<vmem_shared>> -> memref<125x32xf32, #tpu.memory_space<vmem_shared>>
      tpu.wait_dma2 semaphore(%dma_wait3A_252 : memref<!tpu.dma_semaphore, #tpu.memory_space<semaphore_mem>>) src(%dma_wait3A_259 : memref<125x32xf32, #tpu.memory_space<vmem_shared>>) dst(%dma_wait3A_256 : memref<125x32xf32, #tpu.memory_space<vmem>>)
      %dma_start3A_260 = arith.constant 1 : i32
      %dma_start3A_261 = arith.constant 1 : i32
      %dma_start3A_262 = arith.constant 0 : i32
      %dma_start3A_263 = arith.constant 0 : i32
      %dma_start3A_264 = tpu.memref_slice %arg8[%dma_start3A_260, %dma_start3A_262, %dma_start3A_263] : memref<5x125x32xf32, #tpu.memory_space<vmem>> -> memref<1x125x32xf32, #tpu.memory_space<vmem>>
      %dma_start3A_265 = tpu.memref_squeeze %dma_start3A_264 : memref<1x125x32xf32, #tpu.memory_space<vmem>> -> memref<125x32xf32, #tpu.memory_space<vmem>>
      %dma_start3A_266 = arith.constant 0 : i32
      %dma_start3A_267 = tpu.memref_slice %arg7[%add3A_234, %dma_start3A_266] : memref<160x125xi32, #tpu.memory_space<vmem>> -> memref<1x125xi32, #tpu.memory_space<vmem>>
      %dma_start3A_268 = tpu.memref_squeeze %dma_start3A_267 : memref<1x125xi32, #tpu.memory_space<vmem>> -> memref<125xi32, #tpu.memory_space<vmem>>
      %dma_start3A_269 = arith.constant 0 : i32
      %dma_start3A_270 = arith.constant 0 : i32
      %dma_start3A_271 = tpu.memref_slice %arg11[%dma_start3A_269, %dma_start3A_270] : memref<10240x32xf32, #tpu.memory_space<vmem_shared>> -> memref<10240x32xf32, #tpu.memory_space<vmem_shared>>
      %dma_start3A_272 = tpu.memref_slice %arg13[%dma_start3A_261] : memref<5x!tpu.dma_semaphore, #tpu.memory_space<semaphore_mem>> -> memref<1x!tpu.dma_semaphore, #tpu.memory_space<semaphore_mem>>
      %dma_start3A_273 = tpu.memref_squeeze %dma_start3A_272 : memref<1x!tpu.dma_semaphore, #tpu.memory_space<semaphore_mem>> -> memref<!tpu.dma_semaphore, #tpu.memory_space<semaphore_mem>>
      tpu.enqueue_indirect_dma source(%dma_start3A_265 : memref<125x32xf32, #tpu.memory_space<vmem>>) target(%dma_start3A_271 : memref<10240x32xf32, #tpu.memory_space<vmem_shared>>) offsets(%dma_start3A_268 : memref<125xi32, #tpu.memory_space<vmem>>) semaphore(%dma_start3A_273 : memref<!tpu.dma_semaphore, #tpu.memory_space<semaphore_mem>>) {add = true}
      %add3A_274 = arith.constant 2 : i32
      %add3A_275 = arith.addi %add3A_194, %add3A_274 : i32
      %add3A_276 = arith.constant 3 : i32
      %add3A_277 = arith.addi %add3A_275, %add3A_276 : i32
      %lt3A_278 = arith.constant 160 : i32
      %lt3A_279 = arith.cmpi slt, %add3A_277, %lt3A_278 : i32
      %convert_element_type3A_280 = arith.extui %lt3A_279 : i1 to i32
      %cond3A_281 = arith.constant 0 : i32
      %cond3A_282 = arith.cmpi ne, %convert_element_type3A_280, %cond3A_281 : i32
      scf.if %cond3A_282 {
        %ge3A = arith.constant 2 : i32
        %ge3A_397 = arith.cmpi sge, %add3A_275, %ge3A : i32
        %convert_element_type3A_398 = arith.extui %ge3A_397 : i1 to i32
        %cond3A_399 = arith.constant 0 : i32
        %cond3A_400 = arith.cmpi ne, %convert_element_type3A_398, %cond3A_399 : i32
        scf.if %cond3A_400 {
          %dma_wait3A_417 = arith.constant 0 : i32
          %dma_wait3A_418 = arith.constant 0 : i32
          %dma_wait3A_419 = arith.constant 0 : i32
          %dma_wait3A_420 = arith.constant 0 : i32
          %dma_wait3A_421 = tpu.memref_slice %arg8[%dma_wait3A_417, %dma_wait3A_419, %dma_wait3A_420] : memref<5x125x32xf32, #tpu.memory_space<vmem>> -> memref<1x125x32xf32, #tpu.memory_space<vmem>>
          %dma_wait3A_422 = tpu.memref_squeeze %dma_wait3A_421 : memref<1x125x32xf32, #tpu.memory_space<vmem>> -> memref<125x32xf32, #tpu.memory_space<vmem>>
          %dma_wait3A_423 = arith.constant 0 : i32
          %dma_wait3A_424 = arith.constant 0 : i32
          %dma_wait3A_425 = tpu.memref_slice %arg11[%dma_wait3A_423, %dma_wait3A_424] : memref<10240x32xf32, #tpu.memory_space<vmem_shared>> -> memref<125x32xf32, #tpu.memory_space<vmem_shared>>
          %dma_wait3A_426 = tpu.memref_slice %arg13[%dma_wait3A_418] : memref<5x!tpu.dma_semaphore, #tpu.memory_space<semaphore_mem>> -> memref<1x!tpu.dma_semaphore, #tpu.memory_space<semaphore_mem>>
          %dma_wait3A_427 = tpu.memref_squeeze %dma_wait3A_426 : memref<1x!tpu.dma_semaphore, #tpu.memory_space<semaphore_mem>> -> memref<!tpu.dma_semaphore, #tpu.memory_space<semaphore_mem>>
          %dma_wait3A_428 = arith.constant 0 : i32
          %dma_wait3A_429 = arith.constant 0 : i32
          %dma_wait3A_430 = tpu.memref_slice %arg11[%dma_wait3A_428, %dma_wait3A_429] : memref<10240x32xf32, #tpu.memory_space<vmem_shared>> -> memref<125x32xf32, #tpu.memory_space<vmem_shared>>
          %dma_wait3A_431 = arith.constant 0 : i32
          %dma_wait3A_432 = arith.constant 0 : i32
          %dma_wait3A_433 = tpu.memref_slice %arg8[%dma_wait3A_417, %dma_wait3A_431, %dma_wait3A_432] : memref<5x125x32xf32, #tpu.memory_space<vmem>> -> memref<1x125x32xf32, #tpu.memory_space<vmem>>
          %dma_wait3A_434 = tpu.memref_squeeze %dma_wait3A_433 : memref<1x125x32xf32, #tpu.memory_space<vmem>> -> memref<125x32xf32, #tpu.memory_space<vmem>>
          tpu.wait_dma2 semaphore(%dma_wait3A_427 : memref<!tpu.dma_semaphore, #tpu.memory_space<semaphore_mem>>) src(%dma_wait3A_434 : memref<125x32xf32, #tpu.memory_space<vmem>>) dst(%dma_wait3A_430 : memref<125x32xf32, #tpu.memory_space<vmem_shared>>)
        } else {
        }
        %add3A_401 = arith.constant 3 : i32
        %add3A_402 = arith.addi %add3A_275, %add3A_401 : i32
        %dma_start3A_403 = arith.constant 0 : i32
        %dma_start3A_404 = arith.constant 0 : i32
        %dma_start3A_405 = arith.constant 0 : i32
        %dma_start3A_406 = arith.constant 0 : i32
        %dma_start3A_407 = tpu.memref_slice %arg8[%dma_start3A_403, %dma_start3A_405, %dma_start3A_406] : memref<5x125x32xf32, #tpu.memory_space<vmem>> -> memref<1x125x32xf32, #tpu.memory_space<vmem>>
        %dma_start3A_408 = tpu.memref_squeeze %dma_start3A_407 : memref<1x125x32xf32, #tpu.memory_space<vmem>> -> memref<125x32xf32, #tpu.memory_space<vmem>>
        %dma_start3A_409 = arith.constant 0 : i32
        %dma_start3A_410 = tpu.memref_slice %arg6[%add3A_402, %dma_start3A_409] : memref<160x125xi32, #tpu.memory_space<vmem>> -> memref<1x125xi32, #tpu.memory_space<vmem>>
        %dma_start3A_411 = tpu.memref_squeeze %dma_start3A_410 : memref<1x125xi32, #tpu.memory_space<vmem>> -> memref<125xi32, #tpu.memory_space<vmem>>
        %dma_start3A_412 = arith.constant 0 : i32
        %dma_start3A_413 = arith.constant 0 : i32
        %dma_start3A_414 = tpu.memref_slice %arg10[%dma_start3A_412, %dma_start3A_413] : memref<10240x32xf32, #tpu.memory_space<vmem_shared>> -> memref<10240x32xf32, #tpu.memory_space<vmem_shared>>
        %dma_start3A_415 = tpu.memref_slice %arg12[%dma_start3A_404] : memref<5x!tpu.dma_semaphore, #tpu.memory_space<semaphore_mem>> -> memref<1x!tpu.dma_semaphore, #tpu.memory_space<semaphore_mem>>
        %dma_start3A_416 = tpu.memref_squeeze %dma_start3A_415 : memref<1x!tpu.dma_semaphore, #tpu.memory_space<semaphore_mem>> -> memref<!tpu.dma_semaphore, #tpu.memory_space<semaphore_mem>>
        tpu.enqueue_indirect_dma source(%dma_start3A_414 : memref<10240x32xf32, #tpu.memory_space<vmem_shared>>) target(%dma_start3A_408 : memref<125x32xf32, #tpu.memory_space<vmem>>) offsets(%dma_start3A_411 : memref<125xi32, #tpu.memory_space<vmem>>) semaphore(%dma_start3A_416 : memref<!tpu.dma_semaphore, #tpu.memory_space<semaphore_mem>>)
      } else {
      }
      %dma_wait3A_283 = arith.constant 2 : i32
      %dma_wait3A_284 = arith.constant 2 : i32
      %dma_wait3A_285 = arith.constant 0 : i32
      %dma_wait3A_286 = arith.constant 0 : i32
      %dma_wait3A_287 = tpu.memref_slice %arg8[%dma_wait3A_283, %dma_wait3A_285, %dma_wait3A_286] : memref<5x125x32xf32, #tpu.memory_space<vmem>> -> memref<1x125x32xf32, #tpu.memory_space<vmem>>
      %dma_wait3A_288 = tpu.memref_squeeze %dma_wait3A_287 : memref<1x125x32xf32, #tpu.memory_space<vmem>> -> memref<125x32xf32, #tpu.memory_space<vmem>>
      %dma_wait3A_289 = arith.constant 0 : i32
      %dma_wait3A_290 = arith.constant 0 : i32
      %dma_wait3A_291 = tpu.memref_slice %arg10[%dma_wait3A_289, %dma_wait3A_290] : memref<10240x32xf32, #tpu.memory_space<vmem_shared>> -> memref<125x32xf32, #tpu.memory_space<vmem_shared>>
      %dma_wait3A_292 = tpu.memref_slice %arg12[%dma_wait3A_284] : memref<5x!tpu.dma_semaphore, #tpu.memory_space<semaphore_mem>> -> memref<1x!tpu.dma_semaphore, #tpu.memory_space<semaphore_mem>>
      %dma_wait3A_293 = tpu.memref_squeeze %dma_wait3A_292 : memref<1x!tpu.dma_semaphore, #tpu.memory_space<semaphore_mem>> -> memref<!tpu.dma_semaphore, #tpu.memory_space<semaphore_mem>>
      %dma_wait3A_294 = arith.constant 0 : i32
      %dma_wait3A_295 = arith.constant 0 : i32
      %dma_wait3A_296 = tpu.memref_slice %arg8[%dma_wait3A_283, %dma_wait3A_294, %dma_wait3A_295] : memref<5x125x32xf32, #tpu.memory_space<vmem>> -> memref<1x125x32xf32, #tpu.memory_space<vmem>>
      %dma_wait3A_297 = tpu.memref_squeeze %dma_wait3A_296 : memref<1x125x32xf32, #tpu.memory_space<vmem>> -> memref<125x32xf32, #tpu.memory_space<vmem>>
      %dma_wait3A_298 = arith.constant 0 : i32
      %dma_wait3A_299 = arith.constant 0 : i32
      %dma_wait3A_300 = tpu.memref_slice %arg10[%dma_wait3A_298, %dma_wait3A_299] : memref<10240x32xf32, #tpu.memory_space<vmem_shared>> -> memref<125x32xf32, #tpu.memory_space<vmem_shared>>
      tpu.wait_dma2 semaphore(%dma_wait3A_293 : memref<!tpu.dma_semaphore, #tpu.memory_space<semaphore_mem>>) src(%dma_wait3A_300 : memref<125x32xf32, #tpu.memory_space<vmem_shared>>) dst(%dma_wait3A_297 : memref<125x32xf32, #tpu.memory_space<vmem>>)
      %dma_start3A_301 = arith.constant 2 : i32
      %dma_start3A_302 = arith.constant 2 : i32
      %dma_start3A_303 = arith.constant 0 : i32
      %dma_start3A_304 = arith.constant 0 : i32
      %dma_start3A_305 = tpu.memref_slice %arg8[%dma_start3A_301, %dma_start3A_303, %dma_start3A_304] : memref<5x125x32xf32, #tpu.memory_space<vmem>> -> memref<1x125x32xf32, #tpu.memory_space<vmem>>
      %dma_start3A_306 = tpu.memref_squeeze %dma_start3A_305 : memref<1x125x32xf32, #tpu.memory_space<vmem>> -> memref<125x32xf32, #tpu.memory_space<vmem>>
      %dma_start3A_307 = arith.constant 0 : i32
      %dma_start3A_308 = tpu.memref_slice %arg7[%add3A_275, %dma_start3A_307] : memref<160x125xi32, #tpu.memory_space<vmem>> -> memref<1x125xi32, #tpu.memory_space<vmem>>
      %dma_start3A_309 = tpu.memref_squeeze %dma_start3A_308 : memref<1x125xi32, #tpu.memory_space<vmem>> -> memref<125xi32, #tpu.memory_space<vmem>>
      %dma_start3A_310 = arith.constant 0 : i32
      %dma_start3A_311 = arith.constant 0 : i32
      %dma_start3A_312 = tpu.memref_slice %arg11[%dma_start3A_310, %dma_start3A_311] : memref<10240x32xf32, #tpu.memory_space<vmem_shared>> -> memref<10240x32xf32, #tpu.memory_space<vmem_shared>>
      %dma_start3A_313 = tpu.memref_slice %arg13[%dma_start3A_302] : memref<5x!tpu.dma_semaphore, #tpu.memory_space<semaphore_mem>> -> memref<1x!tpu.dma_semaphore, #tpu.memory_space<semaphore_mem>>
      %dma_start3A_314 = tpu.memref_squeeze %dma_start3A_313 : memref<1x!tpu.dma_semaphore, #tpu.memory_space<semaphore_mem>> -> memref<!tpu.dma_semaphore, #tpu.memory_space<semaphore_mem>>
      tpu.enqueue_indirect_dma source(%dma_start3A_306 : memref<125x32xf32, #tpu.memory_space<vmem>>) target(%dma_start3A_312 : memref<10240x32xf32, #tpu.memory_space<vmem_shared>>) offsets(%dma_start3A_309 : memref<125xi32, #tpu.memory_space<vmem>>) semaphore(%dma_start3A_314 : memref<!tpu.dma_semaphore, #tpu.memory_space<semaphore_mem>>) {add = true}
      %add3A_315 = arith.constant 3 : i32
      %add3A_316 = arith.addi %add3A_194, %add3A_315 : i32
      %add3A_317 = arith.constant 3 : i32
      %add3A_318 = arith.addi %add3A_316, %add3A_317 : i32
      %lt3A_319 = arith.constant 160 : i32
      %lt3A_320 = arith.cmpi slt, %add3A_318, %lt3A_319 : i32
      %convert_element_type3A_321 = arith.extui %lt3A_320 : i1 to i32
      %cond3A_322 = arith.constant 0 : i32
      %cond3A_323 = arith.cmpi ne, %convert_element_type3A_321, %cond3A_322 : i32
      scf.if %cond3A_323 {
        %ge3A = arith.constant 2 : i32
        %ge3A_397 = arith.cmpi sge, %add3A_316, %ge3A : i32
        %convert_element_type3A_398 = arith.extui %ge3A_397 : i1 to i32
        %cond3A_399 = arith.constant 0 : i32
        %cond3A_400 = arith.cmpi ne, %convert_element_type3A_398, %cond3A_399 : i32
        scf.if %cond3A_400 {
          %dma_wait3A_417 = arith.constant 1 : i32
          %dma_wait3A_418 = arith.constant 1 : i32
          %dma_wait3A_419 = arith.constant 0 : i32
          %dma_wait3A_420 = arith.constant 0 : i32
          %dma_wait3A_421 = tpu.memref_slice %arg8[%dma_wait3A_417, %dma_wait3A_419, %dma_wait3A_420] : memref<5x125x32xf32, #tpu.memory_space<vmem>> -> memref<1x125x32xf32, #tpu.memory_space<vmem>>
          %dma_wait3A_422 = tpu.memref_squeeze %dma_wait3A_421 : memref<1x125x32xf32, #tpu.memory_space<vmem>> -> memref<125x32xf32, #tpu.memory_space<vmem>>
          %dma_wait3A_423 = arith.constant 0 : i32
          %dma_wait3A_424 = arith.constant 0 : i32
          %dma_wait3A_425 = tpu.memref_slice %arg11[%dma_wait3A_423, %dma_wait3A_424] : memref<10240x32xf32, #tpu.memory_space<vmem_shared>> -> memref<125x32xf32, #tpu.memory_space<vmem_shared>>
          %dma_wait3A_426 = tpu.memref_slice %arg13[%dma_wait3A_418] : memref<5x!tpu.dma_semaphore, #tpu.memory_space<semaphore_mem>> -> memref<1x!tpu.dma_semaphore, #tpu.memory_space<semaphore_mem>>
          %dma_wait3A_427 = tpu.memref_squeeze %dma_wait3A_426 : memref<1x!tpu.dma_semaphore, #tpu.memory_space<semaphore_mem>> -> memref<!tpu.dma_semaphore, #tpu.memory_space<semaphore_mem>>
          %dma_wait3A_428 = arith.constant 0 : i32
          %dma_wait3A_429 = arith.constant 0 : i32
          %dma_wait3A_430 = tpu.memref_slice %arg11[%dma_wait3A_428, %dma_wait3A_429] : memref<10240x32xf32, #tpu.memory_space<vmem_shared>> -> memref<125x32xf32, #tpu.memory_space<vmem_shared>>
          %dma_wait3A_431 = arith.constant 0 : i32
          %dma_wait3A_432 = arith.constant 0 : i32
          %dma_wait3A_433 = tpu.memref_slice %arg8[%dma_wait3A_417, %dma_wait3A_431, %dma_wait3A_432] : memref<5x125x32xf32, #tpu.memory_space<vmem>> -> memref<1x125x32xf32, #tpu.memory_space<vmem>>
          %dma_wait3A_434 = tpu.memref_squeeze %dma_wait3A_433 : memref<1x125x32xf32, #tpu.memory_space<vmem>> -> memref<125x32xf32, #tpu.memory_space<vmem>>
          tpu.wait_dma2 semaphore(%dma_wait3A_427 : memref<!tpu.dma_semaphore, #tpu.memory_space<semaphore_mem>>) src(%dma_wait3A_434 : memref<125x32xf32, #tpu.memory_space<vmem>>) dst(%dma_wait3A_430 : memref<125x32xf32, #tpu.memory_space<vmem_shared>>)
        } else {
        }
        %add3A_401 = arith.constant 3 : i32
        %add3A_402 = arith.addi %add3A_316, %add3A_401 : i32
        %dma_start3A_403 = arith.constant 1 : i32
        %dma_start3A_404 = arith.constant 1 : i32
        %dma_start3A_405 = arith.constant 0 : i32
        %dma_start3A_406 = arith.constant 0 : i32
        %dma_start3A_407 = tpu.memref_slice %arg8[%dma_start3A_403, %dma_start3A_405, %dma_start3A_406] : memref<5x125x32xf32, #tpu.memory_space<vmem>> -> memref<1x125x32xf32, #tpu.memory_space<vmem>>
        %dma_start3A_408 = tpu.memref_squeeze %dma_start3A_407 : memref<1x125x32xf32, #tpu.memory_space<vmem>> -> memref<125x32xf32, #tpu.memory_space<vmem>>
        %dma_start3A_409 = arith.constant 0 : i32
        %dma_start3A_410 = tpu.memref_slice %arg6[%add3A_402, %dma_start3A_409] : memref<160x125xi32, #tpu.memory_space<vmem>> -> memref<1x125xi32, #tpu.memory_space<vmem>>
        %dma_start3A_411 = tpu.memref_squeeze %dma_start3A_410 : memref<1x125xi32, #tpu.memory_space<vmem>> -> memref<125xi32, #tpu.memory_space<vmem>>
        %dma_start3A_412 = arith.constant 0 : i32
        %dma_start3A_413 = arith.constant 0 : i32
        %dma_start3A_414 = tpu.memref_slice %arg10[%dma_start3A_412, %dma_start3A_413] : memref<10240x32xf32, #tpu.memory_space<vmem_shared>> -> memref<10240x32xf32, #tpu.memory_space<vmem_shared>>
        %dma_start3A_415 = tpu.memref_slice %arg12[%dma_start3A_404] : memref<5x!tpu.dma_semaphore, #tpu.memory_space<semaphore_mem>> -> memref<1x!tpu.dma_semaphore, #tpu.memory_space<semaphore_mem>>
        %dma_start3A_416 = tpu.memref_squeeze %dma_start3A_415 : memref<1x!tpu.dma_semaphore, #tpu.memory_space<semaphore_mem>> -> memref<!tpu.dma_semaphore, #tpu.memory_space<semaphore_mem>>
        tpu.enqueue_indirect_dma source(%dma_start3A_414 : memref<10240x32xf32, #tpu.memory_space<vmem_shared>>) target(%dma_start3A_408 : memref<125x32xf32, #tpu.memory_space<vmem>>) offsets(%dma_start3A_411 : memref<125xi32, #tpu.memory_space<vmem>>) semaphore(%dma_start3A_416 : memref<!tpu.dma_semaphore, #tpu.memory_space<semaphore_mem>>)
      } else {
      }
      %dma_wait3A_324 = arith.constant 3 : i32
      %dma_wait3A_325 = arith.constant 3 : i32
      %dma_wait3A_326 = arith.constant 0 : i32
      %dma_wait3A_327 = arith.constant 0 : i32
      %dma_wait3A_328 = tpu.memref_slice %arg8[%dma_wait3A_324, %dma_wait3A_326, %dma_wait3A_327] : memref<5x125x32xf32, #tpu.memory_space<vmem>> -> memref<1x125x32xf32, #tpu.memory_space<vmem>>
      %dma_wait3A_329 = tpu.memref_squeeze %dma_wait3A_328 : memref<1x125x32xf32, #tpu.memory_space<vmem>> -> memref<125x32xf32, #tpu.memory_space<vmem>>
      %dma_wait3A_330 = arith.constant 0 : i32
      %dma_wait3A_331 = arith.constant 0 : i32
      %dma_wait3A_332 = tpu.memref_slice %arg10[%dma_wait3A_330, %dma_wait3A_331] : memref<10240x32xf32, #tpu.memory_space<vmem_shared>> -> memref<125x32xf32, #tpu.memory_space<vmem_shared>>
      %dma_wait3A_333 = tpu.memref_slice %arg12[%dma_wait3A_325] : memref<5x!tpu.dma_semaphore, #tpu.memory_space<semaphore_mem>> -> memref<1x!tpu.dma_semaphore, #tpu.memory_space<semaphore_mem>>
      %dma_wait3A_334 = tpu.memref_squeeze %dma_wait3A_333 : memref<1x!tpu.dma_semaphore, #tpu.memory_space<semaphore_mem>> -> memref<!tpu.dma_semaphore, #tpu.memory_space<semaphore_mem>>
      %dma_wait3A_335 = arith.constant 0 : i32
      %dma_wait3A_336 = arith.constant 0 : i32
      %dma_wait3A_337 = tpu.memref_slice %arg8[%dma_wait3A_324, %dma_wait3A_335, %dma_wait3A_336] : memref<5x125x32xf32, #tpu.memory_space<vmem>> -> memref<1x125x32xf32, #tpu.memory_space<vmem>>
      %dma_wait3A_338 = tpu.memref_squeeze %dma_wait3A_337 : memref<1x125x32xf32, #tpu.memory_space<vmem>> -> memref<125x32xf32, #tpu.memory_space<vmem>>
      %dma_wait3A_339 = arith.constant 0 : i32
      %dma_wait3A_340 = arith.constant 0 : i32
      %dma_wait3A_341 = tpu.memref_slice %arg10[%dma_wait3A_339, %dma_wait3A_340] : memref<10240x32xf32, #tpu.memory_space<vmem_shared>> -> memref<125x32xf32, #tpu.memory_space<vmem_shared>>
      tpu.wait_dma2 semaphore(%dma_wait3A_334 : memref<!tpu.dma_semaphore, #tpu.memory_space<semaphore_mem>>) src(%dma_wait3A_341 : memref<125x32xf32, #tpu.memory_space<vmem_shared>>) dst(%dma_wait3A_338 : memref<125x32xf32, #tpu.memory_space<vmem>>)
      %dma_start3A_342 = arith.constant 3 : i32
      %dma_start3A_343 = arith.constant 3 : i32
      %dma_start3A_344 = arith.constant 0 : i32
      %dma_start3A_345 = arith.constant 0 : i32
      %dma_start3A_346 = tpu.memref_slice %arg8[%dma_start3A_342, %dma_start3A_344, %dma_start3A_345] : memref<5x125x32xf32, #tpu.memory_space<vmem>> -> memref<1x125x32xf32, #tpu.memory_space<vmem>>
      %dma_start3A_347 = tpu.memref_squeeze %dma_start3A_346 : memref<1x125x32xf32, #tpu.memory_space<vmem>> -> memref<125x32xf32, #tpu.memory_space<vmem>>
      %dma_start3A_348 = arith.constant 0 : i32
      %dma_start3A_349 = tpu.memref_slice %arg7[%add3A_316, %dma_start3A_348] : memref<160x125xi32, #tpu.memory_space<vmem>> -> memref<1x125xi32, #tpu.memory_space<vmem>>
      %dma_start3A_350 = tpu.memref_squeeze %dma_start3A_349 : memref<1x125xi32, #tpu.memory_space<vmem>> -> memref<125xi32, #tpu.memory_space<vmem>>
      %dma_start3A_351 = arith.constant 0 : i32
      %dma_start3A_352 = arith.constant 0 : i32
      %dma_start3A_353 = tpu.memref_slice %arg11[%dma_start3A_351, %dma_start3A_352] : memref<10240x32xf32, #tpu.memory_space<vmem_shared>> -> memref<10240x32xf32, #tpu.memory_space<vmem_shared>>
      %dma_start3A_354 = tpu.memref_slice %arg13[%dma_start3A_343] : memref<5x!tpu.dma_semaphore, #tpu.memory_space<semaphore_mem>> -> memref<1x!tpu.dma_semaphore, #tpu.memory_space<semaphore_mem>>
      %dma_start3A_355 = tpu.memref_squeeze %dma_start3A_354 : memref<1x!tpu.dma_semaphore, #tpu.memory_space<semaphore_mem>> -> memref<!tpu.dma_semaphore, #tpu.memory_space<semaphore_mem>>
      tpu.enqueue_indirect_dma source(%dma_start3A_347 : memref<125x32xf32, #tpu.memory_space<vmem>>) target(%dma_start3A_353 : memref<10240x32xf32, #tpu.memory_space<vmem_shared>>) offsets(%dma_start3A_350 : memref<125xi32, #tpu.memory_space<vmem>>) semaphore(%dma_start3A_355 : memref<!tpu.dma_semaphore, #tpu.memory_space<semaphore_mem>>) {add = true}
      %add3A_356 = arith.constant 4 : i32
      %add3A_357 = arith.addi %add3A_194, %add3A_356 : i32
      %add3A_358 = arith.constant 3 : i32
      %add3A_359 = arith.addi %add3A_357, %add3A_358 : i32
      %lt3A_360 = arith.constant 160 : i32
      %lt3A_361 = arith.cmpi slt, %add3A_359, %lt3A_360 : i32
      %convert_element_type3A_362 = arith.extui %lt3A_361 : i1 to i32
      %cond3A_363 = arith.constant 0 : i32
      %cond3A_364 = arith.cmpi ne, %convert_element_type3A_362, %cond3A_363 : i32
      scf.if %cond3A_364 {
        %ge3A = arith.constant 2 : i32
        %ge3A_397 = arith.cmpi sge, %add3A_357, %ge3A : i32
        %convert_element_type3A_398 = arith.extui %ge3A_397 : i1 to i32
        %cond3A_399 = arith.constant 0 : i32
        %cond3A_400 = arith.cmpi ne, %convert_element_type3A_398, %cond3A_399 : i32
        scf.if %cond3A_400 {
          %dma_wait3A_417 = arith.constant 2 : i32
          %dma_wait3A_418 = arith.constant 2 : i32
          %dma_wait3A_419 = arith.constant 0 : i32
          %dma_wait3A_420 = arith.constant 0 : i32
          %dma_wait3A_421 = tpu.memref_slice %arg8[%dma_wait3A_417, %dma_wait3A_419, %dma_wait3A_420] : memref<5x125x32xf32, #tpu.memory_space<vmem>> -> memref<1x125x32xf32, #tpu.memory_space<vmem>>
          %dma_wait3A_422 = tpu.memref_squeeze %dma_wait3A_421 : memref<1x125x32xf32, #tpu.memory_space<vmem>> -> memref<125x32xf32, #tpu.memory_space<vmem>>
          %dma_wait3A_423 = arith.constant 0 : i32
          %dma_wait3A_424 = arith.constant 0 : i32
          %dma_wait3A_425 = tpu.memref_slice %arg11[%dma_wait3A_423, %dma_wait3A_424] : memref<10240x32xf32, #tpu.memory_space<vmem_shared>> -> memref<125x32xf32, #tpu.memory_space<vmem_shared>>
          %dma_wait3A_426 = tpu.memref_slice %arg13[%dma_wait3A_418] : memref<5x!tpu.dma_semaphore, #tpu.memory_space<semaphore_mem>> -> memref<1x!tpu.dma_semaphore, #tpu.memory_space<semaphore_mem>>
          %dma_wait3A_427 = tpu.memref_squeeze %dma_wait3A_426 : memref<1x!tpu.dma_semaphore, #tpu.memory_space<semaphore_mem>> -> memref<!tpu.dma_semaphore, #tpu.memory_space<semaphore_mem>>
          %dma_wait3A_428 = arith.constant 0 : i32
          %dma_wait3A_429 = arith.constant 0 : i32
          %dma_wait3A_430 = tpu.memref_slice %arg11[%dma_wait3A_428, %dma_wait3A_429] : memref<10240x32xf32, #tpu.memory_space<vmem_shared>> -> memref<125x32xf32, #tpu.memory_space<vmem_shared>>
          %dma_wait3A_431 = arith.constant 0 : i32
          %dma_wait3A_432 = arith.constant 0 : i32
          %dma_wait3A_433 = tpu.memref_slice %arg8[%dma_wait3A_417, %dma_wait3A_431, %dma_wait3A_432] : memref<5x125x32xf32, #tpu.memory_space<vmem>> -> memref<1x125x32xf32, #tpu.memory_space<vmem>>
          %dma_wait3A_434 = tpu.memref_squeeze %dma_wait3A_433 : memref<1x125x32xf32, #tpu.memory_space<vmem>> -> memref<125x32xf32, #tpu.memory_space<vmem>>
          tpu.wait_dma2 semaphore(%dma_wait3A_427 : memref<!tpu.dma_semaphore, #tpu.memory_space<semaphore_mem>>) src(%dma_wait3A_434 : memref<125x32xf32, #tpu.memory_space<vmem>>) dst(%dma_wait3A_430 : memref<125x32xf32, #tpu.memory_space<vmem_shared>>)
        } else {
        }
        %add3A_401 = arith.constant 3 : i32
        %add3A_402 = arith.addi %add3A_357, %add3A_401 : i32
        %dma_start3A_403 = arith.constant 2 : i32
        %dma_start3A_404 = arith.constant 2 : i32
        %dma_start3A_405 = arith.constant 0 : i32
        %dma_start3A_406 = arith.constant 0 : i32
        %dma_start3A_407 = tpu.memref_slice %arg8[%dma_start3A_403, %dma_start3A_405, %dma_start3A_406] : memref<5x125x32xf32, #tpu.memory_space<vmem>> -> memref<1x125x32xf32, #tpu.memory_space<vmem>>
        %dma_start3A_408 = tpu.memref_squeeze %dma_start3A_407 : memref<1x125x32xf32, #tpu.memory_space<vmem>> -> memref<125x32xf32, #tpu.memory_space<vmem>>
        %dma_start3A_409 = arith.constant 0 : i32
        %dma_start3A_410 = tpu.memref_slice %arg6[%add3A_402, %dma_start3A_409] : memref<160x125xi32, #tpu.memory_space<vmem>> -> memref<1x125xi32, #tpu.memory_space<vmem>>
        %dma_start3A_411 = tpu.memref_squeeze %dma_start3A_410 : memref<1x125xi32, #tpu.memory_space<vmem>> -> memref<125xi32, #tpu.memory_space<vmem>>
        %dma_start3A_412 = arith.constant 0 : i32
        %dma_start3A_413 = arith.constant 0 : i32
        %dma_start3A_414 = tpu.memref_slice %arg10[%dma_start3A_412, %dma_start3A_413] : memref<10240x32xf32, #tpu.memory_space<vmem_shared>> -> memref<10240x32xf32, #tpu.memory_space<vmem_shared>>
        %dma_start3A_415 = tpu.memref_slice %arg12[%dma_start3A_404] : memref<5x!tpu.dma_semaphore, #tpu.memory_space<semaphore_mem>> -> memref<1x!tpu.dma_semaphore, #tpu.memory_space<semaphore_mem>>
        %dma_start3A_416 = tpu.memref_squeeze %dma_start3A_415 : memref<1x!tpu.dma_semaphore, #tpu.memory_space<semaphore_mem>> -> memref<!tpu.dma_semaphore, #tpu.memory_space<semaphore_mem>>
        tpu.enqueue_indirect_dma source(%dma_start3A_414 : memref<10240x32xf32, #tpu.memory_space<vmem_shared>>) target(%dma_start3A_408 : memref<125x32xf32, #tpu.memory_space<vmem>>) offsets(%dma_start3A_411 : memref<125xi32, #tpu.memory_space<vmem>>) semaphore(%dma_start3A_416 : memref<!tpu.dma_semaphore, #tpu.memory_space<semaphore_mem>>)
      } else {
      }
      %dma_wait3A_365 = arith.constant 4 : i32
      %dma_wait3A_366 = arith.constant 4 : i32
      %dma_wait3A_367 = arith.constant 0 : i32
      %dma_wait3A_368 = arith.constant 0 : i32
      %dma_wait3A_369 = tpu.memref_slice %arg8[%dma_wait3A_365, %dma_wait3A_367, %dma_wait3A_368] : memref<5x125x32xf32, #tpu.memory_space<vmem>> -> memref<1x125x32xf32, #tpu.memory_space<vmem>>
      %dma_wait3A_370 = tpu.memref_squeeze %dma_wait3A_369 : memref<1x125x32xf32, #tpu.memory_space<vmem>> -> memref<125x32xf32, #tpu.memory_space<vmem>>
      %dma_wait3A_371 = arith.constant 0 : i32
      %dma_wait3A_372 = arith.constant 0 : i32
      %dma_wait3A_373 = tpu.memref_slice %arg10[%dma_wait3A_371, %dma_wait3A_372] : memref<10240x32xf32, #tpu.memory_space<vmem_shared>> -> memref<125x32xf32, #tpu.memory_space<vmem_shared>>
      %dma_wait3A_374 = tpu.memref_slice %arg12[%dma_wait3A_366] : memref<5x!tpu.dma_semaphore, #tpu.memory_space<semaphore_mem>> -> memref<1x!tpu.dma_semaphore, #tpu.memory_space<semaphore_mem>>
      %dma_wait3A_375 = tpu.memref_squeeze %dma_wait3A_374 : memref<1x!tpu.dma_semaphore, #tpu.memory_space<semaphore_mem>> -> memref<!tpu.dma_semaphore, #tpu.memory_space<semaphore_mem>>
      %dma_wait3A_376 = arith.constant 0 : i32
      %dma_wait3A_377 = arith.constant 0 : i32
      %dma_wait3A_378 = tpu.memref_slice %arg8[%dma_wait3A_365, %dma_wait3A_376, %dma_wait3A_377] : memref<5x125x32xf32, #tpu.memory_space<vmem>> -> memref<1x125x32xf32, #tpu.memory_space<vmem>>
      %dma_wait3A_379 = tpu.memref_squeeze %dma_wait3A_378 : memref<1x125x32xf32, #tpu.memory_space<vmem>> -> memref<125x32xf32, #tpu.memory_space<vmem>>
      %dma_wait3A_380 = arith.constant 0 : i32
      %dma_wait3A_381 = arith.constant 0 : i32
      %dma_wait3A_382 = tpu.memref_slice %arg10[%dma_wait3A_380, %dma_wait3A_381] : memref<10240x32xf32, #tpu.memory_space<vmem_shared>> -> memref<125x32xf32, #tpu.memory_space<vmem_shared>>
      tpu.wait_dma2 semaphore(%dma_wait3A_375 : memref<!tpu.dma_semaphore, #tpu.memory_space<semaphore_mem>>) src(%dma_wait3A_382 : memref<125x32xf32, #tpu.memory_space<vmem_shared>>) dst(%dma_wait3A_379 : memref<125x32xf32, #tpu.memory_space<vmem>>)
      %dma_start3A_383 = arith.constant 4 : i32
      %dma_start3A_384 = arith.constant 4 : i32
      %dma_start3A_385 = arith.constant 0 : i32
      %dma_start3A_386 = arith.constant 0 : i32
      %dma_start3A_387 = tpu.memref_slice %arg8[%dma_start3A_383, %dma_start3A_385, %dma_start3A_386] : memref<5x125x32xf32, #tpu.memory_space<vmem>> -> memref<1x125x32xf32, #tpu.memory_space<vmem>>
      %dma_start3A_388 = tpu.memref_squeeze %dma_start3A_387 : memref<1x125x32xf32, #tpu.memory_space<vmem>> -> memref<125x32xf32, #tpu.memory_space<vmem>>
      %dma_start3A_389 = arith.constant 0 : i32
      %dma_start3A_390 = tpu.memref_slice %arg7[%add3A_357, %dma_start3A_389] : memref<160x125xi32, #tpu.memory_space<vmem>> -> memref<1x125xi32, #tpu.memory_space<vmem>>
      %dma_start3A_391 = tpu.memref_squeeze %dma_start3A_390 : memref<1x125xi32, #tpu.memory_space<vmem>> -> memref<125xi32, #tpu.memory_space<vmem>>
      %dma_start3A_392 = arith.constant 0 : i32
      %dma_start3A_393 = arith.constant 0 : i32
      %dma_start3A_394 = tpu.memref_slice %arg11[%dma_start3A_392, %dma_start3A_393] : memref<10240x32xf32, #tpu.memory_space<vmem_shared>> -> memref<10240x32xf32, #tpu.memory_space<vmem_shared>>
      %dma_start3A_395 = tpu.memref_slice %arg13[%dma_start3A_384] : memref<5x!tpu.dma_semaphore, #tpu.memory_space<semaphore_mem>> -> memref<1x!tpu.dma_semaphore, #tpu.memory_space<semaphore_mem>>
      %dma_start3A_396 = tpu.memref_squeeze %dma_start3A_395 : memref<1x!tpu.dma_semaphore, #tpu.memory_space<semaphore_mem>> -> memref<!tpu.dma_semaphore, #tpu.memory_space<semaphore_mem>>
      tpu.enqueue_indirect_dma source(%dma_start3A_388 : memref<125x32xf32, #tpu.memory_space<vmem>>) target(%dma_start3A_394 : memref<10240x32xf32, #tpu.memory_space<vmem_shared>>) offsets(%dma_start3A_391 : memref<125xi32, #tpu.memory_space<vmem>>) semaphore(%dma_start3A_396 : memref<!tpu.dma_semaphore, #tpu.memory_space<semaphore_mem>>) {add = true}
    }
    %scan3A_98 = arith.constant 32 : i32
    %dma_wait3A_99 = arith.constant 0 : i32
    %dma_wait3A_100 = arith.constant 0 : i32
    %dma_wait3A_101 = arith.constant 0 : i32
    %dma_wait3A_102 = arith.constant 0 : i32
    %dma_wait3A_103 = tpu.memref_slice %arg8[%dma_wait3A_99, %dma_wait3A_101, %dma_wait3A_102] : memref<5x125x32xf32, #tpu.memory_space<vmem>> -> memref<1x125x32xf32, #tpu.memory_space<vmem>>
    %dma_wait3A_104 = tpu.memref_squeeze %dma_wait3A_103 : memref<1x125x32xf32, #tpu.memory_space<vmem>> -> memref<125x32xf32, #tpu.memory_space<vmem>>
    %dma_wait3A_105 = arith.constant 0 : i32
    %dma_wait3A_106 = arith.constant 0 : i32
    %dma_wait3A_107 = tpu.memref_slice %arg11[%dma_wait3A_105, %dma_wait3A_106] : memref<10240x32xf32, #tpu.memory_space<vmem_shared>> -> memref<125x32xf32, #tpu.memory_space<vmem_shared>>
    %dma_wait3A_108 = tpu.memref_slice %arg13[%dma_wait3A_100] : memref<5x!tpu.dma_semaphore, #tpu.memory_space<semaphore_mem>> -> memref<1x!tpu.dma_semaphore, #tpu.memory_space<semaphore_mem>>
    %dma_wait3A_109 = tpu.memref_squeeze %dma_wait3A_108 : memref<1x!tpu.dma_semaphore, #tpu.memory_space<semaphore_mem>> -> memref<!tpu.dma_semaphore, #tpu.memory_space<semaphore_mem>>
    %dma_wait3A_110 = arith.constant 0 : i32
    %dma_wait3A_111 = arith.constant 0 : i32
    %dma_wait3A_112 = tpu.memref_slice %arg11[%dma_wait3A_110, %dma_wait3A_111] : memref<10240x32xf32, #tpu.memory_space<vmem_shared>> -> memref<125x32xf32, #tpu.memory_space<vmem_shared>>
    %dma_wait3A_113 = arith.constant 0 : i32
    %dma_wait3A_114 = arith.constant 0 : i32
    %dma_wait3A_115 = tpu.memref_slice %arg8[%dma_wait3A_99, %dma_wait3A_113, %dma_wait3A_114] : memref<5x125x32xf32, #tpu.memory_space<vmem>> -> memref<1x125x32xf32, #tpu.memory_space<vmem>>
    %dma_wait3A_116 = tpu.memref_squeeze %dma_wait3A_115 : memref<1x125x32xf32, #tpu.memory_space<vmem>> -> memref<125x32xf32, #tpu.memory_space<vmem>>
    tpu.wait_dma2 semaphore(%dma_wait3A_109 : memref<!tpu.dma_semaphore, #tpu.memory_space<semaphore_mem>>) src(%dma_wait3A_116 : memref<125x32xf32, #tpu.memory_space<vmem>>) dst(%dma_wait3A_112 : memref<125x32xf32, #tpu.memory_space<vmem_shared>>)
    %dma_wait3A_117 = arith.constant 1 : i32
    %dma_wait3A_118 = arith.constant 1 : i32
    %dma_wait3A_119 = arith.constant 0 : i32
    %dma_wait3A_120 = arith.constant 0 : i32
    %dma_wait3A_121 = tpu.memref_slice %arg8[%dma_wait3A_117, %dma_wait3A_119, %dma_wait3A_120] : memref<5x125x32xf32, #tpu.memory_space<vmem>> -> memref<1x125x32xf32, #tpu.memory_space<vmem>>
    %dma_wait3A_122 = tpu.memref_squeeze %dma_wait3A_121 : memref<1x125x32xf32, #tpu.memory_space<vmem>> -> memref<125x32xf32, #tpu.memory_space<vmem>>
    %dma_wait3A_123 = arith.constant 0 : i32
    %dma_wait3A_124 = arith.constant 0 : i32
    %dma_wait3A_125 = tpu.memref_slice %arg11[%dma_wait3A_123, %dma_wait3A_124] : memref<10240x32xf32, #tpu.memory_space<vmem_shared>> -> memref<125x32xf32, #tpu.memory_space<vmem_shared>>
    %dma_wait3A_126 = tpu.memref_slice %arg13[%dma_wait3A_118] : memref<5x!tpu.dma_semaphore, #tpu.memory_space<semaphore_mem>> -> memref<1x!tpu.dma_semaphore, #tpu.memory_space<semaphore_mem>>
    %dma_wait3A_127 = tpu.memref_squeeze %dma_wait3A_126 : memref<1x!tpu.dma_semaphore, #tpu.memory_space<semaphore_mem>> -> memref<!tpu.dma_semaphore, #tpu.memory_space<semaphore_mem>>
    %dma_wait3A_128 = arith.constant 0 : i32
    %dma_wait3A_129 = arith.constant 0 : i32
    %dma_wait3A_130 = tpu.memref_slice %arg11[%dma_wait3A_128, %dma_wait3A_129] : memref<10240x32xf32, #tpu.memory_space<vmem_shared>> -> memref<125x32xf32, #tpu.memory_space<vmem_shared>>
    %dma_wait3A_131 = arith.constant 0 : i32
    %dma_wait3A_132 = arith.constant 0 : i32
    %dma_wait3A_133 = tpu.memref_slice %arg8[%dma_wait3A_117, %dma_wait3A_131, %dma_wait3A_132] : memref<5x125x32xf32, #tpu.memory_space<vmem>> -> memref<1x125x32xf32, #tpu.memory_space<vmem>>
    %dma_wait3A_134 = tpu.memref_squeeze %dma_wait3A_133 : memref<1x125x32xf32, #tpu.memory_space<vmem>> -> memref<125x32xf32, #tpu.memory_space<vmem>>
    tpu.wait_dma2 semaphore(%dma_wait3A_127 : memref<!tpu.dma_semaphore, #tpu.memory_space<semaphore_mem>>) src(%dma_wait3A_134 : memref<125x32xf32, #tpu.memory_space<vmem>>) dst(%dma_wait3A_130 : memref<125x32xf32, #tpu.memory_space<vmem_shared>>)
    %dma_wait3A_135 = arith.constant 2 : i32
    %dma_wait3A_136 = arith.constant 2 : i32
    %dma_wait3A_137 = arith.constant 0 : i32
    %dma_wait3A_138 = arith.constant 0 : i32
    %dma_wait3A_139 = tpu.memref_slice %arg8[%dma_wait3A_135, %dma_wait3A_137, %dma_wait3A_138] : memref<5x125x32xf32, #tpu.memory_space<vmem>> -> memref<1x125x32xf32, #tpu.memory_space<vmem>>
    %dma_wait3A_140 = tpu.memref_squeeze %dma_wait3A_139 : memref<1x125x32xf32, #tpu.memory_space<vmem>> -> memref<125x32xf32, #tpu.memory_space<vmem>>
    %dma_wait3A_141 = arith.constant 0 : i32
    %dma_wait3A_142 = arith.constant 0 : i32
    %dma_wait3A_143 = tpu.memref_slice %arg11[%dma_wait3A_141, %dma_wait3A_142] : memref<10240x32xf32, #tpu.memory_space<vmem_shared>> -> memref<125x32xf32, #tpu.memory_space<vmem_shared>>
    %dma_wait3A_144 = tpu.memref_slice %arg13[%dma_wait3A_136] : memref<5x!tpu.dma_semaphore, #tpu.memory_space<semaphore_mem>> -> memref<1x!tpu.dma_semaphore, #tpu.memory_space<semaphore_mem>>
    %dma_wait3A_145 = tpu.memref_squeeze %dma_wait3A_144 : memref<1x!tpu.dma_semaphore, #tpu.memory_space<semaphore_mem>> -> memref<!tpu.dma_semaphore, #tpu.memory_space<semaphore_mem>>
    %dma_wait3A_146 = arith.constant 0 : i32
    %dma_wait3A_147 = arith.constant 0 : i32
    %dma_wait3A_148 = tpu.memref_slice %arg11[%dma_wait3A_146, %dma_wait3A_147] : memref<10240x32xf32, #tpu.memory_space<vmem_shared>> -> memref<125x32xf32, #tpu.memory_space<vmem_shared>>
    %dma_wait3A_149 = arith.constant 0 : i32
    %dma_wait3A_150 = arith.constant 0 : i32
    %dma_wait3A_151 = tpu.memref_slice %arg8[%dma_wait3A_135, %dma_wait3A_149, %dma_wait3A_150] : memref<5x125x32xf32, #tpu.memory_space<vmem>> -> memref<1x125x32xf32, #tpu.memory_space<vmem>>
    %dma_wait3A_152 = tpu.memref_squeeze %dma_wait3A_151 : memref<1x125x32xf32, #tpu.memory_space<vmem>> -> memref<125x32xf32, #tpu.memory_space<vmem>>
    tpu.wait_dma2 semaphore(%dma_wait3A_145 : memref<!tpu.dma_semaphore, #tpu.memory_space<semaphore_mem>>) src(%dma_wait3A_152 : memref<125x32xf32, #tpu.memory_space<vmem>>) dst(%dma_wait3A_148 : memref<125x32xf32, #tpu.memory_space<vmem_shared>>)
    %dma_wait3A_153 = arith.constant 3 : i32
    %dma_wait3A_154 = arith.constant 3 : i32
    %dma_wait3A_155 = arith.constant 0 : i32
    %dma_wait3A_156 = arith.constant 0 : i32
    %dma_wait3A_157 = tpu.memref_slice %arg8[%dma_wait3A_153, %dma_wait3A_155, %dma_wait3A_156] : memref<5x125x32xf32, #tpu.memory_space<vmem>> -> memref<1x125x32xf32, #tpu.memory_space<vmem>>
    %dma_wait3A_158 = tpu.memref_squeeze %dma_wait3A_157 : memref<1x125x32xf32, #tpu.memory_space<vmem>> -> memref<125x32xf32, #tpu.memory_space<vmem>>
    %dma_wait3A_159 = arith.constant 0 : i32
    %dma_wait3A_160 = arith.constant 0 : i32
    %dma_wait3A_161 = tpu.memref_slice %arg11[%dma_wait3A_159, %dma_wait3A_160] : memref<10240x32xf32, #tpu.memory_space<vmem_shared>> -> memref<125x32xf32, #tpu.memory_space<vmem_shared>>
    %dma_wait3A_162 = tpu.memref_slice %arg13[%dma_wait3A_154] : memref<5x!tpu.dma_semaphore, #tpu.memory_space<semaphore_mem>> -> memref<1x!tpu.dma_semaphore, #tpu.memory_space<semaphore_mem>>
    %dma_wait3A_163 = tpu.memref_squeeze %dma_wait3A_162 : memref<1x!tpu.dma_semaphore, #tpu.memory_space<semaphore_mem>> -> memref<!tpu.dma_semaphore, #tpu.memory_space<semaphore_mem>>
    %dma_wait3A_164 = arith.constant 0 : i32
    %dma_wait3A_165 = arith.constant 0 : i32
    %dma_wait3A_166 = tpu.memref_slice %arg11[%dma_wait3A_164, %dma_wait3A_165] : memref<10240x32xf32, #tpu.memory_space<vmem_shared>> -> memref<125x32xf32, #tpu.memory_space<vmem_shared>>
    %dma_wait3A_167 = arith.constant 0 : i32
    %dma_wait3A_168 = arith.constant 0 : i32
    %dma_wait3A_169 = tpu.memref_slice %arg8[%dma_wait3A_153, %dma_wait3A_167, %dma_wait3A_168] : memref<5x125x32xf32, #tpu.memory_space<vmem>> -> memref<1x125x32xf32, #tpu.memory_space<vmem>>
    %dma_wait3A_170 = tpu.memref_squeeze %dma_wait3A_169 : memref<1x125x32xf32, #tpu.memory_space<vmem>> -> memref<125x32xf32, #tpu.memory_space<vmem>>
    tpu.wait_dma2 semaphore(%dma_wait3A_163 : memref<!tpu.dma_semaphore, #tpu.memory_space<semaphore_mem>>) src(%dma_wait3A_170 : memref<125x32xf32, #tpu.memory_space<vmem>>) dst(%dma_wait3A_166 : memref<125x32xf32, #tpu.memory_space<vmem_shared>>)
    %dma_wait3A_171 = arith.constant 4 : i32
    %dma_wait3A_172 = arith.constant 4 : i32
    %dma_wait3A_173 = arith.constant 0 : i32
    %dma_wait3A_174 = arith.constant 0 : i32
    %dma_wait3A_175 = tpu.memref_slice %arg8[%dma_wait3A_171, %dma_wait3A_173, %dma_wait3A_174] : memref<5x125x32xf32, #tpu.memory_space<vmem>> -> memref<1x125x32xf32, #tpu.memory_space<vmem>>
    %dma_wait3A_176 = tpu.memref_squeeze %dma_wait3A_175 : memref<1x125x32xf32, #tpu.memory_space<vmem>> -> memref<125x32xf32, #tpu.memory_space<vmem>>
    %dma_wait3A_177 = arith.constant 0 : i32
    %dma_wait3A_178 = arith.constant 0 : i32
    %dma_wait3A_179 = tpu.memref_slice %arg11[%dma_wait3A_177, %dma_wait3A_178] : memref<10240x32xf32, #tpu.memory_space<vmem_shared>> -> memref<125x32xf32, #tpu.memory_space<vmem_shared>>
    %dma_wait3A_180 = tpu.memref_slice %arg13[%dma_wait3A_172] : memref<5x!tpu.dma_semaphore, #tpu.memory_space<semaphore_mem>> -> memref<1x!tpu.dma_semaphore, #tpu.memory_space<semaphore_mem>>
    %dma_wait3A_181 = tpu.memref_squeeze %dma_wait3A_180 : memref<1x!tpu.dma_semaphore, #tpu.memory_space<semaphore_mem>> -> memref<!tpu.dma_semaphore, #tpu.memory_space<semaphore_mem>>
    %dma_wait3A_182 = arith.constant 0 : i32
    %dma_wait3A_183 = arith.constant 0 : i32
    %dma_wait3A_184 = tpu.memref_slice %arg11[%dma_wait3A_182, %dma_wait3A_183] : memref<10240x32xf32, #tpu.memory_space<vmem_shared>> -> memref<125x32xf32, #tpu.memory_space<vmem_shared>>
    %dma_wait3A_185 = arith.constant 0 : i32
    %dma_wait3A_186 = arith.constant 0 : i32
    %dma_wait3A_187 = tpu.memref_slice %arg8[%dma_wait3A_171, %dma_wait3A_185, %dma_wait3A_186] : memref<5x125x32xf32, #tpu.memory_space<vmem>> -> memref<1x125x32xf32, #tpu.memory_space<vmem>>
    %dma_wait3A_188 = tpu.memref_squeeze %dma_wait3A_187 : memref<1x125x32xf32, #tpu.memory_space<vmem>> -> memref<125x32xf32, #tpu.memory_space<vmem>>
    tpu.wait_dma2 semaphore(%dma_wait3A_181 : memref<!tpu.dma_semaphore, #tpu.memory_space<semaphore_mem>>) src(%dma_wait3A_188 : memref<125x32xf32, #tpu.memory_space<vmem>>) dst(%dma_wait3A_184 : memref<125x32xf32, #tpu.memory_space<vmem_shared>>)
    %barrier3A_189 = arith.constant 0 : index
    tpu.barrier barrier_id(%barrier3A_189)
    "tpu.region"() ({
      %run_scoped3A = tpu.sem_alloc : memref<!tpu.dma_semaphore, #tpu.memory_space<semaphore_mem>>
      %dma_start3A_190 = arith.constant 0 : i32
      %dma_start3A_191 = tpu.memref_slice %arg5[%arg0, %mul3A_0, %dma_start3A_190] : memref<2x10240x32xf32, #tpu.memory_space<hbm>> -> memref<1x640x32xf32, #tpu.memory_space<hbm>>
      %dma_start3A_192 = tpu.memref_squeeze %dma_start3A_191 : memref<1x640x32xf32, #tpu.memory_space<hbm>> -> memref<640x32xf32, #tpu.memory_space<hbm>>
      %dma_start3A_193 = arith.constant 0 : i32
      %dma_start3A_194 = tpu.memref_slice %arg11[%mul3A_0, %dma_start3A_193] : memref<10240x32xf32, #tpu.memory_space<vmem_shared>> -> memref<640x32xf32, #tpu.memory_space<vmem_shared>>
      tpu.enqueue_dma source(%dma_start3A_194 : memref<640x32xf32, #tpu.memory_space<vmem_shared>>) target(%dma_start3A_192 : memref<640x32xf32, #tpu.memory_space<hbm>>) target_semaphore(%run_scoped3A : memref<!tpu.dma_semaphore, #tpu.memory_space<semaphore_mem>>)
      %dma_wait3A_195 = arith.constant 0 : i32
      %dma_wait3A_196 = tpu.memref_slice %arg5[%arg0, %mul3A_0, %dma_wait3A_195] : memref<2x10240x32xf32, #tpu.memory_space<hbm>> -> memref<1x640x32xf32, #tpu.memory_space<hbm>>
      %dma_wait3A_197 = tpu.memref_squeeze %dma_wait3A_196 : memref<1x640x32xf32, #tpu.memory_space<hbm>> -> memref<640x32xf32, #tpu.memory_space<hbm>>
      %dma_wait3A_198 = arith.constant 0 : i32
      %dma_wait3A_199 = tpu.memref_slice %arg11[%mul3A_0, %dma_wait3A_198] : memref<10240x32xf32, #tpu.memory_space<vmem_shared>> -> memref<640x32xf32, #tpu.memory_space<vmem_shared>>
      tpu.wait_dma2 semaphore(%run_scoped3A : memref<!tpu.dma_semaphore, #tpu.memory_space<semaphore_mem>>) src(%dma_wait3A_199 : memref<640x32xf32, #tpu.memory_space<vmem_shared>>) dst(%dma_wait3A_197 : memref<640x32xf32, #tpu.memory_space<hbm>>)
      tpu.yield
    }) : () -> ()
    return
  }
}

module attributes {stable_mosaic.version = 14 : i64} {
  func.func @_t0a_body(%arg0: memref<10000x128xf32, #tpu.memory_space<vmem>>, %arg1: memref<128x64xf32, #tpu.memory_space<vmem>>, %arg2: memref<1x64xf32, #tpu.memory_space<vmem>>, %arg3: memref<64x32xf32, #tpu.memory_space<vmem>>, %arg4: memref<1x32xf32, #tpu.memory_space<vmem>>, %arg5: memref<32x1xf32, #tpu.memory_space<vmem>>, %arg6: memref<10000x64xf32, #tpu.memory_space<vmem>>, %arg7: memref<10000x64xf32, #tpu.memory_space<vmem>>) attributes {dimension_semantics = [], scalar_prefetch = 0 : i64, scratch_operands = 0 : i64, tpu.core_type = #tpu.core_type<tc>} {
    %get3A = arith.constant 0 : index
    %get3A_0 = arith.constant 0 : index
    %get3A_1 = vector.load %arg0[%get3A, %get3A_0] : memref<10000x128xf32, #tpu.memory_space<vmem>>, vector<10000x128xf32>
    %get3A_2 = arith.constant 0 : index
    %get3A_3 = arith.constant 0 : index
    %get3A_4 = vector.load %arg1[%get3A_2, %get3A_3] : memref<128x64xf32, #tpu.memory_space<vmem>>, vector<128x64xf32>
    %dot_general3A = arith.constant dense<0.000000e+00> : vector<10000x64xf32>
    %dot_general3A_5 = tpu.matmul %get3A_1, %get3A_4, %dot_general3A {dimension_numbers = #tpu.dot_dimension_numbers<[1], [0], [0], [1], [0, 0, 1, 1], [], []>, transpose_lhs_hint = false} : vector<10000x128xf32>, vector<128x64xf32>, vector<10000x64xf32> -> vector<10000x64xf32>
    %get3A_6 = arith.constant 0 : index
    %get3A_7 = arith.constant 0 : index
    %get3A_8 = vector.load %arg2[%get3A_6, %get3A_7] : memref<1x64xf32, #tpu.memory_space<vmem>>, vector<1x64xf32>
    %add3A = vector.broadcast %get3A_8 : vector<1x64xf32> to vector<10000x64xf32>
    %add3A_9 = arith.addf %dot_general3A_5, %add3A : vector<10000x64xf32>
    %get3A_10 = arith.constant 0 : index
    %get3A_11 = arith.constant 0 : index
    %get3A_12 = vector.load %arg3[%get3A_10, %get3A_11] : memref<64x32xf32, #tpu.memory_space<vmem>>, vector<64x32xf32>
    %get3A_13 = arith.constant 0 : index
    %get3A_14 = arith.constant 0 : index
    %get3A_15 = vector.load %arg4[%get3A_13, %get3A_14] : memref<1x32xf32, #tpu.memory_space<vmem>>, vector<1x32xf32>
    %get3A_16 = arith.constant 0 : index
    %get3A_17 = arith.constant 0 : index
    %get3A_18 = vector.load %arg5[%get3A_16, %get3A_17] : memref<32x1xf32, #tpu.memory_space<vmem>>, vector<32x1xf32>
    %dot_general3A_19 = arith.constant dense<0.000000e+00> : vector<10000x32xf32>
    %dot_general3A_20 = tpu.matmul %add3A_9, %get3A_12, %dot_general3A_19 {dimension_numbers = #tpu.dot_dimension_numbers<[1], [0], [0], [1], [0, 0, 1, 1], [], []>, transpose_lhs_hint = false} : vector<10000x64xf32>, vector<64x32xf32>, vector<10000x32xf32> -> vector<10000x32xf32>
    %add3A_21 = vector.broadcast %get3A_15 : vector<1x32xf32> to vector<10000x32xf32>
    %add3A_22 = arith.addf %dot_general3A_20, %add3A_21 : vector<10000x32xf32>
    %tanh3A = math.tanh %add3A_22 : vector<10000x32xf32>
    %dot_general3A_23 = arith.constant dense<0.000000e+00> : vector<10000x1xf32>
    %dot_general3A_24 = tpu.matmul %tanh3A, %get3A_18, %dot_general3A_23 {dimension_numbers = #tpu.dot_dimension_numbers<[1], [0], [0], [1], [0, 0, 1, 1], [], []>, transpose_lhs_hint = false} : vector<10000x32xf32>, vector<32x1xf32>, vector<10000x1xf32> -> vector<10000x1xf32>
    %mul3A = arith.constant 3.125000e-02 : f32
    %mul3A_25 = vector.broadcast %mul3A : f32 to vector<10000x1xf32>
    %mul3A_26 = arith.mulf %dot_general3A_24, %mul3A_25 : vector<10000x1xf32>
    %swap3A = arith.constant 0 : index
    %swap3A_27 = arith.constant 0 : index
    %swap3A_28 = vector.load %arg6[%swap3A, %swap3A_27] : memref<10000x64xf32, #tpu.memory_space<vmem>>, vector<10000x64xf32>
    tpu.vector_store %arg6[%swap3A, %swap3A_27], %add3A_9 {strides = array<i32>} : memref<10000x64xf32, #tpu.memory_space<vmem>>, vector<10000x64xf32>,
    %mul3A_29 = vector.broadcast %mul3A_26 : vector<10000x1xf32> to vector<10000x64xf32>
    %mul3A_30 = arith.mulf %add3A_9, %mul3A_29 : vector<10000x64xf32>
    %swap3A_31 = arith.constant 0 : index
    %swap3A_32 = arith.constant 0 : index
    %swap3A_33 = vector.load %arg7[%swap3A_31, %swap3A_32] : memref<10000x64xf32, #tpu.memory_space<vmem>>, vector<10000x64xf32>
    tpu.vector_store %arg7[%swap3A_31, %swap3A_32], %mul3A_30 {strides = array<i32>} : memref<10000x64xf32, #tpu.memory_space<vmem>>, vector<10000x64xf32>,
    return
  }
}

module attributes {stable_mosaic.version = 14 : i64} {
  func.func @_t0b_body(%arg0: memref<10000x64xf32, #tpu.memory_space<vmem>>, %arg1: memref<2x10240xf32, #tpu.memory_space<vmem>>, %arg2: memref<2x10240xf32, #tpu.memory_space<vmem>>, %arg3: memref<2x10240x32xf32, #tpu.memory_space<vmem>>, %arg4: memref<10000x1xf32, #tpu.memory_space<vmem>>, %arg5: memref<10000x1xf32, #tpu.memory_space<vmem>>) attributes {dimension_semantics = [], scalar_prefetch = 0 : i64, scratch_operands = 0 : i64, tpu.core_type = #tpu.core_type<tc>} {
    %get3A = arith.constant 0 : index
    %get3A_0 = arith.constant 0 : index
    %get3A_1 = vector.load %arg1[%get3A, %get3A_0] : memref<2x10240xf32, #tpu.memory_space<vmem>>, vector<1x10240xf32>
    %get3A_2 = vector.shape_cast %get3A_1 : vector<1x10240xf32> to vector<10240xf32>
    %get3A_3 = arith.constant 1 : index
    %get3A_4 = arith.constant 0 : index
    %get3A_5 = vector.load %arg1[%get3A_3, %get3A_4] : memref<2x10240xf32, #tpu.memory_space<vmem>>, vector<1x10240xf32>
    %get3A_6 = vector.shape_cast %get3A_5 : vector<1x10240xf32> to vector<10240xf32>
    %add3A = arith.addf %get3A_2, %get3A_6 : vector<10240xf32>
    %get3A_7 = arith.constant 0 : index
    %get3A_8 = arith.constant 0 : index
    %get3A_9 = vector.load %arg2[%get3A_7, %get3A_8] : memref<2x10240xf32, #tpu.memory_space<vmem>>, vector<1x10240xf32>
    %get3A_10 = vector.shape_cast %get3A_9 : vector<1x10240xf32> to vector<10240xf32>
    %get3A_11 = arith.constant 1 : index
    %get3A_12 = arith.constant 0 : index
    %get3A_13 = vector.load %arg2[%get3A_11, %get3A_12] : memref<2x10240xf32, #tpu.memory_space<vmem>>, vector<1x10240xf32>
    %get3A_14 = vector.shape_cast %get3A_13 : vector<1x10240xf32> to vector<10240xf32>
    %add3A_15 = arith.addf %get3A_10, %get3A_14 : vector<10240xf32>
    %gt3A = arith.constant 0.000000e+00 : f32
    %gt3A_16 = vector.broadcast %gt3A : f32 to vector<10240xf32>
    %gt3A_17 = arith.cmpf ogt, %add3A, %gt3A_16 : vector<10240xf32>
    %rsqrt3A = math.rsqrt %add3A : vector<10240xf32>
    %jit3A = arith.constant 0.000000e+00 : f32
    %broadcast_in_dim3A = vector.broadcast %jit3A : f32 to vector<10240xf32>
    %select_n3A = arith.select %gt3A_17, %rsqrt3A, %broadcast_in_dim3A : vector<10240xi1>, vector<10240xf32>
    %slice3A = vector.extract_strided_slice %select_n3A {offsets = [0], sizes = [10000], strides = [1]} : vector<10240xf32> to vector<10000xf32>
    %broadcast_in_dim3A_18 = vector.shape_cast %slice3A : vector<10000xf32> to vector<10000x1xf32>
    %gt3A_19 = arith.constant 0.000000e+00 : f32
    %gt3A_20 = vector.broadcast %gt3A_19 : f32 to vector<10240xf32>
    %gt3A_21 = arith.cmpf ogt, %add3A_15, %gt3A_20 : vector<10240xf32>
    %rsqrt3A_22 = math.rsqrt %add3A_15 : vector<10240xf32>
    %jit3A_23 = arith.constant 0.000000e+00 : f32
    %broadcast_in_dim3A_24 = vector.broadcast %jit3A_23 : f32 to vector<10240xf32>
    %select_n3A_25 = arith.select %gt3A_21, %rsqrt3A_22, %broadcast_in_dim3A_24 : vector<10240xi1>, vector<10240xf32>
    %slice3A_26 = vector.extract_strided_slice %select_n3A_25 {offsets = [0], sizes = [10000], strides = [1]} : vector<10240xf32> to vector<10000xf32>
    %broadcast_in_dim3A_27 = vector.shape_cast %slice3A_26 : vector<10000xf32> to vector<10000x1xf32>
    %swap3A = arith.constant 0 : index
    %swap3A_28 = arith.constant 0 : index
    %swap3A_29 = vector.load %arg4[%swap3A, %swap3A_28] : memref<10000x1xf32, #tpu.memory_space<vmem>>, vector<10000x1xf32>
    tpu.vector_store %arg4[%swap3A, %swap3A_28], %broadcast_in_dim3A_18 {strides = array<i32>} : memref<10000x1xf32, #tpu.memory_space<vmem>>, vector<10000x1xf32>,
    %swap3A_30 = arith.constant 0 : index
    %swap3A_31 = arith.constant 0 : index
    %swap3A_32 = vector.load %arg5[%swap3A_30, %swap3A_31] : memref<10000x1xf32, #tpu.memory_space<vmem>>, vector<10000x1xf32>
    tpu.vector_store %arg5[%swap3A_30, %swap3A_31], %broadcast_in_dim3A_27 {strides = array<i32>} : memref<10000x1xf32, #tpu.memory_space<vmem>>, vector<10000x1xf32>,
    %get3A_33 = arith.constant 0 : index
    %get3A_34 = arith.constant 0 : index
    %get3A_35 = vector.load %arg0[%get3A_33, %get3A_34] : memref<10000x64xf32, #tpu.memory_space<vmem>>, vector<10000x64xf32>
    %mul3A = vector.broadcast %broadcast_in_dim3A_18 : vector<10000x1xf32> to vector<10000x64xf32>
    %mul3A_36 = arith.mulf %get3A_35, %mul3A : vector<10000x64xf32>
    %slice3A_37 = vector.extract_strided_slice %mul3A_36 {offsets = [0, 0], sizes = [10000, 32], strides = [1, 1]} : vector<10000x64xf32> to vector<10000x32xf32>
    %swap3A_38 = arith.constant 0 : index
    %swap3A_39 = arith.constant 0 : index
    %swap3A_40 = arith.constant 0 : index
    %swap3A_41 = vector.load %arg3[%swap3A_38, %swap3A_39, %swap3A_40] : memref<2x10240x32xf32, #tpu.memory_space<vmem>>, vector<1x10000x32xf32>
    %swap3A_42 = vector.shape_cast %swap3A_41 : vector<1x10000x32xf32> to vector<10000x32xf32>
    %swap3A_43 = vector.shape_cast %slice3A_37 : vector<10000x32xf32> to vector<1x10000x32xf32>
    tpu.vector_store %arg3[%swap3A_38, %swap3A_39, %swap3A_40], %swap3A_43 {strides = array<i32>} : memref<2x10240x32xf32, #tpu.memory_space<vmem>>, vector<1x10000x32xf32>,
    %slice3A_44 = vector.extract_strided_slice %mul3A_36 {offsets = [0, 32], sizes = [10000, 32], strides = [1, 1]} : vector<10000x64xf32> to vector<10000x32xf32>
    %swap3A_45 = arith.constant 1 : index
    %swap3A_46 = arith.constant 0 : index
    %swap3A_47 = arith.constant 0 : index
    %swap3A_48 = vector.load %arg3[%swap3A_45, %swap3A_46, %swap3A_47] : memref<2x10240x32xf32, #tpu.memory_space<vmem>>, vector<1x10000x32xf32>
    %swap3A_49 = vector.shape_cast %swap3A_48 : vector<1x10000x32xf32> to vector<10000x32xf32>
    %swap3A_50 = vector.shape_cast %slice3A_44 : vector<10000x32xf32> to vector<1x10000x32xf32>
    tpu.vector_store %arg3[%swap3A_45, %swap3A_46, %swap3A_47], %swap3A_50 {strides = array<i32>} : memref<2x10240x32xf32, #tpu.memory_space<vmem>>, vector<1x10000x32xf32>,
    %broadcast_in_dim3A_51 = arith.constant 0.000000e+00 : f32
    %broadcast_in_dim3A_52 = vector.broadcast %broadcast_in_dim3A_51 : f32 to vector<240x32xf32>
    %swap3A_53 = arith.constant 0 : index
    %swap3A_54 = arith.constant 10000 : index
    %swap3A_55 = arith.constant 0 : index
    %swap3A_56 = vector.load %arg3[%swap3A_53, %swap3A_54, %swap3A_55] : memref<2x10240x32xf32, #tpu.memory_space<vmem>>, vector<1x240x32xf32>
    %swap3A_57 = vector.shape_cast %swap3A_56 : vector<1x240x32xf32> to vector<240x32xf32>
    %swap3A_58 = vector.shape_cast %broadcast_in_dim3A_52 : vector<240x32xf32> to vector<1x240x32xf32>
    tpu.vector_store %arg3[%swap3A_53, %swap3A_54, %swap3A_55], %swap3A_58 {strides = array<i32>} : memref<2x10240x32xf32, #tpu.memory_space<vmem>>, vector<1x240x32xf32>,
    %broadcast_in_dim3A_59 = arith.constant 0.000000e+00 : f32
    %broadcast_in_dim3A_60 = vector.broadcast %broadcast_in_dim3A_59 : f32 to vector<240x32xf32>
    %swap3A_61 = arith.constant 1 : index
    %swap3A_62 = arith.constant 10000 : index
    %swap3A_63 = arith.constant 0 : index
    %swap3A_64 = vector.load %arg3[%swap3A_61, %swap3A_62, %swap3A_63] : memref<2x10240x32xf32, #tpu.memory_space<vmem>>, vector<1x240x32xf32>
    %swap3A_65 = vector.shape_cast %swap3A_64 : vector<1x240x32xf32> to vector<240x32xf32>
    %swap3A_66 = vector.shape_cast %broadcast_in_dim3A_60 : vector<240x32xf32> to vector<1x240x32xf32>
    tpu.vector_store %arg3[%swap3A_61, %swap3A_62, %swap3A_63], %swap3A_66 {strides = array<i32>} : memref<2x10240x32xf32, #tpu.memory_space<vmem>>, vector<1x240x32xf32>,
    return
  }
}

module attributes {stable_mosaic.version = 14 : i64} {
  func.func @_t1_body(%arg0: memref<2x10240x32xf32, #tpu.memory_space<vmem>>, %arg1: memref<10000x1xf32, #tpu.memory_space<vmem>>, %arg2: memref<10000x1xf32, #tpu.memory_space<vmem>>, %arg3: memref<10000x64xf32, #tpu.memory_space<vmem>>, %arg4: memref<64x64xf32, #tpu.memory_space<vmem>>, %arg5: memref<1x64xf32, #tpu.memory_space<vmem>>, %arg6: memref<64x32xf32, #tpu.memory_space<vmem>>, %arg7: memref<1x32xf32, #tpu.memory_space<vmem>>, %arg8: memref<32x1xf32, #tpu.memory_space<vmem>>, %arg9: memref<10000x64xf32, #tpu.memory_space<vmem>>, %arg10: memref<2x10240x32xf32, #tpu.memory_space<vmem>>, %arg11: memref<10000x64xf32, #tpu.memory_space<vmem>>) attributes {dimension_semantics = [], scalar_prefetch = 0 : i64, scratch_operands = 0 : i64, tpu.core_type = #tpu.core_type<tc>} {
    %get3A = arith.constant 0 : index
    %get3A_0 = arith.constant 0 : index
    %get3A_1 = vector.load %arg2[%get3A, %get3A_0] : memref<10000x1xf32, #tpu.memory_space<vmem>>, vector<10000x1xf32>
    %get3A_2 = arith.constant 0 : index
    %get3A_3 = arith.constant 0 : index
    %get3A_4 = arith.constant 0 : index
    %get3A_5 = vector.load %arg0[%get3A_2, %get3A_3, %get3A_4] : memref<2x10240x32xf32, #tpu.memory_space<vmem>>, vector<1x10000x32xf32>
    %get3A_6 = vector.shape_cast %get3A_5 : vector<1x10000x32xf32> to vector<10000x32xf32>
    %mul3A = vector.broadcast %get3A_1 : vector<10000x1xf32> to vector<10000x32xf32>
    %mul3A_7 = arith.mulf %get3A_6, %mul3A : vector<10000x32xf32>
    %get3A_8 = arith.constant 0 : index
    %get3A_9 = arith.constant 0 : index
    %get3A_10 = vector.load %arg4[%get3A_8, %get3A_9] : memref<64x64xf32, #tpu.memory_space<vmem>>, vector<32x64xf32>
    %dot_general3A = arith.constant dense<0.000000e+00> : vector<10000x64xf32>
    %dot_general3A_11 = tpu.matmul %mul3A_7, %get3A_10, %dot_general3A {dimension_numbers = #tpu.dot_dimension_numbers<[1], [0], [0], [1], [0, 0, 1, 1], [], []>, transpose_lhs_hint = false} : vector<10000x32xf32>, vector<32x64xf32>, vector<10000x64xf32> -> vector<10000x64xf32>
    %get3A_12 = arith.constant 1 : index
    %get3A_13 = arith.constant 0 : index
    %get3A_14 = arith.constant 0 : index
    %get3A_15 = vector.load %arg0[%get3A_12, %get3A_13, %get3A_14] : memref<2x10240x32xf32, #tpu.memory_space<vmem>>, vector<1x10000x32xf32>
    %get3A_16 = vector.shape_cast %get3A_15 : vector<1x10000x32xf32> to vector<10000x32xf32>
    %mul3A_17 = vector.broadcast %get3A_1 : vector<10000x1xf32> to vector<10000x32xf32>
    %mul3A_18 = arith.mulf %get3A_16, %mul3A_17 : vector<10000x32xf32>
    %get3A_19 = arith.constant 32 : index
    %get3A_20 = arith.constant 0 : index
    %get3A_21 = vector.load %arg4[%get3A_19, %get3A_20] : memref<64x64xf32, #tpu.memory_space<vmem>>, vector<32x64xf32>
    %dot_general3A_22 = arith.constant dense<0.000000e+00> : vector<10000x64xf32>
    %dot_general3A_23 = tpu.matmul %mul3A_18, %get3A_21, %dot_general3A_22 {dimension_numbers = #tpu.dot_dimension_numbers<[1], [0], [0], [1], [0, 0, 1, 1], [], []>, transpose_lhs_hint = false} : vector<10000x32xf32>, vector<32x64xf32>, vector<10000x64xf32> -> vector<10000x64xf32>
    %add3A = arith.addf %dot_general3A_11, %dot_general3A_23 : vector<10000x64xf32>
    %get3A_24 = arith.constant 0 : index
    %get3A_25 = arith.constant 0 : index
    %get3A_26 = vector.load %arg5[%get3A_24, %get3A_25] : memref<1x64xf32, #tpu.memory_space<vmem>>, vector<1x64xf32>
    %add3A_27 = vector.broadcast %get3A_26 : vector<1x64xf32> to vector<10000x64xf32>
    %add3A_28 = arith.addf %add3A, %add3A_27 : vector<10000x64xf32>
    %get3A_29 = arith.constant 0 : index
    %get3A_30 = arith.constant 0 : index
    %get3A_31 = vector.load %arg6[%get3A_29, %get3A_30] : memref<64x32xf32, #tpu.memory_space<vmem>>, vector<64x32xf32>
    %get3A_32 = arith.constant 0 : index
    %get3A_33 = arith.constant 0 : index
    %get3A_34 = vector.load %arg7[%get3A_32, %get3A_33] : memref<1x32xf32, #tpu.memory_space<vmem>>, vector<1x32xf32>
    %get3A_35 = arith.constant 0 : index
    %get3A_36 = arith.constant 0 : index
    %get3A_37 = vector.load %arg8[%get3A_35, %get3A_36] : memref<32x1xf32, #tpu.memory_space<vmem>>, vector<32x1xf32>
    %dot_general3A_38 = arith.constant dense<0.000000e+00> : vector<10000x32xf32>
    %dot_general3A_39 = tpu.matmul %add3A_28, %get3A_31, %dot_general3A_38 {dimension_numbers = #tpu.dot_dimension_numbers<[1], [0], [0], [1], [0, 0, 1, 1], [], []>, transpose_lhs_hint = false} : vector<10000x64xf32>, vector<64x32xf32>, vector<10000x32xf32> -> vector<10000x32xf32>
    %add3A_40 = vector.broadcast %get3A_34 : vector<1x32xf32> to vector<10000x32xf32>
    %add3A_41 = arith.addf %dot_general3A_39, %add3A_40 : vector<10000x32xf32>
    %tanh3A = math.tanh %add3A_41 : vector<10000x32xf32>
    %dot_general3A_42 = arith.constant dense<0.000000e+00> : vector<10000x1xf32>
    %dot_general3A_43 = tpu.matmul %tanh3A, %get3A_37, %dot_general3A_42 {dimension_numbers = #tpu.dot_dimension_numbers<[1], [0], [0], [1], [0, 0, 1, 1], [], []>, transpose_lhs_hint = false} : vector<10000x32xf32>, vector<32x1xf32>, vector<10000x1xf32> -> vector<10000x1xf32>
    %mul3A_44 = arith.constant 3.125000e-02 : f32
    %mul3A_45 = vector.broadcast %mul3A_44 : f32 to vector<10000x1xf32>
    %mul3A_46 = arith.mulf %dot_general3A_43, %mul3A_45 : vector<10000x1xf32>
    %swap3A = arith.constant 0 : index
    %swap3A_47 = arith.constant 0 : index
    %swap3A_48 = vector.load %arg9[%swap3A, %swap3A_47] : memref<10000x64xf32, #tpu.memory_space<vmem>>, vector<10000x64xf32>
    tpu.vector_store %arg9[%swap3A, %swap3A_47], %add3A_28 {strides = array<i32>} : memref<10000x64xf32, #tpu.memory_space<vmem>>, vector<10000x64xf32>,
    %get3A_49 = arith.constant 0 : index
    %get3A_50 = arith.constant 0 : index
    %get3A_51 = vector.load %arg3[%get3A_49, %get3A_50] : memref<10000x64xf32, #tpu.memory_space<vmem>>, vector<10000x64xf32>
    %mul3A_52 = vector.broadcast %mul3A_46 : vector<10000x1xf32> to vector<10000x64xf32>
    %mul3A_53 = arith.mulf %add3A_28, %mul3A_52 : vector<10000x64xf32>
    %add3A_54 = arith.addf %get3A_51, %mul3A_53 : vector<10000x64xf32>
    %swap3A_55 = arith.constant 0 : index
    %swap3A_56 = arith.constant 0 : index
    %swap3A_57 = vector.load %arg11[%swap3A_55, %swap3A_56] : memref<10000x64xf32, #tpu.memory_space<vmem>>, vector<10000x64xf32>
    tpu.vector_store %arg11[%swap3A_55, %swap3A_56], %add3A_54 {strides = array<i32>} : memref<10000x64xf32, #tpu.memory_space<vmem>>, vector<10000x64xf32>,
    %get3A_58 = arith.constant 0 : index
    %get3A_59 = arith.constant 0 : index
    %get3A_60 = vector.load %arg1[%get3A_58, %get3A_59] : memref<10000x1xf32, #tpu.memory_space<vmem>>, vector<10000x1xf32>
    %mul3A_61 = vector.broadcast %get3A_60 : vector<10000x1xf32> to vector<10000x64xf32>
    %mul3A_62 = arith.mulf %add3A_28, %mul3A_61 : vector<10000x64xf32>
    %slice3A = vector.extract_strided_slice %mul3A_62 {offsets = [0, 0], sizes = [10000, 32], strides = [1, 1]} : vector<10000x64xf32> to vector<10000x32xf32>
    %swap3A_63 = arith.constant 0 : index
    %swap3A_64 = arith.constant 0 : index
    %swap3A_65 = arith.constant 0 : index
    %swap3A_66 = vector.load %arg10[%swap3A_63, %swap3A_64, %swap3A_65] : memref<2x10240x32xf32, #tpu.memory_space<vmem>>, vector<1x10000x32xf32>
    %swap3A_67 = vector.shape_cast %swap3A_66 : vector<1x10000x32xf32> to vector<10000x32xf32>
    %swap3A_68 = vector.shape_cast %slice3A : vector<10000x32xf32> to vector<1x10000x32xf32>
    tpu.vector_store %arg10[%swap3A_63, %swap3A_64, %swap3A_65], %swap3A_68 {strides = array<i32>} : memref<2x10240x32xf32, #tpu.memory_space<vmem>>, vector<1x10000x32xf32>,
    %slice3A_69 = vector.extract_strided_slice %mul3A_62 {offsets = [0, 32], sizes = [10000, 32], strides = [1, 1]} : vector<10000x64xf32> to vector<10000x32xf32>
    %swap3A_70 = arith.constant 1 : index
    %swap3A_71 = arith.constant 0 : index
    %swap3A_72 = arith.constant 0 : index
    %swap3A_73 = vector.load %arg10[%swap3A_70, %swap3A_71, %swap3A_72] : memref<2x10240x32xf32, #tpu.memory_space<vmem>>, vector<1x10000x32xf32>
    %swap3A_74 = vector.shape_cast %swap3A_73 : vector<1x10000x32xf32> to vector<10000x32xf32>
    %swap3A_75 = vector.shape_cast %slice3A_69 : vector<10000x32xf32> to vector<1x10000x32xf32>
    tpu.vector_store %arg10[%swap3A_70, %swap3A_71, %swap3A_72], %swap3A_75 {strides = array<i32>} : memref<2x10240x32xf32, #tpu.memory_space<vmem>>, vector<1x10000x32xf32>,
    %broadcast_in_dim3A = arith.constant 0.000000e+00 : f32
    %broadcast_in_dim3A_76 = vector.broadcast %broadcast_in_dim3A : f32 to vector<240x32xf32>
    %swap3A_77 = arith.constant 0 : index
    %swap3A_78 = arith.constant 10000 : index
    %swap3A_79 = arith.constant 0 : index
    %swap3A_80 = vector.load %arg10[%swap3A_77, %swap3A_78, %swap3A_79] : memref<2x10240x32xf32, #tpu.memory_space<vmem>>, vector<1x240x32xf32>
    %swap3A_81 = vector.shape_cast %swap3A_80 : vector<1x240x32xf32> to vector<240x32xf32>
    %swap3A_82 = vector.shape_cast %broadcast_in_dim3A_76 : vector<240x32xf32> to vector<1x240x32xf32>
    tpu.vector_store %arg10[%swap3A_77, %swap3A_78, %swap3A_79], %swap3A_82 {strides = array<i32>} : memref<2x10240x32xf32, #tpu.memory_space<vmem>>, vector<1x240x32xf32>,
    %broadcast_in_dim3A_83 = arith.constant 0.000000e+00 : f32
    %broadcast_in_dim3A_84 = vector.broadcast %broadcast_in_dim3A_83 : f32 to vector<240x32xf32>
    %swap3A_85 = arith.constant 1 : index
    %swap3A_86 = arith.constant 10000 : index
    %swap3A_87 = arith.constant 0 : index
    %swap3A_88 = vector.load %arg10[%swap3A_85, %swap3A_86, %swap3A_87] : memref<2x10240x32xf32, #tpu.memory_space<vmem>>, vector<1x240x32xf32>
    %swap3A_89 = vector.shape_cast %swap3A_88 : vector<1x240x32xf32> to vector<240x32xf32>
    %swap3A_90 = vector.shape_cast %broadcast_in_dim3A_84 : vector<240x32xf32> to vector<1x240x32xf32>
    tpu.vector_store %arg10[%swap3A_85, %swap3A_86, %swap3A_87], %swap3A_90 {strides = array<i32>} : memref<2x10240x32xf32, #tpu.memory_space<vmem>>, vector<1x240x32xf32>,
    return
  }
}

module attributes {stable_mosaic.version = 14 : i64} {
  func.func @_t2_body(%arg0: memref<2x10240x32xf32, #tpu.memory_space<vmem>>, %arg1: memref<10000x1xf32, #tpu.memory_space<vmem>>, %arg2: memref<10000x1xf32, #tpu.memory_space<vmem>>, %arg3: memref<10000x64xf32, #tpu.memory_space<vmem>>, %arg4: memref<10000x64xf32, #tpu.memory_space<vmem>>, %arg5: memref<64x64xf32, #tpu.memory_space<vmem>>, %arg6: memref<1x64xf32, #tpu.memory_space<vmem>>, %arg7: memref<64x32xf32, #tpu.memory_space<vmem>>, %arg8: memref<1x32xf32, #tpu.memory_space<vmem>>, %arg9: memref<32x1xf32, #tpu.memory_space<vmem>>, %arg10: memref<10000x64xf32, #tpu.memory_space<vmem>>, %arg11: memref<2x10240x32xf32, #tpu.memory_space<vmem>>, %arg12: memref<10000x64xf32, #tpu.memory_space<vmem>>) attributes {dimension_semantics = [], scalar_prefetch = 0 : i64, scratch_operands = 0 : i64, tpu.core_type = #tpu.core_type<tc>} {
    %get3A = arith.constant 0 : index
    %get3A_0 = arith.constant 0 : index
    %get3A_1 = vector.load %arg2[%get3A, %get3A_0] : memref<10000x1xf32, #tpu.memory_space<vmem>>, vector<10000x1xf32>
    %get3A_2 = arith.constant 0 : index
    %get3A_3 = arith.constant 0 : index
    %get3A_4 = arith.constant 0 : index
    %get3A_5 = vector.load %arg0[%get3A_2, %get3A_3, %get3A_4] : memref<2x10240x32xf32, #tpu.memory_space<vmem>>, vector<1x10000x32xf32>
    %get3A_6 = vector.shape_cast %get3A_5 : vector<1x10000x32xf32> to vector<10000x32xf32>
    %mul3A = vector.broadcast %get3A_1 : vector<10000x1xf32> to vector<10000x32xf32>
    %mul3A_7 = arith.mulf %get3A_6, %mul3A : vector<10000x32xf32>
    %get3A_8 = arith.constant 0 : index
    %get3A_9 = arith.constant 0 : index
    %get3A_10 = vector.load %arg5[%get3A_8, %get3A_9] : memref<64x64xf32, #tpu.memory_space<vmem>>, vector<32x64xf32>
    %dot_general3A = arith.constant dense<0.000000e+00> : vector<10000x64xf32>
    %dot_general3A_11 = tpu.matmul %mul3A_7, %get3A_10, %dot_general3A {dimension_numbers = #tpu.dot_dimension_numbers<[1], [0], [0], [1], [0, 0, 1, 1], [], []>, transpose_lhs_hint = false} : vector<10000x32xf32>, vector<32x64xf32>, vector<10000x64xf32> -> vector<10000x64xf32>
    %get3A_12 = arith.constant 1 : index
    %get3A_13 = arith.constant 0 : index
    %get3A_14 = arith.constant 0 : index
    %get3A_15 = vector.load %arg0[%get3A_12, %get3A_13, %get3A_14] : memref<2x10240x32xf32, #tpu.memory_space<vmem>>, vector<1x10000x32xf32>
    %get3A_16 = vector.shape_cast %get3A_15 : vector<1x10000x32xf32> to vector<10000x32xf32>
    %mul3A_17 = vector.broadcast %get3A_1 : vector<10000x1xf32> to vector<10000x32xf32>
    %mul3A_18 = arith.mulf %get3A_16, %mul3A_17 : vector<10000x32xf32>
    %get3A_19 = arith.constant 32 : index
    %get3A_20 = arith.constant 0 : index
    %get3A_21 = vector.load %arg5[%get3A_19, %get3A_20] : memref<64x64xf32, #tpu.memory_space<vmem>>, vector<32x64xf32>
    %dot_general3A_22 = arith.constant dense<0.000000e+00> : vector<10000x64xf32>
    %dot_general3A_23 = tpu.matmul %mul3A_18, %get3A_21, %dot_general3A_22 {dimension_numbers = #tpu.dot_dimension_numbers<[1], [0], [0], [1], [0, 0, 1, 1], [], []>, transpose_lhs_hint = false} : vector<10000x32xf32>, vector<32x64xf32>, vector<10000x64xf32> -> vector<10000x64xf32>
    %add3A = arith.addf %dot_general3A_11, %dot_general3A_23 : vector<10000x64xf32>
    %get3A_24 = arith.constant 0 : index
    %get3A_25 = arith.constant 0 : index
    %get3A_26 = vector.load %arg6[%get3A_24, %get3A_25] : memref<1x64xf32, #tpu.memory_space<vmem>>, vector<1x64xf32>
    %add3A_27 = vector.broadcast %get3A_26 : vector<1x64xf32> to vector<10000x64xf32>
    %add3A_28 = arith.addf %add3A, %add3A_27 : vector<10000x64xf32>
    %mul3A_29 = arith.constant 2.000000e+00 : f32
    %mul3A_30 = vector.broadcast %mul3A_29 : f32 to vector<10000x64xf32>
    %mul3A_31 = arith.mulf %mul3A_30, %add3A_28 : vector<10000x64xf32>
    %get3A_32 = arith.constant 0 : index
    %get3A_33 = arith.constant 0 : index
    %get3A_34 = vector.load %arg3[%get3A_32, %get3A_33] : memref<10000x64xf32, #tpu.memory_space<vmem>>, vector<10000x64xf32>
    %sub3A = arith.subf %mul3A_31, %get3A_34 : vector<10000x64xf32>
    %get3A_35 = arith.constant 0 : index
    %get3A_36 = arith.constant 0 : index
    %get3A_37 = vector.load %arg7[%get3A_35, %get3A_36] : memref<64x32xf32, #tpu.memory_space<vmem>>, vector<64x32xf32>
    %get3A_38 = arith.constant 0 : index
    %get3A_39 = arith.constant 0 : index
    %get3A_40 = vector.load %arg8[%get3A_38, %get3A_39] : memref<1x32xf32, #tpu.memory_space<vmem>>, vector<1x32xf32>
    %get3A_41 = arith.constant 0 : index
    %get3A_42 = arith.constant 0 : index
    %get3A_43 = vector.load %arg9[%get3A_41, %get3A_42] : memref<32x1xf32, #tpu.memory_space<vmem>>, vector<32x1xf32>
    %dot_general3A_44 = arith.constant dense<0.000000e+00> : vector<10000x32xf32>
    %dot_general3A_45 = tpu.matmul %sub3A, %get3A_37, %dot_general3A_44 {dimension_numbers = #tpu.dot_dimension_numbers<[1], [0], [0], [1], [0, 0, 1, 1], [], []>, transpose_lhs_hint = false} : vector<10000x64xf32>, vector<64x32xf32>, vector<10000x32xf32> -> vector<10000x32xf32>
    %add3A_46 = vector.broadcast %get3A_40 : vector<1x32xf32> to vector<10000x32xf32>
    %add3A_47 = arith.addf %dot_general3A_45, %add3A_46 : vector<10000x32xf32>
    %tanh3A = math.tanh %add3A_47 : vector<10000x32xf32>
    %dot_general3A_48 = arith.constant dense<0.000000e+00> : vector<10000x1xf32>
    %dot_general3A_49 = tpu.matmul %tanh3A, %get3A_43, %dot_general3A_48 {dimension_numbers = #tpu.dot_dimension_numbers<[1], [0], [0], [1], [0, 0, 1, 1], [], []>, transpose_lhs_hint = false} : vector<10000x32xf32>, vector<32x1xf32>, vector<10000x1xf32> -> vector<10000x1xf32>
    %mul3A_50 = arith.constant 3.125000e-02 : f32
    %mul3A_51 = vector.broadcast %mul3A_50 : f32 to vector<10000x1xf32>
    %mul3A_52 = arith.mulf %dot_general3A_49, %mul3A_51 : vector<10000x1xf32>
    %swap3A = arith.constant 0 : index
    %swap3A_53 = arith.constant 0 : index
    %swap3A_54 = vector.load %arg10[%swap3A, %swap3A_53] : memref<10000x64xf32, #tpu.memory_space<vmem>>, vector<10000x64xf32>
    tpu.vector_store %arg10[%swap3A, %swap3A_53], %sub3A {strides = array<i32>} : memref<10000x64xf32, #tpu.memory_space<vmem>>, vector<10000x64xf32>,
    %get3A_55 = arith.constant 0 : index
    %get3A_56 = arith.constant 0 : index
    %get3A_57 = vector.load %arg4[%get3A_55, %get3A_56] : memref<10000x64xf32, #tpu.memory_space<vmem>>, vector<10000x64xf32>
    %mul3A_58 = vector.broadcast %mul3A_52 : vector<10000x1xf32> to vector<10000x64xf32>
    %mul3A_59 = arith.mulf %sub3A, %mul3A_58 : vector<10000x64xf32>
    %add3A_60 = arith.addf %get3A_57, %mul3A_59 : vector<10000x64xf32>
    %swap3A_61 = arith.constant 0 : index
    %swap3A_62 = arith.constant 0 : index
    %swap3A_63 = vector.load %arg12[%swap3A_61, %swap3A_62] : memref<10000x64xf32, #tpu.memory_space<vmem>>, vector<10000x64xf32>
    tpu.vector_store %arg12[%swap3A_61, %swap3A_62], %add3A_60 {strides = array<i32>} : memref<10000x64xf32, #tpu.memory_space<vmem>>, vector<10000x64xf32>,
    %get3A_64 = arith.constant 0 : index
    %get3A_65 = arith.constant 0 : index
    %get3A_66 = vector.load %arg1[%get3A_64, %get3A_65] : memref<10000x1xf32, #tpu.memory_space<vmem>>, vector<10000x1xf32>
    %mul3A_67 = vector.broadcast %get3A_66 : vector<10000x1xf32> to vector<10000x64xf32>
    %mul3A_68 = arith.mulf %sub3A, %mul3A_67 : vector<10000x64xf32>
    %slice3A = vector.extract_strided_slice %mul3A_68 {offsets = [0, 0], sizes = [10000, 32], strides = [1, 1]} : vector<10000x64xf32> to vector<10000x32xf32>
    %swap3A_69 = arith.constant 0 : index
    %swap3A_70 = arith.constant 0 : index
    %swap3A_71 = arith.constant 0 : index
    %swap3A_72 = vector.load %arg11[%swap3A_69, %swap3A_70, %swap3A_71] : memref<2x10240x32xf32, #tpu.memory_space<vmem>>, vector<1x10000x32xf32>
    %swap3A_73 = vector.shape_cast %swap3A_72 : vector<1x10000x32xf32> to vector<10000x32xf32>
    %swap3A_74 = vector.shape_cast %slice3A : vector<10000x32xf32> to vector<1x10000x32xf32>
    tpu.vector_store %arg11[%swap3A_69, %swap3A_70, %swap3A_71], %swap3A_74 {strides = array<i32>} : memref<2x10240x32xf32, #tpu.memory_space<vmem>>, vector<1x10000x32xf32>,
    %slice3A_75 = vector.extract_strided_slice %mul3A_68 {offsets = [0, 32], sizes = [10000, 32], strides = [1, 1]} : vector<10000x64xf32> to vector<10000x32xf32>
    %swap3A_76 = arith.constant 1 : index
    %swap3A_77 = arith.constant 0 : index
    %swap3A_78 = arith.constant 0 : index
    %swap3A_79 = vector.load %arg11[%swap3A_76, %swap3A_77, %swap3A_78] : memref<2x10240x32xf32, #tpu.memory_space<vmem>>, vector<1x10000x32xf32>
    %swap3A_80 = vector.shape_cast %swap3A_79 : vector<1x10000x32xf32> to vector<10000x32xf32>
    %swap3A_81 = vector.shape_cast %slice3A_75 : vector<10000x32xf32> to vector<1x10000x32xf32>
    tpu.vector_store %arg11[%swap3A_76, %swap3A_77, %swap3A_78], %swap3A_81 {strides = array<i32>} : memref<2x10240x32xf32, #tpu.memory_space<vmem>>, vector<1x10000x32xf32>,
    %broadcast_in_dim3A = arith.constant 0.000000e+00 : f32
    %broadcast_in_dim3A_82 = vector.broadcast %broadcast_in_dim3A : f32 to vector<240x32xf32>
    %swap3A_83 = arith.constant 0 : index
    %swap3A_84 = arith.constant 10000 : index
    %swap3A_85 = arith.constant 0 : index
    %swap3A_86 = vector.load %arg11[%swap3A_83, %swap3A_84, %swap3A_85] : memref<2x10240x32xf32, #tpu.memory_space<vmem>>, vector<1x240x32xf32>
    %swap3A_87 = vector.shape_cast %swap3A_86 : vector<1x240x32xf32> to vector<240x32xf32>
    %swap3A_88 = vector.shape_cast %broadcast_in_dim3A_82 : vector<240x32xf32> to vector<1x240x32xf32>
    tpu.vector_store %arg11[%swap3A_83, %swap3A_84, %swap3A_85], %swap3A_88 {strides = array<i32>} : memref<2x10240x32xf32, #tpu.memory_space<vmem>>, vector<1x240x32xf32>,
    %broadcast_in_dim3A_89 = arith.constant 0.000000e+00 : f32
    %broadcast_in_dim3A_90 = vector.broadcast %broadcast_in_dim3A_89 : f32 to vector<240x32xf32>
    %swap3A_91 = arith.constant 1 : index
    %swap3A_92 = arith.constant 10000 : index
    %swap3A_93 = arith.constant 0 : index
    %swap3A_94 = vector.load %arg11[%swap3A_91, %swap3A_92, %swap3A_93] : memref<2x10240x32xf32, #tpu.memory_space<vmem>>, vector<1x240x32xf32>
    %swap3A_95 = vector.shape_cast %swap3A_94 : vector<1x240x32xf32> to vector<240x32xf32>
    %swap3A_96 = vector.shape_cast %broadcast_in_dim3A_90 : vector<240x32xf32> to vector<1x240x32xf32>
    tpu.vector_store %arg11[%swap3A_91, %swap3A_92, %swap3A_93], %swap3A_96 {strides = array<i32>} : memref<2x10240x32xf32, #tpu.memory_space<vmem>>, vector<1x240x32xf32>,
    return
  }
}

module attributes {stable_mosaic.version = 14 : i64} {
  func.func @_t3_body(%arg0: memref<2x10240x32xf32, #tpu.memory_space<vmem>>, %arg1: memref<10000x1xf32, #tpu.memory_space<vmem>>, %arg2: memref<10000x64xf32, #tpu.memory_space<vmem>>, %arg3: memref<10000x64xf32, #tpu.memory_space<vmem>>, %arg4: memref<64x64xf32, #tpu.memory_space<vmem>>, %arg5: memref<1x64xf32, #tpu.memory_space<vmem>>, %arg6: memref<64x32xf32, #tpu.memory_space<vmem>>, %arg7: memref<1x32xf32, #tpu.memory_space<vmem>>, %arg8: memref<32x1xf32, #tpu.memory_space<vmem>>, %arg9: memref<10000x64xf32, #tpu.memory_space<vmem>>) attributes {dimension_semantics = [], scalar_prefetch = 0 : i64, scratch_operands = 0 : i64, tpu.core_type = #tpu.core_type<tc>} {
    %get3A = arith.constant 0 : index
    %get3A_0 = arith.constant 0 : index
    %get3A_1 = vector.load %arg1[%get3A, %get3A_0] : memref<10000x1xf32, #tpu.memory_space<vmem>>, vector<10000x1xf32>
    %get3A_2 = arith.constant 0 : index
    %get3A_3 = arith.constant 0 : index
    %get3A_4 = arith.constant 0 : index
    %get3A_5 = vector.load %arg0[%get3A_2, %get3A_3, %get3A_4] : memref<2x10240x32xf32, #tpu.memory_space<vmem>>, vector<1x10000x32xf32>
    %get3A_6 = vector.shape_cast %get3A_5 : vector<1x10000x32xf32> to vector<10000x32xf32>
    %mul3A = vector.broadcast %get3A_1 : vector<10000x1xf32> to vector<10000x32xf32>
    %mul3A_7 = arith.mulf %get3A_6, %mul3A : vector<10000x32xf32>
    %get3A_8 = arith.constant 0 : index
    %get3A_9 = arith.constant 0 : index
    %get3A_10 = vector.load %arg4[%get3A_8, %get3A_9] : memref<64x64xf32, #tpu.memory_space<vmem>>, vector<32x64xf32>
    %dot_general3A = arith.constant dense<0.000000e+00> : vector<10000x64xf32>
    %dot_general3A_11 = tpu.matmul %mul3A_7, %get3A_10, %dot_general3A {dimension_numbers = #tpu.dot_dimension_numbers<[1], [0], [0], [1], [0, 0, 1, 1], [], []>, transpose_lhs_hint = false} : vector<10000x32xf32>, vector<32x64xf32>, vector<10000x64xf32> -> vector<10000x64xf32>
    %get3A_12 = arith.constant 1 : index
    %get3A_13 = arith.constant 0 : index
    %get3A_14 = arith.constant 0 : index
    %get3A_15 = vector.load %arg0[%get3A_12, %get3A_13, %get3A_14] : memref<2x10240x32xf32, #tpu.memory_space<vmem>>, vector<1x10000x32xf32>
    %get3A_16 = vector.shape_cast %get3A_15 : vector<1x10000x32xf32> to vector<10000x32xf32>
    %mul3A_17 = vector.broadcast %get3A_1 : vector<10000x1xf32> to vector<10000x32xf32>
    %mul3A_18 = arith.mulf %get3A_16, %mul3A_17 : vector<10000x32xf32>
    %get3A_19 = arith.constant 32 : index
    %get3A_20 = arith.constant 0 : index
    %get3A_21 = vector.load %arg4[%get3A_19, %get3A_20] : memref<64x64xf32, #tpu.memory_space<vmem>>, vector<32x64xf32>
    %dot_general3A_22 = arith.constant dense<0.000000e+00> : vector<10000x64xf32>
    %dot_general3A_23 = tpu.matmul %mul3A_18, %get3A_21, %dot_general3A_22 {dimension_numbers = #tpu.dot_dimension_numbers<[1], [0], [0], [1], [0, 0, 1, 1], [], []>, transpose_lhs_hint = false} : vector<10000x32xf32>, vector<32x64xf32>, vector<10000x64xf32> -> vector<10000x64xf32>
    %add3A = arith.addf %dot_general3A_11, %dot_general3A_23 : vector<10000x64xf32>
    %get3A_24 = arith.constant 0 : index
    %get3A_25 = arith.constant 0 : index
    %get3A_26 = vector.load %arg5[%get3A_24, %get3A_25] : memref<1x64xf32, #tpu.memory_space<vmem>>, vector<1x64xf32>
    %add3A_27 = vector.broadcast %get3A_26 : vector<1x64xf32> to vector<10000x64xf32>
    %add3A_28 = arith.addf %add3A, %add3A_27 : vector<10000x64xf32>
    %mul3A_29 = arith.constant 2.000000e+00 : f32
    %mul3A_30 = vector.broadcast %mul3A_29 : f32 to vector<10000x64xf32>
    %mul3A_31 = arith.mulf %mul3A_30, %add3A_28 : vector<10000x64xf32>
    %get3A_32 = arith.constant 0 : index
    %get3A_33 = arith.constant 0 : index
    %get3A_34 = vector.load %arg2[%get3A_32, %get3A_33] : memref<10000x64xf32, #tpu.memory_space<vmem>>, vector<10000x64xf32>
    %sub3A = arith.subf %mul3A_31, %get3A_34 : vector<10000x64xf32>
    %get3A_35 = arith.constant 0 : index
    %get3A_36 = arith.constant 0 : index
    %get3A_37 = vector.load %arg6[%get3A_35, %get3A_36] : memref<64x32xf32, #tpu.memory_space<vmem>>, vector<64x32xf32>
    %get3A_38 = arith.constant 0 : index
    %get3A_39 = arith.constant 0 : index
    %get3A_40 = vector.load %arg7[%get3A_38, %get3A_39] : memref<1x32xf32, #tpu.memory_space<vmem>>, vector<1x32xf32>
    %get3A_41 = arith.constant 0 : index
    %get3A_42 = arith.constant 0 : index
    %get3A_43 = vector.load %arg8[%get3A_41, %get3A_42] : memref<32x1xf32, #tpu.memory_space<vmem>>, vector<32x1xf32>
    %dot_general3A_44 = arith.constant dense<0.000000e+00> : vector<10000x32xf32>
    %dot_general3A_45 = tpu.matmul %sub3A, %get3A_37, %dot_general3A_44 {dimension_numbers = #tpu.dot_dimension_numbers<[1], [0], [0], [1], [0, 0, 1, 1], [], []>, transpose_lhs_hint = false} : vector<10000x64xf32>, vector<64x32xf32>, vector<10000x32xf32> -> vector<10000x32xf32>
    %add3A_46 = vector.broadcast %get3A_40 : vector<1x32xf32> to vector<10000x32xf32>
    %add3A_47 = arith.addf %dot_general3A_45, %add3A_46 : vector<10000x32xf32>
    %tanh3A = math.tanh %add3A_47 : vector<10000x32xf32>
    %dot_general3A_48 = arith.constant dense<0.000000e+00> : vector<10000x1xf32>
    %dot_general3A_49 = tpu.matmul %tanh3A, %get3A_43, %dot_general3A_48 {dimension_numbers = #tpu.dot_dimension_numbers<[1], [0], [0], [1], [0, 0, 1, 1], [], []>, transpose_lhs_hint = false} : vector<10000x32xf32>, vector<32x1xf32>, vector<10000x1xf32> -> vector<10000x1xf32>
    %mul3A_50 = arith.constant 3.125000e-02 : f32
    %mul3A_51 = vector.broadcast %mul3A_50 : f32 to vector<10000x1xf32>
    %mul3A_52 = arith.mulf %dot_general3A_49, %mul3A_51 : vector<10000x1xf32>
    %get3A_53 = arith.constant 0 : index
    %get3A_54 = arith.constant 0 : index
    %get3A_55 = vector.load %arg3[%get3A_53, %get3A_54] : memref<10000x64xf32, #tpu.memory_space<vmem>>, vector<10000x64xf32>
    %mul3A_56 = vector.broadcast %mul3A_52 : vector<10000x1xf32> to vector<10000x64xf32>
    %mul3A_57 = arith.mulf %sub3A, %mul3A_56 : vector<10000x64xf32>
    %add3A_58 = arith.addf %get3A_55, %mul3A_57 : vector<10000x64xf32>
    %swap3A = arith.constant 0 : index
    %swap3A_59 = arith.constant 0 : index
    %swap3A_60 = vector.load %arg9[%swap3A, %swap3A_59] : memref<10000x64xf32, #tpu.memory_space<vmem>>, vector<10000x64xf32>
    tpu.vector_store %arg9[%swap3A, %swap3A_59], %add3A_58 {strides = array<i32>} : memref<10000x64xf32, #tpu.memory_space<vmem>>, vector<10000x64xf32>,
    return
  }
}

</mosaic_0001>

<sc_bundles>
// kernel: kernel.11.cloned.1.call-start
scs
__scs_entry_jumppad:
0x0: {  	(pc) =	sbr.rel $0x88, $3  }
0x1: {  	(tag) =	ssettag $0x0;
	lr =	simm.s32 $0x1  }
0x2: {  	[smem:$0x3F96] =	sst lr;
	_ =	strace $0xD0000000  }
0x3: {  	_ = 	snop  }
0x4: {  	_ = 	snop  }
0x5: {  	_ = 	snop  }
0x6: {  	_ = 	snop  }
0x7: {  	_ = 	snop  }
__scs_overlays_trampoline_lowered:
0x8: {  	[smem:$0x3FA5] =	sst s0  }
0x9: {  	[smem:$0x3FA6] =	sst s1  }
0xa: {  	[smem:$0x3FA7] =	sst s2  }
0xb: {  	[smem:$0x3FA8] =	sst s3  }
0xc: {  	[smem:$0x3FA9] =	sst s4  }
0xd: {  	[smem:$0x3FAA] =	sst s5  }
0xe: {  	[smem:$0x3FAB] =	sst s6  }
0xf: {  	[smem:$0x3FAC] =	sst s7  }
0x10: {  	[smem:$0x3FAD] =	sst s8  }
0x11: {  	[smem:$0x3FAE] =	sst s9;
	s0 =	simm.s32 @!p0 $0x0  }
0x12: {  	s1 =	sld [smem:$0x3F94];
	s0 =	simm.s32 @p0 $0x1  }
0x13: {  	[smem:$0x3FAF] =	sst s0;
	s0 =	simm.s32 @!p1 $0x0  }
0x14: {  	s2 =	sld [smem:$0x3F93];
	s0 =	simm.s32 @p1 $0x1  }
0x15: {  	[smem:$0x3FB0] =	sst s0;
	s0 =	simm.s32 @!p2 $0x0  }
0x16: {  	s3 =	sld [smem:$0x3FDB];
	s0 =	simm.s32 @p2 $0x1  }
0x17: {  	s4 =	simm.s32 $0x1BF5;
	[smem:$0x3FB2] =	sst s0  }
0x18: {  	s0 =	sld [smem:$0x3F95];
	_ =	swait.ge [sflag:s4], $0x0  }
0x19: {  	s7 =	sld [smem:$0x3F96]  }
0x1a: {  	s8 =	sadd.s32 $0xFFFFE003, lr  }
0x1b: {  	s9 =	sadd.s32 $0xFFFFFEF7, lr;
	s5 =	simm.s32 $0xFFFFFFFF;
	p2 =	slt.u32 s8, $0xFFFFF086  }
0x1c: {  	p1 =	slt.u32 s9, $0xF7A;
	s5 =	simm.s32 @!p2 $0x0  }
0x1d: {  	s5 =	simm.s32 @p1 $0x1;
	p0 =	seq.s32 s7, s2  }
0x1e: {  	s7 =	smul.u32 @!p0 $0xF7A, s2;
	p2 =	seq.s32 @!p0 s5, $0x0  }
0x1f: {  	s9 =	smul.u32 $0xF7A, s1;
	s8 =	simm.s32 @!p0 $0x1BF5;
	p2 =	por !p2, p0  }
0x20: {  	[sflag:s8] =	ssyncset.s32 @!p0 $0xFFFFF086;
	s6 =	sadd.s32 @!p0 s3, s7;
	s7 =	simm.s32 @!p0 $0x108  }
0x21: {  	s3 =	sadd.s32 s3, s9;
	s6 =	sadd.s32 @!p0 $0x88, s6;
	s7 =	simm.s32 @p2 $0x1082  }
0x22: {  	[simem:s7], [sflag:s8] =	dma.local @!p0 [hbm:s6], $0xF7A  }
0x23: {  	s9 =	sor.u32 $0xD0000000, s2;
	s6 =	simm.s32 $0x108;
	_ =	swait.ge @!p0 [sflag:s8], $0x0  }
0x24: {  	s3 =	sadd.s32 $0x88, s3;
	s6 =	simm.s32 @!p1 $0x1082;
	[sflag:s4] =	ssyncset.s32 $0xFFFFF086  }
0x25: {  	[simem:s6], [sflag:s4] =	dma.local [hbm:s3], $0xF7A  }
0x26: {  	[smem:$0x3F96] =	sst s1;
	(tag) =	ssettag s2;
	_ =	strace s9  }
0x27: {  	s1 =	sld [smem:$0x3FA6]  }
0x28: {  	s2 =	sld [smem:$0x3FA7]  }
0x29: {  	s4 =	sld [smem:$0x3FA9]  }
0x2a: {  	p0 =	seq.s32 s5, $0x0;
	s5 =	sld [smem:$0x3FAA]  }
0x2b: {  	s6 =	sld [smem:$0x3FAB]  }
0x2c: {  	s7 =	sld [smem:$0x3FAC]  }
0x2d: {  	s3 =	simm.s32 $0x108;
	s8 =	sld [smem:$0x3FAD]  }
0x2e: {  	s3 =	simm.s32 @!p0 $0x1082;
	s9 =	sld [smem:$0x3FAE]  }
0x2f: {  	lr =	sadd.s32 s0, s3;
	s0 =	sld [smem:$0x3FA5]  }
0x30: {  	s3 =	sld [smem:$0x3FA8]  }
0x31: {  	[smem:$0x3FB1] =	sst s10  }
0x32: {  	s10 =	sld [smem:$0x3FAF];
	_ =	sdelay $0x3  }
0x33: {  	p0 =	seq.s32 s10, $0x1;
	s10 =	sld [smem:$0x3FB1];
	_ =	sdelay $0x3  }
0x34: {  	[smem:$0x3FB1] =	sst s10  }
0x35: {  	s10 =	sld [smem:$0x3FB0];
	_ =	sdelay $0x3  }
0x36: {  	p1 =	seq.s32 s10, $0x1;
	s10 =	sld [smem:$0x3FB1];
	_ =	sdelay $0x3  }
0x37: {  	[smem:$0x3FB1] =	sst s10  }
0x38: {  	s10 =	sld [smem:$0x3FB2]  }
0x39: {  	_ = 	snop;
	(pc) =	sbr.ind lr, $3  }
0x3a: {  	_ = 	snop  }
0x3b: {  	_ = 	snop  }
0x3c: {  	p2 =	seq.s32 s10, $0x1;
	s10 =	sld [smem:$0x3FB1]  }
0x3d: {  	_ =	shalt  }
0x3e: {  	_ =	shalt  }
0x3f: {  	_ =	shalt  }
0x40: {  	_ =	shalt  }
0x41: {  	_ =	shalt  }
0x42: {  	_ =	shalt  }
0x43: {  	_ =	shalt  }
0x44: {  	_ =	shalt  }
0x45: {  	_ =	shalt  }
0x46: {  	_ =	shalt  }
0x47: {  	_ =	shalt  }
0x48: {  	_ =	shalt  }
0x49: {  	_ =	shalt  }
0x4a: {  	_ =	shalt  }
0x4b: {  	_ =	shalt  }
0x4c: {  	_ =	shalt  }
0x4d: {  	_ =	shalt  }
0x4e: {  	_ =	shalt  }
0x4f: {  	_ =	shalt  }
0x50: {  	_ =	shalt  }
0x51: {  	_ =	shalt  }
0x52: {  	_ =	shalt  }
0x53: {  	_ =	shalt  }
0x54: {  	_ =	shalt  }
0x55: {  	_ =	shalt  }
0x56: {  	_ =	shalt  }
0x57: {  	_ =	shalt  }
0x58: {  	_ =	shalt  }
0x59: {  	_ =	shalt  }
0x5a: {  	_ =	shalt  }
0x5b: {  	_ =	shalt  }
0x5c: {  	_ =	shalt  }
0x5d: {  	_ =	shalt  }
0x5e: {  	_ =	shalt  }
0x5f: {  	_ =	shalt  }
0x60: {  	_ =	shalt  }
0x61: {  	_ =	shalt  }
0x62: {  	_ =	shalt  }
0x63: {  	_ =	shalt  }
0x64: {  	_ =	shalt  }
0x65: {  	_ =	shalt  }
0x66: {  	_ =	shalt  }
0x67: {  	_ =	shalt  }
0x68: {  	_ =	shalt  }
0x69: {  	_ =	shalt  }
0x6a: {  	_ =	shalt  }
0x6b: {  	_ =	shalt  }
0x6c: {  	_ =	shalt  }
0x6d: {  	_ =	shalt  }
0x6e: {  	_ =	shalt  }
0x6f: {  	_ =	shalt  }
0x70: {  	_ =	shalt  }
0x71: {  	_ =	shalt  }
0x72: {  	_ =	shalt  }
0x73: {  	_ =	shalt  }
0x74: {  	_ =	shalt  }
0x75: {  	_ =	shalt  }
0x76: {  	_ =	shalt  }
0x77: {  	_ =	shalt  }
0x78: {  	_ =	shalt  }
0x79: {  	_ =	shalt  }
0x7a: {  	_ =	shalt  }
0x7b: {  	_ =	shalt  }
0x7c: {  	_ =	shalt  }
0x7d: {  	_ =	shalt  }
0x7e: {  	_ =	shalt  }
0x7f: {  	_ =	shalt  }
0x80: {  	_ =	shalt  }
0x81: {  	_ =	shalt  }
0x82: {  	_ =	shalt  }
0x83: {  	_ =	shalt  }
0x84: {  	_ =	shalt  }
0x85: {  	_ =	shalt  }
0x86: {  	_ =	shalt  }
0x87: {  	_ =	shalt  }
.Lfunc_end0:
.L_simem_size_0:
called_computation_lowered:
.L_overlay_start_0:
0x88: {  	s2 =	sld [smem:$0x3FD9]  }
0x89: {  	s3 =	sld [smem:$0x3FFE];
	_ =	sdelay $0x1  }
0x8a: {  	s1 =	srdreg.scid  }
0x8b: {  	s0 =	sand.u32 $0x1, s1  }
0x8c: {  	s17 =	sshll.u32 s0, $0xA;
	s2 =	sadd.s32 s3, s2  }
0x8d: {  	s2 =	sadd.s32 s2, s17  }
0x8e: {  	[smem:$0x3FBD] =	sst s2  }
0x8f: {  	_ = 	snop  }
0x90: {  	s2 =	sld [smem:$0x3FD0];
	(tm) =	ssettm $0x1  }
0x91: {  	s18 =	sld [smem:$0x3FFB];
	_ =	sdelay $0x3  }
0x92: {  	_ =	strace s18  }
0x93: {  	s3 =	sld [smem:$0x3FFC];
	_ =	sdelay $0x3  }
0x94: {  	_ =	strace s3  }
0x95: {  	s3 =	sld [smem:$0x3FFD];
	_ =	sdelay $0x3  }
0x96: {  	_ =	strace s3  }
0x97: {  	_ =	strace $0x8FFFFFFF  }
0x98: {  	s19 =	sld [smem:$0x3FDB];
	_ =	sdelay $0x1  }
0x99: {  	s4 =	simm.s32 $_scs_section_size  }
0x9a: {  	s5 =	simm.s32 $_size__tile_overlayer_lowered;
	s6 =	simm.s32 $_tile_overlayer_lowered  }
0x9b: {  	s22 =	simm.s32 $0x1BFF;
	s21 =	sshll.u32 s6, $0x1;
	s3 =	sadd.s32 s4, s19  }
0x9c: {  	s7 =	simm.s32 $0x0;
	s20 =	sshll.u32 s5, $0x1;
	s5 =	sadd.s32 s21, s3  }
0x9d: {  	[timem:s7], [sflag:s22] =	dma.local [hbm:s5], s20  }
0x9e: {  	_ =	swait.ge [sflag:s22], s20  }
0x9f: {  	s4 =	ssub.s32 $0x0, s20;
	[sflag:s22] =	ssyncset.done $0x0  }
0xa0: {  	[sflag:s22] =	ssyncadd.s32 s4;
	_ =	sdelay $0x1  }
0xa1: {  	s23 =	simm.s32 $0x1B8B  }
0xa2: {  	_ =	swait.ge [sflag:s23], $0x1  }
0xa3: {  	[sflag:s23] =	ssyncset.done $0x0  }
0xa4: {  	s25 =	simm.s32 $0x1B8E;
	s24 =	sld [smem:$0x3FFE];
	[sflag:s23] =	ssyncadd.s32 $0xFFFFFFFF  }
0xa5: {  	s26 =	simm.s32 $execute0_lowered;
	[smem:$0x3FD2] =	sst s25  }
0xa6: {  	s5 =	sshll.u32 s26, $0x1;
	_ =	strace $0x80000046;
	[dreg:$0x1] =	wrdreg $0xFFFFFFFF  }
0xa7: {  	s28 =	simm.s32 $_size_execute0_lowered;
	s3 =	sadd.s32 s3, s5;
	[dreg:$0x0] =	wrdreg $0x0  }
0xa8: {  	s5 =	sshll.u32 s28, $0x1;
	[dreg:$0x2] =	wrdreg s3  }
0xa9: {  	[dreg:$0x3] =	wrdreg s5  }
0xaa: {  	[dreg:$0x4] =	wrdreg $0xC0  }
0xab: {  	_ =	task [dreg:s7], $0x5FFFF  }
0xac: {  	[dreg:$0x1] =	wrdreg $0xFFFFFFFF  }
0xad: {  	[dreg:$0x0] =	wrdreg $0x60  }
0xae: {  	[dreg:$0x2] =	wrdreg s2  }
0xaf: {  	[dreg:$0x3] =	wrdreg s24  }
0xb0: {  	[dreg:$0x4] =	wrdreg $0x50800  }
0xb1: {  	[dreg:$0x5] =	wrdreg $0x53000  }
0xb2: {  	[dreg:$0x6] =	wrdreg $0x9  }
0xb3: {  	_ =	task.clear_ibuf [dreg:s7], $0x7FFFF;
	_ =	strace $0x90000046  }
0xb4: {  	s29 =	simm.s32 $0x9;
	_ =	strace $0x80000048  }
0xb5: {  	_ =	swait.ge [sflag:s29], $0x1  }
0xb6: {  	[sflag:s29] =	ssyncadd.s32 $0xFFFFFFFF  }
0xb7: {  	_ =	strace $0x90000048  }
0xb8: {  	_ =	sfence  }
0xb9: {  	s30 =	sld [smem:$0x0];
	_ =	sdelay $0x2  }
0xba: {  	s31 =	sshll.u32 s1, $0xD;
	s1 =	sshrl.u32 s1, $0x2  }
0xbb: {  	s3 =	sand.u32 $0x4000, s31;
	s1 =	sadd.s32 s1, s30  }
0xbc: {  	s0 =	sor.u32 s3, s0;
	s1 =	sshll.u32 s1, $0x11  }
0xbd: {  	s0 =	sor.u32 s1, s0  }
0xbe: {  	s0 =	sadd.s32 $0x8F2B, s0  }
0xbf: {  	[sflag:s0] =	ssyncadd.remote.s32 $0x1  }
0xc0: {  	_ =	sfence.sel $0xFFFF  }
0xc1: {  	[dreg:$0x0] =	wrdreg $0xFFFFFFFF;
	(pc) =	sbr.abs _section_cstart, $3  }
0xc2: {  	[dreg:$0x1] =	wrdreg $0xFFFFFFFF  }
0xc3: {  	_ =	task.clear_ibuf [dreg:s7], $0x2FFFF;
	_ =	strace $0x9FFFFFFF  }
0xc4: {  	(tm) =	ssettm $0x7FFFFFFF  }
0xc5: {  	_ =	shalt  }
tec
execute0_lowered:
.L_overlay_start_1:
0x0: {  	(tag) =	ssettag $0x1  }
0x1: {  	s7 =	rddreg [dreg:$0x0]  }
0x2: {  	s1 =	srdreg.scid;
	s8 =	rddreg [dreg:$0x1]  }
0x3: {  	s0 =	stileid.u32;
	s2 =	rddreg [dreg:$0x2]  }
0x4: {  	s3 =	rddreg [dreg:$0x3];
	s4 =	simm.s32 $0x0;
	s18 =	simm.s32 $0x7D  }
0x5: {  	s19 =	simm.s32 $0x0;
	s6 =	sand.u32 $0x1, s1;
	s31 =	sshll.u32 s0, $0x1  }
0x6: {  	s10 =	smul.u32 $0x280, s0;
	[smem:$0x7FF] =	sst s4;
	s5 =	sadd.s32 $0xE200, s8  }
0x7: {  	s15 =	sshll.u32 s0, $0x6;
	s1 =	sor.u32 s6, s31;
	s11 =	smul.u32 $0x2800, s6  }
0x8: {  	s13 =	ssub.s32 $0x2, s6;
	s6 =	sadd.s32 $0xE000, s8;
	s15 =	sor.u32 $0x1C01, s15  }
0x9: {  	s9 =	smul.u32 $0x500, s1;
	s1 =	rddreg [dreg:$0x4];
	_ =	strace $0x80000047  }
0xa: {  	s14 =	sshrl.u32 s13, $0x1;
	s16 =	sadd.s32 s10, s2;
	s17 =	sadd.s32 s10, s3  }
0xb: {  	s11 =	sadd.s32 s10, s11;
	s13 =	ssub.s32 s13, s14;
	s14 =	simm.s32 $0x5000  }
0xc: {  	s16 =	sshrl.u32 s16, $0x3;
	s17 =	sshrl.u32 s17, $0x3;
	s11 =	sshrl.u32 s11, $0x3  }
0xd: {  	s12 =	sadd.s32 s9, s8;
	s7 =	sadd.s32 s7, s9;
	s11 =	sadd.s32 s11, s8  }
0xe: {  	s8 =	sadd.s32 $0x4000, s12;
	s12 =	simm.s32 $0x1;
	s9 =	sadd.s32 $0xEE00, s11  }
0xf: {  	s10 =	sadd.s32 $0xE400, s11;
	s11 =	smax.u32 s13, $0x1;
	s13 =	simm.s32 $0x2800  }
.LBB2_1:
0x10: {  	[tilespmem:s4], [sflag:$0x1] =	stream.linear.gather [hbm4b:s7+s4], $0x2800, $0x38;
	[tilespmem:$0x5580] =	vst v63  }
0x11: {  	_ =	swait.ge [sflag:s12], $0x2800  }
0x12: {  	[sflag:s12] =	ssyncset.done $0x0  }
0x13: {  	[sflag:s12] =	ssyncadd.s32 $0xFFFFD800  }
0x14: {  	[tilespmem:s13], [sflag:$0x1] =	stream.linear.gather [hbm4b:s8+s4], $0x2800, $0x38;
	[tilespmem:$0x5580] =	vst v63  }
0x15: {  	_ =	swait.ge [sflag:s12], $0x2800  }
0x16: {  	[sflag:s12] =	ssyncset.done $0x0  }
0x17: {  	[sflag:s12] =	ssyncadd.s32 $0xFFFFD800  }
0x18: {  	[tilespmem:s14], [sflag:$0x1] =	stream.linear.gather [hbm4b:s5+s4], $0x80, $0x38;
	[tilespmem:$0x5580] =	vst v63  }
0x19: {  	_ =	swait.ge [sflag:s12], $0x80  }
0x1a: {  	[sflag:s12] =	ssyncset.done $0x0  }
0x1b: {  	[sflag:s12] =	ssyncadd.s32 $0xFFFFFF80  }
0x1c: {  	[spmem:s16], [sflag:s15] =	dma.local [hbm:s6], $0x50  }
0x1d: {  	_ =	swait.ge [sflag:s12], $0x50  }
0x1e: {  	[sflag:s12] =	ssyncset.done $0x0  }
0x1f: {  	[sflag:s12] =	ssyncadd.s32 $0xFFFFFFB0  }
0x20: {  	[spmem:s17], [sflag:s15] =	dma.local [hbm:s6], $0x50  }
0x21: {  	_ =	swait.ge [sflag:s12], $0x50  }
0x22: {  	[sflag:s12] =	ssyncset.done $0x0  }
0x23: {  	[sflag:s12] =	ssyncadd.s32 $0xFFFFFFB0  }
0x24: {  	s20 =	simm.s32 $0x0;
	[bflag:$0x0] =	sbarrier.arrive $0xFFFF  }
0x25: {  	[spmem:s2] =	stream.indirect.scatter.add.f32 [tilespmem:s14], [sflag:$0x1], $0x1, s20, s18, $0xb8;
	[tilespmem:$0x5580] =	vst v63  }
0x26: {  	_ =	swait.ge [sflag:s12], $0x7D  }
0x27: {  	[sflag:s12] =	ssyncset.done $0x0  }
0x28: {  	s31 =	simm.s32 $0x2800;
	[sflag:s12] =	ssyncadd.s32 $0xFFFFFF83  }
0x29: {  	[spmem:s3] =	stream.indirect.scatter.add.f32 [tilespmem:s14], [sflag:$0x1], $0x1, s31, s18, $0xb8;
	[tilespmem:$0x5580] =	vst v63  }
0x2a: {  	_ =	swait.ge [sflag:s12], $0x7D  }
0x2b: {  	s21 =	simm.s32 $0x400;
	s20 =	simm.s32 $0x200;
	[sflag:s12] =	ssyncset.done $0x0  }
.LBB2_2:
0x2c: {  	s22 =	sshra.s32 s20, $0x2  }
0x2d: {  	[sflag:s12] =	ssyncadd.s32 $0xFFFFFF83;
	s20 =	smov.u32 s21;
	s23 =	sadd.s32 $0x200, s21  }
0x2e: {  	[spmem:s2] =	stream.indirect.scatter.add.f32 [tilespmem:s14], [sflag:$0x1], $0x1, s22, s18, $0xb8;
	[tilespmem:$0x5580] =	vst v63  }
0x2f: {  	p0 =	sne.s32 s21, $0x9E00;
	_ =	swait.ge [sflag:s12], $0x7D  }
.Ltmp0:
0x30: {  	[sflag:s12] =	ssyncset.done $0x0;
	(pc) =	sbr.rel @p0 .LBB2_2-.Ltmp0, $4  }
0x31: {  	s21 =	sadd.s32 $0x2800, s22;
	[sflag:s12] =	ssyncadd.s32 $0xFFFFFF83  }
0x32: {  	[spmem:s3] =	stream.indirect.scatter.add.f32 [tilespmem:s14], [sflag:$0x1], $0x1, s21, s18, $0xb8;
	[tilespmem:$0x5580] =	vst v63  }
0x33: {  	_ =	swait.ge [sflag:s12], $0x7D  }
0x34: {  	s21 =	smov.u32 s23;
	[sflag:s12] =	ssyncset.done $0x0  }
0x35: {  	s20 =	sshra.s32 s20, $0x2;
	[sflag:s12] =	ssyncadd.s32 $0xFFFFFF83  }
0x36: {  	[spmem:s2] =	stream.indirect.scatter.add.f32 [tilespmem:s14], [sflag:$0x1], $0x1, s20, s18, $0xb8;
	[tilespmem:$0x5580] =	vst v63  }
0x37: {  	_ =	swait.ge [sflag:s12], $0x7D  }
0x38: {  	[sflag:s12] =	ssyncset.done $0x0  }
0x39: {  	s20 =	sadd.s32 $0x2800, s20;
	[sflag:s12] =	ssyncadd.s32 $0xFFFFFF83  }
0x3a: {  	[spmem:s3] =	stream.indirect.scatter.add.f32 [tilespmem:s14], [sflag:$0x1], $0x1, s20, s18, $0xb8;
	[tilespmem:$0x5580] =	vst v63  }
0x3b: {  	_ =	swait.ge [sflag:s12], $0x7D  }
0x3c: {  	[sflag:s12] =	ssyncset.done $0x0  }
0x3d: {  	[sflag:s12] =	ssyncadd.s32 $0xFFFFFF83  }
0x3e: {  	[bflag:$0x0] =	sbarrier.arrive $0xFFFF  }
0x3f: {  	[hbm:s9], [sflag:s15] =	dma.local [spmem:s16], $0x50  }
0x40: {  	s19 =	sadd.s32 $0x1, s19;
	_ =	swait.ge [sflag:s12], $0x50  }
0x41: {  	p0 =	sne.s32 s19, s11;
	[sflag:s12] =	ssyncset.done $0x0  }
.Ltmp1:
0x42: {  	[sflag:s12] =	ssyncadd.s32 $0xFFFFFFB0;
	(pc) =	sbr.rel @p0 .LBB2_1-.Ltmp1, $4  }
0x43: {  	[hbm:s10], [sflag:s15] =	dma.local [spmem:s17], $0x50  }
0x44: {  	_ =	swait.ge [sflag:s12], $0x50  }
0x45: {  	[sflag:s12] =	ssyncset.done $0x0  }
0x46: {  	[sflag:s12] =	ssyncadd.s32 $0xFFFFFFB0  }
0x47: {  	_ =	sfence.sel $0x180000  }
0x48: {  	[bflag:$0x0] =	sbarrier.arrive $0xFFFF  }
0x49: {  	p0 =	sne.s32 s0, $0x0;
	_ =	strace $0x90000047  }
0x4a: {  	s0 =	sadd.s32 @!p0 $0x100000, s1;
	[bflag:$0x2] =	sbarrier.arrive $0xFFFF  }
0x4b: {  	[sflag:s0] =	ssyncadd.tile.s32 @!p0 $0x1;
	_ =	shalt  }
.Lfunc_end2:
_tile_overlayer_lowered:
.L_overlay_start_2:
0x4c: {  	(tag) =	ssettag $0x2  }
0x4d: {  	s0 =	rddreg [dreg:$0x0];
	s2 =	stileid.u32  }
0x4e: {  	s1 =	rddreg [dreg:$0x1];
	p0 =	sne.s32 s2, $0x0  }
0x4f: {  	s3 =	rddreg [dreg:$0x2];
	[bflag:$0x3] =	sbarrier.arrive $0xFFFF;
	s2 =	simm.s32 @!p0 $0x1C01  }
0x50: {  	[timem:s3], [sflag:s2] =	dma.local @!p0 [hbm:s0], s1  }
0x51: {  	s0 =	simm.s32 @!p0 $0x1  }
0x52: {  	_ =	swait.ge @!p0 [sflag:s0], s1  }
0x53: {  	s1 =	ssub.s32 @!p0 $0x0, s1;
	[sflag:s0] =	ssyncset.done @!p0 $0x0  }
0x54: {  	[sflag:s0] =	ssyncadd.s32 @!p0 s1  }
0x55: {  	[bflag:$0x3] =	sbarrier.arrive $0xFFFF  }
0x56: {  	_ =	shalt  }

// kernel: kernel.14.cloned.1.call-start
scs
__scs_entry_jumppad:
0x0: {  	(pc) =	sbr.rel $0x88, $3  }
0x1: {  	(tag) =	ssettag $0x0;
	lr =	simm.s32 $0x1  }
0x2: {  	[smem:$0x3F96] =	sst lr;
	_ =	strace $0xD0000000  }
0x3: {  	_ = 	snop  }
0x4: {  	_ = 	snop  }
0x5: {  	_ = 	snop  }
0x6: {  	_ = 	snop  }
0x7: {  	_ = 	snop  }
__scs_overlays_trampoline_lowered:
0x8: {  	[smem:$0x3FA5] =	sst s0  }
0x9: {  	[smem:$0x3FA6] =	sst s1  }
0xa: {  	[smem:$0x3FA7] =	sst s2  }
0xb: {  	[smem:$0x3FA8] =	sst s3  }
0xc: {  	[smem:$0x3FA9] =	sst s4  }
0xd: {  	[smem:$0x3FAA] =	sst s5  }
0xe: {  	[smem:$0x3FAB] =	sst s6  }
0xf: {  	[smem:$0x3FAC] =	sst s7  }
0x10: {  	[smem:$0x3FAD] =	sst s8  }
0x11: {  	[smem:$0x3FAE] =	sst s9;
	s0 =	simm.s32 @!p0 $0x0  }
0x12: {  	s1 =	sld [smem:$0x3F94];
	s0 =	simm.s32 @p0 $0x1  }
0x13: {  	[smem:$0x3FAF] =	sst s0;
	s0 =	simm.s32 @!p1 $0x0  }
0x14: {  	s2 =	sld [smem:$0x3F93];
	s0 =	simm.s32 @p1 $0x1  }
0x15: {  	[smem:$0x3FB0] =	sst s0;
	s0 =	simm.s32 @!p2 $0x0  }
0x16: {  	s3 =	sld [smem:$0x3FDB];
	s0 =	simm.s32 @p2 $0x1  }
0x17: {  	s4 =	simm.s32 $0x1BF5;
	[smem:$0x3FB2] =	sst s0  }
0x18: {  	s0 =	sld [smem:$0x3F95];
	_ =	swait.ge [sflag:s4], $0x0  }
0x19: {  	s7 =	sld [smem:$0x3F96]  }
0x1a: {  	s8 =	sadd.s32 $0xFFFFE003, lr  }
0x1b: {  	s9 =	sadd.s32 $0xFFFFFEF7, lr;
	s5 =	simm.s32 $0xFFFFFFFF;
	p2 =	slt.u32 s8, $0xFFFFF086  }
0x1c: {  	p1 =	slt.u32 s9, $0xF7A;
	s5 =	simm.s32 @!p2 $0x0  }
0x1d: {  	s5 =	simm.s32 @p1 $0x1;
	p0 =	seq.s32 s7, s2  }
0x1e: {  	s7 =	smul.u32 @!p0 $0xF7A, s2;
	p2 =	seq.s32 @!p0 s5, $0x0  }
0x1f: {  	s9 =	smul.u32 $0xF7A, s1;
	s8 =	simm.s32 @!p0 $0x1BF5;
	p2 =	por !p2, p0  }
0x20: {  	[sflag:s8] =	ssyncset.s32 @!p0 $0xFFFFF086;
	s6 =	sadd.s32 @!p0 s3, s7;
	s7 =	simm.s32 @!p0 $0x108  }
0x21: {  	s3 =	sadd.s32 s3, s9;
	s6 =	sadd.s32 @!p0 $0x88, s6;
	s7 =	simm.s32 @p2 $0x1082  }
0x22: {  	[simem:s7], [sflag:s8] =	dma.local @!p0 [hbm:s6], $0xF7A  }
0x23: {  	s9 =	sor.u32 $0xD0000000, s2;
	s6 =	simm.s32 $0x108;
	_ =	swait.ge @!p0 [sflag:s8], $0x0  }
0x24: {  	s3 =	sadd.s32 $0x88, s3;
	s6 =	simm.s32 @!p1 $0x1082;
	[sflag:s4] =	ssyncset.s32 $0xFFFFF086  }
0x25: {  	[simem:s6], [sflag:s4] =	dma.local [hbm:s3], $0xF7A  }
0x26: {  	[smem:$0x3F96] =	sst s1;
	(tag) =	ssettag s2;
	_ =	strace s9  }
0x27: {  	s1 =	sld [smem:$0x3FA6]  }
0x28: {  	s2 =	sld [smem:$0x3FA7]  }
0x29: {  	s4 =	sld [smem:$0x3FA9]  }
0x2a: {  	p0 =	seq.s32 s5, $0x0;
	s5 =	sld [smem:$0x3FAA]  }
0x2b: {  	s6 =	sld [smem:$0x3FAB]  }
0x2c: {  	s7 =	sld [smem:$0x3FAC]  }
0x2d: {  	s3 =	simm.s32 $0x108;
	s8 =	sld [smem:$0x3FAD]  }
0x2e: {  	s3 =	simm.s32 @!p0 $0x1082;
	s9 =	sld [smem:$0x3FAE]  }
0x2f: {  	lr =	sadd.s32 s0, s3;
	s0 =	sld [smem:$0x3FA5]  }
0x30: {  	s3 =	sld [smem:$0x3FA8]  }
0x31: {  	[smem:$0x3FB1] =	sst s10  }
0x32: {  	s10 =	sld [smem:$0x3FAF];
	_ =	sdelay $0x3  }
0x33: {  	p0 =	seq.s32 s10, $0x1;
	s10 =	sld [smem:$0x3FB1];
	_ =	sdelay $0x3  }
0x34: {  	[smem:$0x3FB1] =	sst s10  }
0x35: {  	s10 =	sld [smem:$0x3FB0];
	_ =	sdelay $0x3  }
0x36: {  	p1 =	seq.s32 s10, $0x1;
	s10 =	sld [smem:$0x3FB1];
	_ =	sdelay $0x3  }
0x37: {  	[smem:$0x3FB1] =	sst s10  }
0x38: {  	s10 =	sld [smem:$0x3FB2]  }
0x39: {  	_ = 	snop;
	(pc) =	sbr.ind lr, $3  }
0x3a: {  	_ = 	snop  }
0x3b: {  	_ = 	snop  }
0x3c: {  	p2 =	seq.s32 s10, $0x1;
	s10 =	sld [smem:$0x3FB1]  }
0x3d: {  	_ =	shalt  }
0x3e: {  	_ =	shalt  }
0x3f: {  	_ =	shalt  }
0x40: {  	_ =	shalt  }
0x41: {  	_ =	shalt  }
0x42: {  	_ =	shalt  }
0x43: {  	_ =	shalt  }
0x44: {  	_ =	shalt  }
0x45: {  	_ =	shalt  }
0x46: {  	_ =	shalt  }
0x47: {  	_ =	shalt  }
0x48: {  	_ =	shalt  }
0x49: {  	_ =	shalt  }
0x4a: {  	_ =	shalt  }
0x4b: {  	_ =	shalt  }
0x4c: {  	_ =	shalt  }
0x4d: {  	_ =	shalt  }
0x4e: {  	_ =	shalt  }
0x4f: {  	_ =	shalt  }
0x50: {  	_ =	shalt  }
0x51: {  	_ =	shalt  }
0x52: {  	_ =	shalt  }
0x53: {  	_ =	shalt  }
0x54: {  	_ =	shalt  }
0x55: {  	_ =	shalt  }
0x56: {  	_ =	shalt  }
0x57: {  	_ =	shalt  }
0x58: {  	_ =	shalt  }
0x59: {  	_ =	shalt  }
0x5a: {  	_ =	shalt  }
0x5b: {  	_ =	shalt  }
0x5c: {  	_ =	shalt  }
0x5d: {  	_ =	shalt  }
0x5e: {  	_ =	shalt  }
0x5f: {  	_ =	shalt  }
0x60: {  	_ =	shalt  }
0x61: {  	_ =	shalt  }
0x62: {  	_ =	shalt  }
0x63: {  	_ =	shalt  }
0x64: {  	_ =	shalt  }
0x65: {  	_ =	shalt  }
0x66: {  	_ =	shalt  }
0x67: {  	_ =	shalt  }
0x68: {  	_ =	shalt  }
0x69: {  	_ =	shalt  }
0x6a: {  	_ =	shalt  }
0x6b: {  	_ =	shalt  }
0x6c: {  	_ =	shalt  }
0x6d: {  	_ =	shalt  }
0x6e: {  	_ =	shalt  }
0x6f: {  	_ =	shalt  }
0x70: {  	_ =	shalt  }
0x71: {  	_ =	shalt  }
0x72: {  	_ =	shalt  }
0x73: {  	_ =	shalt  }
0x74: {  	_ =	shalt  }
0x75: {  	_ =	shalt  }
0x76: {  	_ =	shalt  }
0x77: {  	_ =	shalt  }
0x78: {  	_ =	shalt  }
0x79: {  	_ =	shalt  }
0x7a: {  	_ =	shalt  }
0x7b: {  	_ =	shalt  }
0x7c: {  	_ =	shalt  }
0x7d: {  	_ =	shalt  }
0x7e: {  	_ =	shalt  }
0x7f: {  	_ =	shalt  }
0x80: {  	_ =	shalt  }
0x81: {  	_ =	shalt  }
0x82: {  	_ =	shalt  }
0x83: {  	_ =	shalt  }
0x84: {  	_ =	shalt  }
0x85: {  	_ =	shalt  }
0x86: {  	_ =	shalt  }
0x87: {  	_ =	shalt  }
.Lfunc_end0:
.L_simem_size_0:
called_computation.1_lowered:
.L_overlay_start_0:
0x88: {  	s2 =	sld [smem:$0x3FD9]  }
0x89: {  	s3 =	sld [smem:$0x3FFE];
	_ =	sdelay $0x1  }
0x8a: {  	s1 =	srdreg.scid  }
0x8b: {  	s0 =	sand.u32 $0x1, s1  }
0x8c: {  	s17 =	sshll.u32 s0, $0xA;
	s2 =	sadd.s32 s3, s2  }
0x8d: {  	s2 =	sadd.s32 s2, s17  }
0x8e: {  	[smem:$0x3FBD] =	sst s2  }
0x8f: {  	_ = 	snop  }
0x90: {  	s2 =	sld [smem:$0x3FD0];
	(tm) =	ssettm $0x1  }
0x91: {  	s18 =	sld [smem:$0x3FFB];
	_ =	sdelay $0x3  }
0x92: {  	_ =	strace s18  }
0x93: {  	s3 =	sld [smem:$0x3FFC];
	_ =	sdelay $0x3  }
0x94: {  	_ =	strace s3  }
0x95: {  	s3 =	sld [smem:$0x3FFD];
	_ =	sdelay $0x3  }
0x96: {  	_ =	strace s3  }
0x97: {  	_ =	strace $0x8FFFFFFF  }
0x98: {  	s19 =	sld [smem:$0x3FDB];
	_ =	sdelay $0x1  }
0x99: {  	s4 =	simm.s32 $_scs_section_size  }
0x9a: {  	s5 =	simm.s32 $_size__tile_overlayer_lowered;
	s6 =	simm.s32 $_tile_overlayer_lowered  }
0x9b: {  	s22 =	simm.s32 $0x1BFF;
	s21 =	sshll.u32 s6, $0x1;
	s3 =	sadd.s32 s4, s19  }
0x9c: {  	s7 =	simm.s32 $0x0;
	s20 =	sshll.u32 s5, $0x1;
	s5 =	sadd.s32 s21, s3  }
0x9d: {  	[timem:s7], [sflag:s22] =	dma.local [hbm:s5], s20  }
0x9e: {  	_ =	swait.ge [sflag:s22], s20  }
0x9f: {  	s4 =	ssub.s32 $0x0, s20;
	[sflag:s22] =	ssyncset.done $0x0  }
0xa0: {  	[sflag:s22] =	ssyncadd.s32 s4;
	_ =	sdelay $0x1  }
0xa1: {  	s23 =	simm.s32 $0x1B8B  }
0xa2: {  	_ =	swait.ge [sflag:s23], $0x1  }
0xa3: {  	[sflag:s23] =	ssyncset.done $0x0  }
0xa4: {  	s25 =	simm.s32 $0x1B8E;
	s24 =	sld [smem:$0x3FFE];
	[sflag:s23] =	ssyncadd.s32 $0xFFFFFFFF  }
0xa5: {  	s26 =	simm.s32 $execute0_lowered;
	[smem:$0x3FD2] =	sst s25  }
0xa6: {  	s5 =	sshll.u32 s26, $0x1;
	_ =	strace $0x80000049;
	[dreg:$0x1] =	wrdreg $0xFFFFFFFF  }
0xa7: {  	s28 =	simm.s32 $_size_execute0_lowered;
	s3 =	sadd.s32 s3, s5;
	[dreg:$0x0] =	wrdreg $0x0  }
0xa8: {  	s5 =	sshll.u32 s28, $0x1;
	[dreg:$0x2] =	wrdreg s3  }
0xa9: {  	[dreg:$0x3] =	wrdreg s5  }
0xaa: {  	[dreg:$0x4] =	wrdreg $0xC0  }
0xab: {  	_ =	task [dreg:s7], $0x5FFFF  }
0xac: {  	[dreg:$0x1] =	wrdreg $0xFFFFFFFF  }
0xad: {  	[dreg:$0x0] =	wrdreg $0x60  }
0xae: {  	[dreg:$0x2] =	wrdreg s24  }
0xaf: {  	[dreg:$0x3] =	wrdreg s2  }
0xb0: {  	[dreg:$0x4] =	wrdreg $0xF3200  }
0xb1: {  	[dreg:$0x5] =	wrdreg $0x143200  }
0xb2: {  	[dreg:$0x6] =	wrdreg $0x9  }
0xb3: {  	_ =	task.clear_ibuf [dreg:s7], $0x7FFFF;
	_ =	strace $0x90000049  }
0xb4: {  	s29 =	simm.s32 $0x9;
	_ =	strace $0x8000004B  }
0xb5: {  	_ =	swait.ge [sflag:s29], $0x1  }
0xb6: {  	[sflag:s29] =	ssyncadd.s32 $0xFFFFFFFF  }
0xb7: {  	_ =	strace $0x9000004B  }
0xb8: {  	_ =	sfence  }
0xb9: {  	s30 =	sld [smem:$0x0];
	_ =	sdelay $0x2  }
0xba: {  	s31 =	sshll.u32 s1, $0xD;
	s1 =	sshrl.u32 s1, $0x2  }
0xbb: {  	s3 =	sand.u32 $0x4000, s31;
	s1 =	sadd.s32 s1, s30  }
0xbc: {  	s0 =	sor.u32 s3, s0;
	s1 =	sshll.u32 s1, $0x11  }
0xbd: {  	s0 =	sor.u32 s1, s0  }
0xbe: {  	s0 =	sadd.s32 $0x8F2B, s0  }
0xbf: {  	[sflag:s0] =	ssyncadd.remote.s32 $0x1  }
0xc0: {  	_ =	sfence.sel $0xFFFF  }
0xc1: {  	[dreg:$0x0] =	wrdreg $0xFFFFFFFF;
	(pc) =	sbr.abs _section_cstart, $3  }
0xc2: {  	[dreg:$0x1] =	wrdreg $0xFFFFFFFF  }
0xc3: {  	_ =	task.clear_ibuf [dreg:s7], $0x2FFFF;
	_ =	strace $0x9FFFFFFF  }
0xc4: {  	(tm) =	ssettm $0x7FFFFFFF  }
0xc5: {  	_ =	shalt  }
tec
execute0_lowered:
.L_overlay_start_1:
0x0: {  	(tag) =	ssettag $0x1  }
0x1: {  	s0 =	rddreg [dreg:$0x0]  }
0x2: {  	s1 =	rddreg [dreg:$0x1]  }
0x3: {  	s2 =	rddreg [dreg:$0x2]  }
0x4: {  	s3 =	rddreg [dreg:$0x3];
	s11 =	stileid.u32  }
0x5: {  	s4 =	srdreg.scid;
	s7 =	smul.u32 $0xA00, s11  }
0x6: {  	s6 =	simm.s32 $0x0;
	s4 =	sand.u32 $0x1, s4;
	s8 =	smul.u32 $0x14000, s11  }
0x7: {  	[smem:$0x7FF] =	sst s6;
	s26 =	smul.u32 $0x50000, s4;
	s4 =	ssub.s32 $0x2, s4  }
0x8: {  	_ =	strace $0x8000004A;
	s9 =	sadd.s32 s7, s0;
	s10 =	sshrl.u32 s4, $0x1  }
0x9: {  	s31 =	sshrl.u32 s8, $0x2;
	s1 =	sadd.s32 s1, s7;
	s4 =	ssub.s32 s4, s10  }
0xa: {  	[dreg:$0x5] =	wrdreg s1;
	s10 =	sadd.s32 s31, s3;
	s12 =	sadd.s32 $0x4000, s9  }
0xb: {  	[dreg:$0x6] =	wrdreg s12;
	s13 =	sadd.s32 $0x500, s10  }
0xc: {  	s14 =	sadd.s32 $0xA00, s10;
	[dreg:$0x7] =	wrdreg s13  }
0xd: {  	s5 =	smul.u32 $0x5000, s11;
	s15 =	sadd.s32 $0xF00, s10;
	[dreg:$0x8] =	wrdreg s14  }
0xe: {  	s30 =	simm.s32 $0xC;
	s16 =	sadd.s32 $0x1400, s10;
	[dreg:$0x9] =	wrdreg s15  }
0xf: {  	s8 =	sadd.s32 s5, s2;
	s17 =	sadd.s32 $0x1900, s10;
	[dreg:$0xa] =	wrdreg s16  }
0x10: {  	s7 =	sadd.s32 s5, s3;
	s18 =	sadd.s32 $0x1E00, s10;
	[dreg:$0xb] =	wrdreg s17  }
0x11: {  	s6 =	sadd.s32 s5, s26;
	s19 =	sadd.s32 $0x2300, s10;
	[dreg:$0xc] =	wrdreg s18  }
0x12: {  	s28 =	sshrl.u32 s8, $0x3;
	s20 =	sadd.s32 $0x2800, s10;
	[dreg:$0xd] =	wrdreg s19  }
0x13: {  	s5 =	simm.s32 $0xA000;
	s21 =	sadd.s32 $0x2D00, s10;
	[dreg:$0xe] =	wrdreg s20  }
0x14: {  	s8 =	simm.s32 $0xBF40;
	s22 =	sadd.s32 $0x3200, s10;
	[dreg:$0xf] =	wrdreg s21  }
0x15: {  	s9 =	simm.s32 $0xCEE0;
	s23 =	sadd.s32 $0x3700, s10;
	[dreg:$0x10] =	wrdreg s22  }
0x16: {  	s6 =	sshrl.u32 s6, $0x3;
	s24 =	sadd.s32 $0x3C00, s10;
	[dreg:$0x11] =	wrdreg s23  }
0x17: {  	s25 =	sadd.s32 $0x4100, s10;
	s26 =	sadd.s32 $0x4600, s10;
	[dreg:$0x12] =	wrdreg s24  }
0x18: {  	s1 =	sadd.s32 $0x4B00, s10;
	s10 =	simm.s32 $0x1;
	[dreg:$0x13] =	wrdreg s25  }
0x19: {  	s12 =	simm.s32 $0x2;
	s0 =	sadd.s32 s6, s0;
	[dreg:$0x14] =	wrdreg s26  }
0x1a: {  	[dreg:$0x15] =	wrdreg s1;
	s25 =	smax.u32 s4, $0x1;
	s26 =	sshll.u32 s11, $0x6  }
0x1b: {  	s1 =	simm.s32 $0xB;
	s4 =	simm.s32 $0x7D;
	s6 =	simm.s32 $0xAFA0  }
0x1c: {  	s11 =	simm.s32 $0xDE80;
	s13 =	simm.s32 $0x6;
	s14 =	simm.s32 $0x3  }
0x1d: {  	s15 =	simm.s32 $0x7;
	s16 =	simm.s32 $0x4;
	s17 =	simm.s32 $0x8  }
0x1e: {  	s18 =	simm.s32 $0x5;
	s19 =	simm.s32 $0x9;
	s20 =	simm.s32 $0xA  }
0x1f: {  	s21 =	simm.s32 $0x0;
	s31 =	sadd.s32 $0xFCE00, s0;
	s24 =	sadd.s32 $0x5EA00, s0  }
0x20: {  	v0 =	vimm.f32 $0.0e+00;
	s29 =	sor.u32 $0x1C0B, s26;
	s0 =	simm.s32 $0xEE20;
	[dreg:$0x16] =	wrdreg s31  }
.LBB2_1:
0x21: {  	s22 =	rddreg [dreg:$0x16]  }
0x22: {  	[spmem:s28], [sflag:s29] =	dma.local [hbm:s22], $0xA00  }
0x23: {  	s22 =	simm.s32 $0x0;
	s23 =	rddreg [dreg:$0x5]  }
0x24: {  	[tilespmem:s22], [sflag:$0xC] =	stream.linear.gather [hbm4b:s23+s22], $0x5000, $0x38;
	[tilespmem:$0x19320] =	vst v63  }
0x25: {  	_ =	swait.ge [sflag:s30], $0x5000  }
0x26: {  	[sflag:s30] =	ssyncset.done $0x0  }
0x27: {  	s31 =	simm.s32 $0x5000;
	s23 =	rddreg [dreg:$0x6];
	[sflag:s30] =	ssyncadd.s32 $0xFFFFB000  }
0x28: {  	[tilespmem:s31], [sflag:$0xC] =	stream.linear.gather [hbm4b:s23+s22], $0x5000, $0x38;
	[tilespmem:$0x19320] =	vst v63  }
0x29: {  	_ =	swait.ge [sflag:s30], $0x5000  }
0x2a: {  	[sflag:s30] =	ssyncset.done $0x0  }
0x2b: {  	s22 =	simm.s32 $0x80;
	s23 =	simm.s32 $0x0;
	[sflag:s30] =	ssyncadd.s32 $0xFFFFB000  }
.LBB2_2:
0x2c: {  	p0 =	sne.s32 s22, $0x1380;
	[tilespmem:s23+$0xEE20] =	vst v0;
	s31 =	smov.u32 s22;
	s22 =	sadd.s32 $0x80, s22  }
.Ltmp0:
0x2d: {  	[tilespmem:s23+$0xEE30] =	vst v0;
	(pc) =	sbr.rel @p0 .LBB2_2-.Ltmp0, $2  }
0x2e: {  	_ =	sdelay $0x2  }
0x2f: {  	s23 =	sshra.s32 s31, $0x2  }
0x30: {  	[tilespmem:s23+$0xEE20] =	vst v0  }
0x31: {  	[tilespmem:s23+$0xEE30] =	vst v0  }
0x32: {  	[spmem:s7] =	stream.linear.scatter [tilespmem:s0], [sflag:$0xC], $0x500, $0x38;
	[tilespmem:$0x19320] =	vst v63  }
0x33: {  	_ =	swait.ge [sflag:s30], $0x500  }
0x34: {  	[sflag:s30] =	ssyncset.done $0x0  }
0x35: {  	s22 =	rddreg [dreg:$0x7];
	[sflag:s30] =	ssyncadd.s32 $0xFFFFFB00  }
0x36: {  	[spmem:s22] =	stream.linear.scatter [tilespmem:s0], [sflag:$0xC], $0x500, $0x38;
	[tilespmem:$0x19320] =	vst v63  }
0x37: {  	_ =	swait.ge [sflag:s30], $0x500  }
0x38: {  	[sflag:s30] =	ssyncset.done $0x0  }
0x39: {  	s23 =	rddreg [dreg:$0x8];
	[sflag:s30] =	ssyncadd.s32 $0xFFFFFB00  }
0x3a: {  	[spmem:s23] =	stream.linear.scatter [tilespmem:s0], [sflag:$0xC], $0x500, $0x38;
	[tilespmem:$0x19320] =	vst v63  }
0x3b: {  	_ =	swait.ge [sflag:s30], $0x500  }
0x3c: {  	[sflag:s30] =	ssyncset.done $0x0  }
0x3d: {  	s31 =	rddreg [dreg:$0x9];
	[sflag:s30] =	ssyncadd.s32 $0xFFFFFB00  }
0x3e: {  	[spmem:s31] =	stream.linear.scatter [tilespmem:s0], [sflag:$0xC], $0x500, $0x38;
	[tilespmem:$0x19320] =	vst v63  }
0x3f: {  	_ =	swait.ge [sflag:s30], $0x500  }
0x40: {  	[sflag:s30] =	ssyncset.done $0x0  }
0x41: {  	s23 =	rddreg [dreg:$0xa];
	[sflag:s30] =	ssyncadd.s32 $0xFFFFFB00  }
0x42: {  	[spmem:s23] =	stream.linear.scatter [tilespmem:s0], [sflag:$0xC], $0x500, $0x38;
	[tilespmem:$0x19320] =	vst v63  }
0x43: {  	_ =	swait.ge [sflag:s30], $0x500  }
0x44: {  	[sflag:s30] =	ssyncset.done $0x0  }
0x45: {  	s31 =	rddreg [dreg:$0xb];
	[sflag:s30] =	ssyncadd.s32 $0xFFFFFB00  }
0x46: {  	[spmem:s31] =	stream.linear.scatter [tilespmem:s0], [sflag:$0xC], $0x500, $0x38;
	[tilespmem:$0x19320] =	vst v63  }
0x47: {  	_ =	swait.ge [sflag:s30], $0x500  }
0x48: {  	[sflag:s30] =	ssyncset.done $0x0  }
0x49: {  	s23 =	rddreg [dreg:$0xc];
	[sflag:s30] =	ssyncadd.s32 $0xFFFFFB00  }
0x4a: {  	[spmem:s23] =	stream.linear.scatter [tilespmem:s0], [sflag:$0xC], $0x500, $0x38;
	[tilespmem:$0x19320] =	vst v63  }
0x4b: {  	_ =	swait.ge [sflag:s30], $0x500  }
0x4c: {  	[sflag:s30] =	ssyncset.done $0x0  }
0x4d: {  	s31 =	rddreg [dreg:$0xd];
	[sflag:s30] =	ssyncadd.s32 $0xFFFFFB00  }
0x4e: {  	[spmem:s31] =	stream.linear.scatter [tilespmem:s0], [sflag:$0xC], $0x500, $0x38;
	[tilespmem:$0x19320] =	vst v63  }
0x4f: {  	_ =	swait.ge [sflag:s30], $0x500  }
0x50: {  	[sflag:s30] =	ssyncset.done $0x0  }
0x51: {  	s23 =	rddreg [dreg:$0xe];
	[sflag:s30] =	ssyncadd.s32 $0xFFFFFB00  }
0x52: {  	[spmem:s23] =	stream.linear.scatter [tilespmem:s0], [sflag:$0xC], $0x500, $0x38;
	[tilespmem:$0x19320] =	vst v63  }
0x53: {  	_ =	swait.ge [sflag:s30], $0x500  }
0x54: {  	[sflag:s30] =	ssyncset.done $0x0  }
0x55: {  	s31 =	rddreg [dreg:$0xf];
	[sflag:s30] =	ssyncadd.s32 $0xFFFFFB00  }
0x56: {  	[spmem:s31] =	stream.linear.scatter [tilespmem:s0], [sflag:$0xC], $0x500, $0x38;
	[tilespmem:$0x19320] =	vst v63  }
0x57: {  	_ =	swait.ge [sflag:s30], $0x500  }
0x58: {  	[sflag:s30] =	ssyncset.done $0x0  }
0x59: {  	s23 =	rddreg [dreg:$0x10];
	[sflag:s30] =	ssyncadd.s32 $0xFFFFFB00  }
0x5a: {  	[spmem:s23] =	stream.linear.scatter [tilespmem:s0], [sflag:$0xC], $0x500, $0x38;
	[tilespmem:$0x19320] =	vst v63  }
0x5b: {  	_ =	swait.ge [sflag:s30], $0x500  }
0x5c: {  	[sflag:s30] =	ssyncset.done $0x0  }
0x5d: {  	s31 =	rddreg [dreg:$0x11];
	[sflag:s30] =	ssyncadd.s32 $0xFFFFFB00  }
0x5e: {  	[spmem:s31] =	stream.linear.scatter [tilespmem:s0], [sflag:$0xC], $0x500, $0x38;
	[tilespmem:$0x19320] =	vst v63  }
0x5f: {  	_ =	swait.ge [sflag:s30], $0x500  }
0x60: {  	[sflag:s30] =	ssyncset.done $0x0  }
0x61: {  	s23 =	rddreg [dreg:$0x12];
	[sflag:s30] =	ssyncadd.s32 $0xFFFFFB00  }
0x62: {  	[spmem:s23] =	stream.linear.scatter [tilespmem:s0], [sflag:$0xC], $0x500, $0x38;
	[tilespmem:$0x19320] =	vst v63  }
0x63: {  	_ =	swait.ge [sflag:s30], $0x500  }
0x64: {  	[sflag:s30] =	ssyncset.done $0x0  }
0x65: {  	s31 =	rddreg [dreg:$0x13];
	[sflag:s30] =	ssyncadd.s32 $0xFFFFFB00  }
0x66: {  	[spmem:s31] =	stream.linear.scatter [tilespmem:s0], [sflag:$0xC], $0x500, $0x38;
	[tilespmem:$0x19320] =	vst v63  }
0x67: {  	_ =	swait.ge [sflag:s30], $0x500  }
0x68: {  	[sflag:s30] =	ssyncset.done $0x0  }
0x69: {  	s23 =	rddreg [dreg:$0x14];
	[sflag:s30] =	ssyncadd.s32 $0xFFFFFB00  }
0x6a: {  	[spmem:s23] =	stream.linear.scatter [tilespmem:s0], [sflag:$0xC], $0x500, $0x38;
	[tilespmem:$0x19320] =	vst v63  }
0x6b: {  	_ =	swait.ge [sflag:s30], $0x500  }
0x6c: {  	[sflag:s30] =	ssyncset.done $0x0  }
0x6d: {  	s31 =	rddreg [dreg:$0x15];
	[sflag:s30] =	ssyncadd.s32 $0xFFFFFB00  }
0x6e: {  	[spmem:s31] =	stream.linear.scatter [tilespmem:s0], [sflag:$0xC], $0x500, $0x38;
	[tilespmem:$0x19320] =	vst v63  }
0x6f: {  	_ =	swait.ge [sflag:s30], $0x500  }
0x70: {  	[sflag:s30] =	ssyncset.done $0x0  }
0x71: {  	[sflag:s30] =	ssyncadd.s32 $0xFFFFFB00  }
0x72: {  	_ =	swait.ge [sflag:s1], $0xA00  }
0x73: {  	[sflag:s1] =	ssyncset.done $0x0  }
0x74: {  	[sflag:s1] =	ssyncadd.s32 $0xFFFFF600  }
0x75: {  	s23 =	simm.s32 $0x0;
	[bflag:$0x0] =	sbarrier.arrive $0xFFFF  }
0x76: {  	[tilespmem:s5], [sflag:$0x1] =	stream.indirect.gather [spmem:s2], $0x20, s23, s4, $0xb8;
	[tilespmem:$0x19320] =	vst v63  }
0x77: {  	s31 =	simm.s32 $0x80  }
0x78: {  	[tilespmem:s6], [sflag:$0x2] =	stream.indirect.gather [spmem:s2], $0x20, s31, s4, $0xb8;
	[tilespmem:$0x19320] =	vst v63  }
0x79: {  	s23 =	simm.s32 $0x100  }
0x7a: {  	[tilespmem:s8], [sflag:$0x3] =	stream.indirect.gather [spmem:s2], $0x20, s23, s4, $0xb8;
	[tilespmem:$0x19320] =	vst v63  }
0x7b: {  	s31 =	simm.s32 $0x180  }
0x7c: {  	[tilespmem:s9], [sflag:$0x4] =	stream.indirect.gather [spmem:s2], $0x20, s31, s4, $0xb8;
	[tilespmem:$0x19320] =	vst v63  }
0x7d: {  	_ =	swait.ge [sflag:s10], $0xFA0  }
0x7e: {  	[sflag:s10] =	ssyncset.done $0x0  }
0x7f: {  	s23 =	simm.s32 $0x5000;
	[sflag:s10] =	ssyncadd.s32 $0xFFFFF060  }
0x80: {  	[spmem:s3] =	stream.indirect.scatter.add.f32 [tilespmem:s5], [sflag:$0x6], $0x20, s23, s4, $0xb8;
	[tilespmem:$0x19320] =	vst v63  }
0x81: {  	s31 =	simm.s32 $0x200  }
0x82: {  	[tilespmem:s11], [sflag:$0x5] =	stream.indirect.gather [spmem:s2], $0x20, s31, s4, $0xb8;
	[tilespmem:$0x19320] =	vst v63  }
0x83: {  	_ =	swait.ge [sflag:s12], $0xFA0  }
0x84: {  	[sflag:s12] =	ssyncset.done $0x0  }
0x85: {  	s23 =	simm.s32 $0x5080;
	[sflag:s12] =	ssyncadd.s32 $0xFFFFF060  }
0x86: {  	[spmem:s3] =	stream.indirect.scatter.add.f32 [tilespmem:s6], [sflag:$0x7], $0x20, s23, s4, $0xb8;
	[tilespmem:$0x19320] =	vst v63  }
0x87: {  	_ =	swait.ge [sflag:s13], $0xFA0  }
0x88: {  	[sflag:s13] =	ssyncset.done $0x0  }
0x89: {  	s31 =	simm.s32 $0x280;
	[sflag:s13] =	ssyncadd.s32 $0xFFFFF060  }
0x8a: {  	[tilespmem:s5], [sflag:$0x1] =	stream.indirect.gather [spmem:s2], $0x20, s31, s4, $0xb8;
	[tilespmem:$0x19320] =	vst v63  }
0x8b: {  	_ =	swait.ge [sflag:s14], $0xFA0  }
0x8c: {  	[sflag:s14] =	ssyncset.done $0x0  }
0x8d: {  	s23 =	simm.s32 $0x5100;
	[sflag:s14] =	ssyncadd.s32 $0xFFFFF060  }
0x8e: {  	[spmem:s3] =	stream.indirect.scatter.add.f32 [tilespmem:s8], [sflag:$0x8], $0x20, s23, s4, $0xb8;
	[tilespmem:$0x19320] =	vst v63  }
0x8f: {  	_ =	swait.ge [sflag:s15], $0xFA0  }
0x90: {  	[sflag:s15] =	ssyncset.done $0x0  }
0x91: {  	s31 =	simm.s32 $0x300;
	[sflag:s15] =	ssyncadd.s32 $0xFFFFF060  }
0x92: {  	[tilespmem:s6], [sflag:$0x2] =	stream.indirect.gather [spmem:s2], $0x20, s31, s4, $0xb8;
	[tilespmem:$0x19320] =	vst v63  }
0x93: {  	_ =	swait.ge [sflag:s16], $0xFA0  }
0x94: {  	[sflag:s16] =	ssyncset.done $0x0  }
0x95: {  	s23 =	simm.s32 $0x5180;
	[sflag:s16] =	ssyncadd.s32 $0xFFFFF060  }
0x96: {  	[spmem:s3] =	stream.indirect.scatter.add.f32 [tilespmem:s9], [sflag:$0x9], $0x20, s23, s4, $0xb8;
	[tilespmem:$0x19320] =	vst v63  }
0x97: {  	_ =	swait.ge [sflag:s17], $0xFA0  }
0x98: {  	[sflag:s17] =	ssyncset.done $0x0  }
0x99: {  	s31 =	simm.s32 $0x380;
	[sflag:s17] =	ssyncadd.s32 $0xFFFFF060  }
0x9a: {  	[tilespmem:s8], [sflag:$0x3] =	stream.indirect.gather [spmem:s2], $0x20, s31, s4, $0xb8;
	[tilespmem:$0x19320] =	vst v63  }
0x9b: {  	_ =	swait.ge [sflag:s18], $0xFA0  }
0x9c: {  	[sflag:s18] =	ssyncset.done $0x0  }
0x9d: {  	s23 =	simm.s32 $0x5200;
	[sflag:s18] =	ssyncadd.s32 $0xFFFFF060  }
0x9e: {  	[spmem:s3] =	stream.indirect.scatter.add.f32 [tilespmem:s11], [sflag:$0xA], $0x20, s23, s4, $0xb8;
	[tilespmem:$0x19320] =	vst v63  }
0x9f: {  	_ =	swait.ge [sflag:s19], $0xFA0  }
0xa0: {  	[sflag:s19] =	ssyncset.done $0x0  }
0xa1: {  	s31 =	simm.s32 $0x400;
	[sflag:s19] =	ssyncadd.s32 $0xFFFFF060  }
0xa2: {  	[tilespmem:s9], [sflag:$0x4] =	stream.indirect.gather [spmem:s2], $0x20, s31, s4, $0xb8;
	[tilespmem:$0x19320] =	vst v63  }
0xa3: {  	_ =	swait.ge [sflag:s10], $0xFA0  }
0xa4: {  	[sflag:s10] =	ssyncset.done $0x0  }
0xa5: {  	s23 =	simm.s32 $0x5280;
	[sflag:s10] =	ssyncadd.s32 $0xFFFFF060  }
0xa6: {  	[spmem:s3] =	stream.indirect.scatter.add.f32 [tilespmem:s5], [sflag:$0x6], $0x20, s23, s4, $0xb8;
	[tilespmem:$0x19320] =	vst v63  }
0xa7: {  	_ =	swait.ge [sflag:s20], $0xFA0  }
0xa8: {  	[sflag:s20] =	ssyncset.done $0x0  }
0xa9: {  	s31 =	simm.s32 $0x480;
	[sflag:s20] =	ssyncadd.s32 $0xFFFFF060  }
0xaa: {  	[tilespmem:s11], [sflag:$0x5] =	stream.indirect.gather [spmem:s2], $0x20, s31, s4, $0xb8;
	[tilespmem:$0x19320] =	vst v63  }
0xab: {  	_ =	swait.ge [sflag:s12], $0xFA0  }
0xac: {  	[sflag:s12] =	ssyncset.done $0x0  }
0xad: {  	s23 =	simm.s32 $0x5300;
	[sflag:s12] =	ssyncadd.s32 $0xFFFFF060  }
0xae: {  	[spmem:s3] =	stream.indirect.scatter.add.f32 [tilespmem:s6], [sflag:$0x7], $0x20, s23, s4, $0xb8;
	[tilespmem:$0x19320] =	vst v63  }
0xaf: {  	_ =	swait.ge [sflag:s13], $0xFA0  }
0xb0: {  	[sflag:s13] =	ssyncset.done $0x0  }
0xb1: {  	s31 =	simm.s32 $0x500;
	[sflag:s13] =	ssyncadd.s32 $0xFFFFF060  }
0xb2: {  	[tilespmem:s5], [sflag:$0x1] =	stream.indirect.gather [spmem:s2], $0x20, s31, s4, $0xb8;
	[tilespmem:$0x19320] =	vst v63  }
0xb3: {  	_ =	swait.ge [sflag:s14], $0xFA0  }
0xb4: {  	[sflag:s14] =	ssyncset.done $0x0  }
0xb5: {  	s23 =	simm.s32 $0x5380;
	[sflag:s14] =	ssyncadd.s32 $0xFFFFF060  }
0xb6: {  	[spmem:s3] =	stream.indirect.scatter.add.f32 [tilespmem:s8], [sflag:$0x8], $0x20, s23, s4, $0xb8;
	[tilespmem:$0x19320] =	vst v63  }
0xb7: {  	_ =	swait.ge [sflag:s15], $0xFA0  }
0xb8: {  	[sflag:s15] =	ssyncset.done $0x0  }
0xb9: {  	s31 =	simm.s32 $0x580;
	[sflag:s15] =	ssyncadd.s32 $0xFFFFF060  }
0xba: {  	[tilespmem:s6], [sflag:$0x2] =	stream.indirect.gather [spmem:s2], $0x20, s31, s4, $0xb8;
	[tilespmem:$0x19320] =	vst v63  }
0xbb: {  	_ =	swait.ge [sflag:s16], $0xFA0  }
0xbc: {  	[sflag:s16] =	ssyncset.done $0x0  }
0xbd: {  	s23 =	simm.s32 $0x5400;
	[sflag:s16] =	ssyncadd.s32 $0xFFFFF060  }
0xbe: {  	[spmem:s3] =	stream.indirect.scatter.add.f32 [tilespmem:s9], [sflag:$0x9], $0x20, s23, s4, $0xb8;
	[tilespmem:$0x19320] =	vst v63  }
0xbf: {  	_ =	swait.ge [sflag:s17], $0xFA0  }
0xc0: {  	[sflag:s17] =	ssyncset.done $0x0  }
0xc1: {  	s31 =	simm.s32 $0x600;
	[sflag:s17] =	ssyncadd.s32 $0xFFFFF060  }
0xc2: {  	[tilespmem:s8], [sflag:$0x3] =	stream.indirect.gather [spmem:s2], $0x20, s31, s4, $0xb8;
	[tilespmem:$0x19320] =	vst v63  }
0xc3: {  	_ =	swait.ge [sflag:s18], $0xFA0  }
0xc4: {  	[sflag:s18] =	ssyncset.done $0x0  }
0xc5: {  	s22 =	simm.s32 $0xA00;
	s23 =	simm.s32 $0x5480;
	[sflag:s18] =	ssyncadd.s32 $0xFFFFF060  }
.LBB2_4:
0xc6: {  	[spmem:s3] =	stream.indirect.scatter.add.f32 [tilespmem:s11], [sflag:$0xA], $0x20, s23, s4, $0xb8;
	[tilespmem:$0x19320] =	vst v63  }
0xc7: {  	s23 =	smov.u32 s22;
	s22 =	sadd.s32 $0xA00, s22;
	_ =	swait.ge [sflag:s19], $0xFA0  }
0xc8: {  	s23 =	sshra.s32 s23, $0x2;
	p0 =	sne.s32 s22, $0x12C00;
	[sflag:s19] =	ssyncset.done $0x0  }
0xc9: {  	s31 =	sadd.s32 $0x400, s23;
	[sflag:s19] =	ssyncadd.s32 $0xFFFFF060  }
0xca: {  	[tilespmem:s9], [sflag:$0x4] =	stream.indirect.gather [spmem:s2], $0x20, s31, s4, $0xb8;
	[tilespmem:$0x19320] =	vst v63  }
0xcb: {  	_ =	swait.ge [sflag:s10], $0xFA0  }
0xcc: {  	[sflag:s10] =	ssyncset.done $0x0  }
0xcd: {  	s31 =	sadd.s32 $0x5280, s23;
	[sflag:s10] =	ssyncadd.s32 $0xFFFFF060  }
0xce: {  	[spmem:s3] =	stream.indirect.scatter.add.f32 [tilespmem:s5], [sflag:$0x6], $0x20, s31, s4, $0xb8;
	[tilespmem:$0x19320] =	vst v63  }
0xcf: {  	_ =	swait.ge [sflag:s20], $0xFA0  }
0xd0: {  	[sflag:s20] =	ssyncset.done $0x0  }
0xd1: {  	s31 =	sadd.s32 $0x480, s23;
	[sflag:s20] =	ssyncadd.s32 $0xFFFFF060  }
0xd2: {  	[tilespmem:s11], [sflag:$0x5] =	stream.indirect.gather [spmem:s2], $0x20, s31, s4, $0xb8;
	[tilespmem:$0x19320] =	vst v63  }
0xd3: {  	_ =	swait.ge [sflag:s12], $0xFA0  }
0xd4: {  	[sflag:s12] =	ssyncset.done $0x0  }
0xd5: {  	s31 =	sadd.s32 $0x5300, s23;
	[sflag:s12] =	ssyncadd.s32 $0xFFFFF060  }
0xd6: {  	[spmem:s3] =	stream.indirect.scatter.add.f32 [tilespmem:s6], [sflag:$0x7], $0x20, s31, s4, $0xb8;
	[tilespmem:$0x19320] =	vst v63  }
0xd7: {  	_ =	swait.ge [sflag:s13], $0xFA0  }
0xd8: {  	[sflag:s13] =	ssyncset.done $0x0  }
0xd9: {  	s31 =	sadd.s32 $0x500, s23;
	[sflag:s13] =	ssyncadd.s32 $0xFFFFF060  }
0xda: {  	[tilespmem:s5], [sflag:$0x1] =	stream.indirect.gather [spmem:s2], $0x20, s31, s4, $0xb8;
	[tilespmem:$0x19320] =	vst v63  }
0xdb: {  	_ =	swait.ge [sflag:s14], $0xFA0  }
0xdc: {  	[sflag:s14] =	ssyncset.done $0x0  }
0xdd: {  	s31 =	sadd.s32 $0x5380, s23;
	[sflag:s14] =	ssyncadd.s32 $0xFFFFF060  }
0xde: {  	[spmem:s3] =	stream.indirect.scatter.add.f32 [tilespmem:s8], [sflag:$0x8], $0x20, s31, s4, $0xb8;
	[tilespmem:$0x19320] =	vst v63  }
0xdf: {  	_ =	swait.ge [sflag:s15], $0xFA0  }
0xe0: {  	[sflag:s15] =	ssyncset.done $0x0  }
0xe1: {  	s31 =	sadd.s32 $0x580, s23;
	[sflag:s15] =	ssyncadd.s32 $0xFFFFF060  }
0xe2: {  	[tilespmem:s6], [sflag:$0x2] =	stream.indirect.gather [spmem:s2], $0x20, s31, s4, $0xb8;
	[tilespmem:$0x19320] =	vst v63  }
0xe3: {  	_ =	swait.ge [sflag:s16], $0xFA0  }
0xe4: {  	[sflag:s16] =	ssyncset.done $0x0  }
0xe5: {  	s31 =	sadd.s32 $0x5400, s23;
	[sflag:s16] =	ssyncadd.s32 $0xFFFFF060  }
0xe6: {  	[spmem:s3] =	stream.indirect.scatter.add.f32 [tilespmem:s9], [sflag:$0x9], $0x20, s31, s4, $0xb8;
	[tilespmem:$0x19320] =	vst v63  }
0xe7: {  	_ =	swait.ge [sflag:s17], $0xFA0  }
0xe8: {  	[sflag:s17] =	ssyncset.done $0x0  }
.Ltmp1:
0xe9: {  	s31 =	sadd.s32 $0x600, s23;
	[sflag:s17] =	ssyncadd.s32 $0xFFFFF060;
	(pc) =	sbr.rel @p0 .LBB2_4-.Ltmp1, $4  }
0xea: {  	[tilespmem:s8], [sflag:$0x3] =	stream.indirect.gather [spmem:s2], $0x20, s31, s4, $0xb8;
	[tilespmem:$0x19320] =	vst v63  }
0xeb: {  	_ =	swait.ge [sflag:s18], $0xFA0  }
0xec: {  	[sflag:s18] =	ssyncset.done $0x0  }
0xed: {  	s23 =	sadd.s32 $0x5480, s23;
	[sflag:s18] =	ssyncadd.s32 $0xFFFFF060  }
0xee: {  	[spmem:s3] =	stream.indirect.scatter.add.f32 [tilespmem:s11], [sflag:$0xA], $0x20, s23, s4, $0xb8;
	[tilespmem:$0x19320] =	vst v63  }
0xef: {  	_ =	swait.ge [sflag:s19], $0xFA0  }
0xf0: {  	s22 =	sshra.s32 s22, $0x2;
	[sflag:s19] =	ssyncset.done $0x0  }
0xf1: {  	s31 =	sadd.s32 $0x400, s22;
	[sflag:s19] =	ssyncadd.s32 $0xFFFFF060  }
0xf2: {  	[tilespmem:s9], [sflag:$0x4] =	stream.indirect.gather [spmem:s2], $0x20, s31, s4, $0xb8;
	[tilespmem:$0x19320] =	vst v63  }
0xf3: {  	_ =	swait.ge [sflag:s10], $0xFA0  }
0xf4: {  	[sflag:s10] =	ssyncset.done $0x0  }
0xf5: {  	s31 =	sadd.s32 $0x5280, s22;
	[sflag:s10] =	ssyncadd.s32 $0xFFFFF060  }
0xf6: {  	[spmem:s3] =	stream.indirect.scatter.add.f32 [tilespmem:s5], [sflag:$0x6], $0x20, s31, s4, $0xb8;
	[tilespmem:$0x19320] =	vst v63  }
0xf7: {  	_ =	swait.ge [sflag:s20], $0xFA0  }
0xf8: {  	[sflag:s20] =	ssyncset.done $0x0  }
0xf9: {  	s31 =	simm.s32 $0x4F80;
	[sflag:s20] =	ssyncadd.s32 $0xFFFFF060  }
0xfa: {  	[tilespmem:s11], [sflag:$0x5] =	stream.indirect.gather [spmem:s2], $0x20, s31, s4, $0xb8;
	[tilespmem:$0x19320] =	vst v63  }
0xfb: {  	_ =	swait.ge [sflag:s12], $0xFA0  }
0xfc: {  	[sflag:s12] =	ssyncset.done $0x0  }
0xfd: {  	s31 =	sadd.s32 $0x5300, s22;
	[sflag:s12] =	ssyncadd.s32 $0xFFFFF060  }
0xfe: {  	[spmem:s3] =	stream.indirect.scatter.add.f32 [tilespmem:s6], [sflag:$0x7], $0x20, s31, s4, $0xb8;
	[tilespmem:$0x19320] =	vst v63  }
0xff: {  	_ =	swait.ge [sflag:s14], $0xFA0  }
0x100: {  	[sflag:s14] =	ssyncset.done $0x0  }
0x101: {  	s31 =	sadd.s32 $0x5380, s22;
	[sflag:s14] =	ssyncadd.s32 $0xFFFFF060  }
0x102: {  	[spmem:s3] =	stream.indirect.scatter.add.f32 [tilespmem:s8], [sflag:$0x8], $0x20, s31, s4, $0xb8;
	[tilespmem:$0x19320] =	vst v63  }
0x103: {  	_ =	swait.ge [sflag:s16], $0xFA0  }
0x104: {  	[sflag:s16] =	ssyncset.done $0x0  }
0x105: {  	s22 =	sadd.s32 $0x5400, s22;
	[sflag:s16] =	ssyncadd.s32 $0xFFFFF060  }
0x106: {  	[spmem:s3] =	stream.indirect.scatter.add.f32 [tilespmem:s9], [sflag:$0x9], $0x20, s22, s4, $0xb8;
	[tilespmem:$0x19320] =	vst v63  }
0x107: {  	_ =	swait.ge [sflag:s18], $0xFA0  }
0x108: {  	[sflag:s18] =	ssyncset.done $0x0  }
0x109: {  	s31 =	simm.s32 $0x9F80;
	[sflag:s18] =	ssyncadd.s32 $0xFFFFF060  }
0x10a: {  	[spmem:s3] =	stream.indirect.scatter.add.f32 [tilespmem:s11], [sflag:$0xA], $0x20, s31, s4, $0xb8;
	[tilespmem:$0x19320] =	vst v63  }
0x10b: {  	_ =	swait.ge [sflag:s13], $0xFA0  }
0x10c: {  	[sflag:s13] =	ssyncset.done $0x0  }
0x10d: {  	[sflag:s13] =	ssyncadd.s32 $0xFFFFF060  }
0x10e: {  	_ =	swait.ge [sflag:s15], $0xFA0  }
0x10f: {  	[sflag:s15] =	ssyncset.done $0x0  }
0x110: {  	[sflag:s15] =	ssyncadd.s32 $0xFFFFF060  }
0x111: {  	_ =	swait.ge [sflag:s17], $0xFA0  }
0x112: {  	[sflag:s17] =	ssyncset.done $0x0  }
0x113: {  	[sflag:s17] =	ssyncadd.s32 $0xFFFFF060  }
0x114: {  	_ =	swait.ge [sflag:s19], $0xFA0  }
0x115: {  	[sflag:s19] =	ssyncset.done $0x0  }
0x116: {  	[sflag:s19] =	ssyncadd.s32 $0xFFFFF060  }
0x117: {  	_ =	swait.ge [sflag:s20], $0xFA0  }
0x118: {  	s21 =	sadd.s32 $0x1, s21;
	[sflag:s20] =	ssyncset.done $0x0  }
0x119: {  	s23 =	sor.u32 $0x1C0C, s26;
	p0 =	sne.s32 s21, s25;
	[sflag:s20] =	ssyncadd.s32 $0xFFFFF060  }
.Ltmp2:
0x11a: {  	s31 =	sshrl.u32 s7, $0x3;
	[bflag:$0x0] =	sbarrier.arrive $0xFFFF;
	(pc) =	sbr.rel @p0 .LBB2_1-.Ltmp2, $4  }
0x11b: {  	[hbm:s24], [sflag:s23] =	dma.local [spmem:s31], $0xA00  }
0x11c: {  	_ =	swait.ge [sflag:s30], $0xA00  }
0x11d: {  	[sflag:s30] =	ssyncset.done $0x0  }
0x11e: {  	[sflag:s30] =	ssyncadd.s32 $0xFFFFF600  }
0x11f: {  	_ =	sfence.sel $0x180000  }
0x120: {  	[bflag:$0x0] =	sbarrier.arrive $0xFFFF  }
0x121: {  	_ =	strace $0x9000004A  }
0x122: {  	s0 =	stileid.u32;
	[bflag:$0x2] =	sbarrier.arrive $0xFFFF  }
0x123: {  	p0 =	sne.s32 s0, $0x0;
	s0 =	rddreg [dreg:$0x4]  }
0x124: {  	s0 =	sadd.s32 @!p0 $0x100000, s0  }
0x125: {  	[sflag:s0] =	ssyncadd.tile.s32 @!p0 $0x1;
	_ =	shalt  }
.Lfunc_end2:
_tile_overlayer_lowered:
.L_overlay_start_2:
0x126: {  	(tag) =	ssettag $0x2  }
0x127: {  	s0 =	rddreg [dreg:$0x0];
	s2 =	stileid.u32  }
0x128: {  	s1 =	rddreg [dreg:$0x1];
	p0 =	sne.s32 s2, $0x0  }
0x129: {  	s3 =	rddreg [dreg:$0x2];
	[bflag:$0x3] =	sbarrier.arrive $0xFFFF;
	s2 =	simm.s32 @!p0 $0x1C0C  }
0x12a: {  	[timem:s3], [sflag:s2] =	dma.local @!p0 [hbm:s0], s1  }
0x12b: {  	s0 =	simm.s32 @!p0 $0xC  }
0x12c: {  	_ =	swait.ge @!p0 [sflag:s0], s1  }
0x12d: {  	s1 =	ssub.s32 @!p0 $0x0, s1;
	[sflag:s0] =	ssyncset.done @!p0 $0x0  }
0x12e: {  	[sflag:s0] =	ssyncadd.s32 @!p0 s1  }
0x12f: {  	[bflag:$0x3] =	sbarrier.arrive $0xFFFF  }
0x130: {  	_ =	shalt  }

// kernel: kernel.17.cloned.1.call-start
scs
__scs_entry_jumppad:
0x0: {  	(pc) =	sbr.rel $0x88, $3  }
0x1: {  	(tag) =	ssettag $0x0;
	lr =	simm.s32 $0x1  }
0x2: {  	[smem:$0x3F96] =	sst lr;
	_ =	strace $0xD0000000  }
0x3: {  	_ = 	snop  }
0x4: {  	_ = 	snop  }
0x5: {  	_ = 	snop  }
0x6: {  	_ = 	snop  }
0x7: {  	_ = 	snop  }
__scs_overlays_trampoline_lowered:
0x8: {  	[smem:$0x3FA5] =	sst s0  }
0x9: {  	[smem:$0x3FA6] =	sst s1  }
0xa: {  	[smem:$0x3FA7] =	sst s2  }
0xb: {  	[smem:$0x3FA8] =	sst s3  }
0xc: {  	[smem:$0x3FA9] =	sst s4  }
0xd: {  	[smem:$0x3FAA] =	sst s5  }
0xe: {  	[smem:$0x3FAB] =	sst s6  }
0xf: {  	[smem:$0x3FAC] =	sst s7  }
0x10: {  	[smem:$0x3FAD] =	sst s8  }
0x11: {  	[smem:$0x3FAE] =	sst s9;
	s0 =	simm.s32 @!p0 $0x0  }
0x12: {  	s1 =	sld [smem:$0x3F94];
	s0 =	simm.s32 @p0 $0x1  }
0x13: {  	[smem:$0x3FAF] =	sst s0;
	s0 =	simm.s32 @!p1 $0x0  }
0x14: {  	s2 =	sld [smem:$0x3F93];
	s0 =	simm.s32 @p1 $0x1  }
0x15: {  	[smem:$0x3FB0] =	sst s0;
	s0 =	simm.s32 @!p2 $0x0  }
0x16: {  	s3 =	sld [smem:$0x3FDB];
	s0 =	simm.s32 @p2 $0x1  }
0x17: {  	s4 =	simm.s32 $0x1BF5;
	[smem:$0x3FB2] =	sst s0  }
0x18: {  	s0 =	sld [smem:$0x3F95];
	_ =	swait.ge [sflag:s4], $0x0  }
0x19: {  	s7 =	sld [smem:$0x3F96]  }
0x1a: {  	s8 =	sadd.s32 $0xFFFFE003, lr  }
0x1b: {  	s9 =	sadd.s32 $0xFFFFFEF7, lr;
	s5 =	simm.s32 $0xFFFFFFFF;
	p2 =	slt.u32 s8, $0xFFFFF086  }
0x1c: {  	p1 =	slt.u32 s9, $0xF7A;
	s5 =	simm.s32 @!p2 $0x0  }
0x1d: {  	s5 =	simm.s32 @p1 $0x1;
	p0 =	seq.s32 s7, s2  }
0x1e: {  	s7 =	smul.u32 @!p0 $0xF7A, s2;
	p2 =	seq.s32 @!p0 s5, $0x0  }
0x1f: {  	s9 =	smul.u32 $0xF7A, s1;
	s8 =	simm.s32 @!p0 $0x1BF5;
	p2 =	por !p2, p0  }
0x20: {  	[sflag:s8] =	ssyncset.s32 @!p0 $0xFFFFF086;
	s6 =	sadd.s32 @!p0 s3, s7;
	s7 =	simm.s32 @!p0 $0x108  }
0x21: {  	s3 =	sadd.s32 s3, s9;
	s6 =	sadd.s32 @!p0 $0x88, s6;
	s7 =	simm.s32 @p2 $0x1082  }
0x22: {  	[simem:s7], [sflag:s8] =	dma.local @!p0 [hbm:s6], $0xF7A  }
0x23: {  	s9 =	sor.u32 $0xD0000000, s2;
	s6 =	simm.s32 $0x108;
	_ =	swait.ge @!p0 [sflag:s8], $0x0  }
0x24: {  	s3 =	sadd.s32 $0x88, s3;
	s6 =	simm.s32 @!p1 $0x1082;
	[sflag:s4] =	ssyncset.s32 $0xFFFFF086  }
0x25: {  	[simem:s6], [sflag:s4] =	dma.local [hbm:s3], $0xF7A  }
0x26: {  	[smem:$0x3F96] =	sst s1;
	(tag) =	ssettag s2;
	_ =	strace s9  }
0x27: {  	s1 =	sld [smem:$0x3FA6]  }
0x28: {  	s2 =	sld [smem:$0x3FA7]  }
0x29: {  	s4 =	sld [smem:$0x3FA9]  }
0x2a: {  	p0 =	seq.s32 s5, $0x0;
	s5 =	sld [smem:$0x3FAA]  }
0x2b: {  	s6 =	sld [smem:$0x3FAB]  }
0x2c: {  	s7 =	sld [smem:$0x3FAC]  }
0x2d: {  	s3 =	simm.s32 $0x108;
	s8 =	sld [smem:$0x3FAD]  }
0x2e: {  	s3 =	simm.s32 @!p0 $0x1082;
	s9 =	sld [smem:$0x3FAE]  }
0x2f: {  	lr =	sadd.s32 s0, s3;
	s0 =	sld [smem:$0x3FA5]  }
0x30: {  	s3 =	sld [smem:$0x3FA8]  }
0x31: {  	[smem:$0x3FB1] =	sst s10  }
0x32: {  	s10 =	sld [smem:$0x3FAF];
	_ =	sdelay $0x3  }
0x33: {  	p0 =	seq.s32 s10, $0x1;
	s10 =	sld [smem:$0x3FB1];
	_ =	sdelay $0x3  }
0x34: {  	[smem:$0x3FB1] =	sst s10  }
0x35: {  	s10 =	sld [smem:$0x3FB0];
	_ =	sdelay $0x3  }
0x36: {  	p1 =	seq.s32 s10, $0x1;
	s10 =	sld [smem:$0x3FB1];
	_ =	sdelay $0x3  }
0x37: {  	[smem:$0x3FB1] =	sst s10  }
0x38: {  	s10 =	sld [smem:$0x3FB2]  }
0x39: {  	_ = 	snop;
	(pc) =	sbr.ind lr, $3  }
0x3a: {  	_ = 	snop  }
0x3b: {  	_ = 	snop  }
0x3c: {  	p2 =	seq.s32 s10, $0x1;
	s10 =	sld [smem:$0x3FB1]  }
0x3d: {  	_ =	shalt  }
0x3e: {  	_ =	shalt  }
0x3f: {  	_ =	shalt  }
0x40: {  	_ =	shalt  }
0x41: {  	_ =	shalt  }
0x42: {  	_ =	shalt  }
0x43: {  	_ =	shalt  }
0x44: {  	_ =	shalt  }
0x45: {  	_ =	shalt  }
0x46: {  	_ =	shalt  }
0x47: {  	_ =	shalt  }
0x48: {  	_ =	shalt  }
0x49: {  	_ =	shalt  }
0x4a: {  	_ =	shalt  }
0x4b: {  	_ =	shalt  }
0x4c: {  	_ =	shalt  }
0x4d: {  	_ =	shalt  }
0x4e: {  	_ =	shalt  }
0x4f: {  	_ =	shalt  }
0x50: {  	_ =	shalt  }
0x51: {  	_ =	shalt  }
0x52: {  	_ =	shalt  }
0x53: {  	_ =	shalt  }
0x54: {  	_ =	shalt  }
0x55: {  	_ =	shalt  }
0x56: {  	_ =	shalt  }
0x57: {  	_ =	shalt  }
0x58: {  	_ =	shalt  }
0x59: {  	_ =	shalt  }
0x5a: {  	_ =	shalt  }
0x5b: {  	_ =	shalt  }
0x5c: {  	_ =	shalt  }
0x5d: {  	_ =	shalt  }
0x5e: {  	_ =	shalt  }
0x5f: {  	_ =	shalt  }
0x60: {  	_ =	shalt  }
0x61: {  	_ =	shalt  }
0x62: {  	_ =	shalt  }
0x63: {  	_ =	shalt  }
0x64: {  	_ =	shalt  }
0x65: {  	_ =	shalt  }
0x66: {  	_ =	shalt  }
0x67: {  	_ =	shalt  }
0x68: {  	_ =	shalt  }
0x69: {  	_ =	shalt  }
0x6a: {  	_ =	shalt  }
0x6b: {  	_ =	shalt  }
0x6c: {  	_ =	shalt  }
0x6d: {  	_ =	shalt  }
0x6e: {  	_ =	shalt  }
0x6f: {  	_ =	shalt  }
0x70: {  	_ =	shalt  }
0x71: {  	_ =	shalt  }
0x72: {  	_ =	shalt  }
0x73: {  	_ =	shalt  }
0x74: {  	_ =	shalt  }
0x75: {  	_ =	shalt  }
0x76: {  	_ =	shalt  }
0x77: {  	_ =	shalt  }
0x78: {  	_ =	shalt  }
0x79: {  	_ =	shalt  }
0x7a: {  	_ =	shalt  }
0x7b: {  	_ =	shalt  }
0x7c: {  	_ =	shalt  }
0x7d: {  	_ =	shalt  }
0x7e: {  	_ =	shalt  }
0x7f: {  	_ =	shalt  }
0x80: {  	_ =	shalt  }
0x81: {  	_ =	shalt  }
0x82: {  	_ =	shalt  }
0x83: {  	_ =	shalt  }
0x84: {  	_ =	shalt  }
0x85: {  	_ =	shalt  }
0x86: {  	_ =	shalt  }
0x87: {  	_ =	shalt  }
.Lfunc_end0:
.L_simem_size_0:
called_computation.2_lowered:
.L_overlay_start_0:
0x88: {  	s2 =	sld [smem:$0x3FD9]  }
0x89: {  	s3 =	sld [smem:$0x3FFE];
	_ =	sdelay $0x1  }
0x8a: {  	s1 =	srdreg.scid  }
0x8b: {  	s0 =	sand.u32 $0x1, s1  }
0x8c: {  	s17 =	sshll.u32 s0, $0xA;
	s2 =	sadd.s32 s3, s2  }
0x8d: {  	s2 =	sadd.s32 s2, s17  }
0x8e: {  	[smem:$0x3FBD] =	sst s2  }
0x8f: {  	_ = 	snop  }
0x90: {  	s2 =	sld [smem:$0x3FD0];
	(tm) =	ssettm $0x1  }
0x91: {  	s18 =	sld [smem:$0x3FFB];
	_ =	sdelay $0x3  }
0x92: {  	_ =	strace s18  }
0x93: {  	s3 =	sld [smem:$0x3FFC];
	_ =	sdelay $0x3  }
0x94: {  	_ =	strace s3  }
0x95: {  	s3 =	sld [smem:$0x3FFD];
	_ =	sdelay $0x3  }
0x96: {  	_ =	strace s3  }
0x97: {  	_ =	strace $0x8FFFFFFF  }
0x98: {  	s19 =	sld [smem:$0x3FDB];
	_ =	sdelay $0x1  }
0x99: {  	s4 =	simm.s32 $_scs_section_size  }
0x9a: {  	s5 =	simm.s32 $_size__tile_overlayer_lowered;
	s6 =	simm.s32 $_tile_overlayer_lowered  }
0x9b: {  	s22 =	simm.s32 $0x1BFF;
	s21 =	sshll.u32 s6, $0x1;
	s3 =	sadd.s32 s4, s19  }
0x9c: {  	s7 =	simm.s32 $0x0;
	s20 =	sshll.u32 s5, $0x1;
	s5 =	sadd.s32 s21, s3  }
0x9d: {  	[timem:s7], [sflag:s22] =	dma.local [hbm:s5], s20  }
0x9e: {  	_ =	swait.ge [sflag:s22], s20  }
0x9f: {  	s4 =	ssub.s32 $0x0, s20;
	[sflag:s22] =	ssyncset.done $0x0  }
0xa0: {  	[sflag:s22] =	ssyncadd.s32 s4;
	_ =	sdelay $0x1  }
0xa1: {  	s23 =	simm.s32 $0x1B8B  }
0xa2: {  	_ =	swait.ge [sflag:s23], $0x1  }
0xa3: {  	[sflag:s23] =	ssyncset.done $0x0  }
0xa4: {  	s25 =	simm.s32 $0x1B8E;
	s24 =	sld [smem:$0x3FFE];
	[sflag:s23] =	ssyncadd.s32 $0xFFFFFFFF  }
0xa5: {  	s26 =	simm.s32 $execute0_lowered;
	[smem:$0x3FD2] =	sst s25  }
0xa6: {  	s5 =	sshll.u32 s26, $0x1;
	_ =	strace $0x8000004C;
	[dreg:$0x1] =	wrdreg $0xFFFFFFFF  }
0xa7: {  	s28 =	simm.s32 $_size_execute0_lowered;
	s3 =	sadd.s32 s3, s5;
	[dreg:$0x0] =	wrdreg $0x0  }
0xa8: {  	s5 =	sshll.u32 s28, $0x1;
	[dreg:$0x2] =	wrdreg s3  }
0xa9: {  	[dreg:$0x3] =	wrdreg s5  }
0xaa: {  	[dreg:$0x4] =	wrdreg $0xC0  }
0xab: {  	_ =	task [dreg:s7], $0x5FFFF  }
0xac: {  	[dreg:$0x1] =	wrdreg $0xFFFFFFFF  }
0xad: {  	[dreg:$0x0] =	wrdreg $0x60  }
0xae: {  	[dreg:$0x2] =	wrdreg s24  }
0xaf: {  	[dreg:$0x3] =	wrdreg s2  }
0xb0: {  	[dreg:$0x4] =	wrdreg $0xF3200  }
0xb1: {  	[dreg:$0x5] =	wrdreg $0x143200  }
0xb2: {  	[dreg:$0x6] =	wrdreg $0x9  }
0xb3: {  	_ =	task.clear_ibuf [dreg:s7], $0x7FFFF;
	_ =	strace $0x9000004C  }
0xb4: {  	s29 =	simm.s32 $0x9;
	_ =	strace $0x8000004E  }
0xb5: {  	_ =	swait.ge [sflag:s29], $0x1  }
0xb6: {  	[sflag:s29] =	ssyncadd.s32 $0xFFFFFFFF  }
0xb7: {  	_ =	strace $0x9000004E  }
0xb8: {  	_ =	sfence  }
0xb9: {  	s30 =	sld [smem:$0x0];
	_ =	sdelay $0x2  }
0xba: {  	s31 =	sshll.u32 s1, $0xD;
	s1 =	sshrl.u32 s1, $0x2  }
0xbb: {  	s3 =	sand.u32 $0x4000, s31;
	s1 =	sadd.s32 s1, s30  }
0xbc: {  	s0 =	sor.u32 s3, s0;
	s1 =	sshll.u32 s1, $0x11  }
0xbd: {  	s0 =	sor.u32 s1, s0  }
0xbe: {  	s0 =	sadd.s32 $0x8F2B, s0  }
0xbf: {  	[sflag:s0] =	ssyncadd.remote.s32 $0x1  }
0xc0: {  	_ =	sfence.sel $0xFFFF  }
0xc1: {  	[dreg:$0x0] =	wrdreg $0xFFFFFFFF;
	(pc) =	sbr.abs _section_cstart, $3  }
0xc2: {  	[dreg:$0x1] =	wrdreg $0xFFFFFFFF  }
0xc3: {  	_ =	task.clear_ibuf [dreg:s7], $0x2FFFF;
	_ =	strace $0x9FFFFFFF  }
0xc4: {  	(tm) =	ssettm $0x7FFFFFFF  }
0xc5: {  	_ =	shalt  }
tec
execute0_lowered:
.L_overlay_start_1:
0x0: {  	(tag) =	ssettag $0x1  }
0x1: {  	s0 =	rddreg [dreg:$0x0]  }
0x2: {  	s1 =	rddreg [dreg:$0x1]  }
0x3: {  	s2 =	rddreg [dreg:$0x2]  }
0x4: {  	s3 =	rddreg [dreg:$0x3];
	s11 =	stileid.u32  }
0x5: {  	s4 =	srdreg.scid;
	s7 =	smul.u32 $0xA00, s11  }
0x6: {  	s6 =	simm.s32 $0x0;
	s4 =	sand.u32 $0x1, s4;
	s8 =	smul.u32 $0x14000, s11  }
0x7: {  	[smem:$0x7FF] =	sst s6;
	s26 =	smul.u32 $0x50000, s4;
	s4 =	ssub.s32 $0x2, s4  }
0x8: {  	_ =	strace $0x8000004D;
	s9 =	sadd.s32 s7, s0;
	s10 =	sshrl.u32 s4, $0x1  }
0x9: {  	s31 =	sshrl.u32 s8, $0x2;
	s1 =	sadd.s32 s1, s7;
	s4 =	ssub.s32 s4, s10  }
0xa: {  	[dreg:$0x5] =	wrdreg s1;
	s10 =	sadd.s32 s31, s3;
	s12 =	sadd.s32 $0x4000, s9  }
0xb: {  	[dreg:$0x6] =	wrdreg s12;
	s13 =	sadd.s32 $0x500, s10  }
0xc: {  	s14 =	sadd.s32 $0xA00, s10;
	[dreg:$0x7] =	wrdreg s13  }
0xd: {  	s5 =	smul.u32 $0x5000, s11;
	s15 =	sadd.s32 $0xF00, s10;
	[dreg:$0x8] =	wrdreg s14  }
0xe: {  	s30 =	simm.s32 $0xC;
	s16 =	sadd.s32 $0x1400, s10;
	[dreg:$0x9] =	wrdreg s15  }
0xf: {  	s8 =	sadd.s32 s5, s2;
	s17 =	sadd.s32 $0x1900, s10;
	[dreg:$0xa] =	wrdreg s16  }
0x10: {  	s7 =	sadd.s32 s5, s3;
	s18 =	sadd.s32 $0x1E00, s10;
	[dreg:$0xb] =	wrdreg s17  }
0x11: {  	s6 =	sadd.s32 s5, s26;
	s19 =	sadd.s32 $0x2300, s10;
	[dreg:$0xc] =	wrdreg s18  }
0x12: {  	s28 =	sshrl.u32 s8, $0x3;
	s20 =	sadd.s32 $0x2800, s10;
	[dreg:$0xd] =	wrdreg s19  }
0x13: {  	s5 =	simm.s32 $0xA000;
	s21 =	sadd.s32 $0x2D00, s10;
	[dreg:$0xe] =	wrdreg s20  }
0x14: {  	s8 =	simm.s32 $0xBF40;
	s22 =	sadd.s32 $0x3200, s10;
	[dreg:$0xf] =	wrdreg s21  }
0x15: {  	s9 =	simm.s32 $0xCEE0;
	s23 =	sadd.s32 $0x3700, s10;
	[dreg:$0x10] =	wrdreg s22  }
0x16: {  	s6 =	sshrl.u32 s6, $0x3;
	s24 =	sadd.s32 $0x3C00, s10;
	[dreg:$0x11] =	wrdreg s23  }
0x17: {  	s25 =	sadd.s32 $0x4100, s10;
	s26 =	sadd.s32 $0x4600, s10;
	[dreg:$0x12] =	wrdreg s24  }
0x18: {  	s1 =	sadd.s32 $0x4B00, s10;
	s10 =	simm.s32 $0x1;
	[dreg:$0x13] =	wrdreg s25  }
0x19: {  	s12 =	simm.s32 $0x2;
	s0 =	sadd.s32 s6, s0;
	[dreg:$0x14] =	wrdreg s26  }
0x1a: {  	[dreg:$0x15] =	wrdreg s1;
	s25 =	smax.u32 s4, $0x1;
	s26 =	sshll.u32 s11, $0x6  }
0x1b: {  	s1 =	simm.s32 $0xB;
	s4 =	simm.s32 $0x7D;
	s6 =	simm.s32 $0xAFA0  }
0x1c: {  	s11 =	simm.s32 $0xDE80;
	s13 =	simm.s32 $0x6;
	s14 =	simm.s32 $0x3  }
0x1d: {  	s15 =	simm.s32 $0x7;
	s16 =	simm.s32 $0x4;
	s17 =	simm.s32 $0x8  }
0x1e: {  	s18 =	simm.s32 $0x5;
	s19 =	simm.s32 $0x9;
	s20 =	simm.s32 $0xA  }
0x1f: {  	s21 =	simm.s32 $0x0;
	s31 =	sadd.s32 $0x10600, s0;
	s24 =	sadd.s32 $0x5EA00, s0  }
0x20: {  	v0 =	vimm.f32 $0.0e+00;
	s29 =	sor.u32 $0x1C0B, s26;
	s0 =	simm.s32 $0xEE20;
	[dreg:$0x16] =	wrdreg s31  }
.LBB2_1:
0x21: {  	s22 =	rddreg [dreg:$0x16]  }
0x22: {  	[spmem:s28], [sflag:s29] =	dma.local [hbm:s22], $0xA00  }
0x23: {  	s22 =	simm.s32 $0x0;
	s23 =	rddreg [dreg:$0x5]  }
0x24: {  	[tilespmem:s22], [sflag:$0xC] =	stream.linear.gather [hbm4b:s23+s22], $0x5000, $0x38;
	[tilespmem:$0x19320] =	vst v63  }
0x25: {  	_ =	swait.ge [sflag:s30], $0x5000  }
0x26: {  	[sflag:s30] =	ssyncset.done $0x0  }
0x27: {  	s31 =	simm.s32 $0x5000;
	s23 =	rddreg [dreg:$0x6];
	[sflag:s30] =	ssyncadd.s32 $0xFFFFB000  }
0x28: {  	[tilespmem:s31], [sflag:$0xC] =	stream.linear.gather [hbm4b:s23+s22], $0x5000, $0x38;
	[tilespmem:$0x19320] =	vst v63  }
0x29: {  	_ =	swait.ge [sflag:s30], $0x5000  }
0x2a: {  	[sflag:s30] =	ssyncset.done $0x0  }
0x2b: {  	s22 =	simm.s32 $0x80;
	s23 =	simm.s32 $0x0;
	[sflag:s30] =	ssyncadd.s32 $0xFFFFB000  }
.LBB2_2:
0x2c: {  	p0 =	sne.s32 s22, $0x1380;
	[tilespmem:s23+$0xEE20] =	vst v0;
	s31 =	smov.u32 s22;
	s22 =	sadd.s32 $0x80, s22  }
.Ltmp0:
0x2d: {  	[tilespmem:s23+$0xEE30] =	vst v0;
	(pc) =	sbr.rel @p0 .LBB2_2-.Ltmp0, $2  }
0x2e: {  	_ =	sdelay $0x2  }
0x2f: {  	s23 =	sshra.s32 s31, $0x2  }
0x30: {  	[tilespmem:s23+$0xEE20] =	vst v0  }
0x31: {  	[tilespmem:s23+$0xEE30] =	vst v0  }
0x32: {  	[spmem:s7] =	stream.linear.scatter [tilespmem:s0], [sflag:$0xC], $0x500, $0x38;
	[tilespmem:$0x19320] =	vst v63  }
0x33: {  	_ =	swait.ge [sflag:s30], $0x500  }
0x34: {  	[sflag:s30] =	ssyncset.done $0x0  }
0x35: {  	s22 =	rddreg [dreg:$0x7];
	[sflag:s30] =	ssyncadd.s32 $0xFFFFFB00  }
0x36: {  	[spmem:s22] =	stream.linear.scatter [tilespmem:s0], [sflag:$0xC], $0x500, $0x38;
	[tilespmem:$0x19320] =	vst v63  }
0x37: {  	_ =	swait.ge [sflag:s30], $0x500  }
0x38: {  	[sflag:s30] =	ssyncset.done $0x0  }
0x39: {  	s23 =	rddreg [dreg:$0x8];
	[sflag:s30] =	ssyncadd.s32 $0xFFFFFB00  }
0x3a: {  	[spmem:s23] =	stream.linear.scatter [tilespmem:s0], [sflag:$0xC], $0x500, $0x38;
	[tilespmem:$0x19320] =	vst v63  }
0x3b: {  	_ =	swait.ge [sflag:s30], $0x500  }
0x3c: {  	[sflag:s30] =	ssyncset.done $0x0  }
0x3d: {  	s31 =	rddreg [dreg:$0x9];
	[sflag:s30] =	ssyncadd.s32 $0xFFFFFB00  }
0x3e: {  	[spmem:s31] =	stream.linear.scatter [tilespmem:s0], [sflag:$0xC], $0x500, $0x38;
	[tilespmem:$0x19320] =	vst v63  }
0x3f: {  	_ =	swait.ge [sflag:s30], $0x500  }
0x40: {  	[sflag:s30] =	ssyncset.done $0x0  }
0x41: {  	s23 =	rddreg [dreg:$0xa];
	[sflag:s30] =	ssyncadd.s32 $0xFFFFFB00  }
0x42: {  	[spmem:s23] =	stream.linear.scatter [tilespmem:s0], [sflag:$0xC], $0x500, $0x38;
	[tilespmem:$0x19320] =	vst v63  }
0x43: {  	_ =	swait.ge [sflag:s30], $0x500  }
0x44: {  	[sflag:s30] =	ssyncset.done $0x0  }
0x45: {  	s31 =	rddreg [dreg:$0xb];
	[sflag:s30] =	ssyncadd.s32 $0xFFFFFB00  }
0x46: {  	[spmem:s31] =	stream.linear.scatter [tilespmem:s0], [sflag:$0xC], $0x500, $0x38;
	[tilespmem:$0x19320] =	vst v63  }
0x47: {  	_ =	swait.ge [sflag:s30], $0x500  }
0x48: {  	[sflag:s30] =	ssyncset.done $0x0  }
0x49: {  	s23 =	rddreg [dreg:$0xc];
	[sflag:s30] =	ssyncadd.s32 $0xFFFFFB00  }
0x4a: {  	[spmem:s23] =	stream.linear.scatter [tilespmem:s0], [sflag:$0xC], $0x500, $0x38;
	[tilespmem:$0x19320] =	vst v63  }
0x4b: {  	_ =	swait.ge [sflag:s30], $0x500  }
0x4c: {  	[sflag:s30] =	ssyncset.done $0x0  }
0x4d: {  	s31 =	rddreg [dreg:$0xd];
	[sflag:s30] =	ssyncadd.s32 $0xFFFFFB00  }
0x4e: {  	[spmem:s31] =	stream.linear.scatter [tilespmem:s0], [sflag:$0xC], $0x500, $0x38;
	[tilespmem:$0x19320] =	vst v63  }
0x4f: {  	_ =	swait.ge [sflag:s30], $0x500  }
0x50: {  	[sflag:s30] =	ssyncset.done $0x0  }
0x51: {  	s23 =	rddreg [dreg:$0xe];
	[sflag:s30] =	ssyncadd.s32 $0xFFFFFB00  }
0x52: {  	[spmem:s23] =	stream.linear.scatter [tilespmem:s0], [sflag:$0xC], $0x500, $0x38;
	[tilespmem:$0x19320] =	vst v63  }
0x53: {  	_ =	swait.ge [sflag:s30], $0x500  }
0x54: {  	[sflag:s30] =	ssyncset.done $0x0  }
0x55: {  	s31 =	rddreg [dreg:$0xf];
	[sflag:s30] =	ssyncadd.s32 $0xFFFFFB00  }
0x56: {  	[spmem:s31] =	stream.linear.scatter [tilespmem:s0], [sflag:$0xC], $0x500, $0x38;
	[tilespmem:$0x19320] =	vst v63  }
0x57: {  	_ =	swait.ge [sflag:s30], $0x500  }
0x58: {  	[sflag:s30] =	ssyncset.done $0x0  }
0x59: {  	s23 =	rddreg [dreg:$0x10];
	[sflag:s30] =	ssyncadd.s32 $0xFFFFFB00  }
0x5a: {  	[spmem:s23] =	stream.linear.scatter [tilespmem:s0], [sflag:$0xC], $0x500, $0x38;
	[tilespmem:$0x19320] =	vst v63  }
0x5b: {  	_ =	swait.ge [sflag:s30], $0x500  }
0x5c: {  	[sflag:s30] =	ssyncset.done $0x0  }
0x5d: {  	s31 =	rddreg [dreg:$0x11];
	[sflag:s30] =	ssyncadd.s32 $0xFFFFFB00  }
0x5e: {  	[spmem:s31] =	stream.linear.scatter [tilespmem:s0], [sflag:$0xC], $0x500, $0x38;
	[tilespmem:$0x19320] =	vst v63  }
0x5f: {  	_ =	swait.ge [sflag:s30], $0x500  }
0x60: {  	[sflag:s30] =	ssyncset.done $0x0  }
0x61: {  	s23 =	rddreg [dreg:$0x12];
	[sflag:s30] =	ssyncadd.s32 $0xFFFFFB00  }
0x62: {  	[spmem:s23] =	stream.linear.scatter [tilespmem:s0], [sflag:$0xC], $0x500, $0x38;
	[tilespmem:$0x19320] =	vst v63  }
0x63: {  	_ =	swait.ge [sflag:s30], $0x500  }
0x64: {  	[sflag:s30] =	ssyncset.done $0x0  }
0x65: {  	s31 =	rddreg [dreg:$0x13];
	[sflag:s30] =	ssyncadd.s32 $0xFFFFFB00  }
0x66: {  	[spmem:s31] =	stream.linear.scatter [tilespmem:s0], [sflag:$0xC], $0x500, $0x38;
	[tilespmem:$0x19320] =	vst v63  }
0x67: {  	_ =	swait.ge [sflag:s30], $0x500  }
0x68: {  	[sflag:s30] =	ssyncset.done $0x0  }
0x69: {  	s23 =	rddreg [dreg:$0x14];
	[sflag:s30] =	ssyncadd.s32 $0xFFFFFB00  }
0x6a: {  	[spmem:s23] =	stream.linear.scatter [tilespmem:s0], [sflag:$0xC], $0x500, $0x38;
	[tilespmem:$0x19320] =	vst v63  }
0x6b: {  	_ =	swait.ge [sflag:s30], $0x500  }
0x6c: {  	[sflag:s30] =	ssyncset.done $0x0  }
0x6d: {  	s31 =	rddreg [dreg:$0x15];
	[sflag:s30] =	ssyncadd.s32 $0xFFFFFB00  }
0x6e: {  	[spmem:s31] =	stream.linear.scatter [tilespmem:s0], [sflag:$0xC], $0x500, $0x38;
	[tilespmem:$0x19320] =	vst v63  }
0x6f: {  	_ =	swait.ge [sflag:s30], $0x500  }
0x70: {  	[sflag:s30] =	ssyncset.done $0x0  }
0x71: {  	[sflag:s30] =	ssyncadd.s32 $0xFFFFFB00  }
0x72: {  	_ =	swait.ge [sflag:s1], $0xA00  }
0x73: {  	[sflag:s1] =	ssyncset.done $0x0  }
0x74: {  	[sflag:s1] =	ssyncadd.s32 $0xFFFFF600  }
0x75: {  	s23 =	simm.s32 $0x0;
	[bflag:$0x0] =	sbarrier.arrive $0xFFFF  }
0x76: {  	[tilespmem:s5], [sflag:$0x1] =	stream.indirect.gather [spmem:s2], $0x20, s23, s4, $0xb8;
	[tilespmem:$0x19320] =	vst v63  }
0x77: {  	s31 =	simm.s32 $0x80  }
0x78: {  	[tilespmem:s6], [sflag:$0x2] =	stream.indirect.gather [spmem:s2], $0x20, s31, s4, $0xb8;
	[tilespmem:$0x19320] =	vst v63  }
0x79: {  	s23 =	simm.s32 $0x100  }
0x7a: {  	[tilespmem:s8], [sflag:$0x3] =	stream.indirect.gather [spmem:s2], $0x20, s23, s4, $0xb8;
	[tilespmem:$0x19320] =	vst v63  }
0x7b: {  	s31 =	simm.s32 $0x180  }
0x7c: {  	[tilespmem:s9], [sflag:$0x4] =	stream.indirect.gather [spmem:s2], $0x20, s31, s4, $0xb8;
	[tilespmem:$0x19320] =	vst v63  }
0x7d: {  	_ =	swait.ge [sflag:s10], $0xFA0  }
0x7e: {  	[sflag:s10] =	ssyncset.done $0x0  }
0x7f: {  	s23 =	simm.s32 $0x5000;
	[sflag:s10] =	ssyncadd.s32 $0xFFFFF060  }
0x80: {  	[spmem:s3] =	stream.indirect.scatter.add.f32 [tilespmem:s5], [sflag:$0x6], $0x20, s23, s4, $0xb8;
	[tilespmem:$0x19320] =	vst v63  }
0x81: {  	s31 =	simm.s32 $0x200  }
0x82: {  	[tilespmem:s11], [sflag:$0x5] =	stream.indirect.gather [spmem:s2], $0x20, s31, s4, $0xb8;
	[tilespmem:$0x19320] =	vst v63  }
0x83: {  	_ =	swait.ge [sflag:s12], $0xFA0  }
0x84: {  	[sflag:s12] =	ssyncset.done $0x0  }
0x85: {  	s23 =	simm.s32 $0x5080;
	[sflag:s12] =	ssyncadd.s32 $0xFFFFF060  }
0x86: {  	[spmem:s3] =	stream.indirect.scatter.add.f32 [tilespmem:s6], [sflag:$0x7], $0x20, s23, s4, $0xb8;
	[tilespmem:$0x19320] =	vst v63  }
0x87: {  	_ =	swait.ge [sflag:s13], $0xFA0  }
0x88: {  	[sflag:s13] =	ssyncset.done $0x0  }
0x89: {  	s31 =	simm.s32 $0x280;
	[sflag:s13] =	ssyncadd.s32 $0xFFFFF060  }
0x8a: {  	[tilespmem:s5], [sflag:$0x1] =	stream.indirect.gather [spmem:s2], $0x20, s31, s4, $0xb8;
	[tilespmem:$0x19320] =	vst v63  }
0x8b: {  	_ =	swait.ge [sflag:s14], $0xFA0  }
0x8c: {  	[sflag:s14] =	ssyncset.done $0x0  }
0x8d: {  	s23 =	simm.s32 $0x5100;
	[sflag:s14] =	ssyncadd.s32 $0xFFFFF060  }
0x8e: {  	[spmem:s3] =	stream.indirect.scatter.add.f32 [tilespmem:s8], [sflag:$0x8], $0x20, s23, s4, $0xb8;
	[tilespmem:$0x19320] =	vst v63  }
0x8f: {  	_ =	swait.ge [sflag:s15], $0xFA0  }
0x90: {  	[sflag:s15] =	ssyncset.done $0x0  }
0x91: {  	s31 =	simm.s32 $0x300;
	[sflag:s15] =	ssyncadd.s32 $0xFFFFF060  }
0x92: {  	[tilespmem:s6], [sflag:$0x2] =	stream.indirect.gather [spmem:s2], $0x20, s31, s4, $0xb8;
	[tilespmem:$0x19320] =	vst v63  }
0x93: {  	_ =	swait.ge [sflag:s16], $0xFA0  }
0x94: {  	[sflag:s16] =	ssyncset.done $0x0  }
0x95: {  	s23 =	simm.s32 $0x5180;
	[sflag:s16] =	ssyncadd.s32 $0xFFFFF060  }
0x96: {  	[spmem:s3] =	stream.indirect.scatter.add.f32 [tilespmem:s9], [sflag:$0x9], $0x20, s23, s4, $0xb8;
	[tilespmem:$0x19320] =	vst v63  }
0x97: {  	_ =	swait.ge [sflag:s17], $0xFA0  }
0x98: {  	[sflag:s17] =	ssyncset.done $0x0  }
0x99: {  	s31 =	simm.s32 $0x380;
	[sflag:s17] =	ssyncadd.s32 $0xFFFFF060  }
0x9a: {  	[tilespmem:s8], [sflag:$0x3] =	stream.indirect.gather [spmem:s2], $0x20, s31, s4, $0xb8;
	[tilespmem:$0x19320] =	vst v63  }
0x9b: {  	_ =	swait.ge [sflag:s18], $0xFA0  }
0x9c: {  	[sflag:s18] =	ssyncset.done $0x0  }
0x9d: {  	s23 =	simm.s32 $0x5200;
	[sflag:s18] =	ssyncadd.s32 $0xFFFFF060  }
0x9e: {  	[spmem:s3] =	stream.indirect.scatter.add.f32 [tilespmem:s11], [sflag:$0xA], $0x20, s23, s4, $0xb8;
	[tilespmem:$0x19320] =	vst v63  }
0x9f: {  	_ =	swait.ge [sflag:s19], $0xFA0  }
0xa0: {  	[sflag:s19] =	ssyncset.done $0x0  }
0xa1: {  	s31 =	simm.s32 $0x400;
	[sflag:s19] =	ssyncadd.s32 $0xFFFFF060  }
0xa2: {  	[tilespmem:s9], [sflag:$0x4] =	stream.indirect.gather [spmem:s2], $0x20, s31, s4, $0xb8;
	[tilespmem:$0x19320] =	vst v63  }
0xa3: {  	_ =	swait.ge [sflag:s10], $0xFA0  }
0xa4: {  	[sflag:s10] =	ssyncset.done $0x0  }
0xa5: {  	s23 =	simm.s32 $0x5280;
	[sflag:s10] =	ssyncadd.s32 $0xFFFFF060  }
0xa6: {  	[spmem:s3] =	stream.indirect.scatter.add.f32 [tilespmem:s5], [sflag:$0x6], $0x20, s23, s4, $0xb8;
	[tilespmem:$0x19320] =	vst v63  }
0xa7: {  	_ =	swait.ge [sflag:s20], $0xFA0  }
0xa8: {  	[sflag:s20] =	ssyncset.done $0x0  }
0xa9: {  	s31 =	simm.s32 $0x480;
	[sflag:s20] =	ssyncadd.s32 $0xFFFFF060  }
0xaa: {  	[tilespmem:s11], [sflag:$0x5] =	stream.indirect.gather [spmem:s2], $0x20, s31, s4, $0xb8;
	[tilespmem:$0x19320] =	vst v63  }
0xab: {  	_ =	swait.ge [sflag:s12], $0xFA0  }
0xac: {  	[sflag:s12] =	ssyncset.done $0x0  }
0xad: {  	s23 =	simm.s32 $0x5300;
	[sflag:s12] =	ssyncadd.s32 $0xFFFFF060  }
0xae: {  	[spmem:s3] =	stream.indirect.scatter.add.f32 [tilespmem:s6], [sflag:$0x7], $0x20, s23, s4, $0xb8;
	[tilespmem:$0x19320] =	vst v63  }
0xaf: {  	_ =	swait.ge [sflag:s13], $0xFA0  }
0xb0: {  	[sflag:s13] =	ssyncset.done $0x0  }
0xb1: {  	s31 =	simm.s32 $0x500;
	[sflag:s13] =	ssyncadd.s32 $0xFFFFF060  }
0xb2: {  	[tilespmem:s5], [sflag:$0x1] =	stream.indirect.gather [spmem:s2], $0x20, s31, s4, $0xb8;
	[tilespmem:$0x19320] =	vst v63  }
0xb3: {  	_ =	swait.ge [sflag:s14], $0xFA0  }
0xb4: {  	[sflag:s14] =	ssyncset.done $0x0  }
0xb5: {  	s23 =	simm.s32 $0x5380;
	[sflag:s14] =	ssyncadd.s32 $0xFFFFF060  }
0xb6: {  	[spmem:s3] =	stream.indirect.scatter.add.f32 [tilespmem:s8], [sflag:$0x8], $0x20, s23, s4, $0xb8;
	[tilespmem:$0x19320] =	vst v63  }
0xb7: {  	_ =	swait.ge [sflag:s15], $0xFA0  }
0xb8: {  	[sflag:s15] =	ssyncset.done $0x0  }
0xb9: {  	s31 =	simm.s32 $0x580;
	[sflag:s15] =	ssyncadd.s32 $0xFFFFF060  }
0xba: {  	[tilespmem:s6], [sflag:$0x2] =	stream.indirect.gather [spmem:s2], $0x20, s31, s4, $0xb8;
	[tilespmem:$0x19320] =	vst v63  }
0xbb: {  	_ =	swait.ge [sflag:s16], $0xFA0  }
0xbc: {  	[sflag:s16] =	ssyncset.done $0x0  }
0xbd: {  	s23 =	simm.s32 $0x5400;
	[sflag:s16] =	ssyncadd.s32 $0xFFFFF060  }
0xbe: {  	[spmem:s3] =	stream.indirect.scatter.add.f32 [tilespmem:s9], [sflag:$0x9], $0x20, s23, s4, $0xb8;
	[tilespmem:$0x19320] =	vst v63  }
0xbf: {  	_ =	swait.ge [sflag:s17], $0xFA0  }
0xc0: {  	[sflag:s17] =	ssyncset.done $0x0  }
0xc1: {  	s31 =	simm.s32 $0x600;
	[sflag:s17] =	ssyncadd.s32 $0xFFFFF060  }
0xc2: {  	[tilespmem:s8], [sflag:$0x3] =	stream.indirect.gather [spmem:s2], $0x20, s31, s4, $0xb8;
	[tilespmem:$0x19320] =	vst v63  }
0xc3: {  	_ =	swait.ge [sflag:s18], $0xFA0  }
0xc4: {  	[sflag:s18] =	ssyncset.done $0x0  }
0xc5: {  	s22 =	simm.s32 $0xA00;
	s23 =	simm.s32 $0x5480;
	[sflag:s18] =	ssyncadd.s32 $0xFFFFF060  }
.LBB2_4:
0xc6: {  	[spmem:s3] =	stream.indirect.scatter.add.f32 [tilespmem:s11], [sflag:$0xA], $0x20, s23, s4, $0xb8;
	[tilespmem:$0x19320] =	vst v63  }
0xc7: {  	s23 =	smov.u32 s22;
	s22 =	sadd.s32 $0xA00, s22;
	_ =	swait.ge [sflag:s19], $0xFA0  }
0xc8: {  	s23 =	sshra.s32 s23, $0x2;
	p0 =	sne.s32 s22, $0x12C00;
	[sflag:s19] =	ssyncset.done $0x0  }
0xc9: {  	s31 =	sadd.s32 $0x400, s23;
	[sflag:s19] =	ssyncadd.s32 $0xFFFFF060  }
0xca: {  	[tilespmem:s9], [sflag:$0x4] =	stream.indirect.gather [spmem:s2], $0x20, s31, s4, $0xb8;
	[tilespmem:$0x19320] =	vst v63  }
0xcb: {  	_ =	swait.ge [sflag:s10], $0xFA0  }
0xcc: {  	[sflag:s10] =	ssyncset.done $0x0  }
0xcd: {  	s31 =	sadd.s32 $0x5280, s23;
	[sflag:s10] =	ssyncadd.s32 $0xFFFFF060  }
0xce: {  	[spmem:s3] =	stream.indirect.scatter.add.f32 [tilespmem:s5], [sflag:$0x6], $0x20, s31, s4, $0xb8;
	[tilespmem:$0x19320] =	vst v63  }
0xcf: {  	_ =	swait.ge [sflag:s20], $0xFA0  }
0xd0: {  	[sflag:s20] =	ssyncset.done $0x0  }
0xd1: {  	s31 =	sadd.s32 $0x480, s23;
	[sflag:s20] =	ssyncadd.s32 $0xFFFFF060  }
0xd2: {  	[tilespmem:s11], [sflag:$0x5] =	stream.indirect.gather [spmem:s2], $0x20, s31, s4, $0xb8;
	[tilespmem:$0x19320] =	vst v63  }
0xd3: {  	_ =	swait.ge [sflag:s12], $0xFA0  }
0xd4: {  	[sflag:s12] =	ssyncset.done $0x0  }
0xd5: {  	s31 =	sadd.s32 $0x5300, s23;
	[sflag:s12] =	ssyncadd.s32 $0xFFFFF060  }
0xd6: {  	[spmem:s3] =	stream.indirect.scatter.add.f32 [tilespmem:s6], [sflag:$0x7], $0x20, s31, s4, $0xb8;
	[tilespmem:$0x19320] =	vst v63  }
0xd7: {  	_ =	swait.ge [sflag:s13], $0xFA0  }
0xd8: {  	[sflag:s13] =	ssyncset.done $0x0  }
0xd9: {  	s31 =	sadd.s32 $0x500, s23;
	[sflag:s13] =	ssyncadd.s32 $0xFFFFF060  }
0xda: {  	[tilespmem:s5], [sflag:$0x1] =	stream.indirect.gather [spmem:s2], $0x20, s31, s4, $0xb8;
	[tilespmem:$0x19320] =	vst v63  }
0xdb: {  	_ =	swait.ge [sflag:s14], $0xFA0  }
0xdc: {  	[sflag:s14] =	ssyncset.done $0x0  }
0xdd: {  	s31 =	sadd.s32 $0x5380, s23;
	[sflag:s14] =	ssyncadd.s32 $0xFFFFF060  }
0xde: {  	[spmem:s3] =	stream.indirect.scatter.add.f32 [tilespmem:s8], [sflag:$0x8], $0x20, s31, s4, $0xb8;
	[tilespmem:$0x19320] =	vst v63  }
0xdf: {  	_ =	swait.ge [sflag:s15], $0xFA0  }
0xe0: {  	[sflag:s15] =	ssyncset.done $0x0  }
0xe1: {  	s31 =	sadd.s32 $0x580, s23;
	[sflag:s15] =	ssyncadd.s32 $0xFFFFF060  }
0xe2: {  	[tilespmem:s6], [sflag:$0x2] =	stream.indirect.gather [spmem:s2], $0x20, s31, s4, $0xb8;
	[tilespmem:$0x19320] =	vst v63  }
0xe3: {  	_ =	swait.ge [sflag:s16], $0xFA0  }
0xe4: {  	[sflag:s16] =	ssyncset.done $0x0  }
0xe5: {  	s31 =	sadd.s32 $0x5400, s23;
	[sflag:s16] =	ssyncadd.s32 $0xFFFFF060  }
0xe6: {  	[spmem:s3] =	stream.indirect.scatter.add.f32 [tilespmem:s9], [sflag:$0x9], $0x20, s31, s4, $0xb8;
	[tilespmem:$0x19320] =	vst v63  }
0xe7: {  	_ =	swait.ge [sflag:s17], $0xFA0  }
0xe8: {  	[sflag:s17] =	ssyncset.done $0x0  }
.Ltmp1:
0xe9: {  	s31 =	sadd.s32 $0x600, s23;
	[sflag:s17] =	ssyncadd.s32 $0xFFFFF060;
	(pc) =	sbr.rel @p0 .LBB2_4-.Ltmp1, $4  }
0xea: {  	[tilespmem:s8], [sflag:$0x3] =	stream.indirect.gather [spmem:s2], $0x20, s31, s4, $0xb8;
	[tilespmem:$0x19320] =	vst v63  }
0xeb: {  	_ =	swait.ge [sflag:s18], $0xFA0  }
0xec: {  	[sflag:s18] =	ssyncset.done $0x0  }
0xed: {  	s23 =	sadd.s32 $0x5480, s23;
	[sflag:s18] =	ssyncadd.s32 $0xFFFFF060  }
0xee: {  	[spmem:s3] =	stream.indirect.scatter.add.f32 [tilespmem:s11], [sflag:$0xA], $0x20, s23, s4, $0xb8;
	[tilespmem:$0x19320] =	vst v63  }
0xef: {  	_ =	swait.ge [sflag:s19], $0xFA0  }
0xf0: {  	s22 =	sshra.s32 s22, $0x2;
	[sflag:s19] =	ssyncset.done $0x0  }
0xf1: {  	s31 =	sadd.s32 $0x400, s22;
	[sflag:s19] =	ssyncadd.s32 $0xFFFFF060  }
0xf2: {  	[tilespmem:s9], [sflag:$0x4] =	stream.indirect.gather [spmem:s2], $0x20, s31, s4, $0xb8;
	[tilespmem:$0x19320] =	vst v63  }
0xf3: {  	_ =	swait.ge [sflag:s10], $0xFA0  }
0xf4: {  	[sflag:s10] =	ssyncset.done $0x0  }
0xf5: {  	s31 =	sadd.s32 $0x5280, s22;
	[sflag:s10] =	ssyncadd.s32 $0xFFFFF060  }
0xf6: {  	[spmem:s3] =	stream.indirect.scatter.add.f32 [tilespmem:s5], [sflag:$0x6], $0x20, s31, s4, $0xb8;
	[tilespmem:$0x19320] =	vst v63  }
0xf7: {  	_ =	swait.ge [sflag:s20], $0xFA0  }
0xf8: {  	[sflag:s20] =	ssyncset.done $0x0  }
0xf9: {  	s31 =	simm.s32 $0x4F80;
	[sflag:s20] =	ssyncadd.s32 $0xFFFFF060  }
0xfa: {  	[tilespmem:s11], [sflag:$0x5] =	stream.indirect.gather [spmem:s2], $0x20, s31, s4, $0xb8;
	[tilespmem:$0x19320] =	vst v63  }
0xfb: {  	_ =	swait.ge [sflag:s12], $0xFA0  }
0xfc: {  	[sflag:s12] =	ssyncset.done $0x0  }
0xfd: {  	s31 =	sadd.s32 $0x5300, s22;
	[sflag:s12] =	ssyncadd.s32 $0xFFFFF060  }
0xfe: {  	[spmem:s3] =	stream.indirect.scatter.add.f32 [tilespmem:s6], [sflag:$0x7], $0x20, s31, s4, $0xb8;
	[tilespmem:$0x19320] =	vst v63  }
0xff: {  	_ =	swait.ge [sflag:s14], $0xFA0  }
0x100: {  	[sflag:s14] =	ssyncset.done $0x0  }
0x101: {  	s31 =	sadd.s32 $0x5380, s22;
	[sflag:s14] =	ssyncadd.s32 $0xFFFFF060  }
0x102: {  	[spmem:s3] =	stream.indirect.scatter.add.f32 [tilespmem:s8], [sflag:$0x8], $0x20, s31, s4, $0xb8;
	[tilespmem:$0x19320] =	vst v63  }
0x103: {  	_ =	swait.ge [sflag:s16], $0xFA0  }
0x104: {  	[sflag:s16] =	ssyncset.done $0x0  }
0x105: {  	s22 =	sadd.s32 $0x5400, s22;
	[sflag:s16] =	ssyncadd.s32 $0xFFFFF060  }
0x106: {  	[spmem:s3] =	stream.indirect.scatter.add.f32 [tilespmem:s9], [sflag:$0x9], $0x20, s22, s4, $0xb8;
	[tilespmem:$0x19320] =	vst v63  }
0x107: {  	_ =	swait.ge [sflag:s18], $0xFA0  }
0x108: {  	[sflag:s18] =	ssyncset.done $0x0  }
0x109: {  	s31 =	simm.s32 $0x9F80;
	[sflag:s18] =	ssyncadd.s32 $0xFFFFF060  }
0x10a: {  	[spmem:s3] =	stream.indirect.scatter.add.f32 [tilespmem:s11], [sflag:$0xA], $0x20, s31, s4, $0xb8;
	[tilespmem:$0x19320] =	vst v63  }
0x10b: {  	_ =	swait.ge [sflag:s13], $0xFA0  }
0x10c: {  	[sflag:s13] =	ssyncset.done $0x0  }
0x10d: {  	[sflag:s13] =	ssyncadd.s32 $0xFFFFF060  }
0x10e: {  	_ =	swait.ge [sflag:s15], $0xFA0  }
0x10f: {  	[sflag:s15] =	ssyncset.done $0x0  }
0x110: {  	[sflag:s15] =	ssyncadd.s32 $0xFFFFF060  }
0x111: {  	_ =	swait.ge [sflag:s17], $0xFA0  }
0x112: {  	[sflag:s17] =	ssyncset.done $0x0  }
0x113: {  	[sflag:s17] =	ssyncadd.s32 $0xFFFFF060  }
0x114: {  	_ =	swait.ge [sflag:s19], $0xFA0  }
0x115: {  	[sflag:s19] =	ssyncset.done $0x0  }
0x116: {  	[sflag:s19] =	ssyncadd.s32 $0xFFFFF060  }
0x117: {  	_ =	swait.ge [sflag:s20], $0xFA0  }
0x118: {  	s21 =	sadd.s32 $0x1, s21;
	[sflag:s20] =	ssyncset.done $0x0  }
0x119: {  	s23 =	sor.u32 $0x1C0C, s26;
	p0 =	sne.s32 s21, s25;
	[sflag:s20] =	ssyncadd.s32 $0xFFFFF060  }
.Ltmp2:
0x11a: {  	s31 =	sshrl.u32 s7, $0x3;
	[bflag:$0x0] =	sbarrier.arrive $0xFFFF;
	(pc) =	sbr.rel @p0 .LBB2_1-.Ltmp2, $4  }
0x11b: {  	[hbm:s24], [sflag:s23] =	dma.local [spmem:s31], $0xA00  }
0x11c: {  	_ =	swait.ge [sflag:s30], $0xA00  }
0x11d: {  	[sflag:s30] =	ssyncset.done $0x0  }
0x11e: {  	[sflag:s30] =	ssyncadd.s32 $0xFFFFF600  }
0x11f: {  	_ =	sfence.sel $0x180000  }
0x120: {  	[bflag:$0x0] =	sbarrier.arrive $0xFFFF  }
0x121: {  	_ =	strace $0x9000004D  }
0x122: {  	s0 =	stileid.u32;
	[bflag:$0x2] =	sbarrier.arrive $0xFFFF  }
0x123: {  	p0 =	sne.s32 s0, $0x0;
	s0 =	rddreg [dreg:$0x4]  }
0x124: {  	s0 =	sadd.s32 @!p0 $0x100000, s0  }
0x125: {  	[sflag:s0] =	ssyncadd.tile.s32 @!p0 $0x1;
	_ =	shalt  }
.Lfunc_end2:
_tile_overlayer_lowered:
.L_overlay_start_2:
0x126: {  	(tag) =	ssettag $0x2  }
0x127: {  	s0 =	rddreg [dreg:$0x0];
	s2 =	stileid.u32  }
0x128: {  	s1 =	rddreg [dreg:$0x1];
	p0 =	sne.s32 s2, $0x0  }
0x129: {  	s3 =	rddreg [dreg:$0x2];
	[bflag:$0x3] =	sbarrier.arrive $0xFFFF;
	s2 =	simm.s32 @!p0 $0x1C0C  }
0x12a: {  	[timem:s3], [sflag:s2] =	dma.local @!p0 [hbm:s0], s1  }
0x12b: {  	s0 =	simm.s32 @!p0 $0xC  }
0x12c: {  	_ =	swait.ge @!p0 [sflag:s0], s1  }
0x12d: {  	s1 =	ssub.s32 @!p0 $0x0, s1;
	[sflag:s0] =	ssyncset.done @!p0 $0x0  }
0x12e: {  	[sflag:s0] =	ssyncadd.s32 @!p0 s1  }
0x12f: {  	[bflag:$0x3] =	sbarrier.arrive $0xFFFF  }
0x130: {  	_ =	shalt  }

// kernel: kernel.20.cloned.1.call-start
scs
__scs_entry_jumppad:
0x0: {  	(pc) =	sbr.rel $0x88, $3  }
0x1: {  	(tag) =	ssettag $0x0;
	lr =	simm.s32 $0x1  }
0x2: {  	[smem:$0x3F96] =	sst lr;
	_ =	strace $0xD0000000  }
0x3: {  	_ = 	snop  }
0x4: {  	_ = 	snop  }
0x5: {  	_ = 	snop  }
0x6: {  	_ = 	snop  }
0x7: {  	_ = 	snop  }
__scs_overlays_trampoline_lowered:
0x8: {  	[smem:$0x3FA5] =	sst s0  }
0x9: {  	[smem:$0x3FA6] =	sst s1  }
0xa: {  	[smem:$0x3FA7] =	sst s2  }
0xb: {  	[smem:$0x3FA8] =	sst s3  }
0xc: {  	[smem:$0x3FA9] =	sst s4  }
0xd: {  	[smem:$0x3FAA] =	sst s5  }
0xe: {  	[smem:$0x3FAB] =	sst s6  }
0xf: {  	[smem:$0x3FAC] =	sst s7  }
0x10: {  	[smem:$0x3FAD] =	sst s8  }
0x11: {  	[smem:$0x3FAE] =	sst s9;
	s0 =	simm.s32 @!p0 $0x0  }
0x12: {  	s1 =	sld [smem:$0x3F94];
	s0 =	simm.s32 @p0 $0x1  }
0x13: {  	[smem:$0x3FAF] =	sst s0;
	s0 =	simm.s32 @!p1 $0x0  }
0x14: {  	s2 =	sld [smem:$0x3F93];
	s0 =	simm.s32 @p1 $0x1  }
0x15: {  	[smem:$0x3FB0] =	sst s0;
	s0 =	simm.s32 @!p2 $0x0  }
0x16: {  	s3 =	sld [smem:$0x3FDB];
	s0 =	simm.s32 @p2 $0x1  }
0x17: {  	s4 =	simm.s32 $0x1BF5;
	[smem:$0x3FB2] =	sst s0  }
0x18: {  	s0 =	sld [smem:$0x3F95];
	_ =	swait.ge [sflag:s4], $0x0  }
0x19: {  	s7 =	sld [smem:$0x3F96]  }
0x1a: {  	s8 =	sadd.s32 $0xFFFFE003, lr  }
0x1b: {  	s9 =	sadd.s32 $0xFFFFFEF7, lr;
	s5 =	simm.s32 $0xFFFFFFFF;
	p2 =	slt.u32 s8, $0xFFFFF086  }
0x1c: {  	p1 =	slt.u32 s9, $0xF7A;
	s5 =	simm.s32 @!p2 $0x0  }
0x1d: {  	s5 =	simm.s32 @p1 $0x1;
	p0 =	seq.s32 s7, s2  }
0x1e: {  	s7 =	smul.u32 @!p0 $0xF7A, s2;
	p2 =	seq.s32 @!p0 s5, $0x0  }
0x1f: {  	s9 =	smul.u32 $0xF7A, s1;
	s8 =	simm.s32 @!p0 $0x1BF5;
	p2 =	por !p2, p0  }
0x20: {  	[sflag:s8] =	ssyncset.s32 @!p0 $0xFFFFF086;
	s6 =	sadd.s32 @!p0 s3, s7;
	s7 =	simm.s32 @!p0 $0x108  }
0x21: {  	s3 =	sadd.s32 s3, s9;
	s6 =	sadd.s32 @!p0 $0x88, s6;
	s7 =	simm.s32 @p2 $0x1082  }
0x22: {  	[simem:s7], [sflag:s8] =	dma.local @!p0 [hbm:s6], $0xF7A  }
0x23: {  	s9 =	sor.u32 $0xD0000000, s2;
	s6 =	simm.s32 $0x108;
	_ =	swait.ge @!p0 [sflag:s8], $0x0  }
0x24: {  	s3 =	sadd.s32 $0x88, s3;
	s6 =	simm.s32 @!p1 $0x1082;
	[sflag:s4] =	ssyncset.s32 $0xFFFFF086  }
0x25: {  	[simem:s6], [sflag:s4] =	dma.local [hbm:s3], $0xF7A  }
0x26: {  	[smem:$0x3F96] =	sst s1;
	(tag) =	ssettag s2;
	_ =	strace s9  }
0x27: {  	s1 =	sld [smem:$0x3FA6]  }
0x28: {  	s2 =	sld [smem:$0x3FA7]  }
0x29: {  	s4 =	sld [smem:$0x3FA9]  }
0x2a: {  	p0 =	seq.s32 s5, $0x0;
	s5 =	sld [smem:$0x3FAA]  }
0x2b: {  	s6 =	sld [smem:$0x3FAB]  }
0x2c: {  	s7 =	sld [smem:$0x3FAC]  }
0x2d: {  	s3 =	simm.s32 $0x108;
	s8 =	sld [smem:$0x3FAD]  }
0x2e: {  	s3 =	simm.s32 @!p0 $0x1082;
	s9 =	sld [smem:$0x3FAE]  }
0x2f: {  	lr =	sadd.s32 s0, s3;
	s0 =	sld [smem:$0x3FA5]  }
0x30: {  	s3 =	sld [smem:$0x3FA8]  }
0x31: {  	[smem:$0x3FB1] =	sst s10  }
0x32: {  	s10 =	sld [smem:$0x3FAF];
	_ =	sdelay $0x3  }
0x33: {  	p0 =	seq.s32 s10, $0x1;
	s10 =	sld [smem:$0x3FB1];
	_ =	sdelay $0x3  }
0x34: {  	[smem:$0x3FB1] =	sst s10  }
0x35: {  	s10 =	sld [smem:$0x3FB0];
	_ =	sdelay $0x3  }
0x36: {  	p1 =	seq.s32 s10, $0x1;
	s10 =	sld [smem:$0x3FB1];
	_ =	sdelay $0x3  }
0x37: {  	[smem:$0x3FB1] =	sst s10  }
0x38: {  	s10 =	sld [smem:$0x3FB2]  }
0x39: {  	_ = 	snop;
	(pc) =	sbr.ind lr, $3  }
0x3a: {  	_ = 	snop  }
0x3b: {  	_ = 	snop  }
0x3c: {  	p2 =	seq.s32 s10, $0x1;
	s10 =	sld [smem:$0x3FB1]  }
0x3d: {  	_ =	shalt  }
0x3e: {  	_ =	shalt  }
0x3f: {  	_ =	shalt  }
0x40: {  	_ =	shalt  }
0x41: {  	_ =	shalt  }
0x42: {  	_ =	shalt  }
0x43: {  	_ =	shalt  }
0x44: {  	_ =	shalt  }
0x45: {  	_ =	shalt  }
0x46: {  	_ =	shalt  }
0x47: {  	_ =	shalt  }
0x48: {  	_ =	shalt  }
0x49: {  	_ =	shalt  }
0x4a: {  	_ =	shalt  }
0x4b: {  	_ =	shalt  }
0x4c: {  	_ =	shalt  }
0x4d: {  	_ =	shalt  }
0x4e: {  	_ =	shalt  }
0x4f: {  	_ =	shalt  }
0x50: {  	_ =	shalt  }
0x51: {  	_ =	shalt  }
0x52: {  	_ =	shalt  }
0x53: {  	_ =	shalt  }
0x54: {  	_ =	shalt  }
0x55: {  	_ =	shalt  }
0x56: {  	_ =	shalt  }
0x57: {  	_ =	shalt  }
0x58: {  	_ =	shalt  }
0x59: {  	_ =	shalt  }
0x5a: {  	_ =	shalt  }
0x5b: {  	_ =	shalt  }
0x5c: {  	_ =	shalt  }
0x5d: {  	_ =	shalt  }
0x5e: {  	_ =	shalt  }
0x5f: {  	_ =	shalt  }
0x60: {  	_ =	shalt  }
0x61: {  	_ =	shalt  }
0x62: {  	_ =	shalt  }
0x63: {  	_ =	shalt  }
0x64: {  	_ =	shalt  }
0x65: {  	_ =	shalt  }
0x66: {  	_ =	shalt  }
0x67: {  	_ =	shalt  }
0x68: {  	_ =	shalt  }
0x69: {  	_ =	shalt  }
0x6a: {  	_ =	shalt  }
0x6b: {  	_ =	shalt  }
0x6c: {  	_ =	shalt  }
0x6d: {  	_ =	shalt  }
0x6e: {  	_ =	shalt  }
0x6f: {  	_ =	shalt  }
0x70: {  	_ =	shalt  }
0x71: {  	_ =	shalt  }
0x72: {  	_ =	shalt  }
0x73: {  	_ =	shalt  }
0x74: {  	_ =	shalt  }
0x75: {  	_ =	shalt  }
0x76: {  	_ =	shalt  }
0x77: {  	_ =	shalt  }
0x78: {  	_ =	shalt  }
0x79: {  	_ =	shalt  }
0x7a: {  	_ =	shalt  }
0x7b: {  	_ =	shalt  }
0x7c: {  	_ =	shalt  }
0x7d: {  	_ =	shalt  }
0x7e: {  	_ =	shalt  }
0x7f: {  	_ =	shalt  }
0x80: {  	_ =	shalt  }
0x81: {  	_ =	shalt  }
0x82: {  	_ =	shalt  }
0x83: {  	_ =	shalt  }
0x84: {  	_ =	shalt  }
0x85: {  	_ =	shalt  }
0x86: {  	_ =	shalt  }
0x87: {  	_ =	shalt  }
.Lfunc_end0:
.L_simem_size_0:
called_computation.3_lowered:
.L_overlay_start_0:
0x88: {  	s2 =	sld [smem:$0x3FD9]  }
0x89: {  	s3 =	sld [smem:$0x3FFE];
	_ =	sdelay $0x1  }
0x8a: {  	s1 =	srdreg.scid  }
0x8b: {  	s0 =	sand.u32 $0x1, s1  }
0x8c: {  	s17 =	sshll.u32 s0, $0xA;
	s2 =	sadd.s32 s3, s2  }
0x8d: {  	s2 =	sadd.s32 s2, s17  }
0x8e: {  	[smem:$0x3FBD] =	sst s2  }
0x8f: {  	_ = 	snop  }
0x90: {  	s2 =	sld [smem:$0x3FD0];
	(tm) =	ssettm $0x1  }
0x91: {  	s18 =	sld [smem:$0x3FFB];
	_ =	sdelay $0x3  }
0x92: {  	_ =	strace s18  }
0x93: {  	s3 =	sld [smem:$0x3FFC];
	_ =	sdelay $0x3  }
0x94: {  	_ =	strace s3  }
0x95: {  	s3 =	sld [smem:$0x3FFD];
	_ =	sdelay $0x3  }
0x96: {  	_ =	strace s3  }
0x97: {  	_ =	strace $0x8FFFFFFF  }
0x98: {  	s19 =	sld [smem:$0x3FDB];
	_ =	sdelay $0x1  }
0x99: {  	s4 =	simm.s32 $_scs_section_size  }
0x9a: {  	s5 =	simm.s32 $_size__tile_overlayer_lowered;
	s6 =	simm.s32 $_tile_overlayer_lowered  }
0x9b: {  	s22 =	simm.s32 $0x1BFF;
	s21 =	sshll.u32 s6, $0x1;
	s3 =	sadd.s32 s4, s19  }
0x9c: {  	s7 =	simm.s32 $0x0;
	s20 =	sshll.u32 s5, $0x1;
	s5 =	sadd.s32 s21, s3  }
0x9d: {  	[timem:s7], [sflag:s22] =	dma.local [hbm:s5], s20  }
0x9e: {  	_ =	swait.ge [sflag:s22], s20  }
0x9f: {  	s4 =	ssub.s32 $0x0, s20;
	[sflag:s22] =	ssyncset.done $0x0  }
0xa0: {  	[sflag:s22] =	ssyncadd.s32 s4;
	_ =	sdelay $0x1  }
0xa1: {  	s23 =	simm.s32 $0x1B8B  }
0xa2: {  	_ =	swait.ge [sflag:s23], $0x1  }
0xa3: {  	[sflag:s23] =	ssyncset.done $0x0  }
0xa4: {  	s25 =	simm.s32 $0x1B8E;
	s24 =	sld [smem:$0x3FFE];
	[sflag:s23] =	ssyncadd.s32 $0xFFFFFFFF  }
0xa5: {  	s26 =	simm.s32 $execute0_lowered;
	[smem:$0x3FD2] =	sst s25  }
0xa6: {  	s5 =	sshll.u32 s26, $0x1;
	_ =	strace $0x8000004F;
	[dreg:$0x1] =	wrdreg $0xFFFFFFFF  }
0xa7: {  	s28 =	simm.s32 $_size_execute0_lowered;
	s3 =	sadd.s32 s3, s5;
	[dreg:$0x0] =	wrdreg $0x0  }
0xa8: {  	s5 =	sshll.u32 s28, $0x1;
	[dreg:$0x2] =	wrdreg s3  }
0xa9: {  	[dreg:$0x3] =	wrdreg s5  }
0xaa: {  	[dreg:$0x4] =	wrdreg $0xC0  }
0xab: {  	_ =	task [dreg:s7], $0x5FFFF  }
0xac: {  	[dreg:$0x1] =	wrdreg $0xFFFFFFFF  }
0xad: {  	[dreg:$0x0] =	wrdreg $0x60  }
0xae: {  	[dreg:$0x2] =	wrdreg s24  }
0xaf: {  	[dreg:$0x3] =	wrdreg s2  }
0xb0: {  	[dreg:$0x4] =	wrdreg $0xF3200  }
0xb1: {  	[dreg:$0x5] =	wrdreg $0x143200  }
0xb2: {  	[dreg:$0x6] =	wrdreg $0x9  }
0xb3: {  	_ =	task.clear_ibuf [dreg:s7], $0x7FFFF;
	_ =	strace $0x9000004F  }
0xb4: {  	s29 =	simm.s32 $0x9;
	_ =	strace $0x80000051  }
0xb5: {  	_ =	swait.ge [sflag:s29], $0x1  }
0xb6: {  	[sflag:s29] =	ssyncadd.s32 $0xFFFFFFFF  }
0xb7: {  	_ =	strace $0x90000051  }
0xb8: {  	_ =	sfence  }
0xb9: {  	s30 =	sld [smem:$0x0];
	_ =	sdelay $0x2  }
0xba: {  	s31 =	sshll.u32 s1, $0xD;
	s1 =	sshrl.u32 s1, $0x2  }
0xbb: {  	s3 =	sand.u32 $0x4000, s31;
	s1 =	sadd.s32 s1, s30  }
0xbc: {  	s0 =	sor.u32 s3, s0;
	s1 =	sshll.u32 s1, $0x11  }
0xbd: {  	s0 =	sor.u32 s1, s0  }
0xbe: {  	s0 =	sadd.s32 $0x8F2B, s0  }
0xbf: {  	[sflag:s0] =	ssyncadd.remote.s32 $0x1  }
0xc0: {  	_ =	sfence.sel $0xFFFF  }
0xc1: {  	[dreg:$0x0] =	wrdreg $0xFFFFFFFF;
	(pc) =	sbr.abs _section_cstart, $3  }
0xc2: {  	[dreg:$0x1] =	wrdreg $0xFFFFFFFF  }
0xc3: {  	_ =	task.clear_ibuf [dreg:s7], $0x2FFFF;
	_ =	strace $0x9FFFFFFF  }
0xc4: {  	(tm) =	ssettm $0x7FFFFFFF  }
0xc5: {  	_ =	shalt  }
tec
execute0_lowered:
.L_overlay_start_1:
0x0: {  	(tag) =	ssettag $0x1  }
0x1: {  	s0 =	rddreg [dreg:$0x0]  }
0x2: {  	s1 =	rddreg [dreg:$0x1]  }
0x3: {  	s2 =	rddreg [dreg:$0x2]  }
0x4: {  	s3 =	rddreg [dreg:$0x3];
	s11 =	stileid.u32  }
0x5: {  	s4 =	srdreg.scid;
	s7 =	smul.u32 $0xA00, s11  }
0x6: {  	s6 =	simm.s32 $0x0;
	s4 =	sand.u32 $0x1, s4;
	s8 =	smul.u32 $0x14000, s11  }
0x7: {  	[smem:$0x7FF] =	sst s6;
	s26 =	smul.u32 $0x50000, s4;
	s4 =	ssub.s32 $0x2, s4  }
0x8: {  	_ =	strace $0x80000050;
	s9 =	sadd.s32 s7, s0;
	s10 =	sshrl.u32 s4, $0x1  }
0x9: {  	s31 =	sshrl.u32 s8, $0x2;
	s1 =	sadd.s32 s1, s7;
	s4 =	ssub.s32 s4, s10  }
0xa: {  	[dreg:$0x5] =	wrdreg s1;
	s10 =	sadd.s32 s31, s3;
	s12 =	sadd.s32 $0x4000, s9  }
0xb: {  	[dreg:$0x6] =	wrdreg s12;
	s13 =	sadd.s32 $0x500, s10  }
0xc: {  	s14 =	sadd.s32 $0xA00, s10;
	[dreg:$0x7] =	wrdreg s13  }
0xd: {  	s5 =	smul.u32 $0x5000, s11;
	s15 =	sadd.s32 $0xF00, s10;
	[dreg:$0x8] =	wrdreg s14  }
0xe: {  	s30 =	simm.s32 $0xC;
	s16 =	sadd.s32 $0x1400, s10;
	[dreg:$0x9] =	wrdreg s15  }
0xf: {  	s8 =	sadd.s32 s5, s2;
	s17 =	sadd.s32 $0x1900, s10;
	[dreg:$0xa] =	wrdreg s16  }
0x10: {  	s7 =	sadd.s32 s5, s3;
	s18 =	sadd.s32 $0x1E00, s10;
	[dreg:$0xb] =	wrdreg s17  }
0x11: {  	s6 =	sadd.s32 s5, s26;
	s19 =	sadd.s32 $0x2300, s10;
	[dreg:$0xc] =	wrdreg s18  }
0x12: {  	s28 =	sshrl.u32 s8, $0x3;
	s20 =	sadd.s32 $0x2800, s10;
	[dreg:$0xd] =	wrdreg s19  }
0x13: {  	s5 =	simm.s32 $0xA000;
	s21 =	sadd.s32 $0x2D00, s10;
	[dreg:$0xe] =	wrdreg s20  }
0x14: {  	s8 =	simm.s32 $0xBF40;
	s22 =	sadd.s32 $0x3200, s10;
	[dreg:$0xf] =	wrdreg s21  }
0x15: {  	s9 =	simm.s32 $0xCEE0;
	s23 =	sadd.s32 $0x3700, s10;
	[dreg:$0x10] =	wrdreg s22  }
0x16: {  	s6 =	sshrl.u32 s6, $0x3;
	s24 =	sadd.s32 $0x3C00, s10;
	[dreg:$0x11] =	wrdreg s23  }
0x17: {  	s25 =	sadd.s32 $0x4100, s10;
	s26 =	sadd.s32 $0x4600, s10;
	[dreg:$0x12] =	wrdreg s24  }
0x18: {  	s1 =	sadd.s32 $0x4B00, s10;
	s10 =	simm.s32 $0x1;
	[dreg:$0x13] =	wrdreg s25  }
0x19: {  	s12 =	simm.s32 $0x2;
	s0 =	sadd.s32 s6, s0;
	[dreg:$0x14] =	wrdreg s26  }
0x1a: {  	[dreg:$0x15] =	wrdreg s1;
	s25 =	smax.u32 s4, $0x1;
	s26 =	sshll.u32 s11, $0x6  }
0x1b: {  	s1 =	simm.s32 $0xB;
	s4 =	simm.s32 $0x7D;
	s6 =	simm.s32 $0xAFA0  }
0x1c: {  	s11 =	simm.s32 $0xDE80;
	s13 =	simm.s32 $0x6;
	s14 =	simm.s32 $0x3  }
0x1d: {  	s15 =	simm.s32 $0x7;
	s16 =	simm.s32 $0x4;
	s17 =	simm.s32 $0x8  }
0x1e: {  	s18 =	simm.s32 $0x5;
	s19 =	simm.s32 $0x9;
	s20 =	simm.s32 $0xA  }
0x1f: {  	s21 =	simm.s32 $0x0;
	s31 =	sadd.s32 $0x10600, s0;
	s24 =	sadd.s32 $0x24600, s0  }
0x20: {  	v0 =	vimm.f32 $0.0e+00;
	s29 =	sor.u32 $0x1C0B, s26;
	s0 =	simm.s32 $0xEE20;
	[dreg:$0x16] =	wrdreg s31  }
.LBB2_1:
0x21: {  	s22 =	rddreg [dreg:$0x16]  }
0x22: {  	[spmem:s28], [sflag:s29] =	dma.local [hbm:s22], $0xA00  }
0x23: {  	s22 =	simm.s32 $0x0;
	s23 =	rddreg [dreg:$0x5]  }
0x24: {  	[tilespmem:s22], [sflag:$0xC] =	stream.linear.gather [hbm4b:s23+s22], $0x5000, $0x38;
	[tilespmem:$0x19320] =	vst v63  }
0x25: {  	_ =	swait.ge [sflag:s30], $0x5000  }
0x26: {  	[sflag:s30] =	ssyncset.done $0x0  }
0x27: {  	s31 =	simm.s32 $0x5000;
	s23 =	rddreg [dreg:$0x6];
	[sflag:s30] =	ssyncadd.s32 $0xFFFFB000  }
0x28: {  	[tilespmem:s31], [sflag:$0xC] =	stream.linear.gather [hbm4b:s23+s22], $0x5000, $0x38;
	[tilespmem:$0x19320] =	vst v63  }
0x29: {  	_ =	swait.ge [sflag:s30], $0x5000  }
0x2a: {  	[sflag:s30] =	ssyncset.done $0x0  }
0x2b: {  	s22 =	simm.s32 $0x80;
	s23 =	simm.s32 $0x0;
	[sflag:s30] =	ssyncadd.s32 $0xFFFFB000  }
.LBB2_2:
0x2c: {  	p0 =	sne.s32 s22, $0x1380;
	[tilespmem:s23+$0xEE20] =	vst v0;
	s31 =	smov.u32 s22;
	s22 =	sadd.s32 $0x80, s22  }
.Ltmp0:
0x2d: {  	[tilespmem:s23+$0xEE30] =	vst v0;
	(pc) =	sbr.rel @p0 .LBB2_2-.Ltmp0, $2  }
0x2e: {  	_ =	sdelay $0x2  }
0x2f: {  	s23 =	sshra.s32 s31, $0x2  }
0x30: {  	[tilespmem:s23+$0xEE20] =	vst v0  }
0x31: {  	[tilespmem:s23+$0xEE30] =	vst v0  }
0x32: {  	[spmem:s7] =	stream.linear.scatter [tilespmem:s0], [sflag:$0xC], $0x500, $0x38;
	[tilespmem:$0x19320] =	vst v63  }
0x33: {  	_ =	swait.ge [sflag:s30], $0x500  }
0x34: {  	[sflag:s30] =	ssyncset.done $0x0  }
0x35: {  	s22 =	rddreg [dreg:$0x7];
	[sflag:s30] =	ssyncadd.s32 $0xFFFFFB00  }
0x36: {  	[spmem:s22] =	stream.linear.scatter [tilespmem:s0], [sflag:$0xC], $0x500, $0x38;
	[tilespmem:$0x19320] =	vst v63  }
0x37: {  	_ =	swait.ge [sflag:s30], $0x500  }
0x38: {  	[sflag:s30] =	ssyncset.done $0x0  }
0x39: {  	s23 =	rddreg [dreg:$0x8];
	[sflag:s30] =	ssyncadd.s32 $0xFFFFFB00  }
0x3a: {  	[spmem:s23] =	stream.linear.scatter [tilespmem:s0], [sflag:$0xC], $0x500, $0x38;
	[tilespmem:$0x19320] =	vst v63  }
0x3b: {  	_ =	swait.ge [sflag:s30], $0x500  }
0x3c: {  	[sflag:s30] =	ssyncset.done $0x0  }
0x3d: {  	s31 =	rddreg [dreg:$0x9];
	[sflag:s30] =	ssyncadd.s32 $0xFFFFFB00  }
0x3e: {  	[spmem:s31] =	stream.linear.scatter [tilespmem:s0], [sflag:$0xC], $0x500, $0x38;
	[tilespmem:$0x19320] =	vst v63  }
0x3f: {  	_ =	swait.ge [sflag:s30], $0x500  }
0x40: {  	[sflag:s30] =	ssyncset.done $0x0  }
0x41: {  	s23 =	rddreg [dreg:$0xa];
	[sflag:s30] =	ssyncadd.s32 $0xFFFFFB00  }
0x42: {  	[spmem:s23] =	stream.linear.scatter [tilespmem:s0], [sflag:$0xC], $0x500, $0x38;
	[tilespmem:$0x19320] =	vst v63  }
0x43: {  	_ =	swait.ge [sflag:s30], $0x500  }
0x44: {  	[sflag:s30] =	ssyncset.done $0x0  }
0x45: {  	s31 =	rddreg [dreg:$0xb];
	[sflag:s30] =	ssyncadd.s32 $0xFFFFFB00  }
0x46: {  	[spmem:s31] =	stream.linear.scatter [tilespmem:s0], [sflag:$0xC], $0x500, $0x38;
	[tilespmem:$0x19320] =	vst v63  }
0x47: {  	_ =	swait.ge [sflag:s30], $0x500  }
0x48: {  	[sflag:s30] =	ssyncset.done $0x0  }
0x49: {  	s23 =	rddreg [dreg:$0xc];
	[sflag:s30] =	ssyncadd.s32 $0xFFFFFB00  }
0x4a: {  	[spmem:s23] =	stream.linear.scatter [tilespmem:s0], [sflag:$0xC], $0x500, $0x38;
	[tilespmem:$0x19320] =	vst v63  }
0x4b: {  	_ =	swait.ge [sflag:s30], $0x500  }
0x4c: {  	[sflag:s30] =	ssyncset.done $0x0  }
0x4d: {  	s31 =	rddreg [dreg:$0xd];
	[sflag:s30] =	ssyncadd.s32 $0xFFFFFB00  }
0x4e: {  	[spmem:s31] =	stream.linear.scatter [tilespmem:s0], [sflag:$0xC], $0x500, $0x38;
	[tilespmem:$0x19320] =	vst v63  }
0x4f: {  	_ =	swait.ge [sflag:s30], $0x500  }
0x50: {  	[sflag:s30] =	ssyncset.done $0x0  }
0x51: {  	s23 =	rddreg [dreg:$0xe];
	[sflag:s30] =	ssyncadd.s32 $0xFFFFFB00  }
0x52: {  	[spmem:s23] =	stream.linear.scatter [tilespmem:s0], [sflag:$0xC], $0x500, $0x38;
	[tilespmem:$0x19320] =	vst v63  }
0x53: {  	_ =	swait.ge [sflag:s30], $0x500  }
0x54: {  	[sflag:s30] =	ssyncset.done $0x0  }
0x55: {  	s31 =	rddreg [dreg:$0xf];
	[sflag:s30] =	ssyncadd.s32 $0xFFFFFB00  }
0x56: {  	[spmem:s31] =	stream.linear.scatter [tilespmem:s0], [sflag:$0xC], $0x500, $0x38;
	[tilespmem:$0x19320] =	vst v63  }
0x57: {  	_ =	swait.ge [sflag:s30], $0x500  }
0x58: {  	[sflag:s30] =	ssyncset.done $0x0  }
0x59: {  	s23 =	rddreg [dreg:$0x10];
	[sflag:s30] =	ssyncadd.s32 $0xFFFFFB00  }
0x5a: {  	[spmem:s23] =	stream.linear.scatter [tilespmem:s0], [sflag:$0xC], $0x500, $0x38;
	[tilespmem:$0x19320] =	vst v63  }
0x5b: {  	_ =	swait.ge [sflag:s30], $0x500  }
0x5c: {  	[sflag:s30] =	ssyncset.done $0x0  }
0x5d: {  	s31 =	rddreg [dreg:$0x11];
	[sflag:s30] =	ssyncadd.s32 $0xFFFFFB00  }
0x5e: {  	[spmem:s31] =	stream.linear.scatter [tilespmem:s0], [sflag:$0xC], $0x500, $0x38;
	[tilespmem:$0x19320] =	vst v63  }
0x5f: {  	_ =	swait.ge [sflag:s30], $0x500  }
0x60: {  	[sflag:s30] =	ssyncset.done $0x0  }
0x61: {  	s23 =	rddreg [dreg:$0x12];
	[sflag:s30] =	ssyncadd.s32 $0xFFFFFB00  }
0x62: {  	[spmem:s23] =	stream.linear.scatter [tilespmem:s0], [sflag:$0xC], $0x500, $0x38;
	[tilespmem:$0x19320] =	vst v63  }
0x63: {  	_ =	swait.ge [sflag:s30], $0x500  }
0x64: {  	[sflag:s30] =	ssyncset.done $0x0  }
0x65: {  	s31 =	rddreg [dreg:$0x13];
	[sflag:s30] =	ssyncadd.s32 $0xFFFFFB00  }
0x66: {  	[spmem:s31] =	stream.linear.scatter [tilespmem:s0], [sflag:$0xC], $0x500, $0x38;
	[tilespmem:$0x19320] =	vst v63  }
0x67: {  	_ =	swait.ge [sflag:s30], $0x500  }
0x68: {  	[sflag:s30] =	ssyncset.done $0x0  }
0x69: {  	s23 =	rddreg [dreg:$0x14];
	[sflag:s30] =	ssyncadd.s32 $0xFFFFFB00  }
0x6a: {  	[spmem:s23] =	stream.linear.scatter [tilespmem:s0], [sflag:$0xC], $0x500, $0x38;
	[tilespmem:$0x19320] =	vst v63  }
0x6b: {  	_ =	swait.ge [sflag:s30], $0x500  }
0x6c: {  	[sflag:s30] =	ssyncset.done $0x0  }
0x6d: {  	s31 =	rddreg [dreg:$0x15];
	[sflag:s30] =	ssyncadd.s32 $0xFFFFFB00  }
0x6e: {  	[spmem:s31] =	stream.linear.scatter [tilespmem:s0], [sflag:$0xC], $0x500, $0x38;
	[tilespmem:$0x19320] =	vst v63  }
0x6f: {  	_ =	swait.ge [sflag:s30], $0x500  }
0x70: {  	[sflag:s30] =	ssyncset.done $0x0  }
0x71: {  	[sflag:s30] =	ssyncadd.s32 $0xFFFFFB00  }
0x72: {  	_ =	swait.ge [sflag:s1], $0xA00  }
0x73: {  	[sflag:s1] =	ssyncset.done $0x0  }
0x74: {  	[sflag:s1] =	ssyncadd.s32 $0xFFFFF600  }
0x75: {  	s23 =	simm.s32 $0x0;
	[bflag:$0x0] =	sbarrier.arrive $0xFFFF  }
0x76: {  	[tilespmem:s5], [sflag:$0x1] =	stream.indirect.gather [spmem:s2], $0x20, s23, s4, $0xb8;
	[tilespmem:$0x19320] =	vst v63  }
0x77: {  	s31 =	simm.s32 $0x80  }
0x78: {  	[tilespmem:s6], [sflag:$0x2] =	stream.indirect.gather [spmem:s2], $0x20, s31, s4, $0xb8;
	[tilespmem:$0x19320] =	vst v63  }
0x79: {  	s23 =	simm.s32 $0x100  }
0x7a: {  	[tilespmem:s8], [sflag:$0x3] =	stream.indirect.gather [spmem:s2], $0x20, s23, s4, $0xb8;
	[tilespmem:$0x19320] =	vst v63  }
0x7b: {  	s31 =	simm.s32 $0x180  }
0x7c: {  	[tilespmem:s9], [sflag:$0x4] =	stream.indirect.gather [spmem:s2], $0x20, s31, s4, $0xb8;
	[tilespmem:$0x19320] =	vst v63  }
0x7d: {  	_ =	swait.ge [sflag:s10], $0xFA0  }
0x7e: {  	[sflag:s10] =	ssyncset.done $0x0  }
0x7f: {  	s23 =	simm.s32 $0x5000;
	[sflag:s10] =	ssyncadd.s32 $0xFFFFF060  }
0x80: {  	[spmem:s3] =	stream.indirect.scatter.add.f32 [tilespmem:s5], [sflag:$0x6], $0x20, s23, s4, $0xb8;
	[tilespmem:$0x19320] =	vst v63  }
0x81: {  	s31 =	simm.s32 $0x200  }
0x82: {  	[tilespmem:s11], [sflag:$0x5] =	stream.indirect.gather [spmem:s2], $0x20, s31, s4, $0xb8;
	[tilespmem:$0x19320] =	vst v63  }
0x83: {  	_ =	swait.ge [sflag:s12], $0xFA0  }
0x84: {  	[sflag:s12] =	ssyncset.done $0x0  }
0x85: {  	s23 =	simm.s32 $0x5080;
	[sflag:s12] =	ssyncadd.s32 $0xFFFFF060  }
0x86: {  	[spmem:s3] =	stream.indirect.scatter.add.f32 [tilespmem:s6], [sflag:$0x7], $0x20, s23, s4, $0xb8;
	[tilespmem:$0x19320] =	vst v63  }
0x87: {  	_ =	swait.ge [sflag:s13], $0xFA0  }
0x88: {  	[sflag:s13] =	ssyncset.done $0x0  }
0x89: {  	s31 =	simm.s32 $0x280;
	[sflag:s13] =	ssyncadd.s32 $0xFFFFF060  }
0x8a: {  	[tilespmem:s5], [sflag:$0x1] =	stream.indirect.gather [spmem:s2], $0x20, s31, s4, $0xb8;
	[tilespmem:$0x19320] =	vst v63  }
0x8b: {  	_ =	swait.ge [sflag:s14], $0xFA0  }
0x8c: {  	[sflag:s14] =	ssyncset.done $0x0  }
0x8d: {  	s23 =	simm.s32 $0x5100;
	[sflag:s14] =	ssyncadd.s32 $0xFFFFF060  }
0x8e: {  	[spmem:s3] =	stream.indirect.scatter.add.f32 [tilespmem:s8], [sflag:$0x8], $0x20, s23, s4, $0xb8;
	[tilespmem:$0x19320] =	vst v63  }
0x8f: {  	_ =	swait.ge [sflag:s15], $0xFA0  }
0x90: {  	[sflag:s15] =	ssyncset.done $0x0  }
0x91: {  	s31 =	simm.s32 $0x300;
	[sflag:s15] =	ssyncadd.s32 $0xFFFFF060  }
0x92: {  	[tilespmem:s6], [sflag:$0x2] =	stream.indirect.gather [spmem:s2], $0x20, s31, s4, $0xb8;
	[tilespmem:$0x19320] =	vst v63  }
0x93: {  	_ =	swait.ge [sflag:s16], $0xFA0  }
0x94: {  	[sflag:s16] =	ssyncset.done $0x0  }
0x95: {  	s23 =	simm.s32 $0x5180;
	[sflag:s16] =	ssyncadd.s32 $0xFFFFF060  }
0x96: {  	[spmem:s3] =	stream.indirect.scatter.add.f32 [tilespmem:s9], [sflag:$0x9], $0x20, s23, s4, $0xb8;
	[tilespmem:$0x19320] =	vst v63  }
0x97: {  	_ =	swait.ge [sflag:s17], $0xFA0  }
0x98: {  	[sflag:s17] =	ssyncset.done $0x0  }
0x99: {  	s31 =	simm.s32 $0x380;
	[sflag:s17] =	ssyncadd.s32 $0xFFFFF060  }
0x9a: {  	[tilespmem:s8], [sflag:$0x3] =	stream.indirect.gather [spmem:s2], $0x20, s31, s4, $0xb8;
	[tilespmem:$0x19320] =	vst v63  }
0x9b: {  	_ =	swait.ge [sflag:s18], $0xFA0  }
0x9c: {  	[sflag:s18] =	ssyncset.done $0x0  }
0x9d: {  	s23 =	simm.s32 $0x5200;
	[sflag:s18] =	ssyncadd.s32 $0xFFFFF060  }
0x9e: {  	[spmem:s3] =	stream.indirect.scatter.add.f32 [tilespmem:s11], [sflag:$0xA], $0x20, s23, s4, $0xb8;
	[tilespmem:$0x19320] =	vst v63  }
0x9f: {  	_ =	swait.ge [sflag:s19], $0xFA0  }
0xa0: {  	[sflag:s19] =	ssyncset.done $0x0  }
0xa1: {  	s31 =	simm.s32 $0x400;
	[sflag:s19] =	ssyncadd.s32 $0xFFFFF060  }
0xa2: {  	[tilespmem:s9], [sflag:$0x4] =	stream.indirect.gather [spmem:s2], $0x20, s31, s4, $0xb8;
	[tilespmem:$0x19320] =	vst v63  }
0xa3: {  	_ =	swait.ge [sflag:s10], $0xFA0  }
0xa4: {  	[sflag:s10] =	ssyncset.done $0x0  }
0xa5: {  	s23 =	simm.s32 $0x5280;
	[sflag:s10] =	ssyncadd.s32 $0xFFFFF060  }
0xa6: {  	[spmem:s3] =	stream.indirect.scatter.add.f32 [tilespmem:s5], [sflag:$0x6], $0x20, s23, s4, $0xb8;
	[tilespmem:$0x19320] =	vst v63  }
0xa7: {  	_ =	swait.ge [sflag:s20], $0xFA0  }
0xa8: {  	[sflag:s20] =	ssyncset.done $0x0  }
0xa9: {  	s31 =	simm.s32 $0x480;
	[sflag:s20] =	ssyncadd.s32 $0xFFFFF060  }
0xaa: {  	[tilespmem:s11], [sflag:$0x5] =	stream.indirect.gather [spmem:s2], $0x20, s31, s4, $0xb8;
	[tilespmem:$0x19320] =	vst v63  }
0xab: {  	_ =	swait.ge [sflag:s12], $0xFA0  }
0xac: {  	[sflag:s12] =	ssyncset.done $0x0  }
0xad: {  	s23 =	simm.s32 $0x5300;
	[sflag:s12] =	ssyncadd.s32 $0xFFFFF060  }
0xae: {  	[spmem:s3] =	stream.indirect.scatter.add.f32 [tilespmem:s6], [sflag:$0x7], $0x20, s23, s4, $0xb8;
	[tilespmem:$0x19320] =	vst v63  }
0xaf: {  	_ =	swait.ge [sflag:s13], $0xFA0  }
0xb0: {  	[sflag:s13] =	ssyncset.done $0x0  }
0xb1: {  	s31 =	simm.s32 $0x500;
	[sflag:s13] =	ssyncadd.s32 $0xFFFFF060  }
0xb2: {  	[tilespmem:s5], [sflag:$0x1] =	stream.indirect.gather [spmem:s2], $0x20, s31, s4, $0xb8;
	[tilespmem:$0x19320] =	vst v63  }
0xb3: {  	_ =	swait.ge [sflag:s14], $0xFA0  }
0xb4: {  	[sflag:s14] =	ssyncset.done $0x0  }
0xb5: {  	s23 =	simm.s32 $0x5380;
	[sflag:s14] =	ssyncadd.s32 $0xFFFFF060  }
0xb6: {  	[spmem:s3] =	stream.indirect.scatter.add.f32 [tilespmem:s8], [sflag:$0x8], $0x20, s23, s4, $0xb8;
	[tilespmem:$0x19320] =	vst v63  }
0xb7: {  	_ =	swait.ge [sflag:s15], $0xFA0  }
0xb8: {  	[sflag:s15] =	ssyncset.done $0x0  }
0xb9: {  	s31 =	simm.s32 $0x580;
	[sflag:s15] =	ssyncadd.s32 $0xFFFFF060  }
0xba: {  	[tilespmem:s6], [sflag:$0x2] =	stream.indirect.gather [spmem:s2], $0x20, s31, s4, $0xb8;
	[tilespmem:$0x19320] =	vst v63  }
0xbb: {  	_ =	swait.ge [sflag:s16], $0xFA0  }
0xbc: {  	[sflag:s16] =	ssyncset.done $0x0  }
0xbd: {  	s23 =	simm.s32 $0x5400;
	[sflag:s16] =	ssyncadd.s32 $0xFFFFF060  }
0xbe: {  	[spmem:s3] =	stream.indirect.scatter.add.f32 [tilespmem:s9], [sflag:$0x9], $0x20, s23, s4, $0xb8;
	[tilespmem:$0x19320] =	vst v63  }
0xbf: {  	_ =	swait.ge [sflag:s17], $0xFA0  }
0xc0: {  	[sflag:s17] =	ssyncset.done $0x0  }
0xc1: {  	s31 =	simm.s32 $0x600;
	[sflag:s17] =	ssyncadd.s32 $0xFFFFF060  }
0xc2: {  	[tilespmem:s8], [sflag:$0x3] =	stream.indirect.gather [spmem:s2], $0x20, s31, s4, $0xb8;
	[tilespmem:$0x19320] =	vst v63  }
0xc3: {  	_ =	swait.ge [sflag:s18], $0xFA0  }
0xc4: {  	[sflag:s18] =	ssyncset.done $0x0  }
0xc5: {  	s22 =	simm.s32 $0xA00;
	s23 =	simm.s32 $0x5480;
	[sflag:s18] =	ssyncadd.s32 $0xFFFFF060  }
.LBB2_4:
0xc6: {  	[spmem:s3] =	stream.indirect.scatter.add.f32 [tilespmem:s11], [sflag:$0xA], $0x20, s23, s4, $0xb8;
	[tilespmem:$0x19320] =	vst v63  }
0xc7: {  	s23 =	smov.u32 s22;
	s22 =	sadd.s32 $0xA00, s22;
	_ =	swait.ge [sflag:s19], $0xFA0  }
0xc8: {  	s23 =	sshra.s32 s23, $0x2;
	p0 =	sne.s32 s22, $0x12C00;
	[sflag:s19] =	ssyncset.done $0x0  }
0xc9: {  	s31 =	sadd.s32 $0x400, s23;
	[sflag:s19] =	ssyncadd.s32 $0xFFFFF060  }
0xca: {  	[tilespmem:s9], [sflag:$0x4] =	stream.indirect.gather [spmem:s2], $0x20, s31, s4, $0xb8;
	[tilespmem:$0x19320] =	vst v63  }
0xcb: {  	_ =	swait.ge [sflag:s10], $0xFA0  }
0xcc: {  	[sflag:s10] =	ssyncset.done $0x0  }
0xcd: {  	s31 =	sadd.s32 $0x5280, s23;
	[sflag:s10] =	ssyncadd.s32 $0xFFFFF060  }
0xce: {  	[spmem:s3] =	stream.indirect.scatter.add.f32 [tilespmem:s5], [sflag:$0x6], $0x20, s31, s4, $0xb8;
	[tilespmem:$0x19320] =	vst v63  }
0xcf: {  	_ =	swait.ge [sflag:s20], $0xFA0  }
0xd0: {  	[sflag:s20] =	ssyncset.done $0x0  }
0xd1: {  	s31 =	sadd.s32 $0x480, s23;
	[sflag:s20] =	ssyncadd.s32 $0xFFFFF060  }
0xd2: {  	[tilespmem:s11], [sflag:$0x5] =	stream.indirect.gather [spmem:s2], $0x20, s31, s4, $0xb8;
	[tilespmem:$0x19320] =	vst v63  }
0xd3: {  	_ =	swait.ge [sflag:s12], $0xFA0  }
0xd4: {  	[sflag:s12] =	ssyncset.done $0x0  }
0xd5: {  	s31 =	sadd.s32 $0x5300, s23;
	[sflag:s12] =	ssyncadd.s32 $0xFFFFF060  }
0xd6: {  	[spmem:s3] =	stream.indirect.scatter.add.f32 [tilespmem:s6], [sflag:$0x7], $0x20, s31, s4, $0xb8;
	[tilespmem:$0x19320] =	vst v63  }
0xd7: {  	_ =	swait.ge [sflag:s13], $0xFA0  }
0xd8: {  	[sflag:s13] =	ssyncset.done $0x0  }
0xd9: {  	s31 =	sadd.s32 $0x500, s23;
	[sflag:s13] =	ssyncadd.s32 $0xFFFFF060  }
0xda: {  	[tilespmem:s5], [sflag:$0x1] =	stream.indirect.gather [spmem:s2], $0x20, s31, s4, $0xb8;
	[tilespmem:$0x19320] =	vst v63  }
0xdb: {  	_ =	swait.ge [sflag:s14], $0xFA0  }
0xdc: {  	[sflag:s14] =	ssyncset.done $0x0  }
0xdd: {  	s31 =	sadd.s32 $0x5380, s23;
	[sflag:s14] =	ssyncadd.s32 $0xFFFFF060  }
0xde: {  	[spmem:s3] =	stream.indirect.scatter.add.f32 [tilespmem:s8], [sflag:$0x8], $0x20, s31, s4, $0xb8;
	[tilespmem:$0x19320] =	vst v63  }
0xdf: {  	_ =	swait.ge [sflag:s15], $0xFA0  }
0xe0: {  	[sflag:s15] =	ssyncset.done $0x0  }
0xe1: {  	s31 =	sadd.s32 $0x580, s23;
	[sflag:s15] =	ssyncadd.s32 $0xFFFFF060  }
0xe2: {  	[tilespmem:s6], [sflag:$0x2] =	stream.indirect.gather [spmem:s2], $0x20, s31, s4, $0xb8;
	[tilespmem:$0x19320] =	vst v63  }
0xe3: {  	_ =	swait.ge [sflag:s16], $0xFA0  }
0xe4: {  	[sflag:s16] =	ssyncset.done $0x0  }
0xe5: {  	s31 =	sadd.s32 $0x5400, s23;
	[sflag:s16] =	ssyncadd.s32 $0xFFFFF060  }
0xe6: {  	[spmem:s3] =	stream.indirect.scatter.add.f32 [tilespmem:s9], [sflag:$0x9], $0x20, s31, s4, $0xb8;
	[tilespmem:$0x19320] =	vst v63  }
0xe7: {  	_ =	swait.ge [sflag:s17], $0xFA0  }
0xe8: {  	[sflag:s17] =	ssyncset.done $0x0  }
.Ltmp1:
0xe9: {  	s31 =	sadd.s32 $0x600, s23;
	[sflag:s17] =	ssyncadd.s32 $0xFFFFF060;
	(pc) =	sbr.rel @p0 .LBB2_4-.Ltmp1, $4  }
0xea: {  	[tilespmem:s8], [sflag:$0x3] =	stream.indirect.gather [spmem:s2], $0x20, s31, s4, $0xb8;
	[tilespmem:$0x19320] =	vst v63  }
0xeb: {  	_ =	swait.ge [sflag:s18], $0xFA0  }
0xec: {  	[sflag:s18] =	ssyncset.done $0x0  }
0xed: {  	s23 =	sadd.s32 $0x5480, s23;
	[sflag:s18] =	ssyncadd.s32 $0xFFFFF060  }
0xee: {  	[spmem:s3] =	stream.indirect.scatter.add.f32 [tilespmem:s11], [sflag:$0xA], $0x20, s23, s4, $0xb8;
	[tilespmem:$0x19320] =	vst v63  }
0xef: {  	_ =	swait.ge [sflag:s19], $0xFA0  }
0xf0: {  	s22 =	sshra.s32 s22, $0x2;
	[sflag:s19] =	ssyncset.done $0x0  }
0xf1: {  	s31 =	sadd.s32 $0x400, s22;
	[sflag:s19] =	ssyncadd.s32 $0xFFFFF060  }
0xf2: {  	[tilespmem:s9], [sflag:$0x4] =	stream.indirect.gather [spmem:s2], $0x20, s31, s4, $0xb8;
	[tilespmem:$0x19320] =	vst v63  }
0xf3: {  	_ =	swait.ge [sflag:s10], $0xFA0  }
0xf4: {  	[sflag:s10] =	ssyncset.done $0x0  }
0xf5: {  	s31 =	sadd.s32 $0x5280, s22;
	[sflag:s10] =	ssyncadd.s32 $0xFFFFF060  }
0xf6: {  	[spmem:s3] =	stream.indirect.scatter.add.f32 [tilespmem:s5], [sflag:$0x6], $0x20, s31, s4, $0xb8;
	[tilespmem:$0x19320] =	vst v63  }
0xf7: {  	_ =	swait.ge [sflag:s20], $0xFA0  }
0xf8: {  	[sflag:s20] =	ssyncset.done $0x0  }
0xf9: {  	s31 =	simm.s32 $0x4F80;
	[sflag:s20] =	ssyncadd.s32 $0xFFFFF060  }
0xfa: {  	[tilespmem:s11], [sflag:$0x5] =	stream.indirect.gather [spmem:s2], $0x20, s31, s4, $0xb8;
	[tilespmem:$0x19320] =	vst v63  }
0xfb: {  	_ =	swait.ge [sflag:s12], $0xFA0  }
0xfc: {  	[sflag:s12] =	ssyncset.done $0x0  }
0xfd: {  	s31 =	sadd.s32 $0x5300, s22;
	[sflag:s12] =	ssyncadd.s32 $0xFFFFF060  }
0xfe: {  	[spmem:s3] =	stream.indirect.scatter.add.f32 [tilespmem:s6], [sflag:$0x7], $0x20, s31, s4, $0xb8;
	[tilespmem:$0x19320] =	vst v63  }
0xff: {  	_ =	swait.ge [sflag:s14], $0xFA0  }
0x100: {  	[sflag:s14] =	ssyncset.done $0x0  }
0x101: {  	s31 =	sadd.s32 $0x5380, s22;
	[sflag:s14] =	ssyncadd.s32 $0xFFFFF060  }
0x102: {  	[spmem:s3] =	stream.indirect.scatter.add.f32 [tilespmem:s8], [sflag:$0x8], $0x20, s31, s4, $0xb8;
	[tilespmem:$0x19320] =	vst v63  }
0x103: {  	_ =	swait.ge [sflag:s16], $0xFA0  }
0x104: {  	[sflag:s16] =	ssyncset.done $0x0  }
0x105: {  	s22 =	sadd.s32 $0x5400, s22;
	[sflag:s16] =	ssyncadd.s32 $0xFFFFF060  }
0x106: {  	[spmem:s3] =	stream.indirect.scatter.add.f32 [tilespmem:s9], [sflag:$0x9], $0x20, s22, s4, $0xb8;
	[tilespmem:$0x19320] =	vst v63  }
0x107: {  	_ =	swait.ge [sflag:s18], $0xFA0  }
0x108: {  	[sflag:s18] =	ssyncset.done $0x0  }
0x109: {  	s31 =	simm.s32 $0x9F80;
	[sflag:s18] =	ssyncadd.s32 $0xFFFFF060  }
0x10a: {  	[spmem:s3] =	stream.indirect.scatter.add.f32 [tilespmem:s11], [sflag:$0xA], $0x20, s31, s4, $0xb8;
	[tilespmem:$0x19320] =	vst v63  }
0x10b: {  	_ =	swait.ge [sflag:s13], $0xFA0  }
0x10c: {  	[sflag:s13] =	ssyncset.done $0x0  }
0x10d: {  	[sflag:s13] =	ssyncadd.s32 $0xFFFFF060  }
0x10e: {  	_ =	swait.ge [sflag:s15], $0xFA0  }
0x10f: {  	[sflag:s15] =	ssyncset.done $0x0  }
0x110: {  	[sflag:s15] =	ssyncadd.s32 $0xFFFFF060  }
0x111: {  	_ =	swait.ge [sflag:s17], $0xFA0  }
0x112: {  	[sflag:s17] =	ssyncset.done $0x0  }
0x113: {  	[sflag:s17] =	ssyncadd.s32 $0xFFFFF060  }
0x114: {  	_ =	swait.ge [sflag:s19], $0xFA0  }
0x115: {  	[sflag:s19] =	ssyncset.done $0x0  }
0x116: {  	[sflag:s19] =	ssyncadd.s32 $0xFFFFF060  }
0x117: {  	_ =	swait.ge [sflag:s20], $0xFA0  }
0x118: {  	s21 =	sadd.s32 $0x1, s21;
	[sflag:s20] =	ssyncset.done $0x0  }
0x119: {  	s23 =	sor.u32 $0x1C0C, s26;
	p0 =	sne.s32 s21, s25;
	[sflag:s20] =	ssyncadd.s32 $0xFFFFF060  }
.Ltmp2:
0x11a: {  	s31 =	sshrl.u32 s7, $0x3;
	[bflag:$0x0] =	sbarrier.arrive $0xFFFF;
	(pc) =	sbr.rel @p0 .LBB2_1-.Ltmp2, $4  }
0x11b: {  	[hbm:s24], [sflag:s23] =	dma.local [spmem:s31], $0xA00  }
0x11c: {  	_ =	swait.ge [sflag:s30], $0xA00  }
0x11d: {  	[sflag:s30] =	ssyncset.done $0x0  }
0x11e: {  	[sflag:s30] =	ssyncadd.s32 $0xFFFFF600  }
0x11f: {  	_ =	sfence.sel $0x180000  }
0x120: {  	[bflag:$0x0] =	sbarrier.arrive $0xFFFF  }
0x121: {  	_ =	strace $0x90000050  }
0x122: {  	s0 =	stileid.u32;
	[bflag:$0x2] =	sbarrier.arrive $0xFFFF  }
0x123: {  	p0 =	sne.s32 s0, $0x0;
	s0 =	rddreg [dreg:$0x4]  }
0x124: {  	s0 =	sadd.s32 @!p0 $0x100000, s0  }
0x125: {  	[sflag:s0] =	ssyncadd.tile.s32 @!p0 $0x1;
	_ =	shalt  }
.Lfunc_end2:
_tile_overlayer_lowered:
.L_overlay_start_2:
0x126: {  	(tag) =	ssettag $0x2  }
0x127: {  	s0 =	rddreg [dreg:$0x0];
	s2 =	stileid.u32  }
0x128: {  	s1 =	rddreg [dreg:$0x1];
	p0 =	sne.s32 s2, $0x0  }
0x129: {  	s3 =	rddreg [dreg:$0x2];
	[bflag:$0x3] =	sbarrier.arrive $0xFFFF;
	s2 =	simm.s32 @!p0 $0x1C0C  }
0x12a: {  	[timem:s3], [sflag:s2] =	dma.local @!p0 [hbm:s0], s1  }
0x12b: {  	s0 =	simm.s32 @!p0 $0xC  }
0x12c: {  	_ =	swait.ge @!p0 [sflag:s0], s1  }
0x12d: {  	s1 =	ssub.s32 @!p0 $0x0, s1;
	[sflag:s0] =	ssyncset.done @!p0 $0x0  }
0x12e: {  	[sflag:s0] =	ssyncadd.s32 @!p0 s1  }
0x12f: {  	[bflag:$0x3] =	sbarrier.arrive $0xFFFF  }
0x130: {  	_ =	shalt  }

</sc_bundles>
